<compile_context>
chip_gen: v7x
topology: tpu7x:2x2x1
jax: 0.10.2.dev20260603
libtpu: 0.0.44.dev20260713+nightly
codegen_flags: <defaults>
</compile_context>

<pallas_src>
import functools

import jax
import jax.numpy as jnp
from jax import lax
from jax.experimental import pallas as pl
from jax.experimental.pallas import tpu as pltpu
from jax.experimental.pallas import tpu_sc as plsc

N = 10000
E = 320000
D = 128
NC = 2
NS = 16
NW = NC * NS
CH = 80
NCHUNK = 125
EPW = NCHUNK * CH
NPAD = 10240
RPS = NPAD // NS
RB = 1024
SR = NPAD // D

_f32 = jnp.float32
_i32 = jnp.int32


def _sc_aggregate_body(f_hbm, src_hbm, dst_hbm, out_hbm,
                       srcs_v, dsts_v, rows_v, acc, sem):
    c = lax.axis_index("c")
    s = lax.axis_index("s")
    wid = c * NS + s

    pltpu.sync_copy(src_hbm.at[wid], srcs_v)
    pltpu.sync_copy(dst_hbm.at[wid], dsts_v)

    def _src_at(i):
        return srcs_v.at[pl.ds(i * CH, CH)]

    zero16 = jnp.zeros((16,), _f32)

    def _zrow(r, carry):
        for j in range(D // 16):
            rows_v[0, r, pl.ds(j * 16, 16)] = zero16
        return carry

    lax.fori_loop(0, CH, _zrow, 0)
    for j in range(RPS // CH):
        pltpu.sync_copy(rows_v.at[0], acc.at[pl.ds(s * RPS + j * CH, CH)])
    plsc.subcore_barrier()

    pltpu.async_copy(f_hbm.at[_src_at(0)], rows_v.at[0], sem)

    def _pair(i2, carry):
        i0 = 2 * i2
        for b in range(2):
            i = i0 + b
            pltpu.make_async_copy(f_hbm.at[_src_at(i)], rows_v.at[b],
                                  sem).wait()
            pltpu.async_copy(f_hbm.at[_src_at(i + 1)], rows_v.at[1 - b],
                             sem)
            pltpu.sync_copy(rows_v.at[b], acc.at[dsts_v.at[i]], add=True)
        return carry

    lax.fori_loop(0, NCHUNK // 2, _pair, 0)
    ilast = NCHUNK - 1
    pltpu.make_async_copy(f_hbm.at[_src_at(ilast)], rows_v.at[0],
                          sem).wait()
    pltpu.sync_copy(rows_v.at[0], acc.at[dsts_v.at[ilast]], add=True)
    plsc.subcore_barrier()

    for j in range(RPS // CH):
        r0 = s * RPS + j * CH
        pltpu.sync_copy(acc.at[pl.ds(r0, CH)], out_hbm.at[c, pl.ds(r0, CH)])


@functools.cache
def _sc_aggregate():
    mesh = plsc.VectorSubcoreMesh(core_axis_name="c", subcore_axis_name="s",
                                  num_cores=NC, num_subcores=NS)
    return pl.kernel(
        _sc_aggregate_body,
        mesh=mesh,
        out_type=jax.ShapeDtypeStruct((NC, NPAD, D), _f32),
        scratch_types=[
            pltpu.VMEM((EPW,), _i32),
            pltpu.VMEM((NCHUNK, CH), _i32),
            pltpu.VMEM((2, CH, D), _f32),
            pltpu.VMEM_SHARED((NPAD, D), _f32),
            pltpu.SemaphoreType.DMA,
        ],
    )



def _monotone_u32(x):
    u = lax.bitcast_convert_type(x, jnp.uint32)
    return jnp.where((u >> 31) != 0, ~u, u | jnp.uint32(0x80000000))


def _matmul_body(aggr_ref, x_ref, wrel_ref, b_ref, wroot_ref, p_ref,
                 h_ref, sc_ref):
    a = aggr_ref[0] + aggr_ref[1]
    h = jnp.dot(a, wrel_ref[...], preferred_element_type=_f32)
    h = h + b_ref[...] + jnp.dot(x_ref[...], wroot_ref[...],
                                 preferred_element_type=_f32)
    h = jnp.maximum(h, 0.0)
    p = p_ref[...]
    inv_norm = lax.rsqrt(jnp.sum(p * p))
    h_ref[...] = h
    sc_ref[...] = jnp.dot(h, p, preferred_element_type=_f32) * inv_norm


def _tc_matmul(aggr, xprev, wrel, b, wroot, p):
    grid = NPAD // RB
    return pl.pallas_call(
        _matmul_body,
        grid=(grid,),
        in_specs=[
            pl.BlockSpec((NC, RB, D), lambda i: (0, i, 0)),
            pl.BlockSpec((RB, D), lambda i: (i, 0)),
            pl.BlockSpec((D, D), lambda i: (0, 0)),
            pl.BlockSpec((1, D), lambda i: (0, 0)),
            pl.BlockSpec((D, D), lambda i: (0, 0)),
            pl.BlockSpec((D, 1), lambda i: (0, 0)),
        ],
        out_specs=[
            pl.BlockSpec((RB, D), lambda i: (i, 0)),
            pl.BlockSpec((RB, 1), lambda i: (i, 0)),
        ],
        out_shape=[jax.ShapeDtypeStruct((NPAD, D), _f32),
                   jax.ShapeDtypeStruct((NPAD, 1), _f32)],
    )(aggr, xprev, wrel, b.reshape(1, D), wroot, p.reshape(D, 1))


def _pool_body(h_ref, sc_ref, scr_ref, alive_ref, alivec_ref,
               f_ref, alive_out_ref, *, k):
    sm = jnp.where(alive_ref[...] > 0.0, scr_ref[...], _f32(-3e38))
    u = _monotone_u32(sm)

    def body(i, pfx):
        cand = pfx | (jnp.uint32(1) << (31 - i))
        cnt = jnp.sum((u >= cand).astype(_i32))
        return jnp.where(cnt >= k, cand, pfx)

    thr = lax.fori_loop(0, 32, body, jnp.uint32(0))
    alive_out_ref[...] = (u >= thr).astype(_f32)
    sc = sc_ref[...]
    alive_col = jnp.where(
        (_monotone_u32(sc) >= thr) & (alivec_ref[...] > 0.0), 1.0, 0.0)
    f_ref[...] = h_ref[...] * jnp.tanh(sc) * alive_col


def _tc_pool(h, sc, sc_r, alive_prev_r, alive_prev_col, k):
    return pl.pallas_call(
        functools.partial(_pool_body, k=k),
        out_shape=[jax.ShapeDtypeStruct((NPAD, D), _f32),
                   jax.ShapeDtypeStruct((SR, D), _f32)],
    )(h, sc, sc_r, alive_prev_r, alive_prev_col)


def _final_body(h_ref, sc_ref, scr_ref, alive_ref, out_ref):
    sm = jnp.where(alive_ref[...] > 0.0, scr_ref[...], _f32(-3e38))
    fiota = (lax.broadcasted_iota(_i32, (SR, D), 0) * D
             + lax.broadcasted_iota(_i32, (SR, D), 1))
    rows = []
    svals = []
    for _ in range(10):
        m = jnp.max(sm)
        idx = jnp.min(jnp.where(sm == m, fiota, NPAD))
        rows.append(h_ref[pl.ds(idx, 1), :])
        svals.append(sc_ref[pl.ds(idx, 1), :])
        sm = jnp.where(fiota == idx, _f32(-3e38), sm)
    v = jnp.concatenate(rows, axis=0) * jnp.tanh(jnp.concatenate(svals, axis=0))
    mx = jnp.max(v, axis=1, keepdims=True)
    v = v - mx
    out_ref[...] = v - jnp.log(jnp.sum(jnp.exp(v), axis=1, keepdims=True))


def _tc_final(h, sc, sc_r, alive_prev_r):
    return pl.pallas_call(
        _final_body,
        out_shape=jax.ShapeDtypeStruct((10, D), _f32),
    )(h, sc, sc_r, alive_prev_r)



def kernel(x, edge_index, batch, W_rel1, b1, W_root1, p1,
           W_rel2, b2, W_root2, p2, W_rel3, b3, W_root3, p3):
    src = edge_index[0].astype(_i32).reshape(NW, EPW)
    dst = edge_index[1].astype(_i32).reshape(NW, NCHUNK, CH)
    xp = jnp.pad(x, ((0, NPAD - N), (0, 0)))
    alive0_r = (jnp.arange(NPAD, dtype=_i32).reshape(SR, D) < N).astype(_f32)
    alive0_c = alive0_r.reshape(NPAD, 1)

    sc_agg = _sc_aggregate()

    agg1 = sc_agg(xp, src, dst)
    h1, s1 = _tc_matmul(agg1, xp, W_rel1, b1, W_root1, p1)
    f1, alive1_r = _tc_pool(h1, s1, s1.reshape(SR, D), alive0_r, alive0_c,
                            8000)

    agg2 = sc_agg(f1, src, dst)
    h2, s2 = _tc_matmul(agg2, f1, W_rel2, b2, W_root2, p2)
    f2, alive2_r = _tc_pool(h2, s2, s2.reshape(SR, D), alive1_r,
                            alive1_r.reshape(NPAD, 1), 6400)

    agg3 = sc_agg(f2, src, dst)
    h3, s3 = _tc_matmul(agg3, f2, W_rel3, b3, W_root3, p3)
    return _tc_final(h3, s3, s3.reshape(SR, D), alive2_r)

# --- scband reference (transcript-rebuilt; emitter-appended) ---
"""Pipeline reference for scband-top-kpool-net-51788715655371 (READ-ONLY COPY).

The authoritative reference and input builder live on the scoring server;
editing this copy changes nothing except your own understanding.
"""

import jax, jax.numpy as jnp
import numpy as np

N_NODES = 10000
N_EDGES = 320000
D_IN = 128
HID = 128
NUM_CLASSES = 10


def _graph_conv(x, src, dst, W_rel, b_rel, W_root):
    # PyG GraphConv (aggr='add'): out = lin_rel(sum_{j->i} x_j) + lin_root(x_i)
    # Edges with an endpoint equal to N (dummy / filtered-out) contribute nothing:
    # dummy src row is zero, dummy dst segment is discarded.
    N = x.shape[0]
    x_pad = jnp.concatenate([x, jnp.zeros((1, x.shape[1]), dtype=x.dtype)], axis=0)
    msgs = x_pad[src]
    aggr = jax.ops.segment_sum(msgs, dst, num_segments=N + 1)[:N]
    return aggr @ W_rel + b_rel + x @ W_root


def _topk_pool(x, src, dst, p, ratio):
    # PyG TopKPooling: score = (x @ p) / ||p||; keep top-k nodes; x' = x[perm] * tanh(score[perm]);
    # edges are remapped, filtered-out endpoints are sent to dummy index k (equivalent to edge removal).
    N = x.shape[0]
    if ratio < 1:
        k = int(np.ceil(ratio * N))
    else:
        k = min(int(ratio), N)
    score = (x @ p) / jnp.linalg.norm(p)
    _, perm = jax.lax.top_k(score, k)
    x_new = x[perm] * jnp.tanh(score[perm])[:, None]
    idx_map = jnp.full((N + 1,), k, dtype=jnp.int32)
    idx_map = idx_map.at[perm].set(jnp.arange(k, dtype=jnp.int32))
    return x_new, idx_map[src], idx_map[dst]


def setup_inputs(seed: int = 0):
    key = jax.random.key(seed)
    ks = jax.random.split(key, 16)
    x = jax.random.normal(ks[0], (N_NODES, D_IN), dtype=jnp.float32)
    edge_index = jax.random.randint(ks[1], (2, N_EDGES), 0, N_NODES)
    batch = jnp.zeros((N_NODES,), dtype=jnp.int32)
    s = 0.05
    params = {}
    dims_in = [D_IN, HID, HID]
    for i in range(3):
        params['W_rel%d' % (i + 1)] = jax.random.normal(ks[2 + 4 * i], (dims_in[i], HID), dtype=jnp.float32) * s
        params['b%d' % (i + 1)] = jnp.zeros((HID,), dtype=jnp.float32)
        params['W_root%d' % (i + 1)] = jax.random.normal(ks[3 + 4 * i], (dims_in[i], HID), dtype=jnp.float32) * s
        params['p%d' % (i + 1)] = jax.random.normal(ks[4 + 4 * i], (HID,), dtype=jnp.float32)
    out = {'x': x, 'edge_index': edge_index, 'batch': batch}
    out.update(params)
    return out


def reference(x, edge_index, batch, W_rel1, b1, W_root1, p1, W_rel2, b2, W_root2, p2, W_rel3, b3, W_root3, p3):
    src = edge_index[0].astype(jnp.int32)
    dst = edge_index[1].astype(jnp.int32)
    h = jax.nn.relu(_graph_conv(x, src, dst, W_rel1, b1, W_root1))
    h, src, dst = _topk_pool(h, src, dst, p1, 0.8)
    h = jax.nn.relu(_graph_conv(h, src, dst, W_rel2, b2, W_root2))
    h, src, dst = _topk_pool(h, src, dst, p2, 0.8)
    h = jax.nn.relu(_graph_conv(h, src, dst, W_rel3, b3, W_root3))
    h, src, dst = _topk_pool(h, src, dst, p3, NUM_CLASSES)
    return jax.nn.log_softmax(h, axis=-1)

if __name__ == "__main__":
    import jax
    _d = setup_inputs()
    print(jax.jit(kernel)(*tuple(_d.values())))

</pallas_src>

<mosaic_0001>
#map = affine_map<(d0, d1) -> (0, 0)>
#map1 = affine_map<(d0, d1) -> (0, 0, 0)>
module attributes {stable_mosaic.version = 14 : i64} {
  func.func @_sc_aggregate_body(%arg0: i32, %arg1: i32, %arg2: memref<10240x128xf32, #tpu.memory_space<hbm>>, %arg3: memref<32x10000xi32, #tpu.memory_space<hbm>>, %arg4: memref<32x125x80xi32, #tpu.memory_space<hbm>>, %arg5: memref<2x10240x128xf32, #tpu.memory_space<hbm>>, %arg6: memref<10000xi32, #tpu.memory_space<vmem>>, %arg7: memref<125x80xi32, #tpu.memory_space<vmem>>, %arg8: memref<2x80x128xf32, #tpu.memory_space<vmem>>, %arg9: memref<10240x128xf32, #tpu.memory_space<vmem_shared>>, %arg10: memref<!tpu.dma_semaphore, #tpu.memory_space<semaphore_mem>>) attributes {dimension_semantics = [#tpu.dimension_semantics<core_parallel>, #tpu.dimension_semantics<subcore_parallel>], iteration_bounds = array<i64: 2, 16>, scalar_prefetch = 0 : i64, scratch_operands = 5 : i64, tpu.core_type = #tpu.core_type<sc_vector_subcore>, window_params = [{transform_indices = #map}, {transform_indices = #map}, {transform_indices = #map1}, {transform_indices = #map1}]} {
    %mul3A = arith.constant 16 : i32
    %mul3A_0 = arith.muli %arg0, %mul3A : i32
    %add3A = arith.addi %mul3A_0, %arg1 : i32
    "tpu.region"() ({
      %run_scoped3A_105 = tpu.sem_alloc : memref<!tpu.dma_semaphore, #tpu.memory_space<semaphore_mem>>
      %dma_start3A_106 = arith.constant 0 : i32
      %dma_start3A_107 = tpu.memref_slice %arg3[%add3A, %dma_start3A_106] : memref<32x10000xi32, #tpu.memory_space<hbm>> -> memref<1x10000xi32, #tpu.memory_space<hbm>>
      %dma_start3A_108 = tpu.memref_squeeze %dma_start3A_107 : memref<1x10000xi32, #tpu.memory_space<hbm>> -> memref<10000xi32, #tpu.memory_space<hbm>>
      %dma_start3A_109 = arith.constant 0 : i32
      %dma_start3A_110 = tpu.memref_slice %arg3[%add3A, %dma_start3A_109] : memref<32x10000xi32, #tpu.memory_space<hbm>> -> memref<1x10000xi32, #tpu.memory_space<hbm>>
      %dma_start3A_111 = tpu.memref_squeeze %dma_start3A_110 : memref<1x10000xi32, #tpu.memory_space<hbm>> -> memref<10000xi32, #tpu.memory_space<hbm>>
      tpu.enqueue_dma source(%dma_start3A_111 : memref<10000xi32, #tpu.memory_space<hbm>>) target(%arg6 : memref<10000xi32, #tpu.memory_space<vmem>>) target_semaphore(%run_scoped3A_105 : memref<!tpu.dma_semaphore, #tpu.memory_space<semaphore_mem>>)
      %dma_wait3A_112 = arith.constant 0 : i32
      %dma_wait3A_113 = tpu.memref_slice %arg3[%add3A, %dma_wait3A_112] : memref<32x10000xi32, #tpu.memory_space<hbm>> -> memref<1x10000xi32, #tpu.memory_space<hbm>>
      %dma_wait3A_114 = tpu.memref_squeeze %dma_wait3A_113 : memref<1x10000xi32, #tpu.memory_space<hbm>> -> memref<10000xi32, #tpu.memory_space<hbm>>
      %dma_wait3A_115 = arith.constant 0 : i32
      %dma_wait3A_116 = tpu.memref_slice %arg3[%add3A, %dma_wait3A_115] : memref<32x10000xi32, #tpu.memory_space<hbm>> -> memref<1x10000xi32, #tpu.memory_space<hbm>>
      %dma_wait3A_117 = tpu.memref_squeeze %dma_wait3A_116 : memref<1x10000xi32, #tpu.memory_space<hbm>> -> memref<10000xi32, #tpu.memory_space<hbm>>
      tpu.wait_dma2 semaphore(%run_scoped3A_105 : memref<!tpu.dma_semaphore, #tpu.memory_space<semaphore_mem>>) src(%dma_wait3A_117 : memref<10000xi32, #tpu.memory_space<hbm>>) dst(%arg6 : memref<10000xi32, #tpu.memory_space<vmem>>)
      tpu.yield
    }) : () -> ()
    "tpu.region"() ({
      %run_scoped3A_105 = tpu.sem_alloc : memref<!tpu.dma_semaphore, #tpu.memory_space<semaphore_mem>>
      %dma_start3A_106 = arith.constant 0 : i32
      %dma_start3A_107 = arith.constant 0 : i32
      %dma_start3A_108 = tpu.memref_slice %arg4[%add3A, %dma_start3A_106, %dma_start3A_107] : memref<32x125x80xi32, #tpu.memory_space<hbm>> -> memref<1x125x80xi32, #tpu.memory_space<hbm>>
      %dma_start3A_109 = tpu.memref_squeeze %dma_start3A_108 : memref<1x125x80xi32, #tpu.memory_space<hbm>> -> memref<125x80xi32, #tpu.memory_space<hbm>>
      %dma_start3A_110 = arith.constant 0 : i32
      %dma_start3A_111 = arith.constant 0 : i32
      %dma_start3A_112 = tpu.memref_slice %arg4[%add3A, %dma_start3A_110, %dma_start3A_111] : memref<32x125x80xi32, #tpu.memory_space<hbm>> -> memref<1x125x80xi32, #tpu.memory_space<hbm>>
      %dma_start3A_113 = tpu.memref_squeeze %dma_start3A_112 : memref<1x125x80xi32, #tpu.memory_space<hbm>> -> memref<125x80xi32, #tpu.memory_space<hbm>>
      tpu.enqueue_dma source(%dma_start3A_113 : memref<125x80xi32, #tpu.memory_space<hbm>>) target(%arg7 : memref<125x80xi32, #tpu.memory_space<vmem>>) target_semaphore(%run_scoped3A_105 : memref<!tpu.dma_semaphore, #tpu.memory_space<semaphore_mem>>)
      %dma_wait3A_114 = arith.constant 0 : i32
      %dma_wait3A_115 = arith.constant 0 : i32
      %dma_wait3A_116 = tpu.memref_slice %arg4[%add3A, %dma_wait3A_114, %dma_wait3A_115] : memref<32x125x80xi32, #tpu.memory_space<hbm>> -> memref<1x125x80xi32, #tpu.memory_space<hbm>>
      %dma_wait3A_117 = tpu.memref_squeeze %dma_wait3A_116 : memref<1x125x80xi32, #tpu.memory_space<hbm>> -> memref<125x80xi32, #tpu.memory_space<hbm>>
      %dma_wait3A_118 = arith.constant 0 : i32
      %dma_wait3A_119 = arith.constant 0 : i32
      %dma_wait3A_120 = tpu.memref_slice %arg4[%add3A, %dma_wait3A_118, %dma_wait3A_119] : memref<32x125x80xi32, #tpu.memory_space<hbm>> -> memref<1x125x80xi32, #tpu.memory_space<hbm>>
      %dma_wait3A_121 = tpu.memref_squeeze %dma_wait3A_120 : memref<1x125x80xi32, #tpu.memory_space<hbm>> -> memref<125x80xi32, #tpu.memory_space<hbm>>
      tpu.wait_dma2 semaphore(%run_scoped3A_105 : memref<!tpu.dma_semaphore, #tpu.memory_space<semaphore_mem>>) src(%dma_wait3A_121 : memref<125x80xi32, #tpu.memory_space<hbm>>) dst(%arg7 : memref<125x80xi32, #tpu.memory_space<vmem>>)
      tpu.yield
    }) : () -> ()
    %broadcast_in_dim3A = arith.constant 0.000000e+00 : f32
    %broadcast_in_dim3A_1 = vector.broadcast %broadcast_in_dim3A : f32 to vector<16xf32>
    %scan3A = arith.constant 0 : i32
    %scan3A_2 = arith.constant 0 : i32
    %scan3A_3 = arith.constant 80 : i32
    %scan3A_4 = arith.addi %scan3A_2, %scan3A_3 : i32
    %scan3A_5 = arith.constant 1 : i32
    scf.for %scan3A_105 = %scan3A_2 to %scan3A_4 step %scan3A_5  : i32 {
      %swap3A = arith.constant 0 : i32
      %swap3A_106 = arith.index_cast %swap3A : i32 to index
      %swap3A_107 = arith.index_cast %scan3A_105 : i32 to index
      %swap3A_108 = arith.constant 0 : index
      %swap3A_109 = tpu.vector_load %arg8[%swap3A_106, %swap3A_107, %swap3A_108] {strides = array<i32>} : memref<2x80x128xf32, #tpu.memory_space<vmem>>, vector<1x1x16xf32>,
      %swap3A_110 = vector.shape_cast %swap3A_109 : vector<1x1x16xf32> to vector<16xf32>
      %swap3A_111 = vector.shape_cast %broadcast_in_dim3A_1 : vector<16xf32> to vector<1x1x16xf32>
      tpu.vector_store %arg8[%swap3A_106, %swap3A_107, %swap3A_108], %swap3A_111 {strides = array<i32>} : memref<2x80x128xf32, #tpu.memory_space<vmem>>, vector<1x1x16xf32>,
      %swap3A_112 = arith.constant 0 : i32
      %swap3A_113 = arith.index_cast %swap3A_112 : i32 to index
      %swap3A_114 = arith.index_cast %scan3A_105 : i32 to index
      %swap3A_115 = arith.constant 16 : index
      %swap3A_116 = tpu.vector_load %arg8[%swap3A_113, %swap3A_114, %swap3A_115] {strides = array<i32>} : memref<2x80x128xf32, #tpu.memory_space<vmem>>, vector<1x1x16xf32>,
      %swap3A_117 = vector.shape_cast %swap3A_116 : vector<1x1x16xf32> to vector<16xf32>
      %swap3A_118 = vector.shape_cast %broadcast_in_dim3A_1 : vector<16xf32> to vector<1x1x16xf32>
      tpu.vector_store %arg8[%swap3A_113, %swap3A_114, %swap3A_115], %swap3A_118 {strides = array<i32>} : memref<2x80x128xf32, #tpu.memory_space<vmem>>, vector<1x1x16xf32>,
      %swap3A_119 = arith.constant 0 : i32
      %swap3A_120 = arith.index_cast %swap3A_119 : i32 to index
      %swap3A_121 = arith.index_cast %scan3A_105 : i32 to index
      %swap3A_122 = arith.constant 32 : index
      %swap3A_123 = tpu.vector_load %arg8[%swap3A_120, %swap3A_121, %swap3A_122] {strides = array<i32>} : memref<2x80x128xf32, #tpu.memory_space<vmem>>, vector<1x1x16xf32>,
      %swap3A_124 = vector.shape_cast %swap3A_123 : vector<1x1x16xf32> to vector<16xf32>
      %swap3A_125 = vector.shape_cast %broadcast_in_dim3A_1 : vector<16xf32> to vector<1x1x16xf32>
      tpu.vector_store %arg8[%swap3A_120, %swap3A_121, %swap3A_122], %swap3A_125 {strides = array<i32>} : memref<2x80x128xf32, #tpu.memory_space<vmem>>, vector<1x1x16xf32>,
      %swap3A_126 = arith.constant 0 : i32
      %swap3A_127 = arith.index_cast %swap3A_126 : i32 to index
      %swap3A_128 = arith.index_cast %scan3A_105 : i32 to index
      %swap3A_129 = arith.constant 48 : index
      %swap3A_130 = tpu.vector_load %arg8[%swap3A_127, %swap3A_128, %swap3A_129] {strides = array<i32>} : memref<2x80x128xf32, #tpu.memory_space<vmem>>, vector<1x1x16xf32>,
      %swap3A_131 = vector.shape_cast %swap3A_130 : vector<1x1x16xf32> to vector<16xf32>
      %swap3A_132 = vector.shape_cast %broadcast_in_dim3A_1 : vector<16xf32> to vector<1x1x16xf32>
      tpu.vector_store %arg8[%swap3A_127, %swap3A_128, %swap3A_129], %swap3A_132 {strides = array<i32>} : memref<2x80x128xf32, #tpu.memory_space<vmem>>, vector<1x1x16xf32>,
      %swap3A_133 = arith.constant 0 : i32
      %swap3A_134 = arith.index_cast %swap3A_133 : i32 to index
      %swap3A_135 = arith.index_cast %scan3A_105 : i32 to index
      %swap3A_136 = arith.constant 64 : index
      %swap3A_137 = tpu.vector_load %arg8[%swap3A_134, %swap3A_135, %swap3A_136] {strides = array<i32>} : memref<2x80x128xf32, #tpu.memory_space<vmem>>, vector<1x1x16xf32>,
      %swap3A_138 = vector.shape_cast %swap3A_137 : vector<1x1x16xf32> to vector<16xf32>
      %swap3A_139 = vector.shape_cast %broadcast_in_dim3A_1 : vector<16xf32> to vector<1x1x16xf32>
      tpu.vector_store %arg8[%swap3A_134, %swap3A_135, %swap3A_136], %swap3A_139 {strides = array<i32>} : memref<2x80x128xf32, #tpu.memory_space<vmem>>, vector<1x1x16xf32>,
      %swap3A_140 = arith.constant 0 : i32
      %swap3A_141 = arith.index_cast %swap3A_140 : i32 to index
      %swap3A_142 = arith.index_cast %scan3A_105 : i32 to index
      %swap3A_143 = arith.constant 80 : index
      %swap3A_144 = tpu.vector_load %arg8[%swap3A_141, %swap3A_142, %swap3A_143] {strides = array<i32>} : memref<2x80x128xf32, #tpu.memory_space<vmem>>, vector<1x1x16xf32>,
      %swap3A_145 = vector.shape_cast %swap3A_144 : vector<1x1x16xf32> to vector<16xf32>
      %swap3A_146 = vector.shape_cast %broadcast_in_dim3A_1 : vector<16xf32> to vector<1x1x16xf32>
      tpu.vector_store %arg8[%swap3A_141, %swap3A_142, %swap3A_143], %swap3A_146 {strides = array<i32>} : memref<2x80x128xf32, #tpu.memory_space<vmem>>, vector<1x1x16xf32>,
      %swap3A_147 = arith.constant 0 : i32
      %swap3A_148 = arith.index_cast %swap3A_147 : i32 to index
      %swap3A_149 = arith.index_cast %scan3A_105 : i32 to index
      %swap3A_150 = arith.constant 96 : index
      %swap3A_151 = tpu.vector_load %arg8[%swap3A_148, %swap3A_149, %swap3A_150] {strides = array<i32>} : memref<2x80x128xf32, #tpu.memory_space<vmem>>, vector<1x1x16xf32>,
      %swap3A_152 = vector.shape_cast %swap3A_151 : vector<1x1x16xf32> to vector<16xf32>
      %swap3A_153 = vector.shape_cast %broadcast_in_dim3A_1 : vector<16xf32> to vector<1x1x16xf32>
      tpu.vector_store %arg8[%swap3A_148, %swap3A_149, %swap3A_150], %swap3A_153 {strides = array<i32>} : memref<2x80x128xf32, #tpu.memory_space<vmem>>, vector<1x1x16xf32>,
      %swap3A_154 = arith.constant 0 : i32
      %swap3A_155 = arith.index_cast %swap3A_154 : i32 to index
      %swap3A_156 = arith.index_cast %scan3A_105 : i32 to index
      %swap3A_157 = arith.constant 112 : index
      %swap3A_158 = tpu.vector_load %arg8[%swap3A_155, %swap3A_156, %swap3A_157] {strides = array<i32>} : memref<2x80x128xf32, #tpu.memory_space<vmem>>, vector<1x1x16xf32>,
      %swap3A_159 = vector.shape_cast %swap3A_158 : vector<1x1x16xf32> to vector<16xf32>
      %swap3A_160 = vector.shape_cast %broadcast_in_dim3A_1 : vector<16xf32> to vector<1x1x16xf32>
      tpu.vector_store %arg8[%swap3A_155, %swap3A_156, %swap3A_157], %swap3A_160 {strides = array<i32>} : memref<2x80x128xf32, #tpu.memory_space<vmem>>, vector<1x1x16xf32>,
    }
    %scan3A_6 = arith.constant 80 : i32
    %mul3A_7 = arith.constant 640 : i32
    %mul3A_8 = arith.muli %arg1, %mul3A_7 : i32
    %add3A_9 = arith.constant 0 : i32
    %add3A_10 = arith.addi %mul3A_8, %add3A_9 : i32
    %run_scoped3A = arith.constant 0 : i32
    "tpu.region"() ({
      %run_scoped3A_105 = tpu.sem_alloc : memref<!tpu.dma_semaphore, #tpu.memory_space<semaphore_mem>>
      %dma_start3A_106 = arith.constant 0 : i32
      %dma_start3A_107 = arith.constant 0 : i32
      %dma_start3A_108 = tpu.memref_slice %arg8[%run_scoped3A, %dma_start3A_106, %dma_start3A_107] : memref<2x80x128xf32, #tpu.memory_space<vmem>> -> memref<1x80x128xf32, #tpu.memory_space<vmem>>
      %dma_start3A_109 = tpu.memref_squeeze %dma_start3A_108 : memref<1x80x128xf32, #tpu.memory_space<vmem>> -> memref<80x128xf32, #tpu.memory_space<vmem>>
      %dma_start3A_110 = arith.constant 0 : i32
      %dma_start3A_111 = tpu.memref_slice %arg9[%add3A_10, %dma_start3A_110] : memref<10240x128xf32, #tpu.memory_space<vmem_shared>> -> memref<80x128xf32, #tpu.memory_space<vmem_shared>>
      %dma_start3A_112 = arith.constant 0 : i32
      %dma_start3A_113 = tpu.memref_slice %arg9[%add3A_10, %dma_start3A_112] : memref<10240x128xf32, #tpu.memory_space<vmem_shared>> -> memref<80x128xf32, #tpu.memory_space<vmem_shared>>
      %dma_start3A_114 = arith.constant 0 : i32
      %dma_start3A_115 = arith.constant 0 : i32
      %dma_start3A_116 = tpu.memref_slice %arg8[%run_scoped3A, %dma_start3A_114, %dma_start3A_115] : memref<2x80x128xf32, #tpu.memory_space<vmem>> -> memref<1x80x128xf32, #tpu.memory_space<vmem>>
      %dma_start3A_117 = tpu.memref_squeeze %dma_start3A_116 : memref<1x80x128xf32, #tpu.memory_space<vmem>> -> memref<80x128xf32, #tpu.memory_space<vmem>>
      tpu.enqueue_dma source(%dma_start3A_117 : memref<80x128xf32, #tpu.memory_space<vmem>>) target(%dma_start3A_113 : memref<80x128xf32, #tpu.memory_space<vmem_shared>>) target_semaphore(%run_scoped3A_105 : memref<!tpu.dma_semaphore, #tpu.memory_space<semaphore_mem>>)
      %dma_wait3A_118 = arith.constant 0 : i32
      %dma_wait3A_119 = arith.constant 0 : i32
      %dma_wait3A_120 = tpu.memref_slice %arg8[%run_scoped3A, %dma_wait3A_118, %dma_wait3A_119] : memref<2x80x128xf32, #tpu.memory_space<vmem>> -> memref<1x80x128xf32, #tpu.memory_space<vmem>>
      %dma_wait3A_121 = tpu.memref_squeeze %dma_wait3A_120 : memref<1x80x128xf32, #tpu.memory_space<vmem>> -> memref<80x128xf32, #tpu.memory_space<vmem>>
      %dma_wait3A_122 = arith.constant 0 : i32
      %dma_wait3A_123 = tpu.memref_slice %arg9[%add3A_10, %dma_wait3A_122] : memref<10240x128xf32, #tpu.memory_space<vmem_shared>> -> memref<80x128xf32, #tpu.memory_space<vmem_shared>>
      %dma_wait3A_124 = arith.constant 0 : i32
      %dma_wait3A_125 = tpu.memref_slice %arg9[%add3A_10, %dma_wait3A_124] : memref<10240x128xf32, #tpu.memory_space<vmem_shared>> -> memref<80x128xf32, #tpu.memory_space<vmem_shared>>
      %dma_wait3A_126 = arith.constant 0 : i32
      %dma_wait3A_127 = arith.constant 0 : i32
      %dma_wait3A_128 = tpu.memref_slice %arg8[%run_scoped3A, %dma_wait3A_126, %dma_wait3A_127] : memref<2x80x128xf32, #tpu.memory_space<vmem>> -> memref<1x80x128xf32, #tpu.memory_space<vmem>>
      %dma_wait3A_129 = tpu.memref_squeeze %dma_wait3A_128 : memref<1x80x128xf32, #tpu.memory_space<vmem>> -> memref<80x128xf32, #tpu.memory_space<vmem>>
      tpu.wait_dma2 semaphore(%run_scoped3A_105 : memref<!tpu.dma_semaphore, #tpu.memory_space<semaphore_mem>>) src(%dma_wait3A_129 : memref<80x128xf32, #tpu.memory_space<vmem>>) dst(%dma_wait3A_125 : memref<80x128xf32, #tpu.memory_space<vmem_shared>>)
      tpu.yield
    }) : () -> ()
    %mul3A_11 = arith.constant 640 : i32
    %mul3A_12 = arith.muli %arg1, %mul3A_11 : i32
    %add3A_13 = arith.constant 80 : i32
    %add3A_14 = arith.addi %mul3A_12, %add3A_13 : i32
    %run_scoped3A_15 = arith.constant 0 : i32
    "tpu.region"() ({
      %run_scoped3A_105 = tpu.sem_alloc : memref<!tpu.dma_semaphore, #tpu.memory_space<semaphore_mem>>
      %dma_start3A_106 = arith.constant 0 : i32
      %dma_start3A_107 = arith.constant 0 : i32
      %dma_start3A_108 = tpu.memref_slice %arg8[%run_scoped3A_15, %dma_start3A_106, %dma_start3A_107] : memref<2x80x128xf32, #tpu.memory_space<vmem>> -> memref<1x80x128xf32, #tpu.memory_space<vmem>>
      %dma_start3A_109 = tpu.memref_squeeze %dma_start3A_108 : memref<1x80x128xf32, #tpu.memory_space<vmem>> -> memref<80x128xf32, #tpu.memory_space<vmem>>
      %dma_start3A_110 = arith.constant 0 : i32
      %dma_start3A_111 = tpu.memref_slice %arg9[%add3A_14, %dma_start3A_110] : memref<10240x128xf32, #tpu.memory_space<vmem_shared>> -> memref<80x128xf32, #tpu.memory_space<vmem_shared>>
      %dma_start3A_112 = arith.constant 0 : i32
      %dma_start3A_113 = tpu.memref_slice %arg9[%add3A_14, %dma_start3A_112] : memref<10240x128xf32, #tpu.memory_space<vmem_shared>> -> memref<80x128xf32, #tpu.memory_space<vmem_shared>>
      %dma_start3A_114 = arith.constant 0 : i32
      %dma_start3A_115 = arith.constant 0 : i32
      %dma_start3A_116 = tpu.memref_slice %arg8[%run_scoped3A_15, %dma_start3A_114, %dma_start3A_115] : memref<2x80x128xf32, #tpu.memory_space<vmem>> -> memref<1x80x128xf32, #tpu.memory_space<vmem>>
      %dma_start3A_117 = tpu.memref_squeeze %dma_start3A_116 : memref<1x80x128xf32, #tpu.memory_space<vmem>> -> memref<80x128xf32, #tpu.memory_space<vmem>>
      tpu.enqueue_dma source(%dma_start3A_117 : memref<80x128xf32, #tpu.memory_space<vmem>>) target(%dma_start3A_113 : memref<80x128xf32, #tpu.memory_space<vmem_shared>>) target_semaphore(%run_scoped3A_105 : memref<!tpu.dma_semaphore, #tpu.memory_space<semaphore_mem>>)
      %dma_wait3A_118 = arith.constant 0 : i32
      %dma_wait3A_119 = arith.constant 0 : i32
      %dma_wait3A_120 = tpu.memref_slice %arg8[%run_scoped3A_15, %dma_wait3A_118, %dma_wait3A_119] : memref<2x80x128xf32, #tpu.memory_space<vmem>> -> memref<1x80x128xf32, #tpu.memory_space<vmem>>
      %dma_wait3A_121 = tpu.memref_squeeze %dma_wait3A_120 : memref<1x80x128xf32, #tpu.memory_space<vmem>> -> memref<80x128xf32, #tpu.memory_space<vmem>>
      %dma_wait3A_122 = arith.constant 0 : i32
      %dma_wait3A_123 = tpu.memref_slice %arg9[%add3A_14, %dma_wait3A_122] : memref<10240x128xf32, #tpu.memory_space<vmem_shared>> -> memref<80x128xf32, #tpu.memory_space<vmem_shared>>
      %dma_wait3A_124 = arith.constant 0 : i32
      %dma_wait3A_125 = tpu.memref_slice %arg9[%add3A_14, %dma_wait3A_124] : memref<10240x128xf32, #tpu.memory_space<vmem_shared>> -> memref<80x128xf32, #tpu.memory_space<vmem_shared>>
      %dma_wait3A_126 = arith.constant 0 : i32
      %dma_wait3A_127 = arith.constant 0 : i32
      %dma_wait3A_128 = tpu.memref_slice %arg8[%run_scoped3A_15, %dma_wait3A_126, %dma_wait3A_127] : memref<2x80x128xf32, #tpu.memory_space<vmem>> -> memref<1x80x128xf32, #tpu.memory_space<vmem>>
      %dma_wait3A_129 = tpu.memref_squeeze %dma_wait3A_128 : memref<1x80x128xf32, #tpu.memory_space<vmem>> -> memref<80x128xf32, #tpu.memory_space<vmem>>
      tpu.wait_dma2 semaphore(%run_scoped3A_105 : memref<!tpu.dma_semaphore, #tpu.memory_space<semaphore_mem>>) src(%dma_wait3A_129 : memref<80x128xf32, #tpu.memory_space<vmem>>) dst(%dma_wait3A_125 : memref<80x128xf32, #tpu.memory_space<vmem_shared>>)
      tpu.yield
    }) : () -> ()
    %mul3A_16 = arith.constant 640 : i32
    %mul3A_17 = arith.muli %arg1, %mul3A_16 : i32
    %add3A_18 = arith.constant 160 : i32
    %add3A_19 = arith.addi %mul3A_17, %add3A_18 : i32
    %run_scoped3A_20 = arith.constant 0 : i32
    "tpu.region"() ({
      %run_scoped3A_105 = tpu.sem_alloc : memref<!tpu.dma_semaphore, #tpu.memory_space<semaphore_mem>>
      %dma_start3A_106 = arith.constant 0 : i32
      %dma_start3A_107 = arith.constant 0 : i32
      %dma_start3A_108 = tpu.memref_slice %arg8[%run_scoped3A_20, %dma_start3A_106, %dma_start3A_107] : memref<2x80x128xf32, #tpu.memory_space<vmem>> -> memref<1x80x128xf32, #tpu.memory_space<vmem>>
      %dma_start3A_109 = tpu.memref_squeeze %dma_start3A_108 : memref<1x80x128xf32, #tpu.memory_space<vmem>> -> memref<80x128xf32, #tpu.memory_space<vmem>>
      %dma_start3A_110 = arith.constant 0 : i32
      %dma_start3A_111 = tpu.memref_slice %arg9[%add3A_19, %dma_start3A_110] : memref<10240x128xf32, #tpu.memory_space<vmem_shared>> -> memref<80x128xf32, #tpu.memory_space<vmem_shared>>
      %dma_start3A_112 = arith.constant 0 : i32
      %dma_start3A_113 = tpu.memref_slice %arg9[%add3A_19, %dma_start3A_112] : memref<10240x128xf32, #tpu.memory_space<vmem_shared>> -> memref<80x128xf32, #tpu.memory_space<vmem_shared>>
      %dma_start3A_114 = arith.constant 0 : i32
      %dma_start3A_115 = arith.constant 0 : i32
      %dma_start3A_116 = tpu.memref_slice %arg8[%run_scoped3A_20, %dma_start3A_114, %dma_start3A_115] : memref<2x80x128xf32, #tpu.memory_space<vmem>> -> memref<1x80x128xf32, #tpu.memory_space<vmem>>
      %dma_start3A_117 = tpu.memref_squeeze %dma_start3A_116 : memref<1x80x128xf32, #tpu.memory_space<vmem>> -> memref<80x128xf32, #tpu.memory_space<vmem>>
      tpu.enqueue_dma source(%dma_start3A_117 : memref<80x128xf32, #tpu.memory_space<vmem>>) target(%dma_start3A_113 : memref<80x128xf32, #tpu.memory_space<vmem_shared>>) target_semaphore(%run_scoped3A_105 : memref<!tpu.dma_semaphore, #tpu.memory_space<semaphore_mem>>)
      %dma_wait3A_118 = arith.constant 0 : i32
      %dma_wait3A_119 = arith.constant 0 : i32
      %dma_wait3A_120 = tpu.memref_slice %arg8[%run_scoped3A_20, %dma_wait3A_118, %dma_wait3A_119] : memref<2x80x128xf32, #tpu.memory_space<vmem>> -> memref<1x80x128xf32, #tpu.memory_space<vmem>>
      %dma_wait3A_121 = tpu.memref_squeeze %dma_wait3A_120 : memref<1x80x128xf32, #tpu.memory_space<vmem>> -> memref<80x128xf32, #tpu.memory_space<vmem>>
      %dma_wait3A_122 = arith.constant 0 : i32
      %dma_wait3A_123 = tpu.memref_slice %arg9[%add3A_19, %dma_wait3A_122] : memref<10240x128xf32, #tpu.memory_space<vmem_shared>> -> memref<80x128xf32, #tpu.memory_space<vmem_shared>>
      %dma_wait3A_124 = arith.constant 0 : i32
      %dma_wait3A_125 = tpu.memref_slice %arg9[%add3A_19, %dma_wait3A_124] : memref<10240x128xf32, #tpu.memory_space<vmem_shared>> -> memref<80x128xf32, #tpu.memory_space<vmem_shared>>
      %dma_wait3A_126 = arith.constant 0 : i32
      %dma_wait3A_127 = arith.constant 0 : i32
      %dma_wait3A_128 = tpu.memref_slice %arg8[%run_scoped3A_20, %dma_wait3A_126, %dma_wait3A_127] : memref<2x80x128xf32, #tpu.memory_space<vmem>> -> memref<1x80x128xf32, #tpu.memory_space<vmem>>
      %dma_wait3A_129 = tpu.memref_squeeze %dma_wait3A_128 : memref<1x80x128xf32, #tpu.memory_space<vmem>> -> memref<80x128xf32, #tpu.memory_space<vmem>>
      tpu.wait_dma2 semaphore(%run_scoped3A_105 : memref<!tpu.dma_semaphore, #tpu.memory_space<semaphore_mem>>) src(%dma_wait3A_129 : memref<80x128xf32, #tpu.memory_space<vmem>>) dst(%dma_wait3A_125 : memref<80x128xf32, #tpu.memory_space<vmem_shared>>)
      tpu.yield
    }) : () -> ()
    %mul3A_21 = arith.constant 640 : i32
    %mul3A_22 = arith.muli %arg1, %mul3A_21 : i32
    %add3A_23 = arith.constant 240 : i32
    %add3A_24 = arith.addi %mul3A_22, %add3A_23 : i32
    %run_scoped3A_25 = arith.constant 0 : i32
    "tpu.region"() ({
      %run_scoped3A_105 = tpu.sem_alloc : memref<!tpu.dma_semaphore, #tpu.memory_space<semaphore_mem>>
      %dma_start3A_106 = arith.constant 0 : i32
      %dma_start3A_107 = arith.constant 0 : i32
      %dma_start3A_108 = tpu.memref_slice %arg8[%run_scoped3A_25, %dma_start3A_106, %dma_start3A_107] : memref<2x80x128xf32, #tpu.memory_space<vmem>> -> memref<1x80x128xf32, #tpu.memory_space<vmem>>
      %dma_start3A_109 = tpu.memref_squeeze %dma_start3A_108 : memref<1x80x128xf32, #tpu.memory_space<vmem>> -> memref<80x128xf32, #tpu.memory_space<vmem>>
      %dma_start3A_110 = arith.constant 0 : i32
      %dma_start3A_111 = tpu.memref_slice %arg9[%add3A_24, %dma_start3A_110] : memref<10240x128xf32, #tpu.memory_space<vmem_shared>> -> memref<80x128xf32, #tpu.memory_space<vmem_shared>>
      %dma_start3A_112 = arith.constant 0 : i32
      %dma_start3A_113 = tpu.memref_slice %arg9[%add3A_24, %dma_start3A_112] : memref<10240x128xf32, #tpu.memory_space<vmem_shared>> -> memref<80x128xf32, #tpu.memory_space<vmem_shared>>
      %dma_start3A_114 = arith.constant 0 : i32
      %dma_start3A_115 = arith.constant 0 : i32
      %dma_start3A_116 = tpu.memref_slice %arg8[%run_scoped3A_25, %dma_start3A_114, %dma_start3A_115] : memref<2x80x128xf32, #tpu.memory_space<vmem>> -> memref<1x80x128xf32, #tpu.memory_space<vmem>>
      %dma_start3A_117 = tpu.memref_squeeze %dma_start3A_116 : memref<1x80x128xf32, #tpu.memory_space<vmem>> -> memref<80x128xf32, #tpu.memory_space<vmem>>
      tpu.enqueue_dma source(%dma_start3A_117 : memref<80x128xf32, #tpu.memory_space<vmem>>) target(%dma_start3A_113 : memref<80x128xf32, #tpu.memory_space<vmem_shared>>) target_semaphore(%run_scoped3A_105 : memref<!tpu.dma_semaphore, #tpu.memory_space<semaphore_mem>>)
      %dma_wait3A_118 = arith.constant 0 : i32
      %dma_wait3A_119 = arith.constant 0 : i32
      %dma_wait3A_120 = tpu.memref_slice %arg8[%run_scoped3A_25, %dma_wait3A_118, %dma_wait3A_119] : memref<2x80x128xf32, #tpu.memory_space<vmem>> -> memref<1x80x128xf32, #tpu.memory_space<vmem>>
      %dma_wait3A_121 = tpu.memref_squeeze %dma_wait3A_120 : memref<1x80x128xf32, #tpu.memory_space<vmem>> -> memref<80x128xf32, #tpu.memory_space<vmem>>
      %dma_wait3A_122 = arith.constant 0 : i32
      %dma_wait3A_123 = tpu.memref_slice %arg9[%add3A_24, %dma_wait3A_122] : memref<10240x128xf32, #tpu.memory_space<vmem_shared>> -> memref<80x128xf32, #tpu.memory_space<vmem_shared>>
      %dma_wait3A_124 = arith.constant 0 : i32
      %dma_wait3A_125 = tpu.memref_slice %arg9[%add3A_24, %dma_wait3A_124] : memref<10240x128xf32, #tpu.memory_space<vmem_shared>> -> memref<80x128xf32, #tpu.memory_space<vmem_shared>>
      %dma_wait3A_126 = arith.constant 0 : i32
      %dma_wait3A_127 = arith.constant 0 : i32
      %dma_wait3A_128 = tpu.memref_slice %arg8[%run_scoped3A_25, %dma_wait3A_126, %dma_wait3A_127] : memref<2x80x128xf32, #tpu.memory_space<vmem>> -> memref<1x80x128xf32, #tpu.memory_space<vmem>>
      %dma_wait3A_129 = tpu.memref_squeeze %dma_wait3A_128 : memref<1x80x128xf32, #tpu.memory_space<vmem>> -> memref<80x128xf32, #tpu.memory_space<vmem>>
      tpu.wait_dma2 semaphore(%run_scoped3A_105 : memref<!tpu.dma_semaphore, #tpu.memory_space<semaphore_mem>>) src(%dma_wait3A_129 : memref<80x128xf32, #tpu.memory_space<vmem>>) dst(%dma_wait3A_125 : memref<80x128xf32, #tpu.memory_space<vmem_shared>>)
      tpu.yield
    }) : () -> ()
    %mul3A_26 = arith.constant 640 : i32
    %mul3A_27 = arith.muli %arg1, %mul3A_26 : i32
    %add3A_28 = arith.constant 320 : i32
    %add3A_29 = arith.addi %mul3A_27, %add3A_28 : i32
    %run_scoped3A_30 = arith.constant 0 : i32
    "tpu.region"() ({
      %run_scoped3A_105 = tpu.sem_alloc : memref<!tpu.dma_semaphore, #tpu.memory_space<semaphore_mem>>
      %dma_start3A_106 = arith.constant 0 : i32
      %dma_start3A_107 = arith.constant 0 : i32
      %dma_start3A_108 = tpu.memref_slice %arg8[%run_scoped3A_30, %dma_start3A_106, %dma_start3A_107] : memref<2x80x128xf32, #tpu.memory_space<vmem>> -> memref<1x80x128xf32, #tpu.memory_space<vmem>>
      %dma_start3A_109 = tpu.memref_squeeze %dma_start3A_108 : memref<1x80x128xf32, #tpu.memory_space<vmem>> -> memref<80x128xf32, #tpu.memory_space<vmem>>
      %dma_start3A_110 = arith.constant 0 : i32
      %dma_start3A_111 = tpu.memref_slice %arg9[%add3A_29, %dma_start3A_110] : memref<10240x128xf32, #tpu.memory_space<vmem_shared>> -> memref<80x128xf32, #tpu.memory_space<vmem_shared>>
      %dma_start3A_112 = arith.constant 0 : i32
      %dma_start3A_113 = tpu.memref_slice %arg9[%add3A_29, %dma_start3A_112] : memref<10240x128xf32, #tpu.memory_space<vmem_shared>> -> memref<80x128xf32, #tpu.memory_space<vmem_shared>>
      %dma_start3A_114 = arith.constant 0 : i32
      %dma_start3A_115 = arith.constant 0 : i32
      %dma_start3A_116 = tpu.memref_slice %arg8[%run_scoped3A_30, %dma_start3A_114, %dma_start3A_115] : memref<2x80x128xf32, #tpu.memory_space<vmem>> -> memref<1x80x128xf32, #tpu.memory_space<vmem>>
      %dma_start3A_117 = tpu.memref_squeeze %dma_start3A_116 : memref<1x80x128xf32, #tpu.memory_space<vmem>> -> memref<80x128xf32, #tpu.memory_space<vmem>>
      tpu.enqueue_dma source(%dma_start3A_117 : memref<80x128xf32, #tpu.memory_space<vmem>>) target(%dma_start3A_113 : memref<80x128xf32, #tpu.memory_space<vmem_shared>>) target_semaphore(%run_scoped3A_105 : memref<!tpu.dma_semaphore, #tpu.memory_space<semaphore_mem>>)
      %dma_wait3A_118 = arith.constant 0 : i32
      %dma_wait3A_119 = arith.constant 0 : i32
      %dma_wait3A_120 = tpu.memref_slice %arg8[%run_scoped3A_30, %dma_wait3A_118, %dma_wait3A_119] : memref<2x80x128xf32, #tpu.memory_space<vmem>> -> memref<1x80x128xf32, #tpu.memory_space<vmem>>
      %dma_wait3A_121 = tpu.memref_squeeze %dma_wait3A_120 : memref<1x80x128xf32, #tpu.memory_space<vmem>> -> memref<80x128xf32, #tpu.memory_space<vmem>>
      %dma_wait3A_122 = arith.constant 0 : i32
      %dma_wait3A_123 = tpu.memref_slice %arg9[%add3A_29, %dma_wait3A_122] : memref<10240x128xf32, #tpu.memory_space<vmem_shared>> -> memref<80x128xf32, #tpu.memory_space<vmem_shared>>
      %dma_wait3A_124 = arith.constant 0 : i32
      %dma_wait3A_125 = tpu.memref_slice %arg9[%add3A_29, %dma_wait3A_124] : memref<10240x128xf32, #tpu.memory_space<vmem_shared>> -> memref<80x128xf32, #tpu.memory_space<vmem_shared>>
      %dma_wait3A_126 = arith.constant 0 : i32
      %dma_wait3A_127 = arith.constant 0 : i32
      %dma_wait3A_128 = tpu.memref_slice %arg8[%run_scoped3A_30, %dma_wait3A_126, %dma_wait3A_127] : memref<2x80x128xf32, #tpu.memory_space<vmem>> -> memref<1x80x128xf32, #tpu.memory_space<vmem>>
      %dma_wait3A_129 = tpu.memref_squeeze %dma_wait3A_128 : memref<1x80x128xf32, #tpu.memory_space<vmem>> -> memref<80x128xf32, #tpu.memory_space<vmem>>
      tpu.wait_dma2 semaphore(%run_scoped3A_105 : memref<!tpu.dma_semaphore, #tpu.memory_space<semaphore_mem>>) src(%dma_wait3A_129 : memref<80x128xf32, #tpu.memory_space<vmem>>) dst(%dma_wait3A_125 : memref<80x128xf32, #tpu.memory_space<vmem_shared>>)
      tpu.yield
    }) : () -> ()
    %mul3A_31 = arith.constant 640 : i32
    %mul3A_32 = arith.muli %arg1, %mul3A_31 : i32
    %add3A_33 = arith.constant 400 : i32
    %add3A_34 = arith.addi %mul3A_32, %add3A_33 : i32
    %run_scoped3A_35 = arith.constant 0 : i32
    "tpu.region"() ({
      %run_scoped3A_105 = tpu.sem_alloc : memref<!tpu.dma_semaphore, #tpu.memory_space<semaphore_mem>>
      %dma_start3A_106 = arith.constant 0 : i32
      %dma_start3A_107 = arith.constant 0 : i32
      %dma_start3A_108 = tpu.memref_slice %arg8[%run_scoped3A_35, %dma_start3A_106, %dma_start3A_107] : memref<2x80x128xf32, #tpu.memory_space<vmem>> -> memref<1x80x128xf32, #tpu.memory_space<vmem>>
      %dma_start3A_109 = tpu.memref_squeeze %dma_start3A_108 : memref<1x80x128xf32, #tpu.memory_space<vmem>> -> memref<80x128xf32, #tpu.memory_space<vmem>>
      %dma_start3A_110 = arith.constant 0 : i32
      %dma_start3A_111 = tpu.memref_slice %arg9[%add3A_34, %dma_start3A_110] : memref<10240x128xf32, #tpu.memory_space<vmem_shared>> -> memref<80x128xf32, #tpu.memory_space<vmem_shared>>
      %dma_start3A_112 = arith.constant 0 : i32
      %dma_start3A_113 = tpu.memref_slice %arg9[%add3A_34, %dma_start3A_112] : memref<10240x128xf32, #tpu.memory_space<vmem_shared>> -> memref<80x128xf32, #tpu.memory_space<vmem_shared>>
      %dma_start3A_114 = arith.constant 0 : i32
      %dma_start3A_115 = arith.constant 0 : i32
      %dma_start3A_116 = tpu.memref_slice %arg8[%run_scoped3A_35, %dma_start3A_114, %dma_start3A_115] : memref<2x80x128xf32, #tpu.memory_space<vmem>> -> memref<1x80x128xf32, #tpu.memory_space<vmem>>
      %dma_start3A_117 = tpu.memref_squeeze %dma_start3A_116 : memref<1x80x128xf32, #tpu.memory_space<vmem>> -> memref<80x128xf32, #tpu.memory_space<vmem>>
      tpu.enqueue_dma source(%dma_start3A_117 : memref<80x128xf32, #tpu.memory_space<vmem>>) target(%dma_start3A_113 : memref<80x128xf32, #tpu.memory_space<vmem_shared>>) target_semaphore(%run_scoped3A_105 : memref<!tpu.dma_semaphore, #tpu.memory_space<semaphore_mem>>)
      %dma_wait3A_118 = arith.constant 0 : i32
      %dma_wait3A_119 = arith.constant 0 : i32
      %dma_wait3A_120 = tpu.memref_slice %arg8[%run_scoped3A_35, %dma_wait3A_118, %dma_wait3A_119] : memref<2x80x128xf32, #tpu.memory_space<vmem>> -> memref<1x80x128xf32, #tpu.memory_space<vmem>>
      %dma_wait3A_121 = tpu.memref_squeeze %dma_wait3A_120 : memref<1x80x128xf32, #tpu.memory_space<vmem>> -> memref<80x128xf32, #tpu.memory_space<vmem>>
      %dma_wait3A_122 = arith.constant 0 : i32
      %dma_wait3A_123 = tpu.memref_slice %arg9[%add3A_34, %dma_wait3A_122] : memref<10240x128xf32, #tpu.memory_space<vmem_shared>> -> memref<80x128xf32, #tpu.memory_space<vmem_shared>>
      %dma_wait3A_124 = arith.constant 0 : i32
      %dma_wait3A_125 = tpu.memref_slice %arg9[%add3A_34, %dma_wait3A_124] : memref<10240x128xf32, #tpu.memory_space<vmem_shared>> -> memref<80x128xf32, #tpu.memory_space<vmem_shared>>
      %dma_wait3A_126 = arith.constant 0 : i32
      %dma_wait3A_127 = arith.constant 0 : i32
      %dma_wait3A_128 = tpu.memref_slice %arg8[%run_scoped3A_35, %dma_wait3A_126, %dma_wait3A_127] : memref<2x80x128xf32, #tpu.memory_space<vmem>> -> memref<1x80x128xf32, #tpu.memory_space<vmem>>
      %dma_wait3A_129 = tpu.memref_squeeze %dma_wait3A_128 : memref<1x80x128xf32, #tpu.memory_space<vmem>> -> memref<80x128xf32, #tpu.memory_space<vmem>>
      tpu.wait_dma2 semaphore(%run_scoped3A_105 : memref<!tpu.dma_semaphore, #tpu.memory_space<semaphore_mem>>) src(%dma_wait3A_129 : memref<80x128xf32, #tpu.memory_space<vmem>>) dst(%dma_wait3A_125 : memref<80x128xf32, #tpu.memory_space<vmem_shared>>)
      tpu.yield
    }) : () -> ()
    %mul3A_36 = arith.constant 640 : i32
    %mul3A_37 = arith.muli %arg1, %mul3A_36 : i32
    %add3A_38 = arith.constant 480 : i32
    %add3A_39 = arith.addi %mul3A_37, %add3A_38 : i32
    %run_scoped3A_40 = arith.constant 0 : i32
    "tpu.region"() ({
      %run_scoped3A_105 = tpu.sem_alloc : memref<!tpu.dma_semaphore, #tpu.memory_space<semaphore_mem>>
      %dma_start3A_106 = arith.constant 0 : i32
      %dma_start3A_107 = arith.constant 0 : i32
      %dma_start3A_108 = tpu.memref_slice %arg8[%run_scoped3A_40, %dma_start3A_106, %dma_start3A_107] : memref<2x80x128xf32, #tpu.memory_space<vmem>> -> memref<1x80x128xf32, #tpu.memory_space<vmem>>
      %dma_start3A_109 = tpu.memref_squeeze %dma_start3A_108 : memref<1x80x128xf32, #tpu.memory_space<vmem>> -> memref<80x128xf32, #tpu.memory_space<vmem>>
      %dma_start3A_110 = arith.constant 0 : i32
      %dma_start3A_111 = tpu.memref_slice %arg9[%add3A_39, %dma_start3A_110] : memref<10240x128xf32, #tpu.memory_space<vmem_shared>> -> memref<80x128xf32, #tpu.memory_space<vmem_shared>>
      %dma_start3A_112 = arith.constant 0 : i32
      %dma_start3A_113 = tpu.memref_slice %arg9[%add3A_39, %dma_start3A_112] : memref<10240x128xf32, #tpu.memory_space<vmem_shared>> -> memref<80x128xf32, #tpu.memory_space<vmem_shared>>
      %dma_start3A_114 = arith.constant 0 : i32
      %dma_start3A_115 = arith.constant 0 : i32
      %dma_start3A_116 = tpu.memref_slice %arg8[%run_scoped3A_40, %dma_start3A_114, %dma_start3A_115] : memref<2x80x128xf32, #tpu.memory_space<vmem>> -> memref<1x80x128xf32, #tpu.memory_space<vmem>>
      %dma_start3A_117 = tpu.memref_squeeze %dma_start3A_116 : memref<1x80x128xf32, #tpu.memory_space<vmem>> -> memref<80x128xf32, #tpu.memory_space<vmem>>
      tpu.enqueue_dma source(%dma_start3A_117 : memref<80x128xf32, #tpu.memory_space<vmem>>) target(%dma_start3A_113 : memref<80x128xf32, #tpu.memory_space<vmem_shared>>) target_semaphore(%run_scoped3A_105 : memref<!tpu.dma_semaphore, #tpu.memory_space<semaphore_mem>>)
      %dma_wait3A_118 = arith.constant 0 : i32
      %dma_wait3A_119 = arith.constant 0 : i32
      %dma_wait3A_120 = tpu.memref_slice %arg8[%run_scoped3A_40, %dma_wait3A_118, %dma_wait3A_119] : memref<2x80x128xf32, #tpu.memory_space<vmem>> -> memref<1x80x128xf32, #tpu.memory_space<vmem>>
      %dma_wait3A_121 = tpu.memref_squeeze %dma_wait3A_120 : memref<1x80x128xf32, #tpu.memory_space<vmem>> -> memref<80x128xf32, #tpu.memory_space<vmem>>
      %dma_wait3A_122 = arith.constant 0 : i32
      %dma_wait3A_123 = tpu.memref_slice %arg9[%add3A_39, %dma_wait3A_122] : memref<10240x128xf32, #tpu.memory_space<vmem_shared>> -> memref<80x128xf32, #tpu.memory_space<vmem_shared>>
      %dma_wait3A_124 = arith.constant 0 : i32
      %dma_wait3A_125 = tpu.memref_slice %arg9[%add3A_39, %dma_wait3A_124] : memref<10240x128xf32, #tpu.memory_space<vmem_shared>> -> memref<80x128xf32, #tpu.memory_space<vmem_shared>>
      %dma_wait3A_126 = arith.constant 0 : i32
      %dma_wait3A_127 = arith.constant 0 : i32
      %dma_wait3A_128 = tpu.memref_slice %arg8[%run_scoped3A_40, %dma_wait3A_126, %dma_wait3A_127] : memref<2x80x128xf32, #tpu.memory_space<vmem>> -> memref<1x80x128xf32, #tpu.memory_space<vmem>>
      %dma_wait3A_129 = tpu.memref_squeeze %dma_wait3A_128 : memref<1x80x128xf32, #tpu.memory_space<vmem>> -> memref<80x128xf32, #tpu.memory_space<vmem>>
      tpu.wait_dma2 semaphore(%run_scoped3A_105 : memref<!tpu.dma_semaphore, #tpu.memory_space<semaphore_mem>>) src(%dma_wait3A_129 : memref<80x128xf32, #tpu.memory_space<vmem>>) dst(%dma_wait3A_125 : memref<80x128xf32, #tpu.memory_space<vmem_shared>>)
      tpu.yield
    }) : () -> ()
    %mul3A_41 = arith.constant 640 : i32
    %mul3A_42 = arith.muli %arg1, %mul3A_41 : i32
    %add3A_43 = arith.constant 560 : i32
    %add3A_44 = arith.addi %mul3A_42, %add3A_43 : i32
    %run_scoped3A_45 = arith.constant 0 : i32
    "tpu.region"() ({
      %run_scoped3A_105 = tpu.sem_alloc : memref<!tpu.dma_semaphore, #tpu.memory_space<semaphore_mem>>
      %dma_start3A_106 = arith.constant 0 : i32
      %dma_start3A_107 = arith.constant 0 : i32
      %dma_start3A_108 = tpu.memref_slice %arg8[%run_scoped3A_45, %dma_start3A_106, %dma_start3A_107] : memref<2x80x128xf32, #tpu.memory_space<vmem>> -> memref<1x80x128xf32, #tpu.memory_space<vmem>>
      %dma_start3A_109 = tpu.memref_squeeze %dma_start3A_108 : memref<1x80x128xf32, #tpu.memory_space<vmem>> -> memref<80x128xf32, #tpu.memory_space<vmem>>
      %dma_start3A_110 = arith.constant 0 : i32
      %dma_start3A_111 = tpu.memref_slice %arg9[%add3A_44, %dma_start3A_110] : memref<10240x128xf32, #tpu.memory_space<vmem_shared>> -> memref<80x128xf32, #tpu.memory_space<vmem_shared>>
      %dma_start3A_112 = arith.constant 0 : i32
      %dma_start3A_113 = tpu.memref_slice %arg9[%add3A_44, %dma_start3A_112] : memref<10240x128xf32, #tpu.memory_space<vmem_shared>> -> memref<80x128xf32, #tpu.memory_space<vmem_shared>>
      %dma_start3A_114 = arith.constant 0 : i32
      %dma_start3A_115 = arith.constant 0 : i32
      %dma_start3A_116 = tpu.memref_slice %arg8[%run_scoped3A_45, %dma_start3A_114, %dma_start3A_115] : memref<2x80x128xf32, #tpu.memory_space<vmem>> -> memref<1x80x128xf32, #tpu.memory_space<vmem>>
      %dma_start3A_117 = tpu.memref_squeeze %dma_start3A_116 : memref<1x80x128xf32, #tpu.memory_space<vmem>> -> memref<80x128xf32, #tpu.memory_space<vmem>>
      tpu.enqueue_dma source(%dma_start3A_117 : memref<80x128xf32, #tpu.memory_space<vmem>>) target(%dma_start3A_113 : memref<80x128xf32, #tpu.memory_space<vmem_shared>>) target_semaphore(%run_scoped3A_105 : memref<!tpu.dma_semaphore, #tpu.memory_space<semaphore_mem>>)
      %dma_wait3A_118 = arith.constant 0 : i32
      %dma_wait3A_119 = arith.constant 0 : i32
      %dma_wait3A_120 = tpu.memref_slice %arg8[%run_scoped3A_45, %dma_wait3A_118, %dma_wait3A_119] : memref<2x80x128xf32, #tpu.memory_space<vmem>> -> memref<1x80x128xf32, #tpu.memory_space<vmem>>
      %dma_wait3A_121 = tpu.memref_squeeze %dma_wait3A_120 : memref<1x80x128xf32, #tpu.memory_space<vmem>> -> memref<80x128xf32, #tpu.memory_space<vmem>>
      %dma_wait3A_122 = arith.constant 0 : i32
      %dma_wait3A_123 = tpu.memref_slice %arg9[%add3A_44, %dma_wait3A_122] : memref<10240x128xf32, #tpu.memory_space<vmem_shared>> -> memref<80x128xf32, #tpu.memory_space<vmem_shared>>
      %dma_wait3A_124 = arith.constant 0 : i32
      %dma_wait3A_125 = tpu.memref_slice %arg9[%add3A_44, %dma_wait3A_124] : memref<10240x128xf32, #tpu.memory_space<vmem_shared>> -> memref<80x128xf32, #tpu.memory_space<vmem_shared>>
      %dma_wait3A_126 = arith.constant 0 : i32
      %dma_wait3A_127 = arith.constant 0 : i32
      %dma_wait3A_128 = tpu.memref_slice %arg8[%run_scoped3A_45, %dma_wait3A_126, %dma_wait3A_127] : memref<2x80x128xf32, #tpu.memory_space<vmem>> -> memref<1x80x128xf32, #tpu.memory_space<vmem>>
      %dma_wait3A_129 = tpu.memref_squeeze %dma_wait3A_128 : memref<1x80x128xf32, #tpu.memory_space<vmem>> -> memref<80x128xf32, #tpu.memory_space<vmem>>
      tpu.wait_dma2 semaphore(%run_scoped3A_105 : memref<!tpu.dma_semaphore, #tpu.memory_space<semaphore_mem>>) src(%dma_wait3A_129 : memref<80x128xf32, #tpu.memory_space<vmem>>) dst(%dma_wait3A_125 : memref<80x128xf32, #tpu.memory_space<vmem_shared>>)
      tpu.yield
    }) : () -> ()
    %barrier3A = arith.constant 0 : index
    tpu.barrier barrier_id(%barrier3A)
    %dma_start3A = arith.constant 0 : i32
    %dma_start3A_46 = arith.constant 0 : i32
    %dma_start3A_47 = arith.constant 0 : i32
    %dma_start3A_48 = tpu.memref_slice %arg8[%dma_start3A, %dma_start3A_46, %dma_start3A_47] : memref<2x80x128xf32, #tpu.memory_space<vmem>> -> memref<1x80x128xf32, #tpu.memory_space<vmem>>
    %dma_start3A_49 = tpu.memref_squeeze %dma_start3A_48 : memref<1x80x128xf32, #tpu.memory_space<vmem>> -> memref<80x128xf32, #tpu.memory_space<vmem>>
    %dma_start3A_50 = arith.constant 0 : i32
    %dma_start3A_51 = tpu.memref_slice %arg6[%dma_start3A_50] : memref<10000xi32, #tpu.memory_space<vmem>> -> memref<80xi32, #tpu.memory_space<vmem>>
    %dma_start3A_52 = arith.constant 0 : i32
    %dma_start3A_53 = arith.constant 0 : i32
    %dma_start3A_54 = tpu.memref_slice %arg2[%dma_start3A_52, %dma_start3A_53] : memref<10240x128xf32, #tpu.memory_space<hbm>> -> memref<10240x128xf32, #tpu.memory_space<hbm>>
    tpu.enqueue_indirect_dma source(%dma_start3A_54 : memref<10240x128xf32, #tpu.memory_space<hbm>>) target(%dma_start3A_49 : memref<80x128xf32, #tpu.memory_space<vmem>>) offsets(%dma_start3A_51 : memref<80xi32, #tpu.memory_space<vmem>>) semaphore(%arg10 : memref<!tpu.dma_semaphore, #tpu.memory_space<semaphore_mem>>)
    %scan3A_55 = arith.constant 0 : i32
    %scan3A_56 = arith.constant 0 : i32
    %scan3A_57 = arith.constant 62 : i32
    %scan3A_58 = arith.addi %scan3A_56, %scan3A_57 : i32
    %scan3A_59 = arith.constant 1 : i32
    scf.for %scan3A_105 = %scan3A_56 to %scan3A_58 step %scan3A_59  : i32 {
      %mul3A_106 = arith.constant 2 : i32
      %mul3A_107 = arith.muli %mul3A_106, %scan3A_105 : i32
      %add3A_108 = arith.constant 0 : i32
      %add3A_109 = arith.addi %mul3A_107, %add3A_108 : i32
      %mul3A_110 = arith.constant 80 : i32
      %mul3A_111 = arith.muli %add3A_109, %mul3A_110 : i32
      %dma_wait3A_112 = arith.constant 0 : i32
      %dma_wait3A_113 = arith.constant 0 : i32
      %dma_wait3A_114 = arith.constant 0 : i32
      %dma_wait3A_115 = tpu.memref_slice %arg8[%dma_wait3A_112, %dma_wait3A_113, %dma_wait3A_114] : memref<2x80x128xf32, #tpu.memory_space<vmem>> -> memref<1x80x128xf32, #tpu.memory_space<vmem>>
      %dma_wait3A_116 = tpu.memref_squeeze %dma_wait3A_115 : memref<1x80x128xf32, #tpu.memory_space<vmem>> -> memref<80x128xf32, #tpu.memory_space<vmem>>
      %dma_wait3A_117 = tpu.memref_slice %arg6[%mul3A_111] : memref<10000xi32, #tpu.memory_space<vmem>> -> memref<80xi32, #tpu.memory_space<vmem>>
      %dma_wait3A_118 = arith.constant 0 : i32
      %dma_wait3A_119 = arith.constant 0 : i32
      %dma_wait3A_120 = tpu.memref_slice %arg2[%dma_wait3A_118, %dma_wait3A_119] : memref<10240x128xf32, #tpu.memory_space<hbm>> -> memref<10240x128xf32, #tpu.memory_space<hbm>>
      tpu.wait_indirect_dma semaphore(%arg10 : memref<!tpu.dma_semaphore, #tpu.memory_space<semaphore_mem>>) src(%dma_wait3A_120 : memref<10240x128xf32, #tpu.memory_space<hbm>>) dst(%dma_wait3A_116 : memref<80x128xf32, #tpu.memory_space<vmem>>)
      %add3A_121 = arith.constant 1 : i32
      %add3A_122 = arith.addi %add3A_109, %add3A_121 : i32
      %mul3A_123 = arith.constant 80 : i32
      %mul3A_124 = arith.muli %add3A_122, %mul3A_123 : i32
      %dma_start3A_125 = arith.constant 1 : i32
      %dma_start3A_126 = arith.constant 0 : i32
      %dma_start3A_127 = arith.constant 0 : i32
      %dma_start3A_128 = tpu.memref_slice %arg8[%dma_start3A_125, %dma_start3A_126, %dma_start3A_127] : memref<2x80x128xf32, #tpu.memory_space<vmem>> -> memref<1x80x128xf32, #tpu.memory_space<vmem>>
      %dma_start3A_129 = tpu.memref_squeeze %dma_start3A_128 : memref<1x80x128xf32, #tpu.memory_space<vmem>> -> memref<80x128xf32, #tpu.memory_space<vmem>>
      %dma_start3A_130 = tpu.memref_slice %arg6[%mul3A_124] : memref<10000xi32, #tpu.memory_space<vmem>> -> memref<80xi32, #tpu.memory_space<vmem>>
      %dma_start3A_131 = arith.constant 0 : i32
      %dma_start3A_132 = arith.constant 0 : i32
      %dma_start3A_133 = tpu.memref_slice %arg2[%dma_start3A_131, %dma_start3A_132] : memref<10240x128xf32, #tpu.memory_space<hbm>> -> memref<10240x128xf32, #tpu.memory_space<hbm>>
      tpu.enqueue_indirect_dma source(%dma_start3A_133 : memref<10240x128xf32, #tpu.memory_space<hbm>>) target(%dma_start3A_129 : memref<80x128xf32, #tpu.memory_space<vmem>>) offsets(%dma_start3A_130 : memref<80xi32, #tpu.memory_space<vmem>>) semaphore(%arg10 : memref<!tpu.dma_semaphore, #tpu.memory_space<semaphore_mem>>)
      %run_scoped3A_134 = arith.constant 0 : i32
      "tpu.region"() ({
        %run_scoped3A_162 = tpu.sem_alloc : memref<!tpu.dma_semaphore, #tpu.memory_space<semaphore_mem>>
        %dma_start3A_163 = arith.constant 0 : i32
        %dma_start3A_164 = arith.constant 0 : i32
        %dma_start3A_165 = tpu.memref_slice %arg8[%run_scoped3A_134, %dma_start3A_163, %dma_start3A_164] : memref<2x80x128xf32, #tpu.memory_space<vmem>> -> memref<1x80x128xf32, #tpu.memory_space<vmem>>
        %dma_start3A_166 = tpu.memref_squeeze %dma_start3A_165 : memref<1x80x128xf32, #tpu.memory_space<vmem>> -> memref<80x128xf32, #tpu.memory_space<vmem>>
        %dma_start3A_167 = arith.constant 0 : i32
        %dma_start3A_168 = tpu.memref_slice %arg7[%add3A_109, %dma_start3A_167] : memref<125x80xi32, #tpu.memory_space<vmem>> -> memref<1x80xi32, #tpu.memory_space<vmem>>
        %dma_start3A_169 = tpu.memref_squeeze %dma_start3A_168 : memref<1x80xi32, #tpu.memory_space<vmem>> -> memref<80xi32, #tpu.memory_space<vmem>>
        %dma_start3A_170 = arith.constant 0 : i32
        %dma_start3A_171 = arith.constant 0 : i32
        %dma_start3A_172 = tpu.memref_slice %arg9[%dma_start3A_170, %dma_start3A_171] : memref<10240x128xf32, #tpu.memory_space<vmem_shared>> -> memref<10240x128xf32, #tpu.memory_space<vmem_shared>>
        tpu.enqueue_indirect_dma source(%dma_start3A_166 : memref<80x128xf32, #tpu.memory_space<vmem>>) target(%dma_start3A_172 : memref<10240x128xf32, #tpu.memory_space<vmem_shared>>) offsets(%dma_start3A_169 : memref<80xi32, #tpu.memory_space<vmem>>) semaphore(%run_scoped3A_162 : memref<!tpu.dma_semaphore, #tpu.memory_space<semaphore_mem>>) {add = true}
        %dma_wait3A_173 = arith.constant 0 : i32
        %dma_wait3A_174 = arith.constant 0 : i32
        %dma_wait3A_175 = tpu.memref_slice %arg8[%run_scoped3A_134, %dma_wait3A_173, %dma_wait3A_174] : memref<2x80x128xf32, #tpu.memory_space<vmem>> -> memref<1x80x128xf32, #tpu.memory_space<vmem>>
        %dma_wait3A_176 = tpu.memref_squeeze %dma_wait3A_175 : memref<1x80x128xf32, #tpu.memory_space<vmem>> -> memref<80x128xf32, #tpu.memory_space<vmem>>
        %dma_wait3A_177 = arith.constant 0 : i32
        %dma_wait3A_178 = tpu.memref_slice %arg7[%add3A_109, %dma_wait3A_177] : memref<125x80xi32, #tpu.memory_space<vmem>> -> memref<1x80xi32, #tpu.memory_space<vmem>>
        %dma_wait3A_179 = tpu.memref_squeeze %dma_wait3A_178 : memref<1x80xi32, #tpu.memory_space<vmem>> -> memref<80xi32, #tpu.memory_space<vmem>>
        %dma_wait3A_180 = arith.constant 0 : i32
        %dma_wait3A_181 = arith.constant 0 : i32
        %dma_wait3A_182 = tpu.memref_slice %arg9[%dma_wait3A_180, %dma_wait3A_181] : memref<10240x128xf32, #tpu.memory_space<vmem_shared>> -> memref<10240x128xf32, #tpu.memory_space<vmem_shared>>
        tpu.wait_indirect_dma semaphore(%run_scoped3A_162 : memref<!tpu.dma_semaphore, #tpu.memory_space<semaphore_mem>>) src(%dma_wait3A_176 : memref<80x128xf32, #tpu.memory_space<vmem>>) dst(%dma_wait3A_182 : memref<10240x128xf32, #tpu.memory_space<vmem_shared>>)
        tpu.yield
      }) : () -> ()
      %add3A_135 = arith.constant 1 : i32
      %add3A_136 = arith.addi %mul3A_107, %add3A_135 : i32
      %mul3A_137 = arith.constant 80 : i32
      %mul3A_138 = arith.muli %add3A_136, %mul3A_137 : i32
      %dma_wait3A_139 = arith.constant 1 : i32
      %dma_wait3A_140 = arith.constant 0 : i32
      %dma_wait3A_141 = arith.constant 0 : i32
      %dma_wait3A_142 = tpu.memref_slice %arg8[%dma_wait3A_139, %dma_wait3A_140, %dma_wait3A_141] : memref<2x80x128xf32, #tpu.memory_space<vmem>> -> memref<1x80x128xf32, #tpu.memory_space<vmem>>
      %dma_wait3A_143 = tpu.memref_squeeze %dma_wait3A_142 : memref<1x80x128xf32, #tpu.memory_space<vmem>> -> memref<80x128xf32, #tpu.memory_space<vmem>>
      %dma_wait3A_144 = tpu.memref_slice %arg6[%mul3A_138] : memref<10000xi32, #tpu.memory_space<vmem>> -> memref<80xi32, #tpu.memory_space<vmem>>
      %dma_wait3A_145 = arith.constant 0 : i32
      %dma_wait3A_146 = arith.constant 0 : i32
      %dma_wait3A_147 = tpu.memref_slice %arg2[%dma_wait3A_145, %dma_wait3A_146] : memref<10240x128xf32, #tpu.memory_space<hbm>> -> memref<10240x128xf32, #tpu.memory_space<hbm>>
      tpu.wait_indirect_dma semaphore(%arg10 : memref<!tpu.dma_semaphore, #tpu.memory_space<semaphore_mem>>) src(%dma_wait3A_147 : memref<10240x128xf32, #tpu.memory_space<hbm>>) dst(%dma_wait3A_143 : memref<80x128xf32, #tpu.memory_space<vmem>>)
      %add3A_148 = arith.constant 1 : i32
      %add3A_149 = arith.addi %add3A_136, %add3A_148 : i32
      %mul3A_150 = arith.constant 80 : i32
      %mul3A_151 = arith.muli %add3A_149, %mul3A_150 : i32
      %dma_start3A_152 = arith.constant 0 : i32
      %dma_start3A_153 = arith.constant 0 : i32
      %dma_start3A_154 = arith.constant 0 : i32
      %dma_start3A_155 = tpu.memref_slice %arg8[%dma_start3A_152, %dma_start3A_153, %dma_start3A_154] : memref<2x80x128xf32, #tpu.memory_space<vmem>> -> memref<1x80x128xf32, #tpu.memory_space<vmem>>
      %dma_start3A_156 = tpu.memref_squeeze %dma_start3A_155 : memref<1x80x128xf32, #tpu.memory_space<vmem>> -> memref<80x128xf32, #tpu.memory_space<vmem>>
      %dma_start3A_157 = tpu.memref_slice %arg6[%mul3A_151] : memref<10000xi32, #tpu.memory_space<vmem>> -> memref<80xi32, #tpu.memory_space<vmem>>
      %dma_start3A_158 = arith.constant 0 : i32
      %dma_start3A_159 = arith.constant 0 : i32
      %dma_start3A_160 = tpu.memref_slice %arg2[%dma_start3A_158, %dma_start3A_159] : memref<10240x128xf32, #tpu.memory_space<hbm>> -> memref<10240x128xf32, #tpu.memory_space<hbm>>
      tpu.enqueue_indirect_dma source(%dma_start3A_160 : memref<10240x128xf32, #tpu.memory_space<hbm>>) target(%dma_start3A_156 : memref<80x128xf32, #tpu.memory_space<vmem>>) offsets(%dma_start3A_157 : memref<80xi32, #tpu.memory_space<vmem>>) semaphore(%arg10 : memref<!tpu.dma_semaphore, #tpu.memory_space<semaphore_mem>>)
      %run_scoped3A_161 = arith.constant 1 : i32
      "tpu.region"() ({
        %run_scoped3A_162 = tpu.sem_alloc : memref<!tpu.dma_semaphore, #tpu.memory_space<semaphore_mem>>
        %dma_start3A_163 = arith.constant 0 : i32
        %dma_start3A_164 = arith.constant 0 : i32
        %dma_start3A_165 = tpu.memref_slice %arg8[%run_scoped3A_161, %dma_start3A_163, %dma_start3A_164] : memref<2x80x128xf32, #tpu.memory_space<vmem>> -> memref<1x80x128xf32, #tpu.memory_space<vmem>>
        %dma_start3A_166 = tpu.memref_squeeze %dma_start3A_165 : memref<1x80x128xf32, #tpu.memory_space<vmem>> -> memref<80x128xf32, #tpu.memory_space<vmem>>
        %dma_start3A_167 = arith.constant 0 : i32
        %dma_start3A_168 = tpu.memref_slice %arg7[%add3A_136, %dma_start3A_167] : memref<125x80xi32, #tpu.memory_space<vmem>> -> memref<1x80xi32, #tpu.memory_space<vmem>>
        %dma_start3A_169 = tpu.memref_squeeze %dma_start3A_168 : memref<1x80xi32, #tpu.memory_space<vmem>> -> memref<80xi32, #tpu.memory_space<vmem>>
        %dma_start3A_170 = arith.constant 0 : i32
        %dma_start3A_171 = arith.constant 0 : i32
        %dma_start3A_172 = tpu.memref_slice %arg9[%dma_start3A_170, %dma_start3A_171] : memref<10240x128xf32, #tpu.memory_space<vmem_shared>> -> memref<10240x128xf32, #tpu.memory_space<vmem_shared>>
        tpu.enqueue_indirect_dma source(%dma_start3A_166 : memref<80x128xf32, #tpu.memory_space<vmem>>) target(%dma_start3A_172 : memref<10240x128xf32, #tpu.memory_space<vmem_shared>>) offsets(%dma_start3A_169 : memref<80xi32, #tpu.memory_space<vmem>>) semaphore(%run_scoped3A_162 : memref<!tpu.dma_semaphore, #tpu.memory_space<semaphore_mem>>) {add = true}
        %dma_wait3A_173 = arith.constant 0 : i32
        %dma_wait3A_174 = arith.constant 0 : i32
        %dma_wait3A_175 = tpu.memref_slice %arg8[%run_scoped3A_161, %dma_wait3A_173, %dma_wait3A_174] : memref<2x80x128xf32, #tpu.memory_space<vmem>> -> memref<1x80x128xf32, #tpu.memory_space<vmem>>
        %dma_wait3A_176 = tpu.memref_squeeze %dma_wait3A_175 : memref<1x80x128xf32, #tpu.memory_space<vmem>> -> memref<80x128xf32, #tpu.memory_space<vmem>>
        %dma_wait3A_177 = arith.constant 0 : i32
        %dma_wait3A_178 = tpu.memref_slice %arg7[%add3A_136, %dma_wait3A_177] : memref<125x80xi32, #tpu.memory_space<vmem>> -> memref<1x80xi32, #tpu.memory_space<vmem>>
        %dma_wait3A_179 = tpu.memref_squeeze %dma_wait3A_178 : memref<1x80xi32, #tpu.memory_space<vmem>> -> memref<80xi32, #tpu.memory_space<vmem>>
        %dma_wait3A_180 = arith.constant 0 : i32
        %dma_wait3A_181 = arith.constant 0 : i32
        %dma_wait3A_182 = tpu.memref_slice %arg9[%dma_wait3A_180, %dma_wait3A_181] : memref<10240x128xf32, #tpu.memory_space<vmem_shared>> -> memref<10240x128xf32, #tpu.memory_space<vmem_shared>>
        tpu.wait_indirect_dma semaphore(%run_scoped3A_162 : memref<!tpu.dma_semaphore, #tpu.memory_space<semaphore_mem>>) src(%dma_wait3A_176 : memref<80x128xf32, #tpu.memory_space<vmem>>) dst(%dma_wait3A_182 : memref<10240x128xf32, #tpu.memory_space<vmem_shared>>)
        tpu.yield
      }) : () -> ()
    }
    %scan3A_60 = arith.constant 62 : i32
    %dma_wait3A = arith.constant 0 : i32
    %dma_wait3A_61 = arith.constant 0 : i32
    %dma_wait3A_62 = arith.constant 0 : i32
    %dma_wait3A_63 = tpu.memref_slice %arg8[%dma_wait3A, %dma_wait3A_61, %dma_wait3A_62] : memref<2x80x128xf32, #tpu.memory_space<vmem>> -> memref<1x80x128xf32, #tpu.memory_space<vmem>>
    %dma_wait3A_64 = tpu.memref_squeeze %dma_wait3A_63 : memref<1x80x128xf32, #tpu.memory_space<vmem>> -> memref<80x128xf32, #tpu.memory_space<vmem>>
    %dma_wait3A_65 = arith.constant 9920 : i32
    %dma_wait3A_66 = tpu.memref_slice %arg6[%dma_wait3A_65] : memref<10000xi32, #tpu.memory_space<vmem>> -> memref<80xi32, #tpu.memory_space<vmem>>
    %dma_wait3A_67 = arith.constant 0 : i32
    %dma_wait3A_68 = arith.constant 0 : i32
    %dma_wait3A_69 = tpu.memref_slice %arg2[%dma_wait3A_67, %dma_wait3A_68] : memref<10240x128xf32, #tpu.memory_space<hbm>> -> memref<10240x128xf32, #tpu.memory_space<hbm>>
    tpu.wait_indirect_dma semaphore(%arg10 : memref<!tpu.dma_semaphore, #tpu.memory_space<semaphore_mem>>) src(%dma_wait3A_69 : memref<10240x128xf32, #tpu.memory_space<hbm>>) dst(%dma_wait3A_64 : memref<80x128xf32, #tpu.memory_space<vmem>>)
    %run_scoped3A_70 = arith.constant 0 : i32
    %run_scoped3A_71 = arith.constant 124 : i32
    "tpu.region"() ({
      %run_scoped3A_105 = tpu.sem_alloc : memref<!tpu.dma_semaphore, #tpu.memory_space<semaphore_mem>>
      %dma_start3A_106 = arith.constant 0 : i32
      %dma_start3A_107 = arith.constant 0 : i32
      %dma_start3A_108 = tpu.memref_slice %arg8[%run_scoped3A_70, %dma_start3A_106, %dma_start3A_107] : memref<2x80x128xf32, #tpu.memory_space<vmem>> -> memref<1x80x128xf32, #tpu.memory_space<vmem>>
      %dma_start3A_109 = tpu.memref_squeeze %dma_start3A_108 : memref<1x80x128xf32, #tpu.memory_space<vmem>> -> memref<80x128xf32, #tpu.memory_space<vmem>>
      %dma_start3A_110 = arith.constant 0 : i32
      %dma_start3A_111 = tpu.memref_slice %arg7[%run_scoped3A_71, %dma_start3A_110] : memref<125x80xi32, #tpu.memory_space<vmem>> -> memref<1x80xi32, #tpu.memory_space<vmem>>
      %dma_start3A_112 = tpu.memref_squeeze %dma_start3A_111 : memref<1x80xi32, #tpu.memory_space<vmem>> -> memref<80xi32, #tpu.memory_space<vmem>>
      %dma_start3A_113 = arith.constant 0 : i32
      %dma_start3A_114 = arith.constant 0 : i32
      %dma_start3A_115 = tpu.memref_slice %arg9[%dma_start3A_113, %dma_start3A_114] : memref<10240x128xf32, #tpu.memory_space<vmem_shared>> -> memref<10240x128xf32, #tpu.memory_space<vmem_shared>>
      tpu.enqueue_indirect_dma source(%dma_start3A_109 : memref<80x128xf32, #tpu.memory_space<vmem>>) target(%dma_start3A_115 : memref<10240x128xf32, #tpu.memory_space<vmem_shared>>) offsets(%dma_start3A_112 : memref<80xi32, #tpu.memory_space<vmem>>) semaphore(%run_scoped3A_105 : memref<!tpu.dma_semaphore, #tpu.memory_space<semaphore_mem>>) {add = true}
      %dma_wait3A_116 = arith.constant 0 : i32
      %dma_wait3A_117 = arith.constant 0 : i32
      %dma_wait3A_118 = tpu.memref_slice %arg8[%run_scoped3A_70, %dma_wait3A_116, %dma_wait3A_117] : memref<2x80x128xf32, #tpu.memory_space<vmem>> -> memref<1x80x128xf32, #tpu.memory_space<vmem>>
      %dma_wait3A_119 = tpu.memref_squeeze %dma_wait3A_118 : memref<1x80x128xf32, #tpu.memory_space<vmem>> -> memref<80x128xf32, #tpu.memory_space<vmem>>
      %dma_wait3A_120 = arith.constant 0 : i32
      %dma_wait3A_121 = tpu.memref_slice %arg7[%run_scoped3A_71, %dma_wait3A_120] : memref<125x80xi32, #tpu.memory_space<vmem>> -> memref<1x80xi32, #tpu.memory_space<vmem>>
      %dma_wait3A_122 = tpu.memref_squeeze %dma_wait3A_121 : memref<1x80xi32, #tpu.memory_space<vmem>> -> memref<80xi32, #tpu.memory_space<vmem>>
      %dma_wait3A_123 = arith.constant 0 : i32
      %dma_wait3A_124 = arith.constant 0 : i32
      %dma_wait3A_125 = tpu.memref_slice %arg9[%dma_wait3A_123, %dma_wait3A_124] : memref<10240x128xf32, #tpu.memory_space<vmem_shared>> -> memref<10240x128xf32, #tpu.memory_space<vmem_shared>>
      tpu.wait_indirect_dma semaphore(%run_scoped3A_105 : memref<!tpu.dma_semaphore, #tpu.memory_space<semaphore_mem>>) src(%dma_wait3A_119 : memref<80x128xf32, #tpu.memory_space<vmem>>) dst(%dma_wait3A_125 : memref<10240x128xf32, #tpu.memory_space<vmem_shared>>)
      tpu.yield
    }) : () -> ()
    %barrier3A_72 = arith.constant 0 : index
    tpu.barrier barrier_id(%barrier3A_72)
    %mul3A_73 = arith.constant 640 : i32
    %mul3A_74 = arith.muli %arg1, %mul3A_73 : i32
    %add3A_75 = arith.constant 0 : i32
    %add3A_76 = arith.addi %mul3A_74, %add3A_75 : i32
    "tpu.region"() ({
      %run_scoped3A_105 = tpu.sem_alloc : memref<!tpu.dma_semaphore, #tpu.memory_space<semaphore_mem>>
      %dma_start3A_106 = arith.constant 0 : i32
      %dma_start3A_107 = tpu.memref_slice %arg5[%arg0, %add3A_76, %dma_start3A_106] : memref<2x10240x128xf32, #tpu.memory_space<hbm>> -> memref<1x80x128xf32, #tpu.memory_space<hbm>>
      %dma_start3A_108 = tpu.memref_squeeze %dma_start3A_107 : memref<1x80x128xf32, #tpu.memory_space<hbm>> -> memref<80x128xf32, #tpu.memory_space<hbm>>
      %dma_start3A_109 = arith.constant 0 : i32
      %dma_start3A_110 = tpu.memref_slice %arg9[%add3A_76, %dma_start3A_109] : memref<10240x128xf32, #tpu.memory_space<vmem_shared>> -> memref<80x128xf32, #tpu.memory_space<vmem_shared>>
      tpu.enqueue_dma source(%dma_start3A_110 : memref<80x128xf32, #tpu.memory_space<vmem_shared>>) target(%dma_start3A_108 : memref<80x128xf32, #tpu.memory_space<hbm>>) target_semaphore(%run_scoped3A_105 : memref<!tpu.dma_semaphore, #tpu.memory_space<semaphore_mem>>)
      %dma_wait3A_111 = arith.constant 0 : i32
      %dma_wait3A_112 = tpu.memref_slice %arg5[%arg0, %add3A_76, %dma_wait3A_111] : memref<2x10240x128xf32, #tpu.memory_space<hbm>> -> memref<1x80x128xf32, #tpu.memory_space<hbm>>
      %dma_wait3A_113 = tpu.memref_squeeze %dma_wait3A_112 : memref<1x80x128xf32, #tpu.memory_space<hbm>> -> memref<80x128xf32, #tpu.memory_space<hbm>>
      %dma_wait3A_114 = arith.constant 0 : i32
      %dma_wait3A_115 = tpu.memref_slice %arg9[%add3A_76, %dma_wait3A_114] : memref<10240x128xf32, #tpu.memory_space<vmem_shared>> -> memref<80x128xf32, #tpu.memory_space<vmem_shared>>
      tpu.wait_dma2 semaphore(%run_scoped3A_105 : memref<!tpu.dma_semaphore, #tpu.memory_space<semaphore_mem>>) src(%dma_wait3A_115 : memref<80x128xf32, #tpu.memory_space<vmem_shared>>) dst(%dma_wait3A_113 : memref<80x128xf32, #tpu.memory_space<hbm>>)
      tpu.yield
    }) : () -> ()
    %mul3A_77 = arith.constant 640 : i32
    %mul3A_78 = arith.muli %arg1, %mul3A_77 : i32
    %add3A_79 = arith.constant 80 : i32
    %add3A_80 = arith.addi %mul3A_78, %add3A_79 : i32
    "tpu.region"() ({
      %run_scoped3A_105 = tpu.sem_alloc : memref<!tpu.dma_semaphore, #tpu.memory_space<semaphore_mem>>
      %dma_start3A_106 = arith.constant 0 : i32
      %dma_start3A_107 = tpu.memref_slice %arg5[%arg0, %add3A_80, %dma_start3A_106] : memref<2x10240x128xf32, #tpu.memory_space<hbm>> -> memref<1x80x128xf32, #tpu.memory_space<hbm>>
      %dma_start3A_108 = tpu.memref_squeeze %dma_start3A_107 : memref<1x80x128xf32, #tpu.memory_space<hbm>> -> memref<80x128xf32, #tpu.memory_space<hbm>>
      %dma_start3A_109 = arith.constant 0 : i32
      %dma_start3A_110 = tpu.memref_slice %arg9[%add3A_80, %dma_start3A_109] : memref<10240x128xf32, #tpu.memory_space<vmem_shared>> -> memref<80x128xf32, #tpu.memory_space<vmem_shared>>
      tpu.enqueue_dma source(%dma_start3A_110 : memref<80x128xf32, #tpu.memory_space<vmem_shared>>) target(%dma_start3A_108 : memref<80x128xf32, #tpu.memory_space<hbm>>) target_semaphore(%run_scoped3A_105 : memref<!tpu.dma_semaphore, #tpu.memory_space<semaphore_mem>>)
      %dma_wait3A_111 = arith.constant 0 : i32
      %dma_wait3A_112 = tpu.memref_slice %arg5[%arg0, %add3A_80, %dma_wait3A_111] : memref<2x10240x128xf32, #tpu.memory_space<hbm>> -> memref<1x80x128xf32, #tpu.memory_space<hbm>>
      %dma_wait3A_113 = tpu.memref_squeeze %dma_wait3A_112 : memref<1x80x128xf32, #tpu.memory_space<hbm>> -> memref<80x128xf32, #tpu.memory_space<hbm>>
      %dma_wait3A_114 = arith.constant 0 : i32
      %dma_wait3A_115 = tpu.memref_slice %arg9[%add3A_80, %dma_wait3A_114] : memref<10240x128xf32, #tpu.memory_space<vmem_shared>> -> memref<80x128xf32, #tpu.memory_space<vmem_shared>>
      tpu.wait_dma2 semaphore(%run_scoped3A_105 : memref<!tpu.dma_semaphore, #tpu.memory_space<semaphore_mem>>) src(%dma_wait3A_115 : memref<80x128xf32, #tpu.memory_space<vmem_shared>>) dst(%dma_wait3A_113 : memref<80x128xf32, #tpu.memory_space<hbm>>)
      tpu.yield
    }) : () -> ()
    %mul3A_81 = arith.constant 640 : i32
    %mul3A_82 = arith.muli %arg1, %mul3A_81 : i32
    %add3A_83 = arith.constant 160 : i32
    %add3A_84 = arith.addi %mul3A_82, %add3A_83 : i32
    "tpu.region"() ({
      %run_scoped3A_105 = tpu.sem_alloc : memref<!tpu.dma_semaphore, #tpu.memory_space<semaphore_mem>>
      %dma_start3A_106 = arith.constant 0 : i32
      %dma_start3A_107 = tpu.memref_slice %arg5[%arg0, %add3A_84, %dma_start3A_106] : memref<2x10240x128xf32, #tpu.memory_space<hbm>> -> memref<1x80x128xf32, #tpu.memory_space<hbm>>
      %dma_start3A_108 = tpu.memref_squeeze %dma_start3A_107 : memref<1x80x128xf32, #tpu.memory_space<hbm>> -> memref<80x128xf32, #tpu.memory_space<hbm>>
      %dma_start3A_109 = arith.constant 0 : i32
      %dma_start3A_110 = tpu.memref_slice %arg9[%add3A_84, %dma_start3A_109] : memref<10240x128xf32, #tpu.memory_space<vmem_shared>> -> memref<80x128xf32, #tpu.memory_space<vmem_shared>>
      tpu.enqueue_dma source(%dma_start3A_110 : memref<80x128xf32, #tpu.memory_space<vmem_shared>>) target(%dma_start3A_108 : memref<80x128xf32, #tpu.memory_space<hbm>>) target_semaphore(%run_scoped3A_105 : memref<!tpu.dma_semaphore, #tpu.memory_space<semaphore_mem>>)
      %dma_wait3A_111 = arith.constant 0 : i32
      %dma_wait3A_112 = tpu.memref_slice %arg5[%arg0, %add3A_84, %dma_wait3A_111] : memref<2x10240x128xf32, #tpu.memory_space<hbm>> -> memref<1x80x128xf32, #tpu.memory_space<hbm>>
      %dma_wait3A_113 = tpu.memref_squeeze %dma_wait3A_112 : memref<1x80x128xf32, #tpu.memory_space<hbm>> -> memref<80x128xf32, #tpu.memory_space<hbm>>
      %dma_wait3A_114 = arith.constant 0 : i32
      %dma_wait3A_115 = tpu.memref_slice %arg9[%add3A_84, %dma_wait3A_114] : memref<10240x128xf32, #tpu.memory_space<vmem_shared>> -> memref<80x128xf32, #tpu.memory_space<vmem_shared>>
      tpu.wait_dma2 semaphore(%run_scoped3A_105 : memref<!tpu.dma_semaphore, #tpu.memory_space<semaphore_mem>>) src(%dma_wait3A_115 : memref<80x128xf32, #tpu.memory_space<vmem_shared>>) dst(%dma_wait3A_113 : memref<80x128xf32, #tpu.memory_space<hbm>>)
      tpu.yield
    }) : () -> ()
    %mul3A_85 = arith.constant 640 : i32
    %mul3A_86 = arith.muli %arg1, %mul3A_85 : i32
    %add3A_87 = arith.constant 240 : i32
    %add3A_88 = arith.addi %mul3A_86, %add3A_87 : i32
    "tpu.region"() ({
      %run_scoped3A_105 = tpu.sem_alloc : memref<!tpu.dma_semaphore, #tpu.memory_space<semaphore_mem>>
      %dma_start3A_106 = arith.constant 0 : i32
      %dma_start3A_107 = tpu.memref_slice %arg5[%arg0, %add3A_88, %dma_start3A_106] : memref<2x10240x128xf32, #tpu.memory_space<hbm>> -> memref<1x80x128xf32, #tpu.memory_space<hbm>>
      %dma_start3A_108 = tpu.memref_squeeze %dma_start3A_107 : memref<1x80x128xf32, #tpu.memory_space<hbm>> -> memref<80x128xf32, #tpu.memory_space<hbm>>
      %dma_start3A_109 = arith.constant 0 : i32
      %dma_start3A_110 = tpu.memref_slice %arg9[%add3A_88, %dma_start3A_109] : memref<10240x128xf32, #tpu.memory_space<vmem_shared>> -> memref<80x128xf32, #tpu.memory_space<vmem_shared>>
      tpu.enqueue_dma source(%dma_start3A_110 : memref<80x128xf32, #tpu.memory_space<vmem_shared>>) target(%dma_start3A_108 : memref<80x128xf32, #tpu.memory_space<hbm>>) target_semaphore(%run_scoped3A_105 : memref<!tpu.dma_semaphore, #tpu.memory_space<semaphore_mem>>)
      %dma_wait3A_111 = arith.constant 0 : i32
      %dma_wait3A_112 = tpu.memref_slice %arg5[%arg0, %add3A_88, %dma_wait3A_111] : memref<2x10240x128xf32, #tpu.memory_space<hbm>> -> memref<1x80x128xf32, #tpu.memory_space<hbm>>
      %dma_wait3A_113 = tpu.memref_squeeze %dma_wait3A_112 : memref<1x80x128xf32, #tpu.memory_space<hbm>> -> memref<80x128xf32, #tpu.memory_space<hbm>>
      %dma_wait3A_114 = arith.constant 0 : i32
      %dma_wait3A_115 = tpu.memref_slice %arg9[%add3A_88, %dma_wait3A_114] : memref<10240x128xf32, #tpu.memory_space<vmem_shared>> -> memref<80x128xf32, #tpu.memory_space<vmem_shared>>
      tpu.wait_dma2 semaphore(%run_scoped3A_105 : memref<!tpu.dma_semaphore, #tpu.memory_space<semaphore_mem>>) src(%dma_wait3A_115 : memref<80x128xf32, #tpu.memory_space<vmem_shared>>) dst(%dma_wait3A_113 : memref<80x128xf32, #tpu.memory_space<hbm>>)
      tpu.yield
    }) : () -> ()
    %mul3A_89 = arith.constant 640 : i32
    %mul3A_90 = arith.muli %arg1, %mul3A_89 : i32
    %add3A_91 = arith.constant 320 : i32
    %add3A_92 = arith.addi %mul3A_90, %add3A_91 : i32
    "tpu.region"() ({
      %run_scoped3A_105 = tpu.sem_alloc : memref<!tpu.dma_semaphore, #tpu.memory_space<semaphore_mem>>
      %dma_start3A_106 = arith.constant 0 : i32
      %dma_start3A_107 = tpu.memref_slice %arg5[%arg0, %add3A_92, %dma_start3A_106] : memref<2x10240x128xf32, #tpu.memory_space<hbm>> -> memref<1x80x128xf32, #tpu.memory_space<hbm>>
      %dma_start3A_108 = tpu.memref_squeeze %dma_start3A_107 : memref<1x80x128xf32, #tpu.memory_space<hbm>> -> memref<80x128xf32, #tpu.memory_space<hbm>>
      %dma_start3A_109 = arith.constant 0 : i32
      %dma_start3A_110 = tpu.memref_slice %arg9[%add3A_92, %dma_start3A_109] : memref<10240x128xf32, #tpu.memory_space<vmem_shared>> -> memref<80x128xf32, #tpu.memory_space<vmem_shared>>
      tpu.enqueue_dma source(%dma_start3A_110 : memref<80x128xf32, #tpu.memory_space<vmem_shared>>) target(%dma_start3A_108 : memref<80x128xf32, #tpu.memory_space<hbm>>) target_semaphore(%run_scoped3A_105 : memref<!tpu.dma_semaphore, #tpu.memory_space<semaphore_mem>>)
      %dma_wait3A_111 = arith.constant 0 : i32
      %dma_wait3A_112 = tpu.memref_slice %arg5[%arg0, %add3A_92, %dma_wait3A_111] : memref<2x10240x128xf32, #tpu.memory_space<hbm>> -> memref<1x80x128xf32, #tpu.memory_space<hbm>>
      %dma_wait3A_113 = tpu.memref_squeeze %dma_wait3A_112 : memref<1x80x128xf32, #tpu.memory_space<hbm>> -> memref<80x128xf32, #tpu.memory_space<hbm>>
      %dma_wait3A_114 = arith.constant 0 : i32
      %dma_wait3A_115 = tpu.memref_slice %arg9[%add3A_92, %dma_wait3A_114] : memref<10240x128xf32, #tpu.memory_space<vmem_shared>> -> memref<80x128xf32, #tpu.memory_space<vmem_shared>>
      tpu.wait_dma2 semaphore(%run_scoped3A_105 : memref<!tpu.dma_semaphore, #tpu.memory_space<semaphore_mem>>) src(%dma_wait3A_115 : memref<80x128xf32, #tpu.memory_space<vmem_shared>>) dst(%dma_wait3A_113 : memref<80x128xf32, #tpu.memory_space<hbm>>)
      tpu.yield
    }) : () -> ()
    %mul3A_93 = arith.constant 640 : i32
    %mul3A_94 = arith.muli %arg1, %mul3A_93 : i32
    %add3A_95 = arith.constant 400 : i32
    %add3A_96 = arith.addi %mul3A_94, %add3A_95 : i32
    "tpu.region"() ({
      %run_scoped3A_105 = tpu.sem_alloc : memref<!tpu.dma_semaphore, #tpu.memory_space<semaphore_mem>>
      %dma_start3A_106 = arith.constant 0 : i32
      %dma_start3A_107 = tpu.memref_slice %arg5[%arg0, %add3A_96, %dma_start3A_106] : memref<2x10240x128xf32, #tpu.memory_space<hbm>> -> memref<1x80x128xf32, #tpu.memory_space<hbm>>
      %dma_start3A_108 = tpu.memref_squeeze %dma_start3A_107 : memref<1x80x128xf32, #tpu.memory_space<hbm>> -> memref<80x128xf32, #tpu.memory_space<hbm>>
      %dma_start3A_109 = arith.constant 0 : i32
      %dma_start3A_110 = tpu.memref_slice %arg9[%add3A_96, %dma_start3A_109] : memref<10240x128xf32, #tpu.memory_space<vmem_shared>> -> memref<80x128xf32, #tpu.memory_space<vmem_shared>>
      tpu.enqueue_dma source(%dma_start3A_110 : memref<80x128xf32, #tpu.memory_space<vmem_shared>>) target(%dma_start3A_108 : memref<80x128xf32, #tpu.memory_space<hbm>>) target_semaphore(%run_scoped3A_105 : memref<!tpu.dma_semaphore, #tpu.memory_space<semaphore_mem>>)
      %dma_wait3A_111 = arith.constant 0 : i32
      %dma_wait3A_112 = tpu.memref_slice %arg5[%arg0, %add3A_96, %dma_wait3A_111] : memref<2x10240x128xf32, #tpu.memory_space<hbm>> -> memref<1x80x128xf32, #tpu.memory_space<hbm>>
      %dma_wait3A_113 = tpu.memref_squeeze %dma_wait3A_112 : memref<1x80x128xf32, #tpu.memory_space<hbm>> -> memref<80x128xf32, #tpu.memory_space<hbm>>
      %dma_wait3A_114 = arith.constant 0 : i32
      %dma_wait3A_115 = tpu.memref_slice %arg9[%add3A_96, %dma_wait3A_114] : memref<10240x128xf32, #tpu.memory_space<vmem_shared>> -> memref<80x128xf32, #tpu.memory_space<vmem_shared>>
      tpu.wait_dma2 semaphore(%run_scoped3A_105 : memref<!tpu.dma_semaphore, #tpu.memory_space<semaphore_mem>>) src(%dma_wait3A_115 : memref<80x128xf32, #tpu.memory_space<vmem_shared>>) dst(%dma_wait3A_113 : memref<80x128xf32, #tpu.memory_space<hbm>>)
      tpu.yield
    }) : () -> ()
    %mul3A_97 = arith.constant 640 : i32
    %mul3A_98 = arith.muli %arg1, %mul3A_97 : i32
    %add3A_99 = arith.constant 480 : i32
    %add3A_100 = arith.addi %mul3A_98, %add3A_99 : i32
    "tpu.region"() ({
      %run_scoped3A_105 = tpu.sem_alloc : memref<!tpu.dma_semaphore, #tpu.memory_space<semaphore_mem>>
      %dma_start3A_106 = arith.constant 0 : i32
      %dma_start3A_107 = tpu.memref_slice %arg5[%arg0, %add3A_100, %dma_start3A_106] : memref<2x10240x128xf32, #tpu.memory_space<hbm>> -> memref<1x80x128xf32, #tpu.memory_space<hbm>>
      %dma_start3A_108 = tpu.memref_squeeze %dma_start3A_107 : memref<1x80x128xf32, #tpu.memory_space<hbm>> -> memref<80x128xf32, #tpu.memory_space<hbm>>
      %dma_start3A_109 = arith.constant 0 : i32
      %dma_start3A_110 = tpu.memref_slice %arg9[%add3A_100, %dma_start3A_109] : memref<10240x128xf32, #tpu.memory_space<vmem_shared>> -> memref<80x128xf32, #tpu.memory_space<vmem_shared>>
      tpu.enqueue_dma source(%dma_start3A_110 : memref<80x128xf32, #tpu.memory_space<vmem_shared>>) target(%dma_start3A_108 : memref<80x128xf32, #tpu.memory_space<hbm>>) target_semaphore(%run_scoped3A_105 : memref<!tpu.dma_semaphore, #tpu.memory_space<semaphore_mem>>)
      %dma_wait3A_111 = arith.constant 0 : i32
      %dma_wait3A_112 = tpu.memref_slice %arg5[%arg0, %add3A_100, %dma_wait3A_111] : memref<2x10240x128xf32, #tpu.memory_space<hbm>> -> memref<1x80x128xf32, #tpu.memory_space<hbm>>
      %dma_wait3A_113 = tpu.memref_squeeze %dma_wait3A_112 : memref<1x80x128xf32, #tpu.memory_space<hbm>> -> memref<80x128xf32, #tpu.memory_space<hbm>>
      %dma_wait3A_114 = arith.constant 0 : i32
      %dma_wait3A_115 = tpu.memref_slice %arg9[%add3A_100, %dma_wait3A_114] : memref<10240x128xf32, #tpu.memory_space<vmem_shared>> -> memref<80x128xf32, #tpu.memory_space<vmem_shared>>
      tpu.wait_dma2 semaphore(%run_scoped3A_105 : memref<!tpu.dma_semaphore, #tpu.memory_space<semaphore_mem>>) src(%dma_wait3A_115 : memref<80x128xf32, #tpu.memory_space<vmem_shared>>) dst(%dma_wait3A_113 : memref<80x128xf32, #tpu.memory_space<hbm>>)
      tpu.yield
    }) : () -> ()
    %mul3A_101 = arith.constant 640 : i32
    %mul3A_102 = arith.muli %arg1, %mul3A_101 : i32
    %add3A_103 = arith.constant 560 : i32
    %add3A_104 = arith.addi %mul3A_102, %add3A_103 : i32
    "tpu.region"() ({
      %run_scoped3A_105 = tpu.sem_alloc : memref<!tpu.dma_semaphore, #tpu.memory_space<semaphore_mem>>
      %dma_start3A_106 = arith.constant 0 : i32
      %dma_start3A_107 = tpu.memref_slice %arg5[%arg0, %add3A_104, %dma_start3A_106] : memref<2x10240x128xf32, #tpu.memory_space<hbm>> -> memref<1x80x128xf32, #tpu.memory_space<hbm>>
      %dma_start3A_108 = tpu.memref_squeeze %dma_start3A_107 : memref<1x80x128xf32, #tpu.memory_space<hbm>> -> memref<80x128xf32, #tpu.memory_space<hbm>>
      %dma_start3A_109 = arith.constant 0 : i32
      %dma_start3A_110 = tpu.memref_slice %arg9[%add3A_104, %dma_start3A_109] : memref<10240x128xf32, #tpu.memory_space<vmem_shared>> -> memref<80x128xf32, #tpu.memory_space<vmem_shared>>
      tpu.enqueue_dma source(%dma_start3A_110 : memref<80x128xf32, #tpu.memory_space<vmem_shared>>) target(%dma_start3A_108 : memref<80x128xf32, #tpu.memory_space<hbm>>) target_semaphore(%run_scoped3A_105 : memref<!tpu.dma_semaphore, #tpu.memory_space<semaphore_mem>>)
      %dma_wait3A_111 = arith.constant 0 : i32
      %dma_wait3A_112 = tpu.memref_slice %arg5[%arg0, %add3A_104, %dma_wait3A_111] : memref<2x10240x128xf32, #tpu.memory_space<hbm>> -> memref<1x80x128xf32, #tpu.memory_space<hbm>>
      %dma_wait3A_113 = tpu.memref_squeeze %dma_wait3A_112 : memref<1x80x128xf32, #tpu.memory_space<hbm>> -> memref<80x128xf32, #tpu.memory_space<hbm>>
      %dma_wait3A_114 = arith.constant 0 : i32
      %dma_wait3A_115 = tpu.memref_slice %arg9[%add3A_104, %dma_wait3A_114] : memref<10240x128xf32, #tpu.memory_space<vmem_shared>> -> memref<80x128xf32, #tpu.memory_space<vmem_shared>>
      tpu.wait_dma2 semaphore(%run_scoped3A_105 : memref<!tpu.dma_semaphore, #tpu.memory_space<semaphore_mem>>) src(%dma_wait3A_115 : memref<80x128xf32, #tpu.memory_space<vmem_shared>>) dst(%dma_wait3A_113 : memref<80x128xf32, #tpu.memory_space<hbm>>)
      tpu.yield
    }) : () -> ()
    return
  }
}

#map = affine_map<(d0, d1) -> (0, 0)>
#map1 = affine_map<(d0, d1) -> (0, 0, 0)>
module attributes {stable_mosaic.version = 14 : i64} {
  func.func @_sc_aggregate_body(%arg0: i32, %arg1: i32, %arg2: memref<10240x128xf32, #tpu.memory_space<hbm>>, %arg3: memref<32x10000xi32, #tpu.memory_space<hbm>>, %arg4: memref<32x125x80xi32, #tpu.memory_space<hbm>>, %arg5: memref<2x10240x128xf32, #tpu.memory_space<hbm>>, %arg6: memref<10000xi32, #tpu.memory_space<vmem>>, %arg7: memref<125x80xi32, #tpu.memory_space<vmem>>, %arg8: memref<2x80x128xf32, #tpu.memory_space<vmem>>, %arg9: memref<10240x128xf32, #tpu.memory_space<vmem_shared>>, %arg10: memref<!tpu.dma_semaphore, #tpu.memory_space<semaphore_mem>>) attributes {dimension_semantics = [#tpu.dimension_semantics<core_parallel>, #tpu.dimension_semantics<subcore_parallel>], iteration_bounds = array<i64: 2, 16>, scalar_prefetch = 0 : i64, scratch_operands = 5 : i64, tpu.core_type = #tpu.core_type<sc_vector_subcore>, window_params = [{transform_indices = #map}, {transform_indices = #map}, {transform_indices = #map1}, {transform_indices = #map1}]} {
    %mul3A = arith.constant 16 : i32
    %mul3A_0 = arith.muli %arg0, %mul3A : i32
    %add3A = arith.addi %mul3A_0, %arg1 : i32
    "tpu.region"() ({
      %run_scoped3A_105 = tpu.sem_alloc : memref<!tpu.dma_semaphore, #tpu.memory_space<semaphore_mem>>
      %dma_start3A_106 = arith.constant 0 : i32
      %dma_start3A_107 = tpu.memref_slice %arg3[%add3A, %dma_start3A_106] : memref<32x10000xi32, #tpu.memory_space<hbm>> -> memref<1x10000xi32, #tpu.memory_space<hbm>>
      %dma_start3A_108 = tpu.memref_squeeze %dma_start3A_107 : memref<1x10000xi32, #tpu.memory_space<hbm>> -> memref<10000xi32, #tpu.memory_space<hbm>>
      %dma_start3A_109 = arith.constant 0 : i32
      %dma_start3A_110 = tpu.memref_slice %arg3[%add3A, %dma_start3A_109] : memref<32x10000xi32, #tpu.memory_space<hbm>> -> memref<1x10000xi32, #tpu.memory_space<hbm>>
      %dma_start3A_111 = tpu.memref_squeeze %dma_start3A_110 : memref<1x10000xi32, #tpu.memory_space<hbm>> -> memref<10000xi32, #tpu.memory_space<hbm>>
      tpu.enqueue_dma source(%dma_start3A_111 : memref<10000xi32, #tpu.memory_space<hbm>>) target(%arg6 : memref<10000xi32, #tpu.memory_space<vmem>>) target_semaphore(%run_scoped3A_105 : memref<!tpu.dma_semaphore, #tpu.memory_space<semaphore_mem>>)
      %dma_wait3A_112 = arith.constant 0 : i32
      %dma_wait3A_113 = tpu.memref_slice %arg3[%add3A, %dma_wait3A_112] : memref<32x10000xi32, #tpu.memory_space<hbm>> -> memref<1x10000xi32, #tpu.memory_space<hbm>>
      %dma_wait3A_114 = tpu.memref_squeeze %dma_wait3A_113 : memref<1x10000xi32, #tpu.memory_space<hbm>> -> memref<10000xi32, #tpu.memory_space<hbm>>
      %dma_wait3A_115 = arith.constant 0 : i32
      %dma_wait3A_116 = tpu.memref_slice %arg3[%add3A, %dma_wait3A_115] : memref<32x10000xi32, #tpu.memory_space<hbm>> -> memref<1x10000xi32, #tpu.memory_space<hbm>>
      %dma_wait3A_117 = tpu.memref_squeeze %dma_wait3A_116 : memref<1x10000xi32, #tpu.memory_space<hbm>> -> memref<10000xi32, #tpu.memory_space<hbm>>
      tpu.wait_dma2 semaphore(%run_scoped3A_105 : memref<!tpu.dma_semaphore, #tpu.memory_space<semaphore_mem>>) src(%dma_wait3A_117 : memref<10000xi32, #tpu.memory_space<hbm>>) dst(%arg6 : memref<10000xi32, #tpu.memory_space<vmem>>)
      tpu.yield
    }) : () -> ()
    "tpu.region"() ({
      %run_scoped3A_105 = tpu.sem_alloc : memref<!tpu.dma_semaphore, #tpu.memory_space<semaphore_mem>>
      %dma_start3A_106 = arith.constant 0 : i32
      %dma_start3A_107 = arith.constant 0 : i32
      %dma_start3A_108 = tpu.memref_slice %arg4[%add3A, %dma_start3A_106, %dma_start3A_107] : memref<32x125x80xi32, #tpu.memory_space<hbm>> -> memref<1x125x80xi32, #tpu.memory_space<hbm>>
      %dma_start3A_109 = tpu.memref_squeeze %dma_start3A_108 : memref<1x125x80xi32, #tpu.memory_space<hbm>> -> memref<125x80xi32, #tpu.memory_space<hbm>>
      %dma_start3A_110 = arith.constant 0 : i32
      %dma_start3A_111 = arith.constant 0 : i32
      %dma_start3A_112 = tpu.memref_slice %arg4[%add3A, %dma_start3A_110, %dma_start3A_111] : memref<32x125x80xi32, #tpu.memory_space<hbm>> -> memref<1x125x80xi32, #tpu.memory_space<hbm>>
      %dma_start3A_113 = tpu.memref_squeeze %dma_start3A_112 : memref<1x125x80xi32, #tpu.memory_space<hbm>> -> memref<125x80xi32, #tpu.memory_space<hbm>>
      tpu.enqueue_dma source(%dma_start3A_113 : memref<125x80xi32, #tpu.memory_space<hbm>>) target(%arg7 : memref<125x80xi32, #tpu.memory_space<vmem>>) target_semaphore(%run_scoped3A_105 : memref<!tpu.dma_semaphore, #tpu.memory_space<semaphore_mem>>)
      %dma_wait3A_114 = arith.constant 0 : i32
      %dma_wait3A_115 = arith.constant 0 : i32
      %dma_wait3A_116 = tpu.memref_slice %arg4[%add3A, %dma_wait3A_114, %dma_wait3A_115] : memref<32x125x80xi32, #tpu.memory_space<hbm>> -> memref<1x125x80xi32, #tpu.memory_space<hbm>>
      %dma_wait3A_117 = tpu.memref_squeeze %dma_wait3A_116 : memref<1x125x80xi32, #tpu.memory_space<hbm>> -> memref<125x80xi32, #tpu.memory_space<hbm>>
      %dma_wait3A_118 = arith.constant 0 : i32
      %dma_wait3A_119 = arith.constant 0 : i32
      %dma_wait3A_120 = tpu.memref_slice %arg4[%add3A, %dma_wait3A_118, %dma_wait3A_119] : memref<32x125x80xi32, #tpu.memory_space<hbm>> -> memref<1x125x80xi32, #tpu.memory_space<hbm>>
      %dma_wait3A_121 = tpu.memref_squeeze %dma_wait3A_120 : memref<1x125x80xi32, #tpu.memory_space<hbm>> -> memref<125x80xi32, #tpu.memory_space<hbm>>
      tpu.wait_dma2 semaphore(%run_scoped3A_105 : memref<!tpu.dma_semaphore, #tpu.memory_space<semaphore_mem>>) src(%dma_wait3A_121 : memref<125x80xi32, #tpu.memory_space<hbm>>) dst(%arg7 : memref<125x80xi32, #tpu.memory_space<vmem>>)
      tpu.yield
    }) : () -> ()
    %broadcast_in_dim3A = arith.constant 0.000000e+00 : f32
    %broadcast_in_dim3A_1 = vector.broadcast %broadcast_in_dim3A : f32 to vector<16xf32>
    %scan3A = arith.constant 0 : i32
    %scan3A_2 = arith.constant 0 : i32
    %scan3A_3 = arith.constant 80 : i32
    %scan3A_4 = arith.addi %scan3A_2, %scan3A_3 : i32
    %scan3A_5 = arith.constant 1 : i32
    scf.for %scan3A_105 = %scan3A_2 to %scan3A_4 step %scan3A_5  : i32 {
      %swap3A = arith.constant 0 : i32
      %swap3A_106 = arith.index_cast %swap3A : i32 to index
      %swap3A_107 = arith.index_cast %scan3A_105 : i32 to index
      %swap3A_108 = arith.constant 0 : index
      %swap3A_109 = tpu.vector_load %arg8[%swap3A_106, %swap3A_107, %swap3A_108] {strides = array<i32>} : memref<2x80x128xf32, #tpu.memory_space<vmem>>, vector<1x1x16xf32>,
      %swap3A_110 = vector.shape_cast %swap3A_109 : vector<1x1x16xf32> to vector<16xf32>
      %swap3A_111 = vector.shape_cast %broadcast_in_dim3A_1 : vector<16xf32> to vector<1x1x16xf32>
      tpu.vector_store %arg8[%swap3A_106, %swap3A_107, %swap3A_108], %swap3A_111 {strides = array<i32>} : memref<2x80x128xf32, #tpu.memory_space<vmem>>, vector<1x1x16xf32>,
      %swap3A_112 = arith.constant 0 : i32
      %swap3A_113 = arith.index_cast %swap3A_112 : i32 to index
      %swap3A_114 = arith.index_cast %scan3A_105 : i32 to index
      %swap3A_115 = arith.constant 16 : index
      %swap3A_116 = tpu.vector_load %arg8[%swap3A_113, %swap3A_114, %swap3A_115] {strides = array<i32>} : memref<2x80x128xf32, #tpu.memory_space<vmem>>, vector<1x1x16xf32>,
      %swap3A_117 = vector.shape_cast %swap3A_116 : vector<1x1x16xf32> to vector<16xf32>
      %swap3A_118 = vector.shape_cast %broadcast_in_dim3A_1 : vector<16xf32> to vector<1x1x16xf32>
      tpu.vector_store %arg8[%swap3A_113, %swap3A_114, %swap3A_115], %swap3A_118 {strides = array<i32>} : memref<2x80x128xf32, #tpu.memory_space<vmem>>, vector<1x1x16xf32>,
      %swap3A_119 = arith.constant 0 : i32
      %swap3A_120 = arith.index_cast %swap3A_119 : i32 to index
      %swap3A_121 = arith.index_cast %scan3A_105 : i32 to index
      %swap3A_122 = arith.constant 32 : index
      %swap3A_123 = tpu.vector_load %arg8[%swap3A_120, %swap3A_121, %swap3A_122] {strides = array<i32>} : memref<2x80x128xf32, #tpu.memory_space<vmem>>, vector<1x1x16xf32>,
      %swap3A_124 = vector.shape_cast %swap3A_123 : vector<1x1x16xf32> to vector<16xf32>
      %swap3A_125 = vector.shape_cast %broadcast_in_dim3A_1 : vector<16xf32> to vector<1x1x16xf32>
      tpu.vector_store %arg8[%swap3A_120, %swap3A_121, %swap3A_122], %swap3A_125 {strides = array<i32>} : memref<2x80x128xf32, #tpu.memory_space<vmem>>, vector<1x1x16xf32>,
      %swap3A_126 = arith.constant 0 : i32
      %swap3A_127 = arith.index_cast %swap3A_126 : i32 to index
      %swap3A_128 = arith.index_cast %scan3A_105 : i32 to index
      %swap3A_129 = arith.constant 48 : index
      %swap3A_130 = tpu.vector_load %arg8[%swap3A_127, %swap3A_128, %swap3A_129] {strides = array<i32>} : memref<2x80x128xf32, #tpu.memory_space<vmem>>, vector<1x1x16xf32>,
      %swap3A_131 = vector.shape_cast %swap3A_130 : vector<1x1x16xf32> to vector<16xf32>
      %swap3A_132 = vector.shape_cast %broadcast_in_dim3A_1 : vector<16xf32> to vector<1x1x16xf32>
      tpu.vector_store %arg8[%swap3A_127, %swap3A_128, %swap3A_129], %swap3A_132 {strides = array<i32>} : memref<2x80x128xf32, #tpu.memory_space<vmem>>, vector<1x1x16xf32>,
      %swap3A_133 = arith.constant 0 : i32
      %swap3A_134 = arith.index_cast %swap3A_133 : i32 to index
      %swap3A_135 = arith.index_cast %scan3A_105 : i32 to index
      %swap3A_136 = arith.constant 64 : index
      %swap3A_137 = tpu.vector_load %arg8[%swap3A_134, %swap3A_135, %swap3A_136] {strides = array<i32>} : memref<2x80x128xf32, #tpu.memory_space<vmem>>, vector<1x1x16xf32>,
      %swap3A_138 = vector.shape_cast %swap3A_137 : vector<1x1x16xf32> to vector<16xf32>
      %swap3A_139 = vector.shape_cast %broadcast_in_dim3A_1 : vector<16xf32> to vector<1x1x16xf32>
      tpu.vector_store %arg8[%swap3A_134, %swap3A_135, %swap3A_136], %swap3A_139 {strides = array<i32>} : memref<2x80x128xf32, #tpu.memory_space<vmem>>, vector<1x1x16xf32>,
      %swap3A_140 = arith.constant 0 : i32
      %swap3A_141 = arith.index_cast %swap3A_140 : i32 to index
      %swap3A_142 = arith.index_cast %scan3A_105 : i32 to index
      %swap3A_143 = arith.constant 80 : index
      %swap3A_144 = tpu.vector_load %arg8[%swap3A_141, %swap3A_142, %swap3A_143] {strides = array<i32>} : memref<2x80x128xf32, #tpu.memory_space<vmem>>, vector<1x1x16xf32>,
      %swap3A_145 = vector.shape_cast %swap3A_144 : vector<1x1x16xf32> to vector<16xf32>
      %swap3A_146 = vector.shape_cast %broadcast_in_dim3A_1 : vector<16xf32> to vector<1x1x16xf32>
      tpu.vector_store %arg8[%swap3A_141, %swap3A_142, %swap3A_143], %swap3A_146 {strides = array<i32>} : memref<2x80x128xf32, #tpu.memory_space<vmem>>, vector<1x1x16xf32>,
      %swap3A_147 = arith.constant 0 : i32
      %swap3A_148 = arith.index_cast %swap3A_147 : i32 to index
      %swap3A_149 = arith.index_cast %scan3A_105 : i32 to index
      %swap3A_150 = arith.constant 96 : index
      %swap3A_151 = tpu.vector_load %arg8[%swap3A_148, %swap3A_149, %swap3A_150] {strides = array<i32>} : memref<2x80x128xf32, #tpu.memory_space<vmem>>, vector<1x1x16xf32>,
      %swap3A_152 = vector.shape_cast %swap3A_151 : vector<1x1x16xf32> to vector<16xf32>
      %swap3A_153 = vector.shape_cast %broadcast_in_dim3A_1 : vector<16xf32> to vector<1x1x16xf32>
      tpu.vector_store %arg8[%swap3A_148, %swap3A_149, %swap3A_150], %swap3A_153 {strides = array<i32>} : memref<2x80x128xf32, #tpu.memory_space<vmem>>, vector<1x1x16xf32>,
      %swap3A_154 = arith.constant 0 : i32
      %swap3A_155 = arith.index_cast %swap3A_154 : i32 to index
      %swap3A_156 = arith.index_cast %scan3A_105 : i32 to index
      %swap3A_157 = arith.constant 112 : index
      %swap3A_158 = tpu.vector_load %arg8[%swap3A_155, %swap3A_156, %swap3A_157] {strides = array<i32>} : memref<2x80x128xf32, #tpu.memory_space<vmem>>, vector<1x1x16xf32>,
      %swap3A_159 = vector.shape_cast %swap3A_158 : vector<1x1x16xf32> to vector<16xf32>
      %swap3A_160 = vector.shape_cast %broadcast_in_dim3A_1 : vector<16xf32> to vector<1x1x16xf32>
      tpu.vector_store %arg8[%swap3A_155, %swap3A_156, %swap3A_157], %swap3A_160 {strides = array<i32>} : memref<2x80x128xf32, #tpu.memory_space<vmem>>, vector<1x1x16xf32>,
    }
    %scan3A_6 = arith.constant 80 : i32
    %mul3A_7 = arith.constant 640 : i32
    %mul3A_8 = arith.muli %arg1, %mul3A_7 : i32
    %add3A_9 = arith.constant 0 : i32
    %add3A_10 = arith.addi %mul3A_8, %add3A_9 : i32
    %run_scoped3A = arith.constant 0 : i32
    "tpu.region"() ({
      %run_scoped3A_105 = tpu.sem_alloc : memref<!tpu.dma_semaphore, #tpu.memory_space<semaphore_mem>>
      %dma_start3A_106 = arith.constant 0 : i32
      %dma_start3A_107 = arith.constant 0 : i32
      %dma_start3A_108 = tpu.memref_slice %arg8[%run_scoped3A, %dma_start3A_106, %dma_start3A_107] : memref<2x80x128xf32, #tpu.memory_space<vmem>> -> memref<1x80x128xf32, #tpu.memory_space<vmem>>
      %dma_start3A_109 = tpu.memref_squeeze %dma_start3A_108 : memref<1x80x128xf32, #tpu.memory_space<vmem>> -> memref<80x128xf32, #tpu.memory_space<vmem>>
      %dma_start3A_110 = arith.constant 0 : i32
      %dma_start3A_111 = tpu.memref_slice %arg9[%add3A_10, %dma_start3A_110] : memref<10240x128xf32, #tpu.memory_space<vmem_shared>> -> memref<80x128xf32, #tpu.memory_space<vmem_shared>>
      %dma_start3A_112 = arith.constant 0 : i32
      %dma_start3A_113 = tpu.memref_slice %arg9[%add3A_10, %dma_start3A_112] : memref<10240x128xf32, #tpu.memory_space<vmem_shared>> -> memref<80x128xf32, #tpu.memory_space<vmem_shared>>
      %dma_start3A_114 = arith.constant 0 : i32
      %dma_start3A_115 = arith.constant 0 : i32
      %dma_start3A_116 = tpu.memref_slice %arg8[%run_scoped3A, %dma_start3A_114, %dma_start3A_115] : memref<2x80x128xf32, #tpu.memory_space<vmem>> -> memref<1x80x128xf32, #tpu.memory_space<vmem>>
      %dma_start3A_117 = tpu.memref_squeeze %dma_start3A_116 : memref<1x80x128xf32, #tpu.memory_space<vmem>> -> memref<80x128xf32, #tpu.memory_space<vmem>>
      tpu.enqueue_dma source(%dma_start3A_117 : memref<80x128xf32, #tpu.memory_space<vmem>>) target(%dma_start3A_113 : memref<80x128xf32, #tpu.memory_space<vmem_shared>>) target_semaphore(%run_scoped3A_105 : memref<!tpu.dma_semaphore, #tpu.memory_space<semaphore_mem>>)
      %dma_wait3A_118 = arith.constant 0 : i32
      %dma_wait3A_119 = arith.constant 0 : i32
      %dma_wait3A_120 = tpu.memref_slice %arg8[%run_scoped3A, %dma_wait3A_118, %dma_wait3A_119] : memref<2x80x128xf32, #tpu.memory_space<vmem>> -> memref<1x80x128xf32, #tpu.memory_space<vmem>>
      %dma_wait3A_121 = tpu.memref_squeeze %dma_wait3A_120 : memref<1x80x128xf32, #tpu.memory_space<vmem>> -> memref<80x128xf32, #tpu.memory_space<vmem>>
      %dma_wait3A_122 = arith.constant 0 : i32
      %dma_wait3A_123 = tpu.memref_slice %arg9[%add3A_10, %dma_wait3A_122] : memref<10240x128xf32, #tpu.memory_space<vmem_shared>> -> memref<80x128xf32, #tpu.memory_space<vmem_shared>>
      %dma_wait3A_124 = arith.constant 0 : i32
      %dma_wait3A_125 = tpu.memref_slice %arg9[%add3A_10, %dma_wait3A_124] : memref<10240x128xf32, #tpu.memory_space<vmem_shared>> -> memref<80x128xf32, #tpu.memory_space<vmem_shared>>
      %dma_wait3A_126 = arith.constant 0 : i32
      %dma_wait3A_127 = arith.constant 0 : i32
      %dma_wait3A_128 = tpu.memref_slice %arg8[%run_scoped3A, %dma_wait3A_126, %dma_wait3A_127] : memref<2x80x128xf32, #tpu.memory_space<vmem>> -> memref<1x80x128xf32, #tpu.memory_space<vmem>>
      %dma_wait3A_129 = tpu.memref_squeeze %dma_wait3A_128 : memref<1x80x128xf32, #tpu.memory_space<vmem>> -> memref<80x128xf32, #tpu.memory_space<vmem>>
      tpu.wait_dma2 semaphore(%run_scoped3A_105 : memref<!tpu.dma_semaphore, #tpu.memory_space<semaphore_mem>>) src(%dma_wait3A_129 : memref<80x128xf32, #tpu.memory_space<vmem>>) dst(%dma_wait3A_125 : memref<80x128xf32, #tpu.memory_space<vmem_shared>>)
      tpu.yield
    }) : () -> ()
    %mul3A_11 = arith.constant 640 : i32
    %mul3A_12 = arith.muli %arg1, %mul3A_11 : i32
    %add3A_13 = arith.constant 80 : i32
    %add3A_14 = arith.addi %mul3A_12, %add3A_13 : i32
    %run_scoped3A_15 = arith.constant 0 : i32
    "tpu.region"() ({
      %run_scoped3A_105 = tpu.sem_alloc : memref<!tpu.dma_semaphore, #tpu.memory_space<semaphore_mem>>
      %dma_start3A_106 = arith.constant 0 : i32
      %dma_start3A_107 = arith.constant 0 : i32
      %dma_start3A_108 = tpu.memref_slice %arg8[%run_scoped3A_15, %dma_start3A_106, %dma_start3A_107] : memref<2x80x128xf32, #tpu.memory_space<vmem>> -> memref<1x80x128xf32, #tpu.memory_space<vmem>>
      %dma_start3A_109 = tpu.memref_squeeze %dma_start3A_108 : memref<1x80x128xf32, #tpu.memory_space<vmem>> -> memref<80x128xf32, #tpu.memory_space<vmem>>
      %dma_start3A_110 = arith.constant 0 : i32
      %dma_start3A_111 = tpu.memref_slice %arg9[%add3A_14, %dma_start3A_110] : memref<10240x128xf32, #tpu.memory_space<vmem_shared>> -> memref<80x128xf32, #tpu.memory_space<vmem_shared>>
      %dma_start3A_112 = arith.constant 0 : i32
      %dma_start3A_113 = tpu.memref_slice %arg9[%add3A_14, %dma_start3A_112] : memref<10240x128xf32, #tpu.memory_space<vmem_shared>> -> memref<80x128xf32, #tpu.memory_space<vmem_shared>>
      %dma_start3A_114 = arith.constant 0 : i32
      %dma_start3A_115 = arith.constant 0 : i32
      %dma_start3A_116 = tpu.memref_slice %arg8[%run_scoped3A_15, %dma_start3A_114, %dma_start3A_115] : memref<2x80x128xf32, #tpu.memory_space<vmem>> -> memref<1x80x128xf32, #tpu.memory_space<vmem>>
      %dma_start3A_117 = tpu.memref_squeeze %dma_start3A_116 : memref<1x80x128xf32, #tpu.memory_space<vmem>> -> memref<80x128xf32, #tpu.memory_space<vmem>>
      tpu.enqueue_dma source(%dma_start3A_117 : memref<80x128xf32, #tpu.memory_space<vmem>>) target(%dma_start3A_113 : memref<80x128xf32, #tpu.memory_space<vmem_shared>>) target_semaphore(%run_scoped3A_105 : memref<!tpu.dma_semaphore, #tpu.memory_space<semaphore_mem>>)
      %dma_wait3A_118 = arith.constant 0 : i32
      %dma_wait3A_119 = arith.constant 0 : i32
      %dma_wait3A_120 = tpu.memref_slice %arg8[%run_scoped3A_15, %dma_wait3A_118, %dma_wait3A_119] : memref<2x80x128xf32, #tpu.memory_space<vmem>> -> memref<1x80x128xf32, #tpu.memory_space<vmem>>
      %dma_wait3A_121 = tpu.memref_squeeze %dma_wait3A_120 : memref<1x80x128xf32, #tpu.memory_space<vmem>> -> memref<80x128xf32, #tpu.memory_space<vmem>>
      %dma_wait3A_122 = arith.constant 0 : i32
      %dma_wait3A_123 = tpu.memref_slice %arg9[%add3A_14, %dma_wait3A_122] : memref<10240x128xf32, #tpu.memory_space<vmem_shared>> -> memref<80x128xf32, #tpu.memory_space<vmem_shared>>
      %dma_wait3A_124 = arith.constant 0 : i32
      %dma_wait3A_125 = tpu.memref_slice %arg9[%add3A_14, %dma_wait3A_124] : memref<10240x128xf32, #tpu.memory_space<vmem_shared>> -> memref<80x128xf32, #tpu.memory_space<vmem_shared>>
      %dma_wait3A_126 = arith.constant 0 : i32
      %dma_wait3A_127 = arith.constant 0 : i32
      %dma_wait3A_128 = tpu.memref_slice %arg8[%run_scoped3A_15, %dma_wait3A_126, %dma_wait3A_127] : memref<2x80x128xf32, #tpu.memory_space<vmem>> -> memref<1x80x128xf32, #tpu.memory_space<vmem>>
      %dma_wait3A_129 = tpu.memref_squeeze %dma_wait3A_128 : memref<1x80x128xf32, #tpu.memory_space<vmem>> -> memref<80x128xf32, #tpu.memory_space<vmem>>
      tpu.wait_dma2 semaphore(%run_scoped3A_105 : memref<!tpu.dma_semaphore, #tpu.memory_space<semaphore_mem>>) src(%dma_wait3A_129 : memref<80x128xf32, #tpu.memory_space<vmem>>) dst(%dma_wait3A_125 : memref<80x128xf32, #tpu.memory_space<vmem_shared>>)
      tpu.yield
    }) : () -> ()
    %mul3A_16 = arith.constant 640 : i32
    %mul3A_17 = arith.muli %arg1, %mul3A_16 : i32
    %add3A_18 = arith.constant 160 : i32
    %add3A_19 = arith.addi %mul3A_17, %add3A_18 : i32
    %run_scoped3A_20 = arith.constant 0 : i32
    "tpu.region"() ({
      %run_scoped3A_105 = tpu.sem_alloc : memref<!tpu.dma_semaphore, #tpu.memory_space<semaphore_mem>>
      %dma_start3A_106 = arith.constant 0 : i32
      %dma_start3A_107 = arith.constant 0 : i32
      %dma_start3A_108 = tpu.memref_slice %arg8[%run_scoped3A_20, %dma_start3A_106, %dma_start3A_107] : memref<2x80x128xf32, #tpu.memory_space<vmem>> -> memref<1x80x128xf32, #tpu.memory_space<vmem>>
      %dma_start3A_109 = tpu.memref_squeeze %dma_start3A_108 : memref<1x80x128xf32, #tpu.memory_space<vmem>> -> memref<80x128xf32, #tpu.memory_space<vmem>>
      %dma_start3A_110 = arith.constant 0 : i32
      %dma_start3A_111 = tpu.memref_slice %arg9[%add3A_19, %dma_start3A_110] : memref<10240x128xf32, #tpu.memory_space<vmem_shared>> -> memref<80x128xf32, #tpu.memory_space<vmem_shared>>
      %dma_start3A_112 = arith.constant 0 : i32
      %dma_start3A_113 = tpu.memref_slice %arg9[%add3A_19, %dma_start3A_112] : memref<10240x128xf32, #tpu.memory_space<vmem_shared>> -> memref<80x128xf32, #tpu.memory_space<vmem_shared>>
      %dma_start3A_114 = arith.constant 0 : i32
      %dma_start3A_115 = arith.constant 0 : i32
      %dma_start3A_116 = tpu.memref_slice %arg8[%run_scoped3A_20, %dma_start3A_114, %dma_start3A_115] : memref<2x80x128xf32, #tpu.memory_space<vmem>> -> memref<1x80x128xf32, #tpu.memory_space<vmem>>
      %dma_start3A_117 = tpu.memref_squeeze %dma_start3A_116 : memref<1x80x128xf32, #tpu.memory_space<vmem>> -> memref<80x128xf32, #tpu.memory_space<vmem>>
      tpu.enqueue_dma source(%dma_start3A_117 : memref<80x128xf32, #tpu.memory_space<vmem>>) target(%dma_start3A_113 : memref<80x128xf32, #tpu.memory_space<vmem_shared>>) target_semaphore(%run_scoped3A_105 : memref<!tpu.dma_semaphore, #tpu.memory_space<semaphore_mem>>)
      %dma_wait3A_118 = arith.constant 0 : i32
      %dma_wait3A_119 = arith.constant 0 : i32
      %dma_wait3A_120 = tpu.memref_slice %arg8[%run_scoped3A_20, %dma_wait3A_118, %dma_wait3A_119] : memref<2x80x128xf32, #tpu.memory_space<vmem>> -> memref<1x80x128xf32, #tpu.memory_space<vmem>>
      %dma_wait3A_121 = tpu.memref_squeeze %dma_wait3A_120 : memref<1x80x128xf32, #tpu.memory_space<vmem>> -> memref<80x128xf32, #tpu.memory_space<vmem>>
      %dma_wait3A_122 = arith.constant 0 : i32
      %dma_wait3A_123 = tpu.memref_slice %arg9[%add3A_19, %dma_wait3A_122] : memref<10240x128xf32, #tpu.memory_space<vmem_shared>> -> memref<80x128xf32, #tpu.memory_space<vmem_shared>>
      %dma_wait3A_124 = arith.constant 0 : i32
      %dma_wait3A_125 = tpu.memref_slice %arg9[%add3A_19, %dma_wait3A_124] : memref<10240x128xf32, #tpu.memory_space<vmem_shared>> -> memref<80x128xf32, #tpu.memory_space<vmem_shared>>
      %dma_wait3A_126 = arith.constant 0 : i32
      %dma_wait3A_127 = arith.constant 0 : i32
      %dma_wait3A_128 = tpu.memref_slice %arg8[%run_scoped3A_20, %dma_wait3A_126, %dma_wait3A_127] : memref<2x80x128xf32, #tpu.memory_space<vmem>> -> memref<1x80x128xf32, #tpu.memory_space<vmem>>
      %dma_wait3A_129 = tpu.memref_squeeze %dma_wait3A_128 : memref<1x80x128xf32, #tpu.memory_space<vmem>> -> memref<80x128xf32, #tpu.memory_space<vmem>>
      tpu.wait_dma2 semaphore(%run_scoped3A_105 : memref<!tpu.dma_semaphore, #tpu.memory_space<semaphore_mem>>) src(%dma_wait3A_129 : memref<80x128xf32, #tpu.memory_space<vmem>>) dst(%dma_wait3A_125 : memref<80x128xf32, #tpu.memory_space<vmem_shared>>)
      tpu.yield
    }) : () -> ()
    %mul3A_21 = arith.constant 640 : i32
    %mul3A_22 = arith.muli %arg1, %mul3A_21 : i32
    %add3A_23 = arith.constant 240 : i32
    %add3A_24 = arith.addi %mul3A_22, %add3A_23 : i32
    %run_scoped3A_25 = arith.constant 0 : i32
    "tpu.region"() ({
      %run_scoped3A_105 = tpu.sem_alloc : memref<!tpu.dma_semaphore, #tpu.memory_space<semaphore_mem>>
      %dma_start3A_106 = arith.constant 0 : i32
      %dma_start3A_107 = arith.constant 0 : i32
      %dma_start3A_108 = tpu.memref_slice %arg8[%run_scoped3A_25, %dma_start3A_106, %dma_start3A_107] : memref<2x80x128xf32, #tpu.memory_space<vmem>> -> memref<1x80x128xf32, #tpu.memory_space<vmem>>
      %dma_start3A_109 = tpu.memref_squeeze %dma_start3A_108 : memref<1x80x128xf32, #tpu.memory_space<vmem>> -> memref<80x128xf32, #tpu.memory_space<vmem>>
      %dma_start3A_110 = arith.constant 0 : i32
      %dma_start3A_111 = tpu.memref_slice %arg9[%add3A_24, %dma_start3A_110] : memref<10240x128xf32, #tpu.memory_space<vmem_shared>> -> memref<80x128xf32, #tpu.memory_space<vmem_shared>>
      %dma_start3A_112 = arith.constant 0 : i32
      %dma_start3A_113 = tpu.memref_slice %arg9[%add3A_24, %dma_start3A_112] : memref<10240x128xf32, #tpu.memory_space<vmem_shared>> -> memref<80x128xf32, #tpu.memory_space<vmem_shared>>
      %dma_start3A_114 = arith.constant 0 : i32
      %dma_start3A_115 = arith.constant 0 : i32
      %dma_start3A_116 = tpu.memref_slice %arg8[%run_scoped3A_25, %dma_start3A_114, %dma_start3A_115] : memref<2x80x128xf32, #tpu.memory_space<vmem>> -> memref<1x80x128xf32, #tpu.memory_space<vmem>>
      %dma_start3A_117 = tpu.memref_squeeze %dma_start3A_116 : memref<1x80x128xf32, #tpu.memory_space<vmem>> -> memref<80x128xf32, #tpu.memory_space<vmem>>
      tpu.enqueue_dma source(%dma_start3A_117 : memref<80x128xf32, #tpu.memory_space<vmem>>) target(%dma_start3A_113 : memref<80x128xf32, #tpu.memory_space<vmem_shared>>) target_semaphore(%run_scoped3A_105 : memref<!tpu.dma_semaphore, #tpu.memory_space<semaphore_mem>>)
      %dma_wait3A_118 = arith.constant 0 : i32
      %dma_wait3A_119 = arith.constant 0 : i32
      %dma_wait3A_120 = tpu.memref_slice %arg8[%run_scoped3A_25, %dma_wait3A_118, %dma_wait3A_119] : memref<2x80x128xf32, #tpu.memory_space<vmem>> -> memref<1x80x128xf32, #tpu.memory_space<vmem>>
      %dma_wait3A_121 = tpu.memref_squeeze %dma_wait3A_120 : memref<1x80x128xf32, #tpu.memory_space<vmem>> -> memref<80x128xf32, #tpu.memory_space<vmem>>
      %dma_wait3A_122 = arith.constant 0 : i32
      %dma_wait3A_123 = tpu.memref_slice %arg9[%add3A_24, %dma_wait3A_122] : memref<10240x128xf32, #tpu.memory_space<vmem_shared>> -> memref<80x128xf32, #tpu.memory_space<vmem_shared>>
      %dma_wait3A_124 = arith.constant 0 : i32
      %dma_wait3A_125 = tpu.memref_slice %arg9[%add3A_24, %dma_wait3A_124] : memref<10240x128xf32, #tpu.memory_space<vmem_shared>> -> memref<80x128xf32, #tpu.memory_space<vmem_shared>>
      %dma_wait3A_126 = arith.constant 0 : i32
      %dma_wait3A_127 = arith.constant 0 : i32
      %dma_wait3A_128 = tpu.memref_slice %arg8[%run_scoped3A_25, %dma_wait3A_126, %dma_wait3A_127] : memref<2x80x128xf32, #tpu.memory_space<vmem>> -> memref<1x80x128xf32, #tpu.memory_space<vmem>>
      %dma_wait3A_129 = tpu.memref_squeeze %dma_wait3A_128 : memref<1x80x128xf32, #tpu.memory_space<vmem>> -> memref<80x128xf32, #tpu.memory_space<vmem>>
      tpu.wait_dma2 semaphore(%run_scoped3A_105 : memref<!tpu.dma_semaphore, #tpu.memory_space<semaphore_mem>>) src(%dma_wait3A_129 : memref<80x128xf32, #tpu.memory_space<vmem>>) dst(%dma_wait3A_125 : memref<80x128xf32, #tpu.memory_space<vmem_shared>>)
      tpu.yield
    }) : () -> ()
    %mul3A_26 = arith.constant 640 : i32
    %mul3A_27 = arith.muli %arg1, %mul3A_26 : i32
    %add3A_28 = arith.constant 320 : i32
    %add3A_29 = arith.addi %mul3A_27, %add3A_28 : i32
    %run_scoped3A_30 = arith.constant 0 : i32
    "tpu.region"() ({
      %run_scoped3A_105 = tpu.sem_alloc : memref<!tpu.dma_semaphore, #tpu.memory_space<semaphore_mem>>
      %dma_start3A_106 = arith.constant 0 : i32
      %dma_start3A_107 = arith.constant 0 : i32
      %dma_start3A_108 = tpu.memref_slice %arg8[%run_scoped3A_30, %dma_start3A_106, %dma_start3A_107] : memref<2x80x128xf32, #tpu.memory_space<vmem>> -> memref<1x80x128xf32, #tpu.memory_space<vmem>>
      %dma_start3A_109 = tpu.memref_squeeze %dma_start3A_108 : memref<1x80x128xf32, #tpu.memory_space<vmem>> -> memref<80x128xf32, #tpu.memory_space<vmem>>
      %dma_start3A_110 = arith.constant 0 : i32
      %dma_start3A_111 = tpu.memref_slice %arg9[%add3A_29, %dma_start3A_110] : memref<10240x128xf32, #tpu.memory_space<vmem_shared>> -> memref<80x128xf32, #tpu.memory_space<vmem_shared>>
      %dma_start3A_112 = arith.constant 0 : i32
      %dma_start3A_113 = tpu.memref_slice %arg9[%add3A_29, %dma_start3A_112] : memref<10240x128xf32, #tpu.memory_space<vmem_shared>> -> memref<80x128xf32, #tpu.memory_space<vmem_shared>>
      %dma_start3A_114 = arith.constant 0 : i32
      %dma_start3A_115 = arith.constant 0 : i32
      %dma_start3A_116 = tpu.memref_slice %arg8[%run_scoped3A_30, %dma_start3A_114, %dma_start3A_115] : memref<2x80x128xf32, #tpu.memory_space<vmem>> -> memref<1x80x128xf32, #tpu.memory_space<vmem>>
      %dma_start3A_117 = tpu.memref_squeeze %dma_start3A_116 : memref<1x80x128xf32, #tpu.memory_space<vmem>> -> memref<80x128xf32, #tpu.memory_space<vmem>>
      tpu.enqueue_dma source(%dma_start3A_117 : memref<80x128xf32, #tpu.memory_space<vmem>>) target(%dma_start3A_113 : memref<80x128xf32, #tpu.memory_space<vmem_shared>>) target_semaphore(%run_scoped3A_105 : memref<!tpu.dma_semaphore, #tpu.memory_space<semaphore_mem>>)
      %dma_wait3A_118 = arith.constant 0 : i32
      %dma_wait3A_119 = arith.constant 0 : i32
      %dma_wait3A_120 = tpu.memref_slice %arg8[%run_scoped3A_30, %dma_wait3A_118, %dma_wait3A_119] : memref<2x80x128xf32, #tpu.memory_space<vmem>> -> memref<1x80x128xf32, #tpu.memory_space<vmem>>
      %dma_wait3A_121 = tpu.memref_squeeze %dma_wait3A_120 : memref<1x80x128xf32, #tpu.memory_space<vmem>> -> memref<80x128xf32, #tpu.memory_space<vmem>>
      %dma_wait3A_122 = arith.constant 0 : i32
      %dma_wait3A_123 = tpu.memref_slice %arg9[%add3A_29, %dma_wait3A_122] : memref<10240x128xf32, #tpu.memory_space<vmem_shared>> -> memref<80x128xf32, #tpu.memory_space<vmem_shared>>
      %dma_wait3A_124 = arith.constant 0 : i32
      %dma_wait3A_125 = tpu.memref_slice %arg9[%add3A_29, %dma_wait3A_124] : memref<10240x128xf32, #tpu.memory_space<vmem_shared>> -> memref<80x128xf32, #tpu.memory_space<vmem_shared>>
      %dma_wait3A_126 = arith.constant 0 : i32
      %dma_wait3A_127 = arith.constant 0 : i32
      %dma_wait3A_128 = tpu.memref_slice %arg8[%run_scoped3A_30, %dma_wait3A_126, %dma_wait3A_127] : memref<2x80x128xf32, #tpu.memory_space<vmem>> -> memref<1x80x128xf32, #tpu.memory_space<vmem>>
      %dma_wait3A_129 = tpu.memref_squeeze %dma_wait3A_128 : memref<1x80x128xf32, #tpu.memory_space<vmem>> -> memref<80x128xf32, #tpu.memory_space<vmem>>
      tpu.wait_dma2 semaphore(%run_scoped3A_105 : memref<!tpu.dma_semaphore, #tpu.memory_space<semaphore_mem>>) src(%dma_wait3A_129 : memref<80x128xf32, #tpu.memory_space<vmem>>) dst(%dma_wait3A_125 : memref<80x128xf32, #tpu.memory_space<vmem_shared>>)
      tpu.yield
    }) : () -> ()
    %mul3A_31 = arith.constant 640 : i32
    %mul3A_32 = arith.muli %arg1, %mul3A_31 : i32
    %add3A_33 = arith.constant 400 : i32
    %add3A_34 = arith.addi %mul3A_32, %add3A_33 : i32
    %run_scoped3A_35 = arith.constant 0 : i32
    "tpu.region"() ({
      %run_scoped3A_105 = tpu.sem_alloc : memref<!tpu.dma_semaphore, #tpu.memory_space<semaphore_mem>>
      %dma_start3A_106 = arith.constant 0 : i32
      %dma_start3A_107 = arith.constant 0 : i32
      %dma_start3A_108 = tpu.memref_slice %arg8[%run_scoped3A_35, %dma_start3A_106, %dma_start3A_107] : memref<2x80x128xf32, #tpu.memory_space<vmem>> -> memref<1x80x128xf32, #tpu.memory_space<vmem>>
      %dma_start3A_109 = tpu.memref_squeeze %dma_start3A_108 : memref<1x80x128xf32, #tpu.memory_space<vmem>> -> memref<80x128xf32, #tpu.memory_space<vmem>>
      %dma_start3A_110 = arith.constant 0 : i32
      %dma_start3A_111 = tpu.memref_slice %arg9[%add3A_34, %dma_start3A_110] : memref<10240x128xf32, #tpu.memory_space<vmem_shared>> -> memref<80x128xf32, #tpu.memory_space<vmem_shared>>
      %dma_start3A_112 = arith.constant 0 : i32
      %dma_start3A_113 = tpu.memref_slice %arg9[%add3A_34, %dma_start3A_112] : memref<10240x128xf32, #tpu.memory_space<vmem_shared>> -> memref<80x128xf32, #tpu.memory_space<vmem_shared>>
      %dma_start3A_114 = arith.constant 0 : i32
      %dma_start3A_115 = arith.constant 0 : i32
      %dma_start3A_116 = tpu.memref_slice %arg8[%run_scoped3A_35, %dma_start3A_114, %dma_start3A_115] : memref<2x80x128xf32, #tpu.memory_space<vmem>> -> memref<1x80x128xf32, #tpu.memory_space<vmem>>
      %dma_start3A_117 = tpu.memref_squeeze %dma_start3A_116 : memref<1x80x128xf32, #tpu.memory_space<vmem>> -> memref<80x128xf32, #tpu.memory_space<vmem>>
      tpu.enqueue_dma source(%dma_start3A_117 : memref<80x128xf32, #tpu.memory_space<vmem>>) target(%dma_start3A_113 : memref<80x128xf32, #tpu.memory_space<vmem_shared>>) target_semaphore(%run_scoped3A_105 : memref<!tpu.dma_semaphore, #tpu.memory_space<semaphore_mem>>)
      %dma_wait3A_118 = arith.constant 0 : i32
      %dma_wait3A_119 = arith.constant 0 : i32
      %dma_wait3A_120 = tpu.memref_slice %arg8[%run_scoped3A_35, %dma_wait3A_118, %dma_wait3A_119] : memref<2x80x128xf32, #tpu.memory_space<vmem>> -> memref<1x80x128xf32, #tpu.memory_space<vmem>>
      %dma_wait3A_121 = tpu.memref_squeeze %dma_wait3A_120 : memref<1x80x128xf32, #tpu.memory_space<vmem>> -> memref<80x128xf32, #tpu.memory_space<vmem>>
      %dma_wait3A_122 = arith.constant 0 : i32
      %dma_wait3A_123 = tpu.memref_slice %arg9[%add3A_34, %dma_wait3A_122] : memref<10240x128xf32, #tpu.memory_space<vmem_shared>> -> memref<80x128xf32, #tpu.memory_space<vmem_shared>>
      %dma_wait3A_124 = arith.constant 0 : i32
      %dma_wait3A_125 = tpu.memref_slice %arg9[%add3A_34, %dma_wait3A_124] : memref<10240x128xf32, #tpu.memory_space<vmem_shared>> -> memref<80x128xf32, #tpu.memory_space<vmem_shared>>
      %dma_wait3A_126 = arith.constant 0 : i32
      %dma_wait3A_127 = arith.constant 0 : i32
      %dma_wait3A_128 = tpu.memref_slice %arg8[%run_scoped3A_35, %dma_wait3A_126, %dma_wait3A_127] : memref<2x80x128xf32, #tpu.memory_space<vmem>> -> memref<1x80x128xf32, #tpu.memory_space<vmem>>
      %dma_wait3A_129 = tpu.memref_squeeze %dma_wait3A_128 : memref<1x80x128xf32, #tpu.memory_space<vmem>> -> memref<80x128xf32, #tpu.memory_space<vmem>>
      tpu.wait_dma2 semaphore(%run_scoped3A_105 : memref<!tpu.dma_semaphore, #tpu.memory_space<semaphore_mem>>) src(%dma_wait3A_129 : memref<80x128xf32, #tpu.memory_space<vmem>>) dst(%dma_wait3A_125 : memref<80x128xf32, #tpu.memory_space<vmem_shared>>)
      tpu.yield
    }) : () -> ()
    %mul3A_36 = arith.constant 640 : i32
    %mul3A_37 = arith.muli %arg1, %mul3A_36 : i32
    %add3A_38 = arith.constant 480 : i32
    %add3A_39 = arith.addi %mul3A_37, %add3A_38 : i32
    %run_scoped3A_40 = arith.constant 0 : i32
    "tpu.region"() ({
      %run_scoped3A_105 = tpu.sem_alloc : memref<!tpu.dma_semaphore, #tpu.memory_space<semaphore_mem>>
      %dma_start3A_106 = arith.constant 0 : i32
      %dma_start3A_107 = arith.constant 0 : i32
      %dma_start3A_108 = tpu.memref_slice %arg8[%run_scoped3A_40, %dma_start3A_106, %dma_start3A_107] : memref<2x80x128xf32, #tpu.memory_space<vmem>> -> memref<1x80x128xf32, #tpu.memory_space<vmem>>
      %dma_start3A_109 = tpu.memref_squeeze %dma_start3A_108 : memref<1x80x128xf32, #tpu.memory_space<vmem>> -> memref<80x128xf32, #tpu.memory_space<vmem>>
      %dma_start3A_110 = arith.constant 0 : i32
      %dma_start3A_111 = tpu.memref_slice %arg9[%add3A_39, %dma_start3A_110] : memref<10240x128xf32, #tpu.memory_space<vmem_shared>> -> memref<80x128xf32, #tpu.memory_space<vmem_shared>>
      %dma_start3A_112 = arith.constant 0 : i32
      %dma_start3A_113 = tpu.memref_slice %arg9[%add3A_39, %dma_start3A_112] : memref<10240x128xf32, #tpu.memory_space<vmem_shared>> -> memref<80x128xf32, #tpu.memory_space<vmem_shared>>
      %dma_start3A_114 = arith.constant 0 : i32
      %dma_start3A_115 = arith.constant 0 : i32
      %dma_start3A_116 = tpu.memref_slice %arg8[%run_scoped3A_40, %dma_start3A_114, %dma_start3A_115] : memref<2x80x128xf32, #tpu.memory_space<vmem>> -> memref<1x80x128xf32, #tpu.memory_space<vmem>>
      %dma_start3A_117 = tpu.memref_squeeze %dma_start3A_116 : memref<1x80x128xf32, #tpu.memory_space<vmem>> -> memref<80x128xf32, #tpu.memory_space<vmem>>
      tpu.enqueue_dma source(%dma_start3A_117 : memref<80x128xf32, #tpu.memory_space<vmem>>) target(%dma_start3A_113 : memref<80x128xf32, #tpu.memory_space<vmem_shared>>) target_semaphore(%run_scoped3A_105 : memref<!tpu.dma_semaphore, #tpu.memory_space<semaphore_mem>>)
      %dma_wait3A_118 = arith.constant 0 : i32
      %dma_wait3A_119 = arith.constant 0 : i32
      %dma_wait3A_120 = tpu.memref_slice %arg8[%run_scoped3A_40, %dma_wait3A_118, %dma_wait3A_119] : memref<2x80x128xf32, #tpu.memory_space<vmem>> -> memref<1x80x128xf32, #tpu.memory_space<vmem>>
      %dma_wait3A_121 = tpu.memref_squeeze %dma_wait3A_120 : memref<1x80x128xf32, #tpu.memory_space<vmem>> -> memref<80x128xf32, #tpu.memory_space<vmem>>
      %dma_wait3A_122 = arith.constant 0 : i32
      %dma_wait3A_123 = tpu.memref_slice %arg9[%add3A_39, %dma_wait3A_122] : memref<10240x128xf32, #tpu.memory_space<vmem_shared>> -> memref<80x128xf32, #tpu.memory_space<vmem_shared>>
      %dma_wait3A_124 = arith.constant 0 : i32
      %dma_wait3A_125 = tpu.memref_slice %arg9[%add3A_39, %dma_wait3A_124] : memref<10240x128xf32, #tpu.memory_space<vmem_shared>> -> memref<80x128xf32, #tpu.memory_space<vmem_shared>>
      %dma_wait3A_126 = arith.constant 0 : i32
      %dma_wait3A_127 = arith.constant 0 : i32
      %dma_wait3A_128 = tpu.memref_slice %arg8[%run_scoped3A_40, %dma_wait3A_126, %dma_wait3A_127] : memref<2x80x128xf32, #tpu.memory_space<vmem>> -> memref<1x80x128xf32, #tpu.memory_space<vmem>>
      %dma_wait3A_129 = tpu.memref_squeeze %dma_wait3A_128 : memref<1x80x128xf32, #tpu.memory_space<vmem>> -> memref<80x128xf32, #tpu.memory_space<vmem>>
      tpu.wait_dma2 semaphore(%run_scoped3A_105 : memref<!tpu.dma_semaphore, #tpu.memory_space<semaphore_mem>>) src(%dma_wait3A_129 : memref<80x128xf32, #tpu.memory_space<vmem>>) dst(%dma_wait3A_125 : memref<80x128xf32, #tpu.memory_space<vmem_shared>>)
      tpu.yield
    }) : () -> ()
    %mul3A_41 = arith.constant 640 : i32
    %mul3A_42 = arith.muli %arg1, %mul3A_41 : i32
    %add3A_43 = arith.constant 560 : i32
    %add3A_44 = arith.addi %mul3A_42, %add3A_43 : i32
    %run_scoped3A_45 = arith.constant 0 : i32
    "tpu.region"() ({
      %run_scoped3A_105 = tpu.sem_alloc : memref<!tpu.dma_semaphore, #tpu.memory_space<semaphore_mem>>
      %dma_start3A_106 = arith.constant 0 : i32
      %dma_start3A_107 = arith.constant 0 : i32
      %dma_start3A_108 = tpu.memref_slice %arg8[%run_scoped3A_45, %dma_start3A_106, %dma_start3A_107] : memref<2x80x128xf32, #tpu.memory_space<vmem>> -> memref<1x80x128xf32, #tpu.memory_space<vmem>>
      %dma_start3A_109 = tpu.memref_squeeze %dma_start3A_108 : memref<1x80x128xf32, #tpu.memory_space<vmem>> -> memref<80x128xf32, #tpu.memory_space<vmem>>
      %dma_start3A_110 = arith.constant 0 : i32
      %dma_start3A_111 = tpu.memref_slice %arg9[%add3A_44, %dma_start3A_110] : memref<10240x128xf32, #tpu.memory_space<vmem_shared>> -> memref<80x128xf32, #tpu.memory_space<vmem_shared>>
      %dma_start3A_112 = arith.constant 0 : i32
      %dma_start3A_113 = tpu.memref_slice %arg9[%add3A_44, %dma_start3A_112] : memref<10240x128xf32, #tpu.memory_space<vmem_shared>> -> memref<80x128xf32, #tpu.memory_space<vmem_shared>>
      %dma_start3A_114 = arith.constant 0 : i32
      %dma_start3A_115 = arith.constant 0 : i32
      %dma_start3A_116 = tpu.memref_slice %arg8[%run_scoped3A_45, %dma_start3A_114, %dma_start3A_115] : memref<2x80x128xf32, #tpu.memory_space<vmem>> -> memref<1x80x128xf32, #tpu.memory_space<vmem>>
      %dma_start3A_117 = tpu.memref_squeeze %dma_start3A_116 : memref<1x80x128xf32, #tpu.memory_space<vmem>> -> memref<80x128xf32, #tpu.memory_space<vmem>>
      tpu.enqueue_dma source(%dma_start3A_117 : memref<80x128xf32, #tpu.memory_space<vmem>>) target(%dma_start3A_113 : memref<80x128xf32, #tpu.memory_space<vmem_shared>>) target_semaphore(%run_scoped3A_105 : memref<!tpu.dma_semaphore, #tpu.memory_space<semaphore_mem>>)
      %dma_wait3A_118 = arith.constant 0 : i32
      %dma_wait3A_119 = arith.constant 0 : i32
      %dma_wait3A_120 = tpu.memref_slice %arg8[%run_scoped3A_45, %dma_wait3A_118, %dma_wait3A_119] : memref<2x80x128xf32, #tpu.memory_space<vmem>> -> memref<1x80x128xf32, #tpu.memory_space<vmem>>
      %dma_wait3A_121 = tpu.memref_squeeze %dma_wait3A_120 : memref<1x80x128xf32, #tpu.memory_space<vmem>> -> memref<80x128xf32, #tpu.memory_space<vmem>>
      %dma_wait3A_122 = arith.constant 0 : i32
      %dma_wait3A_123 = tpu.memref_slice %arg9[%add3A_44, %dma_wait3A_122] : memref<10240x128xf32, #tpu.memory_space<vmem_shared>> -> memref<80x128xf32, #tpu.memory_space<vmem_shared>>
      %dma_wait3A_124 = arith.constant 0 : i32
      %dma_wait3A_125 = tpu.memref_slice %arg9[%add3A_44, %dma_wait3A_124] : memref<10240x128xf32, #tpu.memory_space<vmem_shared>> -> memref<80x128xf32, #tpu.memory_space<vmem_shared>>
      %dma_wait3A_126 = arith.constant 0 : i32
      %dma_wait3A_127 = arith.constant 0 : i32
      %dma_wait3A_128 = tpu.memref_slice %arg8[%run_scoped3A_45, %dma_wait3A_126, %dma_wait3A_127] : memref<2x80x128xf32, #tpu.memory_space<vmem>> -> memref<1x80x128xf32, #tpu.memory_space<vmem>>
      %dma_wait3A_129 = tpu.memref_squeeze %dma_wait3A_128 : memref<1x80x128xf32, #tpu.memory_space<vmem>> -> memref<80x128xf32, #tpu.memory_space<vmem>>
      tpu.wait_dma2 semaphore(%run_scoped3A_105 : memref<!tpu.dma_semaphore, #tpu.memory_space<semaphore_mem>>) src(%dma_wait3A_129 : memref<80x128xf32, #tpu.memory_space<vmem>>) dst(%dma_wait3A_125 : memref<80x128xf32, #tpu.memory_space<vmem_shared>>)
      tpu.yield
    }) : () -> ()
    %barrier3A = arith.constant 0 : index
    tpu.barrier barrier_id(%barrier3A)
    %dma_start3A = arith.constant 0 : i32
    %dma_start3A_46 = arith.constant 0 : i32
    %dma_start3A_47 = arith.constant 0 : i32
    %dma_start3A_48 = tpu.memref_slice %arg8[%dma_start3A, %dma_start3A_46, %dma_start3A_47] : memref<2x80x128xf32, #tpu.memory_space<vmem>> -> memref<1x80x128xf32, #tpu.memory_space<vmem>>
    %dma_start3A_49 = tpu.memref_squeeze %dma_start3A_48 : memref<1x80x128xf32, #tpu.memory_space<vmem>> -> memref<80x128xf32, #tpu.memory_space<vmem>>
    %dma_start3A_50 = arith.constant 0 : i32
    %dma_start3A_51 = tpu.memref_slice %arg6[%dma_start3A_50] : memref<10000xi32, #tpu.memory_space<vmem>> -> memref<80xi32, #tpu.memory_space<vmem>>
    %dma_start3A_52 = arith.constant 0 : i32
    %dma_start3A_53 = arith.constant 0 : i32
    %dma_start3A_54 = tpu.memref_slice %arg2[%dma_start3A_52, %dma_start3A_53] : memref<10240x128xf32, #tpu.memory_space<hbm>> -> memref<10240x128xf32, #tpu.memory_space<hbm>>
    tpu.enqueue_indirect_dma source(%dma_start3A_54 : memref<10240x128xf32, #tpu.memory_space<hbm>>) target(%dma_start3A_49 : memref<80x128xf32, #tpu.memory_space<vmem>>) offsets(%dma_start3A_51 : memref<80xi32, #tpu.memory_space<vmem>>) semaphore(%arg10 : memref<!tpu.dma_semaphore, #tpu.memory_space<semaphore_mem>>)
    %scan3A_55 = arith.constant 0 : i32
    %scan3A_56 = arith.constant 0 : i32
    %scan3A_57 = arith.constant 62 : i32
    %scan3A_58 = arith.addi %scan3A_56, %scan3A_57 : i32
    %scan3A_59 = arith.constant 1 : i32
    scf.for %scan3A_105 = %scan3A_56 to %scan3A_58 step %scan3A_59  : i32 {
      %mul3A_106 = arith.constant 2 : i32
      %mul3A_107 = arith.muli %mul3A_106, %scan3A_105 : i32
      %add3A_108 = arith.constant 0 : i32
      %add3A_109 = arith.addi %mul3A_107, %add3A_108 : i32
      %mul3A_110 = arith.constant 80 : i32
      %mul3A_111 = arith.muli %add3A_109, %mul3A_110 : i32
      %dma_wait3A_112 = arith.constant 0 : i32
      %dma_wait3A_113 = arith.constant 0 : i32
      %dma_wait3A_114 = arith.constant 0 : i32
      %dma_wait3A_115 = tpu.memref_slice %arg8[%dma_wait3A_112, %dma_wait3A_113, %dma_wait3A_114] : memref<2x80x128xf32, #tpu.memory_space<vmem>> -> memref<1x80x128xf32, #tpu.memory_space<vmem>>
      %dma_wait3A_116 = tpu.memref_squeeze %dma_wait3A_115 : memref<1x80x128xf32, #tpu.memory_space<vmem>> -> memref<80x128xf32, #tpu.memory_space<vmem>>
      %dma_wait3A_117 = tpu.memref_slice %arg6[%mul3A_111] : memref<10000xi32, #tpu.memory_space<vmem>> -> memref<80xi32, #tpu.memory_space<vmem>>
      %dma_wait3A_118 = arith.constant 0 : i32
      %dma_wait3A_119 = arith.constant 0 : i32
      %dma_wait3A_120 = tpu.memref_slice %arg2[%dma_wait3A_118, %dma_wait3A_119] : memref<10240x128xf32, #tpu.memory_space<hbm>> -> memref<10240x128xf32, #tpu.memory_space<hbm>>
      tpu.wait_indirect_dma semaphore(%arg10 : memref<!tpu.dma_semaphore, #tpu.memory_space<semaphore_mem>>) src(%dma_wait3A_120 : memref<10240x128xf32, #tpu.memory_space<hbm>>) dst(%dma_wait3A_116 : memref<80x128xf32, #tpu.memory_space<vmem>>)
      %add3A_121 = arith.constant 1 : i32
      %add3A_122 = arith.addi %add3A_109, %add3A_121 : i32
      %mul3A_123 = arith.constant 80 : i32
      %mul3A_124 = arith.muli %add3A_122, %mul3A_123 : i32
      %dma_start3A_125 = arith.constant 1 : i32
      %dma_start3A_126 = arith.constant 0 : i32
      %dma_start3A_127 = arith.constant 0 : i32
      %dma_start3A_128 = tpu.memref_slice %arg8[%dma_start3A_125, %dma_start3A_126, %dma_start3A_127] : memref<2x80x128xf32, #tpu.memory_space<vmem>> -> memref<1x80x128xf32, #tpu.memory_space<vmem>>
      %dma_start3A_129 = tpu.memref_squeeze %dma_start3A_128 : memref<1x80x128xf32, #tpu.memory_space<vmem>> -> memref<80x128xf32, #tpu.memory_space<vmem>>
      %dma_start3A_130 = tpu.memref_slice %arg6[%mul3A_124] : memref<10000xi32, #tpu.memory_space<vmem>> -> memref<80xi32, #tpu.memory_space<vmem>>
      %dma_start3A_131 = arith.constant 0 : i32
      %dma_start3A_132 = arith.constant 0 : i32
      %dma_start3A_133 = tpu.memref_slice %arg2[%dma_start3A_131, %dma_start3A_132] : memref<10240x128xf32, #tpu.memory_space<hbm>> -> memref<10240x128xf32, #tpu.memory_space<hbm>>
      tpu.enqueue_indirect_dma source(%dma_start3A_133 : memref<10240x128xf32, #tpu.memory_space<hbm>>) target(%dma_start3A_129 : memref<80x128xf32, #tpu.memory_space<vmem>>) offsets(%dma_start3A_130 : memref<80xi32, #tpu.memory_space<vmem>>) semaphore(%arg10 : memref<!tpu.dma_semaphore, #tpu.memory_space<semaphore_mem>>)
      %run_scoped3A_134 = arith.constant 0 : i32
      "tpu.region"() ({
        %run_scoped3A_162 = tpu.sem_alloc : memref<!tpu.dma_semaphore, #tpu.memory_space<semaphore_mem>>
        %dma_start3A_163 = arith.constant 0 : i32
        %dma_start3A_164 = arith.constant 0 : i32
        %dma_start3A_165 = tpu.memref_slice %arg8[%run_scoped3A_134, %dma_start3A_163, %dma_start3A_164] : memref<2x80x128xf32, #tpu.memory_space<vmem>> -> memref<1x80x128xf32, #tpu.memory_space<vmem>>
        %dma_start3A_166 = tpu.memref_squeeze %dma_start3A_165 : memref<1x80x128xf32, #tpu.memory_space<vmem>> -> memref<80x128xf32, #tpu.memory_space<vmem>>
        %dma_start3A_167 = arith.constant 0 : i32
        %dma_start3A_168 = tpu.memref_slice %arg7[%add3A_109, %dma_start3A_167] : memref<125x80xi32, #tpu.memory_space<vmem>> -> memref<1x80xi32, #tpu.memory_space<vmem>>
        %dma_start3A_169 = tpu.memref_squeeze %dma_start3A_168 : memref<1x80xi32, #tpu.memory_space<vmem>> -> memref<80xi32, #tpu.memory_space<vmem>>
        %dma_start3A_170 = arith.constant 0 : i32
        %dma_start3A_171 = arith.constant 0 : i32
        %dma_start3A_172 = tpu.memref_slice %arg9[%dma_start3A_170, %dma_start3A_171] : memref<10240x128xf32, #tpu.memory_space<vmem_shared>> -> memref<10240x128xf32, #tpu.memory_space<vmem_shared>>
        tpu.enqueue_indirect_dma source(%dma_start3A_166 : memref<80x128xf32, #tpu.memory_space<vmem>>) target(%dma_start3A_172 : memref<10240x128xf32, #tpu.memory_space<vmem_shared>>) offsets(%dma_start3A_169 : memref<80xi32, #tpu.memory_space<vmem>>) semaphore(%run_scoped3A_162 : memref<!tpu.dma_semaphore, #tpu.memory_space<semaphore_mem>>) {add = true}
        %dma_wait3A_173 = arith.constant 0 : i32
        %dma_wait3A_174 = arith.constant 0 : i32
        %dma_wait3A_175 = tpu.memref_slice %arg8[%run_scoped3A_134, %dma_wait3A_173, %dma_wait3A_174] : memref<2x80x128xf32, #tpu.memory_space<vmem>> -> memref<1x80x128xf32, #tpu.memory_space<vmem>>
        %dma_wait3A_176 = tpu.memref_squeeze %dma_wait3A_175 : memref<1x80x128xf32, #tpu.memory_space<vmem>> -> memref<80x128xf32, #tpu.memory_space<vmem>>
        %dma_wait3A_177 = arith.constant 0 : i32
        %dma_wait3A_178 = tpu.memref_slice %arg7[%add3A_109, %dma_wait3A_177] : memref<125x80xi32, #tpu.memory_space<vmem>> -> memref<1x80xi32, #tpu.memory_space<vmem>>
        %dma_wait3A_179 = tpu.memref_squeeze %dma_wait3A_178 : memref<1x80xi32, #tpu.memory_space<vmem>> -> memref<80xi32, #tpu.memory_space<vmem>>
        %dma_wait3A_180 = arith.constant 0 : i32
        %dma_wait3A_181 = arith.constant 0 : i32
        %dma_wait3A_182 = tpu.memref_slice %arg9[%dma_wait3A_180, %dma_wait3A_181] : memref<10240x128xf32, #tpu.memory_space<vmem_shared>> -> memref<10240x128xf32, #tpu.memory_space<vmem_shared>>
        tpu.wait_indirect_dma semaphore(%run_scoped3A_162 : memref<!tpu.dma_semaphore, #tpu.memory_space<semaphore_mem>>) src(%dma_wait3A_176 : memref<80x128xf32, #tpu.memory_space<vmem>>) dst(%dma_wait3A_182 : memref<10240x128xf32, #tpu.memory_space<vmem_shared>>)
        tpu.yield
      }) : () -> ()
      %add3A_135 = arith.constant 1 : i32
      %add3A_136 = arith.addi %mul3A_107, %add3A_135 : i32
      %mul3A_137 = arith.constant 80 : i32
      %mul3A_138 = arith.muli %add3A_136, %mul3A_137 : i32
      %dma_wait3A_139 = arith.constant 1 : i32
      %dma_wait3A_140 = arith.constant 0 : i32
      %dma_wait3A_141 = arith.constant 0 : i32
      %dma_wait3A_142 = tpu.memref_slice %arg8[%dma_wait3A_139, %dma_wait3A_140, %dma_wait3A_141] : memref<2x80x128xf32, #tpu.memory_space<vmem>> -> memref<1x80x128xf32, #tpu.memory_space<vmem>>
      %dma_wait3A_143 = tpu.memref_squeeze %dma_wait3A_142 : memref<1x80x128xf32, #tpu.memory_space<vmem>> -> memref<80x128xf32, #tpu.memory_space<vmem>>
      %dma_wait3A_144 = tpu.memref_slice %arg6[%mul3A_138] : memref<10000xi32, #tpu.memory_space<vmem>> -> memref<80xi32, #tpu.memory_space<vmem>>
      %dma_wait3A_145 = arith.constant 0 : i32
      %dma_wait3A_146 = arith.constant 0 : i32
      %dma_wait3A_147 = tpu.memref_slice %arg2[%dma_wait3A_145, %dma_wait3A_146] : memref<10240x128xf32, #tpu.memory_space<hbm>> -> memref<10240x128xf32, #tpu.memory_space<hbm>>
      tpu.wait_indirect_dma semaphore(%arg10 : memref<!tpu.dma_semaphore, #tpu.memory_space<semaphore_mem>>) src(%dma_wait3A_147 : memref<10240x128xf32, #tpu.memory_space<hbm>>) dst(%dma_wait3A_143 : memref<80x128xf32, #tpu.memory_space<vmem>>)
      %add3A_148 = arith.constant 1 : i32
      %add3A_149 = arith.addi %add3A_136, %add3A_148 : i32
      %mul3A_150 = arith.constant 80 : i32
      %mul3A_151 = arith.muli %add3A_149, %mul3A_150 : i32
      %dma_start3A_152 = arith.constant 0 : i32
      %dma_start3A_153 = arith.constant 0 : i32
      %dma_start3A_154 = arith.constant 0 : i32
      %dma_start3A_155 = tpu.memref_slice %arg8[%dma_start3A_152, %dma_start3A_153, %dma_start3A_154] : memref<2x80x128xf32, #tpu.memory_space<vmem>> -> memref<1x80x128xf32, #tpu.memory_space<vmem>>
      %dma_start3A_156 = tpu.memref_squeeze %dma_start3A_155 : memref<1x80x128xf32, #tpu.memory_space<vmem>> -> memref<80x128xf32, #tpu.memory_space<vmem>>
      %dma_start3A_157 = tpu.memref_slice %arg6[%mul3A_151] : memref<10000xi32, #tpu.memory_space<vmem>> -> memref<80xi32, #tpu.memory_space<vmem>>
      %dma_start3A_158 = arith.constant 0 : i32
      %dma_start3A_159 = arith.constant 0 : i32
      %dma_start3A_160 = tpu.memref_slice %arg2[%dma_start3A_158, %dma_start3A_159] : memref<10240x128xf32, #tpu.memory_space<hbm>> -> memref<10240x128xf32, #tpu.memory_space<hbm>>
      tpu.enqueue_indirect_dma source(%dma_start3A_160 : memref<10240x128xf32, #tpu.memory_space<hbm>>) target(%dma_start3A_156 : memref<80x128xf32, #tpu.memory_space<vmem>>) offsets(%dma_start3A_157 : memref<80xi32, #tpu.memory_space<vmem>>) semaphore(%arg10 : memref<!tpu.dma_semaphore, #tpu.memory_space<semaphore_mem>>)
      %run_scoped3A_161 = arith.constant 1 : i32
      "tpu.region"() ({
        %run_scoped3A_162 = tpu.sem_alloc : memref<!tpu.dma_semaphore, #tpu.memory_space<semaphore_mem>>
        %dma_start3A_163 = arith.constant 0 : i32
        %dma_start3A_164 = arith.constant 0 : i32
        %dma_start3A_165 = tpu.memref_slice %arg8[%run_scoped3A_161, %dma_start3A_163, %dma_start3A_164] : memref<2x80x128xf32, #tpu.memory_space<vmem>> -> memref<1x80x128xf32, #tpu.memory_space<vmem>>
        %dma_start3A_166 = tpu.memref_squeeze %dma_start3A_165 : memref<1x80x128xf32, #tpu.memory_space<vmem>> -> memref<80x128xf32, #tpu.memory_space<vmem>>
        %dma_start3A_167 = arith.constant 0 : i32
        %dma_start3A_168 = tpu.memref_slice %arg7[%add3A_136, %dma_start3A_167] : memref<125x80xi32, #tpu.memory_space<vmem>> -> memref<1x80xi32, #tpu.memory_space<vmem>>
        %dma_start3A_169 = tpu.memref_squeeze %dma_start3A_168 : memref<1x80xi32, #tpu.memory_space<vmem>> -> memref<80xi32, #tpu.memory_space<vmem>>
        %dma_start3A_170 = arith.constant 0 : i32
        %dma_start3A_171 = arith.constant 0 : i32
        %dma_start3A_172 = tpu.memref_slice %arg9[%dma_start3A_170, %dma_start3A_171] : memref<10240x128xf32, #tpu.memory_space<vmem_shared>> -> memref<10240x128xf32, #tpu.memory_space<vmem_shared>>
        tpu.enqueue_indirect_dma source(%dma_start3A_166 : memref<80x128xf32, #tpu.memory_space<vmem>>) target(%dma_start3A_172 : memref<10240x128xf32, #tpu.memory_space<vmem_shared>>) offsets(%dma_start3A_169 : memref<80xi32, #tpu.memory_space<vmem>>) semaphore(%run_scoped3A_162 : memref<!tpu.dma_semaphore, #tpu.memory_space<semaphore_mem>>) {add = true}
        %dma_wait3A_173 = arith.constant 0 : i32
        %dma_wait3A_174 = arith.constant 0 : i32
        %dma_wait3A_175 = tpu.memref_slice %arg8[%run_scoped3A_161, %dma_wait3A_173, %dma_wait3A_174] : memref<2x80x128xf32, #tpu.memory_space<vmem>> -> memref<1x80x128xf32, #tpu.memory_space<vmem>>
        %dma_wait3A_176 = tpu.memref_squeeze %dma_wait3A_175 : memref<1x80x128xf32, #tpu.memory_space<vmem>> -> memref<80x128xf32, #tpu.memory_space<vmem>>
        %dma_wait3A_177 = arith.constant 0 : i32
        %dma_wait3A_178 = tpu.memref_slice %arg7[%add3A_136, %dma_wait3A_177] : memref<125x80xi32, #tpu.memory_space<vmem>> -> memref<1x80xi32, #tpu.memory_space<vmem>>
        %dma_wait3A_179 = tpu.memref_squeeze %dma_wait3A_178 : memref<1x80xi32, #tpu.memory_space<vmem>> -> memref<80xi32, #tpu.memory_space<vmem>>
        %dma_wait3A_180 = arith.constant 0 : i32
        %dma_wait3A_181 = arith.constant 0 : i32
        %dma_wait3A_182 = tpu.memref_slice %arg9[%dma_wait3A_180, %dma_wait3A_181] : memref<10240x128xf32, #tpu.memory_space<vmem_shared>> -> memref<10240x128xf32, #tpu.memory_space<vmem_shared>>
        tpu.wait_indirect_dma semaphore(%run_scoped3A_162 : memref<!tpu.dma_semaphore, #tpu.memory_space<semaphore_mem>>) src(%dma_wait3A_176 : memref<80x128xf32, #tpu.memory_space<vmem>>) dst(%dma_wait3A_182 : memref<10240x128xf32, #tpu.memory_space<vmem_shared>>)
        tpu.yield
      }) : () -> ()
    }
    %scan3A_60 = arith.constant 62 : i32
    %dma_wait3A = arith.constant 0 : i32
    %dma_wait3A_61 = arith.constant 0 : i32
    %dma_wait3A_62 = arith.constant 0 : i32
    %dma_wait3A_63 = tpu.memref_slice %arg8[%dma_wait3A, %dma_wait3A_61, %dma_wait3A_62] : memref<2x80x128xf32, #tpu.memory_space<vmem>> -> memref<1x80x128xf32, #tpu.memory_space<vmem>>
    %dma_wait3A_64 = tpu.memref_squeeze %dma_wait3A_63 : memref<1x80x128xf32, #tpu.memory_space<vmem>> -> memref<80x128xf32, #tpu.memory_space<vmem>>
    %dma_wait3A_65 = arith.constant 9920 : i32
    %dma_wait3A_66 = tpu.memref_slice %arg6[%dma_wait3A_65] : memref<10000xi32, #tpu.memory_space<vmem>> -> memref<80xi32, #tpu.memory_space<vmem>>
    %dma_wait3A_67 = arith.constant 0 : i32
    %dma_wait3A_68 = arith.constant 0 : i32
    %dma_wait3A_69 = tpu.memref_slice %arg2[%dma_wait3A_67, %dma_wait3A_68] : memref<10240x128xf32, #tpu.memory_space<hbm>> -> memref<10240x128xf32, #tpu.memory_space<hbm>>
    tpu.wait_indirect_dma semaphore(%arg10 : memref<!tpu.dma_semaphore, #tpu.memory_space<semaphore_mem>>) src(%dma_wait3A_69 : memref<10240x128xf32, #tpu.memory_space<hbm>>) dst(%dma_wait3A_64 : memref<80x128xf32, #tpu.memory_space<vmem>>)
    %run_scoped3A_70 = arith.constant 0 : i32
    %run_scoped3A_71 = arith.constant 124 : i32
    "tpu.region"() ({
      %run_scoped3A_105 = tpu.sem_alloc : memref<!tpu.dma_semaphore, #tpu.memory_space<semaphore_mem>>
      %dma_start3A_106 = arith.constant 0 : i32
      %dma_start3A_107 = arith.constant 0 : i32
      %dma_start3A_108 = tpu.memref_slice %arg8[%run_scoped3A_70, %dma_start3A_106, %dma_start3A_107] : memref<2x80x128xf32, #tpu.memory_space<vmem>> -> memref<1x80x128xf32, #tpu.memory_space<vmem>>
      %dma_start3A_109 = tpu.memref_squeeze %dma_start3A_108 : memref<1x80x128xf32, #tpu.memory_space<vmem>> -> memref<80x128xf32, #tpu.memory_space<vmem>>
      %dma_start3A_110 = arith.constant 0 : i32
      %dma_start3A_111 = tpu.memref_slice %arg7[%run_scoped3A_71, %dma_start3A_110] : memref<125x80xi32, #tpu.memory_space<vmem>> -> memref<1x80xi32, #tpu.memory_space<vmem>>
      %dma_start3A_112 = tpu.memref_squeeze %dma_start3A_111 : memref<1x80xi32, #tpu.memory_space<vmem>> -> memref<80xi32, #tpu.memory_space<vmem>>
      %dma_start3A_113 = arith.constant 0 : i32
      %dma_start3A_114 = arith.constant 0 : i32
      %dma_start3A_115 = tpu.memref_slice %arg9[%dma_start3A_113, %dma_start3A_114] : memref<10240x128xf32, #tpu.memory_space<vmem_shared>> -> memref<10240x128xf32, #tpu.memory_space<vmem_shared>>
      tpu.enqueue_indirect_dma source(%dma_start3A_109 : memref<80x128xf32, #tpu.memory_space<vmem>>) target(%dma_start3A_115 : memref<10240x128xf32, #tpu.memory_space<vmem_shared>>) offsets(%dma_start3A_112 : memref<80xi32, #tpu.memory_space<vmem>>) semaphore(%run_scoped3A_105 : memref<!tpu.dma_semaphore, #tpu.memory_space<semaphore_mem>>) {add = true}
      %dma_wait3A_116 = arith.constant 0 : i32
      %dma_wait3A_117 = arith.constant 0 : i32
      %dma_wait3A_118 = tpu.memref_slice %arg8[%run_scoped3A_70, %dma_wait3A_116, %dma_wait3A_117] : memref<2x80x128xf32, #tpu.memory_space<vmem>> -> memref<1x80x128xf32, #tpu.memory_space<vmem>>
      %dma_wait3A_119 = tpu.memref_squeeze %dma_wait3A_118 : memref<1x80x128xf32, #tpu.memory_space<vmem>> -> memref<80x128xf32, #tpu.memory_space<vmem>>
      %dma_wait3A_120 = arith.constant 0 : i32
      %dma_wait3A_121 = tpu.memref_slice %arg7[%run_scoped3A_71, %dma_wait3A_120] : memref<125x80xi32, #tpu.memory_space<vmem>> -> memref<1x80xi32, #tpu.memory_space<vmem>>
      %dma_wait3A_122 = tpu.memref_squeeze %dma_wait3A_121 : memref<1x80xi32, #tpu.memory_space<vmem>> -> memref<80xi32, #tpu.memory_space<vmem>>
      %dma_wait3A_123 = arith.constant 0 : i32
      %dma_wait3A_124 = arith.constant 0 : i32
      %dma_wait3A_125 = tpu.memref_slice %arg9[%dma_wait3A_123, %dma_wait3A_124] : memref<10240x128xf32, #tpu.memory_space<vmem_shared>> -> memref<10240x128xf32, #tpu.memory_space<vmem_shared>>
      tpu.wait_indirect_dma semaphore(%run_scoped3A_105 : memref<!tpu.dma_semaphore, #tpu.memory_space<semaphore_mem>>) src(%dma_wait3A_119 : memref<80x128xf32, #tpu.memory_space<vmem>>) dst(%dma_wait3A_125 : memref<10240x128xf32, #tpu.memory_space<vmem_shared>>)
      tpu.yield
    }) : () -> ()
    %barrier3A_72 = arith.constant 0 : index
    tpu.barrier barrier_id(%barrier3A_72)
    %mul3A_73 = arith.constant 640 : i32
    %mul3A_74 = arith.muli %arg1, %mul3A_73 : i32
    %add3A_75 = arith.constant 0 : i32
    %add3A_76 = arith.addi %mul3A_74, %add3A_75 : i32
    "tpu.region"() ({
      %run_scoped3A_105 = tpu.sem_alloc : memref<!tpu.dma_semaphore, #tpu.memory_space<semaphore_mem>>
      %dma_start3A_106 = arith.constant 0 : i32
      %dma_start3A_107 = tpu.memref_slice %arg5[%arg0, %add3A_76, %dma_start3A_106] : memref<2x10240x128xf32, #tpu.memory_space<hbm>> -> memref<1x80x128xf32, #tpu.memory_space<hbm>>
      %dma_start3A_108 = tpu.memref_squeeze %dma_start3A_107 : memref<1x80x128xf32, #tpu.memory_space<hbm>> -> memref<80x128xf32, #tpu.memory_space<hbm>>
      %dma_start3A_109 = arith.constant 0 : i32
      %dma_start3A_110 = tpu.memref_slice %arg9[%add3A_76, %dma_start3A_109] : memref<10240x128xf32, #tpu.memory_space<vmem_shared>> -> memref<80x128xf32, #tpu.memory_space<vmem_shared>>
      tpu.enqueue_dma source(%dma_start3A_110 : memref<80x128xf32, #tpu.memory_space<vmem_shared>>) target(%dma_start3A_108 : memref<80x128xf32, #tpu.memory_space<hbm>>) target_semaphore(%run_scoped3A_105 : memref<!tpu.dma_semaphore, #tpu.memory_space<semaphore_mem>>)
      %dma_wait3A_111 = arith.constant 0 : i32
      %dma_wait3A_112 = tpu.memref_slice %arg5[%arg0, %add3A_76, %dma_wait3A_111] : memref<2x10240x128xf32, #tpu.memory_space<hbm>> -> memref<1x80x128xf32, #tpu.memory_space<hbm>>
      %dma_wait3A_113 = tpu.memref_squeeze %dma_wait3A_112 : memref<1x80x128xf32, #tpu.memory_space<hbm>> -> memref<80x128xf32, #tpu.memory_space<hbm>>
      %dma_wait3A_114 = arith.constant 0 : i32
      %dma_wait3A_115 = tpu.memref_slice %arg9[%add3A_76, %dma_wait3A_114] : memref<10240x128xf32, #tpu.memory_space<vmem_shared>> -> memref<80x128xf32, #tpu.memory_space<vmem_shared>>
      tpu.wait_dma2 semaphore(%run_scoped3A_105 : memref<!tpu.dma_semaphore, #tpu.memory_space<semaphore_mem>>) src(%dma_wait3A_115 : memref<80x128xf32, #tpu.memory_space<vmem_shared>>) dst(%dma_wait3A_113 : memref<80x128xf32, #tpu.memory_space<hbm>>)
      tpu.yield
    }) : () -> ()
    %mul3A_77 = arith.constant 640 : i32
    %mul3A_78 = arith.muli %arg1, %mul3A_77 : i32
    %add3A_79 = arith.constant 80 : i32
    %add3A_80 = arith.addi %mul3A_78, %add3A_79 : i32
    "tpu.region"() ({
      %run_scoped3A_105 = tpu.sem_alloc : memref<!tpu.dma_semaphore, #tpu.memory_space<semaphore_mem>>
      %dma_start3A_106 = arith.constant 0 : i32
      %dma_start3A_107 = tpu.memref_slice %arg5[%arg0, %add3A_80, %dma_start3A_106] : memref<2x10240x128xf32, #tpu.memory_space<hbm>> -> memref<1x80x128xf32, #tpu.memory_space<hbm>>
      %dma_start3A_108 = tpu.memref_squeeze %dma_start3A_107 : memref<1x80x128xf32, #tpu.memory_space<hbm>> -> memref<80x128xf32, #tpu.memory_space<hbm>>
      %dma_start3A_109 = arith.constant 0 : i32
      %dma_start3A_110 = tpu.memref_slice %arg9[%add3A_80, %dma_start3A_109] : memref<10240x128xf32, #tpu.memory_space<vmem_shared>> -> memref<80x128xf32, #tpu.memory_space<vmem_shared>>
      tpu.enqueue_dma source(%dma_start3A_110 : memref<80x128xf32, #tpu.memory_space<vmem_shared>>) target(%dma_start3A_108 : memref<80x128xf32, #tpu.memory_space<hbm>>) target_semaphore(%run_scoped3A_105 : memref<!tpu.dma_semaphore, #tpu.memory_space<semaphore_mem>>)
      %dma_wait3A_111 = arith.constant 0 : i32
      %dma_wait3A_112 = tpu.memref_slice %arg5[%arg0, %add3A_80, %dma_wait3A_111] : memref<2x10240x128xf32, #tpu.memory_space<hbm>> -> memref<1x80x128xf32, #tpu.memory_space<hbm>>
      %dma_wait3A_113 = tpu.memref_squeeze %dma_wait3A_112 : memref<1x80x128xf32, #tpu.memory_space<hbm>> -> memref<80x128xf32, #tpu.memory_space<hbm>>
      %dma_wait3A_114 = arith.constant 0 : i32
      %dma_wait3A_115 = tpu.memref_slice %arg9[%add3A_80, %dma_wait3A_114] : memref<10240x128xf32, #tpu.memory_space<vmem_shared>> -> memref<80x128xf32, #tpu.memory_space<vmem_shared>>
      tpu.wait_dma2 semaphore(%run_scoped3A_105 : memref<!tpu.dma_semaphore, #tpu.memory_space<semaphore_mem>>) src(%dma_wait3A_115 : memref<80x128xf32, #tpu.memory_space<vmem_shared>>) dst(%dma_wait3A_113 : memref<80x128xf32, #tpu.memory_space<hbm>>)
      tpu.yield
    }) : () -> ()
    %mul3A_81 = arith.constant 640 : i32
    %mul3A_82 = arith.muli %arg1, %mul3A_81 : i32
    %add3A_83 = arith.constant 160 : i32
    %add3A_84 = arith.addi %mul3A_82, %add3A_83 : i32
    "tpu.region"() ({
      %run_scoped3A_105 = tpu.sem_alloc : memref<!tpu.dma_semaphore, #tpu.memory_space<semaphore_mem>>
      %dma_start3A_106 = arith.constant 0 : i32
      %dma_start3A_107 = tpu.memref_slice %arg5[%arg0, %add3A_84, %dma_start3A_106] : memref<2x10240x128xf32, #tpu.memory_space<hbm>> -> memref<1x80x128xf32, #tpu.memory_space<hbm>>
      %dma_start3A_108 = tpu.memref_squeeze %dma_start3A_107 : memref<1x80x128xf32, #tpu.memory_space<hbm>> -> memref<80x128xf32, #tpu.memory_space<hbm>>
      %dma_start3A_109 = arith.constant 0 : i32
      %dma_start3A_110 = tpu.memref_slice %arg9[%add3A_84, %dma_start3A_109] : memref<10240x128xf32, #tpu.memory_space<vmem_shared>> -> memref<80x128xf32, #tpu.memory_space<vmem_shared>>
      tpu.enqueue_dma source(%dma_start3A_110 : memref<80x128xf32, #tpu.memory_space<vmem_shared>>) target(%dma_start3A_108 : memref<80x128xf32, #tpu.memory_space<hbm>>) target_semaphore(%run_scoped3A_105 : memref<!tpu.dma_semaphore, #tpu.memory_space<semaphore_mem>>)
      %dma_wait3A_111 = arith.constant 0 : i32
      %dma_wait3A_112 = tpu.memref_slice %arg5[%arg0, %add3A_84, %dma_wait3A_111] : memref<2x10240x128xf32, #tpu.memory_space<hbm>> -> memref<1x80x128xf32, #tpu.memory_space<hbm>>
      %dma_wait3A_113 = tpu.memref_squeeze %dma_wait3A_112 : memref<1x80x128xf32, #tpu.memory_space<hbm>> -> memref<80x128xf32, #tpu.memory_space<hbm>>
      %dma_wait3A_114 = arith.constant 0 : i32
      %dma_wait3A_115 = tpu.memref_slice %arg9[%add3A_84, %dma_wait3A_114] : memref<10240x128xf32, #tpu.memory_space<vmem_shared>> -> memref<80x128xf32, #tpu.memory_space<vmem_shared>>
      tpu.wait_dma2 semaphore(%run_scoped3A_105 : memref<!tpu.dma_semaphore, #tpu.memory_space<semaphore_mem>>) src(%dma_wait3A_115 : memref<80x128xf32, #tpu.memory_space<vmem_shared>>) dst(%dma_wait3A_113 : memref<80x128xf32, #tpu.memory_space<hbm>>)
      tpu.yield
    }) : () -> ()
    %mul3A_85 = arith.constant 640 : i32
    %mul3A_86 = arith.muli %arg1, %mul3A_85 : i32
    %add3A_87 = arith.constant 240 : i32
    %add3A_88 = arith.addi %mul3A_86, %add3A_87 : i32
    "tpu.region"() ({
      %run_scoped3A_105 = tpu.sem_alloc : memref<!tpu.dma_semaphore, #tpu.memory_space<semaphore_mem>>
      %dma_start3A_106 = arith.constant 0 : i32
      %dma_start3A_107 = tpu.memref_slice %arg5[%arg0, %add3A_88, %dma_start3A_106] : memref<2x10240x128xf32, #tpu.memory_space<hbm>> -> memref<1x80x128xf32, #tpu.memory_space<hbm>>
      %dma_start3A_108 = tpu.memref_squeeze %dma_start3A_107 : memref<1x80x128xf32, #tpu.memory_space<hbm>> -> memref<80x128xf32, #tpu.memory_space<hbm>>
      %dma_start3A_109 = arith.constant 0 : i32
      %dma_start3A_110 = tpu.memref_slice %arg9[%add3A_88, %dma_start3A_109] : memref<10240x128xf32, #tpu.memory_space<vmem_shared>> -> memref<80x128xf32, #tpu.memory_space<vmem_shared>>
      tpu.enqueue_dma source(%dma_start3A_110 : memref<80x128xf32, #tpu.memory_space<vmem_shared>>) target(%dma_start3A_108 : memref<80x128xf32, #tpu.memory_space<hbm>>) target_semaphore(%run_scoped3A_105 : memref<!tpu.dma_semaphore, #tpu.memory_space<semaphore_mem>>)
      %dma_wait3A_111 = arith.constant 0 : i32
      %dma_wait3A_112 = tpu.memref_slice %arg5[%arg0, %add3A_88, %dma_wait3A_111] : memref<2x10240x128xf32, #tpu.memory_space<hbm>> -> memref<1x80x128xf32, #tpu.memory_space<hbm>>
      %dma_wait3A_113 = tpu.memref_squeeze %dma_wait3A_112 : memref<1x80x128xf32, #tpu.memory_space<hbm>> -> memref<80x128xf32, #tpu.memory_space<hbm>>
      %dma_wait3A_114 = arith.constant 0 : i32
      %dma_wait3A_115 = tpu.memref_slice %arg9[%add3A_88, %dma_wait3A_114] : memref<10240x128xf32, #tpu.memory_space<vmem_shared>> -> memref<80x128xf32, #tpu.memory_space<vmem_shared>>
      tpu.wait_dma2 semaphore(%run_scoped3A_105 : memref<!tpu.dma_semaphore, #tpu.memory_space<semaphore_mem>>) src(%dma_wait3A_115 : memref<80x128xf32, #tpu.memory_space<vmem_shared>>) dst(%dma_wait3A_113 : memref<80x128xf32, #tpu.memory_space<hbm>>)
      tpu.yield
    }) : () -> ()
    %mul3A_89 = arith.constant 640 : i32
    %mul3A_90 = arith.muli %arg1, %mul3A_89 : i32
    %add3A_91 = arith.constant 320 : i32
    %add3A_92 = arith.addi %mul3A_90, %add3A_91 : i32
    "tpu.region"() ({
      %run_scoped3A_105 = tpu.sem_alloc : memref<!tpu.dma_semaphore, #tpu.memory_space<semaphore_mem>>
      %dma_start3A_106 = arith.constant 0 : i32
      %dma_start3A_107 = tpu.memref_slice %arg5[%arg0, %add3A_92, %dma_start3A_106] : memref<2x10240x128xf32, #tpu.memory_space<hbm>> -> memref<1x80x128xf32, #tpu.memory_space<hbm>>
      %dma_start3A_108 = tpu.memref_squeeze %dma_start3A_107 : memref<1x80x128xf32, #tpu.memory_space<hbm>> -> memref<80x128xf32, #tpu.memory_space<hbm>>
      %dma_start3A_109 = arith.constant 0 : i32
      %dma_start3A_110 = tpu.memref_slice %arg9[%add3A_92, %dma_start3A_109] : memref<10240x128xf32, #tpu.memory_space<vmem_shared>> -> memref<80x128xf32, #tpu.memory_space<vmem_shared>>
      tpu.enqueue_dma source(%dma_start3A_110 : memref<80x128xf32, #tpu.memory_space<vmem_shared>>) target(%dma_start3A_108 : memref<80x128xf32, #tpu.memory_space<hbm>>) target_semaphore(%run_scoped3A_105 : memref<!tpu.dma_semaphore, #tpu.memory_space<semaphore_mem>>)
      %dma_wait3A_111 = arith.constant 0 : i32
      %dma_wait3A_112 = tpu.memref_slice %arg5[%arg0, %add3A_92, %dma_wait3A_111] : memref<2x10240x128xf32, #tpu.memory_space<hbm>> -> memref<1x80x128xf32, #tpu.memory_space<hbm>>
      %dma_wait3A_113 = tpu.memref_squeeze %dma_wait3A_112 : memref<1x80x128xf32, #tpu.memory_space<hbm>> -> memref<80x128xf32, #tpu.memory_space<hbm>>
      %dma_wait3A_114 = arith.constant 0 : i32
      %dma_wait3A_115 = tpu.memref_slice %arg9[%add3A_92, %dma_wait3A_114] : memref<10240x128xf32, #tpu.memory_space<vmem_shared>> -> memref<80x128xf32, #tpu.memory_space<vmem_shared>>
      tpu.wait_dma2 semaphore(%run_scoped3A_105 : memref<!tpu.dma_semaphore, #tpu.memory_space<semaphore_mem>>) src(%dma_wait3A_115 : memref<80x128xf32, #tpu.memory_space<vmem_shared>>) dst(%dma_wait3A_113 : memref<80x128xf32, #tpu.memory_space<hbm>>)
      tpu.yield
    }) : () -> ()
    %mul3A_93 = arith.constant 640 : i32
    %mul3A_94 = arith.muli %arg1, %mul3A_93 : i32
    %add3A_95 = arith.constant 400 : i32
    %add3A_96 = arith.addi %mul3A_94, %add3A_95 : i32
    "tpu.region"() ({
      %run_scoped3A_105 = tpu.sem_alloc : memref<!tpu.dma_semaphore, #tpu.memory_space<semaphore_mem>>
      %dma_start3A_106 = arith.constant 0 : i32
      %dma_start3A_107 = tpu.memref_slice %arg5[%arg0, %add3A_96, %dma_start3A_106] : memref<2x10240x128xf32, #tpu.memory_space<hbm>> -> memref<1x80x128xf32, #tpu.memory_space<hbm>>
      %dma_start3A_108 = tpu.memref_squeeze %dma_start3A_107 : memref<1x80x128xf32, #tpu.memory_space<hbm>> -> memref<80x128xf32, #tpu.memory_space<hbm>>
      %dma_start3A_109 = arith.constant 0 : i32
      %dma_start3A_110 = tpu.memref_slice %arg9[%add3A_96, %dma_start3A_109] : memref<10240x128xf32, #tpu.memory_space<vmem_shared>> -> memref<80x128xf32, #tpu.memory_space<vmem_shared>>
      tpu.enqueue_dma source(%dma_start3A_110 : memref<80x128xf32, #tpu.memory_space<vmem_shared>>) target(%dma_start3A_108 : memref<80x128xf32, #tpu.memory_space<hbm>>) target_semaphore(%run_scoped3A_105 : memref<!tpu.dma_semaphore, #tpu.memory_space<semaphore_mem>>)
      %dma_wait3A_111 = arith.constant 0 : i32
      %dma_wait3A_112 = tpu.memref_slice %arg5[%arg0, %add3A_96, %dma_wait3A_111] : memref<2x10240x128xf32, #tpu.memory_space<hbm>> -> memref<1x80x128xf32, #tpu.memory_space<hbm>>
      %dma_wait3A_113 = tpu.memref_squeeze %dma_wait3A_112 : memref<1x80x128xf32, #tpu.memory_space<hbm>> -> memref<80x128xf32, #tpu.memory_space<hbm>>
      %dma_wait3A_114 = arith.constant 0 : i32
      %dma_wait3A_115 = tpu.memref_slice %arg9[%add3A_96, %dma_wait3A_114] : memref<10240x128xf32, #tpu.memory_space<vmem_shared>> -> memref<80x128xf32, #tpu.memory_space<vmem_shared>>
      tpu.wait_dma2 semaphore(%run_scoped3A_105 : memref<!tpu.dma_semaphore, #tpu.memory_space<semaphore_mem>>) src(%dma_wait3A_115 : memref<80x128xf32, #tpu.memory_space<vmem_shared>>) dst(%dma_wait3A_113 : memref<80x128xf32, #tpu.memory_space<hbm>>)
      tpu.yield
    }) : () -> ()
    %mul3A_97 = arith.constant 640 : i32
    %mul3A_98 = arith.muli %arg1, %mul3A_97 : i32
    %add3A_99 = arith.constant 480 : i32
    %add3A_100 = arith.addi %mul3A_98, %add3A_99 : i32
    "tpu.region"() ({
      %run_scoped3A_105 = tpu.sem_alloc : memref<!tpu.dma_semaphore, #tpu.memory_space<semaphore_mem>>
      %dma_start3A_106 = arith.constant 0 : i32
      %dma_start3A_107 = tpu.memref_slice %arg5[%arg0, %add3A_100, %dma_start3A_106] : memref<2x10240x128xf32, #tpu.memory_space<hbm>> -> memref<1x80x128xf32, #tpu.memory_space<hbm>>
      %dma_start3A_108 = tpu.memref_squeeze %dma_start3A_107 : memref<1x80x128xf32, #tpu.memory_space<hbm>> -> memref<80x128xf32, #tpu.memory_space<hbm>>
      %dma_start3A_109 = arith.constant 0 : i32
      %dma_start3A_110 = tpu.memref_slice %arg9[%add3A_100, %dma_start3A_109] : memref<10240x128xf32, #tpu.memory_space<vmem_shared>> -> memref<80x128xf32, #tpu.memory_space<vmem_shared>>
      tpu.enqueue_dma source(%dma_start3A_110 : memref<80x128xf32, #tpu.memory_space<vmem_shared>>) target(%dma_start3A_108 : memref<80x128xf32, #tpu.memory_space<hbm>>) target_semaphore(%run_scoped3A_105 : memref<!tpu.dma_semaphore, #tpu.memory_space<semaphore_mem>>)
      %dma_wait3A_111 = arith.constant 0 : i32
      %dma_wait3A_112 = tpu.memref_slice %arg5[%arg0, %add3A_100, %dma_wait3A_111] : memref<2x10240x128xf32, #tpu.memory_space<hbm>> -> memref<1x80x128xf32, #tpu.memory_space<hbm>>
      %dma_wait3A_113 = tpu.memref_squeeze %dma_wait3A_112 : memref<1x80x128xf32, #tpu.memory_space<hbm>> -> memref<80x128xf32, #tpu.memory_space<hbm>>
      %dma_wait3A_114 = arith.constant 0 : i32
      %dma_wait3A_115 = tpu.memref_slice %arg9[%add3A_100, %dma_wait3A_114] : memref<10240x128xf32, #tpu.memory_space<vmem_shared>> -> memref<80x128xf32, #tpu.memory_space<vmem_shared>>
      tpu.wait_dma2 semaphore(%run_scoped3A_105 : memref<!tpu.dma_semaphore, #tpu.memory_space<semaphore_mem>>) src(%dma_wait3A_115 : memref<80x128xf32, #tpu.memory_space<vmem_shared>>) dst(%dma_wait3A_113 : memref<80x128xf32, #tpu.memory_space<hbm>>)
      tpu.yield
    }) : () -> ()
    %mul3A_101 = arith.constant 640 : i32
    %mul3A_102 = arith.muli %arg1, %mul3A_101 : i32
    %add3A_103 = arith.constant 560 : i32
    %add3A_104 = arith.addi %mul3A_102, %add3A_103 : i32
    "tpu.region"() ({
      %run_scoped3A_105 = tpu.sem_alloc : memref<!tpu.dma_semaphore, #tpu.memory_space<semaphore_mem>>
      %dma_start3A_106 = arith.constant 0 : i32
      %dma_start3A_107 = tpu.memref_slice %arg5[%arg0, %add3A_104, %dma_start3A_106] : memref<2x10240x128xf32, #tpu.memory_space<hbm>> -> memref<1x80x128xf32, #tpu.memory_space<hbm>>
      %dma_start3A_108 = tpu.memref_squeeze %dma_start3A_107 : memref<1x80x128xf32, #tpu.memory_space<hbm>> -> memref<80x128xf32, #tpu.memory_space<hbm>>
      %dma_start3A_109 = arith.constant 0 : i32
      %dma_start3A_110 = tpu.memref_slice %arg9[%add3A_104, %dma_start3A_109] : memref<10240x128xf32, #tpu.memory_space<vmem_shared>> -> memref<80x128xf32, #tpu.memory_space<vmem_shared>>
      tpu.enqueue_dma source(%dma_start3A_110 : memref<80x128xf32, #tpu.memory_space<vmem_shared>>) target(%dma_start3A_108 : memref<80x128xf32, #tpu.memory_space<hbm>>) target_semaphore(%run_scoped3A_105 : memref<!tpu.dma_semaphore, #tpu.memory_space<semaphore_mem>>)
      %dma_wait3A_111 = arith.constant 0 : i32
      %dma_wait3A_112 = tpu.memref_slice %arg5[%arg0, %add3A_104, %dma_wait3A_111] : memref<2x10240x128xf32, #tpu.memory_space<hbm>> -> memref<1x80x128xf32, #tpu.memory_space<hbm>>
      %dma_wait3A_113 = tpu.memref_squeeze %dma_wait3A_112 : memref<1x80x128xf32, #tpu.memory_space<hbm>> -> memref<80x128xf32, #tpu.memory_space<hbm>>
      %dma_wait3A_114 = arith.constant 0 : i32
      %dma_wait3A_115 = tpu.memref_slice %arg9[%add3A_104, %dma_wait3A_114] : memref<10240x128xf32, #tpu.memory_space<vmem_shared>> -> memref<80x128xf32, #tpu.memory_space<vmem_shared>>
      tpu.wait_dma2 semaphore(%run_scoped3A_105 : memref<!tpu.dma_semaphore, #tpu.memory_space<semaphore_mem>>) src(%dma_wait3A_115 : memref<80x128xf32, #tpu.memory_space<vmem_shared>>) dst(%dma_wait3A_113 : memref<80x128xf32, #tpu.memory_space<hbm>>)
      tpu.yield
    }) : () -> ()
    return
  }
}

#map = affine_map<(d0, d1) -> (0, 0)>
#map1 = affine_map<(d0, d1) -> (0, 0, 0)>
module attributes {stable_mosaic.version = 14 : i64} {
  func.func @_sc_aggregate_body(%arg0: i32, %arg1: i32, %arg2: memref<10240x128xf32, #tpu.memory_space<hbm>>, %arg3: memref<32x10000xi32, #tpu.memory_space<hbm>>, %arg4: memref<32x125x80xi32, #tpu.memory_space<hbm>>, %arg5: memref<2x10240x128xf32, #tpu.memory_space<hbm>>, %arg6: memref<10000xi32, #tpu.memory_space<vmem>>, %arg7: memref<125x80xi32, #tpu.memory_space<vmem>>, %arg8: memref<2x80x128xf32, #tpu.memory_space<vmem>>, %arg9: memref<10240x128xf32, #tpu.memory_space<vmem_shared>>, %arg10: memref<!tpu.dma_semaphore, #tpu.memory_space<semaphore_mem>>) attributes {dimension_semantics = [#tpu.dimension_semantics<core_parallel>, #tpu.dimension_semantics<subcore_parallel>], iteration_bounds = array<i64: 2, 16>, scalar_prefetch = 0 : i64, scratch_operands = 5 : i64, tpu.core_type = #tpu.core_type<sc_vector_subcore>, window_params = [{transform_indices = #map}, {transform_indices = #map}, {transform_indices = #map1}, {transform_indices = #map1}]} {
    %mul3A = arith.constant 16 : i32
    %mul3A_0 = arith.muli %arg0, %mul3A : i32
    %add3A = arith.addi %mul3A_0, %arg1 : i32
    "tpu.region"() ({
      %run_scoped3A_105 = tpu.sem_alloc : memref<!tpu.dma_semaphore, #tpu.memory_space<semaphore_mem>>
      %dma_start3A_106 = arith.constant 0 : i32
      %dma_start3A_107 = tpu.memref_slice %arg3[%add3A, %dma_start3A_106] : memref<32x10000xi32, #tpu.memory_space<hbm>> -> memref<1x10000xi32, #tpu.memory_space<hbm>>
      %dma_start3A_108 = tpu.memref_squeeze %dma_start3A_107 : memref<1x10000xi32, #tpu.memory_space<hbm>> -> memref<10000xi32, #tpu.memory_space<hbm>>
      %dma_start3A_109 = arith.constant 0 : i32
      %dma_start3A_110 = tpu.memref_slice %arg3[%add3A, %dma_start3A_109] : memref<32x10000xi32, #tpu.memory_space<hbm>> -> memref<1x10000xi32, #tpu.memory_space<hbm>>
      %dma_start3A_111 = tpu.memref_squeeze %dma_start3A_110 : memref<1x10000xi32, #tpu.memory_space<hbm>> -> memref<10000xi32, #tpu.memory_space<hbm>>
      tpu.enqueue_dma source(%dma_start3A_111 : memref<10000xi32, #tpu.memory_space<hbm>>) target(%arg6 : memref<10000xi32, #tpu.memory_space<vmem>>) target_semaphore(%run_scoped3A_105 : memref<!tpu.dma_semaphore, #tpu.memory_space<semaphore_mem>>)
      %dma_wait3A_112 = arith.constant 0 : i32
      %dma_wait3A_113 = tpu.memref_slice %arg3[%add3A, %dma_wait3A_112] : memref<32x10000xi32, #tpu.memory_space<hbm>> -> memref<1x10000xi32, #tpu.memory_space<hbm>>
      %dma_wait3A_114 = tpu.memref_squeeze %dma_wait3A_113 : memref<1x10000xi32, #tpu.memory_space<hbm>> -> memref<10000xi32, #tpu.memory_space<hbm>>
      %dma_wait3A_115 = arith.constant 0 : i32
      %dma_wait3A_116 = tpu.memref_slice %arg3[%add3A, %dma_wait3A_115] : memref<32x10000xi32, #tpu.memory_space<hbm>> -> memref<1x10000xi32, #tpu.memory_space<hbm>>
      %dma_wait3A_117 = tpu.memref_squeeze %dma_wait3A_116 : memref<1x10000xi32, #tpu.memory_space<hbm>> -> memref<10000xi32, #tpu.memory_space<hbm>>
      tpu.wait_dma2 semaphore(%run_scoped3A_105 : memref<!tpu.dma_semaphore, #tpu.memory_space<semaphore_mem>>) src(%dma_wait3A_117 : memref<10000xi32, #tpu.memory_space<hbm>>) dst(%arg6 : memref<10000xi32, #tpu.memory_space<vmem>>)
      tpu.yield
    }) : () -> ()
    "tpu.region"() ({
      %run_scoped3A_105 = tpu.sem_alloc : memref<!tpu.dma_semaphore, #tpu.memory_space<semaphore_mem>>
      %dma_start3A_106 = arith.constant 0 : i32
      %dma_start3A_107 = arith.constant 0 : i32
      %dma_start3A_108 = tpu.memref_slice %arg4[%add3A, %dma_start3A_106, %dma_start3A_107] : memref<32x125x80xi32, #tpu.memory_space<hbm>> -> memref<1x125x80xi32, #tpu.memory_space<hbm>>
      %dma_start3A_109 = tpu.memref_squeeze %dma_start3A_108 : memref<1x125x80xi32, #tpu.memory_space<hbm>> -> memref<125x80xi32, #tpu.memory_space<hbm>>
      %dma_start3A_110 = arith.constant 0 : i32
      %dma_start3A_111 = arith.constant 0 : i32
      %dma_start3A_112 = tpu.memref_slice %arg4[%add3A, %dma_start3A_110, %dma_start3A_111] : memref<32x125x80xi32, #tpu.memory_space<hbm>> -> memref<1x125x80xi32, #tpu.memory_space<hbm>>
      %dma_start3A_113 = tpu.memref_squeeze %dma_start3A_112 : memref<1x125x80xi32, #tpu.memory_space<hbm>> -> memref<125x80xi32, #tpu.memory_space<hbm>>
      tpu.enqueue_dma source(%dma_start3A_113 : memref<125x80xi32, #tpu.memory_space<hbm>>) target(%arg7 : memref<125x80xi32, #tpu.memory_space<vmem>>) target_semaphore(%run_scoped3A_105 : memref<!tpu.dma_semaphore, #tpu.memory_space<semaphore_mem>>)
      %dma_wait3A_114 = arith.constant 0 : i32
      %dma_wait3A_115 = arith.constant 0 : i32
      %dma_wait3A_116 = tpu.memref_slice %arg4[%add3A, %dma_wait3A_114, %dma_wait3A_115] : memref<32x125x80xi32, #tpu.memory_space<hbm>> -> memref<1x125x80xi32, #tpu.memory_space<hbm>>
      %dma_wait3A_117 = tpu.memref_squeeze %dma_wait3A_116 : memref<1x125x80xi32, #tpu.memory_space<hbm>> -> memref<125x80xi32, #tpu.memory_space<hbm>>
      %dma_wait3A_118 = arith.constant 0 : i32
      %dma_wait3A_119 = arith.constant 0 : i32
      %dma_wait3A_120 = tpu.memref_slice %arg4[%add3A, %dma_wait3A_118, %dma_wait3A_119] : memref<32x125x80xi32, #tpu.memory_space<hbm>> -> memref<1x125x80xi32, #tpu.memory_space<hbm>>
      %dma_wait3A_121 = tpu.memref_squeeze %dma_wait3A_120 : memref<1x125x80xi32, #tpu.memory_space<hbm>> -> memref<125x80xi32, #tpu.memory_space<hbm>>
      tpu.wait_dma2 semaphore(%run_scoped3A_105 : memref<!tpu.dma_semaphore, #tpu.memory_space<semaphore_mem>>) src(%dma_wait3A_121 : memref<125x80xi32, #tpu.memory_space<hbm>>) dst(%arg7 : memref<125x80xi32, #tpu.memory_space<vmem>>)
      tpu.yield
    }) : () -> ()
    %broadcast_in_dim3A = arith.constant 0.000000e+00 : f32
    %broadcast_in_dim3A_1 = vector.broadcast %broadcast_in_dim3A : f32 to vector<16xf32>
    %scan3A = arith.constant 0 : i32
    %scan3A_2 = arith.constant 0 : i32
    %scan3A_3 = arith.constant 80 : i32
    %scan3A_4 = arith.addi %scan3A_2, %scan3A_3 : i32
    %scan3A_5 = arith.constant 1 : i32
    scf.for %scan3A_105 = %scan3A_2 to %scan3A_4 step %scan3A_5  : i32 {
      %swap3A = arith.constant 0 : i32
      %swap3A_106 = arith.index_cast %swap3A : i32 to index
      %swap3A_107 = arith.index_cast %scan3A_105 : i32 to index
      %swap3A_108 = arith.constant 0 : index
      %swap3A_109 = tpu.vector_load %arg8[%swap3A_106, %swap3A_107, %swap3A_108] {strides = array<i32>} : memref<2x80x128xf32, #tpu.memory_space<vmem>>, vector<1x1x16xf32>,
      %swap3A_110 = vector.shape_cast %swap3A_109 : vector<1x1x16xf32> to vector<16xf32>
      %swap3A_111 = vector.shape_cast %broadcast_in_dim3A_1 : vector<16xf32> to vector<1x1x16xf32>
      tpu.vector_store %arg8[%swap3A_106, %swap3A_107, %swap3A_108], %swap3A_111 {strides = array<i32>} : memref<2x80x128xf32, #tpu.memory_space<vmem>>, vector<1x1x16xf32>,
      %swap3A_112 = arith.constant 0 : i32
      %swap3A_113 = arith.index_cast %swap3A_112 : i32 to index
      %swap3A_114 = arith.index_cast %scan3A_105 : i32 to index
      %swap3A_115 = arith.constant 16 : index
      %swap3A_116 = tpu.vector_load %arg8[%swap3A_113, %swap3A_114, %swap3A_115] {strides = array<i32>} : memref<2x80x128xf32, #tpu.memory_space<vmem>>, vector<1x1x16xf32>,
      %swap3A_117 = vector.shape_cast %swap3A_116 : vector<1x1x16xf32> to vector<16xf32>
      %swap3A_118 = vector.shape_cast %broadcast_in_dim3A_1 : vector<16xf32> to vector<1x1x16xf32>
      tpu.vector_store %arg8[%swap3A_113, %swap3A_114, %swap3A_115], %swap3A_118 {strides = array<i32>} : memref<2x80x128xf32, #tpu.memory_space<vmem>>, vector<1x1x16xf32>,
      %swap3A_119 = arith.constant 0 : i32
      %swap3A_120 = arith.index_cast %swap3A_119 : i32 to index
      %swap3A_121 = arith.index_cast %scan3A_105 : i32 to index
      %swap3A_122 = arith.constant 32 : index
      %swap3A_123 = tpu.vector_load %arg8[%swap3A_120, %swap3A_121, %swap3A_122] {strides = array<i32>} : memref<2x80x128xf32, #tpu.memory_space<vmem>>, vector<1x1x16xf32>,
      %swap3A_124 = vector.shape_cast %swap3A_123 : vector<1x1x16xf32> to vector<16xf32>
      %swap3A_125 = vector.shape_cast %broadcast_in_dim3A_1 : vector<16xf32> to vector<1x1x16xf32>
      tpu.vector_store %arg8[%swap3A_120, %swap3A_121, %swap3A_122], %swap3A_125 {strides = array<i32>} : memref<2x80x128xf32, #tpu.memory_space<vmem>>, vector<1x1x16xf32>,
      %swap3A_126 = arith.constant 0 : i32
      %swap3A_127 = arith.index_cast %swap3A_126 : i32 to index
      %swap3A_128 = arith.index_cast %scan3A_105 : i32 to index
      %swap3A_129 = arith.constant 48 : index
      %swap3A_130 = tpu.vector_load %arg8[%swap3A_127, %swap3A_128, %swap3A_129] {strides = array<i32>} : memref<2x80x128xf32, #tpu.memory_space<vmem>>, vector<1x1x16xf32>,
      %swap3A_131 = vector.shape_cast %swap3A_130 : vector<1x1x16xf32> to vector<16xf32>
      %swap3A_132 = vector.shape_cast %broadcast_in_dim3A_1 : vector<16xf32> to vector<1x1x16xf32>
      tpu.vector_store %arg8[%swap3A_127, %swap3A_128, %swap3A_129], %swap3A_132 {strides = array<i32>} : memref<2x80x128xf32, #tpu.memory_space<vmem>>, vector<1x1x16xf32>,
      %swap3A_133 = arith.constant 0 : i32
      %swap3A_134 = arith.index_cast %swap3A_133 : i32 to index
      %swap3A_135 = arith.index_cast %scan3A_105 : i32 to index
      %swap3A_136 = arith.constant 64 : index
      %swap3A_137 = tpu.vector_load %arg8[%swap3A_134, %swap3A_135, %swap3A_136] {strides = array<i32>} : memref<2x80x128xf32, #tpu.memory_space<vmem>>, vector<1x1x16xf32>,
      %swap3A_138 = vector.shape_cast %swap3A_137 : vector<1x1x16xf32> to vector<16xf32>
      %swap3A_139 = vector.shape_cast %broadcast_in_dim3A_1 : vector<16xf32> to vector<1x1x16xf32>
      tpu.vector_store %arg8[%swap3A_134, %swap3A_135, %swap3A_136], %swap3A_139 {strides = array<i32>} : memref<2x80x128xf32, #tpu.memory_space<vmem>>, vector<1x1x16xf32>,
      %swap3A_140 = arith.constant 0 : i32
      %swap3A_141 = arith.index_cast %swap3A_140 : i32 to index
      %swap3A_142 = arith.index_cast %scan3A_105 : i32 to index
      %swap3A_143 = arith.constant 80 : index
      %swap3A_144 = tpu.vector_load %arg8[%swap3A_141, %swap3A_142, %swap3A_143] {strides = array<i32>} : memref<2x80x128xf32, #tpu.memory_space<vmem>>, vector<1x1x16xf32>,
      %swap3A_145 = vector.shape_cast %swap3A_144 : vector<1x1x16xf32> to vector<16xf32>
      %swap3A_146 = vector.shape_cast %broadcast_in_dim3A_1 : vector<16xf32> to vector<1x1x16xf32>
      tpu.vector_store %arg8[%swap3A_141, %swap3A_142, %swap3A_143], %swap3A_146 {strides = array<i32>} : memref<2x80x128xf32, #tpu.memory_space<vmem>>, vector<1x1x16xf32>,
      %swap3A_147 = arith.constant 0 : i32
      %swap3A_148 = arith.index_cast %swap3A_147 : i32 to index
      %swap3A_149 = arith.index_cast %scan3A_105 : i32 to index
      %swap3A_150 = arith.constant 96 : index
      %swap3A_151 = tpu.vector_load %arg8[%swap3A_148, %swap3A_149, %swap3A_150] {strides = array<i32>} : memref<2x80x128xf32, #tpu.memory_space<vmem>>, vector<1x1x16xf32>,
      %swap3A_152 = vector.shape_cast %swap3A_151 : vector<1x1x16xf32> to vector<16xf32>
      %swap3A_153 = vector.shape_cast %broadcast_in_dim3A_1 : vector<16xf32> to vector<1x1x16xf32>
      tpu.vector_store %arg8[%swap3A_148, %swap3A_149, %swap3A_150], %swap3A_153 {strides = array<i32>} : memref<2x80x128xf32, #tpu.memory_space<vmem>>, vector<1x1x16xf32>,
      %swap3A_154 = arith.constant 0 : i32
      %swap3A_155 = arith.index_cast %swap3A_154 : i32 to index
      %swap3A_156 = arith.index_cast %scan3A_105 : i32 to index
      %swap3A_157 = arith.constant 112 : index
      %swap3A_158 = tpu.vector_load %arg8[%swap3A_155, %swap3A_156, %swap3A_157] {strides = array<i32>} : memref<2x80x128xf32, #tpu.memory_space<vmem>>, vector<1x1x16xf32>,
      %swap3A_159 = vector.shape_cast %swap3A_158 : vector<1x1x16xf32> to vector<16xf32>
      %swap3A_160 = vector.shape_cast %broadcast_in_dim3A_1 : vector<16xf32> to vector<1x1x16xf32>
      tpu.vector_store %arg8[%swap3A_155, %swap3A_156, %swap3A_157], %swap3A_160 {strides = array<i32>} : memref<2x80x128xf32, #tpu.memory_space<vmem>>, vector<1x1x16xf32>,
    }
    %scan3A_6 = arith.constant 80 : i32
    %mul3A_7 = arith.constant 640 : i32
    %mul3A_8 = arith.muli %arg1, %mul3A_7 : i32
    %add3A_9 = arith.constant 0 : i32
    %add3A_10 = arith.addi %mul3A_8, %add3A_9 : i32
    %run_scoped3A = arith.constant 0 : i32
    "tpu.region"() ({
      %run_scoped3A_105 = tpu.sem_alloc : memref<!tpu.dma_semaphore, #tpu.memory_space<semaphore_mem>>
      %dma_start3A_106 = arith.constant 0 : i32
      %dma_start3A_107 = arith.constant 0 : i32
      %dma_start3A_108 = tpu.memref_slice %arg8[%run_scoped3A, %dma_start3A_106, %dma_start3A_107] : memref<2x80x128xf32, #tpu.memory_space<vmem>> -> memref<1x80x128xf32, #tpu.memory_space<vmem>>
      %dma_start3A_109 = tpu.memref_squeeze %dma_start3A_108 : memref<1x80x128xf32, #tpu.memory_space<vmem>> -> memref<80x128xf32, #tpu.memory_space<vmem>>
      %dma_start3A_110 = arith.constant 0 : i32
      %dma_start3A_111 = tpu.memref_slice %arg9[%add3A_10, %dma_start3A_110] : memref<10240x128xf32, #tpu.memory_space<vmem_shared>> -> memref<80x128xf32, #tpu.memory_space<vmem_shared>>
      %dma_start3A_112 = arith.constant 0 : i32
      %dma_start3A_113 = tpu.memref_slice %arg9[%add3A_10, %dma_start3A_112] : memref<10240x128xf32, #tpu.memory_space<vmem_shared>> -> memref<80x128xf32, #tpu.memory_space<vmem_shared>>
      %dma_start3A_114 = arith.constant 0 : i32
      %dma_start3A_115 = arith.constant 0 : i32
      %dma_start3A_116 = tpu.memref_slice %arg8[%run_scoped3A, %dma_start3A_114, %dma_start3A_115] : memref<2x80x128xf32, #tpu.memory_space<vmem>> -> memref<1x80x128xf32, #tpu.memory_space<vmem>>
      %dma_start3A_117 = tpu.memref_squeeze %dma_start3A_116 : memref<1x80x128xf32, #tpu.memory_space<vmem>> -> memref<80x128xf32, #tpu.memory_space<vmem>>
      tpu.enqueue_dma source(%dma_start3A_117 : memref<80x128xf32, #tpu.memory_space<vmem>>) target(%dma_start3A_113 : memref<80x128xf32, #tpu.memory_space<vmem_shared>>) target_semaphore(%run_scoped3A_105 : memref<!tpu.dma_semaphore, #tpu.memory_space<semaphore_mem>>)
      %dma_wait3A_118 = arith.constant 0 : i32
      %dma_wait3A_119 = arith.constant 0 : i32
      %dma_wait3A_120 = tpu.memref_slice %arg8[%run_scoped3A, %dma_wait3A_118, %dma_wait3A_119] : memref<2x80x128xf32, #tpu.memory_space<vmem>> -> memref<1x80x128xf32, #tpu.memory_space<vmem>>
      %dma_wait3A_121 = tpu.memref_squeeze %dma_wait3A_120 : memref<1x80x128xf32, #tpu.memory_space<vmem>> -> memref<80x128xf32, #tpu.memory_space<vmem>>
      %dma_wait3A_122 = arith.constant 0 : i32
      %dma_wait3A_123 = tpu.memref_slice %arg9[%add3A_10, %dma_wait3A_122] : memref<10240x128xf32, #tpu.memory_space<vmem_shared>> -> memref<80x128xf32, #tpu.memory_space<vmem_shared>>
      %dma_wait3A_124 = arith.constant 0 : i32
      %dma_wait3A_125 = tpu.memref_slice %arg9[%add3A_10, %dma_wait3A_124] : memref<10240x128xf32, #tpu.memory_space<vmem_shared>> -> memref<80x128xf32, #tpu.memory_space<vmem_shared>>
      %dma_wait3A_126 = arith.constant 0 : i32
      %dma_wait3A_127 = arith.constant 0 : i32
      %dma_wait3A_128 = tpu.memref_slice %arg8[%run_scoped3A, %dma_wait3A_126, %dma_wait3A_127] : memref<2x80x128xf32, #tpu.memory_space<vmem>> -> memref<1x80x128xf32, #tpu.memory_space<vmem>>
      %dma_wait3A_129 = tpu.memref_squeeze %dma_wait3A_128 : memref<1x80x128xf32, #tpu.memory_space<vmem>> -> memref<80x128xf32, #tpu.memory_space<vmem>>
      tpu.wait_dma2 semaphore(%run_scoped3A_105 : memref<!tpu.dma_semaphore, #tpu.memory_space<semaphore_mem>>) src(%dma_wait3A_129 : memref<80x128xf32, #tpu.memory_space<vmem>>) dst(%dma_wait3A_125 : memref<80x128xf32, #tpu.memory_space<vmem_shared>>)
      tpu.yield
    }) : () -> ()
    %mul3A_11 = arith.constant 640 : i32
    %mul3A_12 = arith.muli %arg1, %mul3A_11 : i32
    %add3A_13 = arith.constant 80 : i32
    %add3A_14 = arith.addi %mul3A_12, %add3A_13 : i32
    %run_scoped3A_15 = arith.constant 0 : i32
    "tpu.region"() ({
      %run_scoped3A_105 = tpu.sem_alloc : memref<!tpu.dma_semaphore, #tpu.memory_space<semaphore_mem>>
      %dma_start3A_106 = arith.constant 0 : i32
      %dma_start3A_107 = arith.constant 0 : i32
      %dma_start3A_108 = tpu.memref_slice %arg8[%run_scoped3A_15, %dma_start3A_106, %dma_start3A_107] : memref<2x80x128xf32, #tpu.memory_space<vmem>> -> memref<1x80x128xf32, #tpu.memory_space<vmem>>
      %dma_start3A_109 = tpu.memref_squeeze %dma_start3A_108 : memref<1x80x128xf32, #tpu.memory_space<vmem>> -> memref<80x128xf32, #tpu.memory_space<vmem>>
      %dma_start3A_110 = arith.constant 0 : i32
      %dma_start3A_111 = tpu.memref_slice %arg9[%add3A_14, %dma_start3A_110] : memref<10240x128xf32, #tpu.memory_space<vmem_shared>> -> memref<80x128xf32, #tpu.memory_space<vmem_shared>>
      %dma_start3A_112 = arith.constant 0 : i32
      %dma_start3A_113 = tpu.memref_slice %arg9[%add3A_14, %dma_start3A_112] : memref<10240x128xf32, #tpu.memory_space<vmem_shared>> -> memref<80x128xf32, #tpu.memory_space<vmem_shared>>
      %dma_start3A_114 = arith.constant 0 : i32
      %dma_start3A_115 = arith.constant 0 : i32
      %dma_start3A_116 = tpu.memref_slice %arg8[%run_scoped3A_15, %dma_start3A_114, %dma_start3A_115] : memref<2x80x128xf32, #tpu.memory_space<vmem>> -> memref<1x80x128xf32, #tpu.memory_space<vmem>>
      %dma_start3A_117 = tpu.memref_squeeze %dma_start3A_116 : memref<1x80x128xf32, #tpu.memory_space<vmem>> -> memref<80x128xf32, #tpu.memory_space<vmem>>
      tpu.enqueue_dma source(%dma_start3A_117 : memref<80x128xf32, #tpu.memory_space<vmem>>) target(%dma_start3A_113 : memref<80x128xf32, #tpu.memory_space<vmem_shared>>) target_semaphore(%run_scoped3A_105 : memref<!tpu.dma_semaphore, #tpu.memory_space<semaphore_mem>>)
      %dma_wait3A_118 = arith.constant 0 : i32
      %dma_wait3A_119 = arith.constant 0 : i32
      %dma_wait3A_120 = tpu.memref_slice %arg8[%run_scoped3A_15, %dma_wait3A_118, %dma_wait3A_119] : memref<2x80x128xf32, #tpu.memory_space<vmem>> -> memref<1x80x128xf32, #tpu.memory_space<vmem>>
      %dma_wait3A_121 = tpu.memref_squeeze %dma_wait3A_120 : memref<1x80x128xf32, #tpu.memory_space<vmem>> -> memref<80x128xf32, #tpu.memory_space<vmem>>
      %dma_wait3A_122 = arith.constant 0 : i32
      %dma_wait3A_123 = tpu.memref_slice %arg9[%add3A_14, %dma_wait3A_122] : memref<10240x128xf32, #tpu.memory_space<vmem_shared>> -> memref<80x128xf32, #tpu.memory_space<vmem_shared>>
      %dma_wait3A_124 = arith.constant 0 : i32
      %dma_wait3A_125 = tpu.memref_slice %arg9[%add3A_14, %dma_wait3A_124] : memref<10240x128xf32, #tpu.memory_space<vmem_shared>> -> memref<80x128xf32, #tpu.memory_space<vmem_shared>>
      %dma_wait3A_126 = arith.constant 0 : i32
      %dma_wait3A_127 = arith.constant 0 : i32
      %dma_wait3A_128 = tpu.memref_slice %arg8[%run_scoped3A_15, %dma_wait3A_126, %dma_wait3A_127] : memref<2x80x128xf32, #tpu.memory_space<vmem>> -> memref<1x80x128xf32, #tpu.memory_space<vmem>>
      %dma_wait3A_129 = tpu.memref_squeeze %dma_wait3A_128 : memref<1x80x128xf32, #tpu.memory_space<vmem>> -> memref<80x128xf32, #tpu.memory_space<vmem>>
      tpu.wait_dma2 semaphore(%run_scoped3A_105 : memref<!tpu.dma_semaphore, #tpu.memory_space<semaphore_mem>>) src(%dma_wait3A_129 : memref<80x128xf32, #tpu.memory_space<vmem>>) dst(%dma_wait3A_125 : memref<80x128xf32, #tpu.memory_space<vmem_shared>>)
      tpu.yield
    }) : () -> ()
    %mul3A_16 = arith.constant 640 : i32
    %mul3A_17 = arith.muli %arg1, %mul3A_16 : i32
    %add3A_18 = arith.constant 160 : i32
    %add3A_19 = arith.addi %mul3A_17, %add3A_18 : i32
    %run_scoped3A_20 = arith.constant 0 : i32
    "tpu.region"() ({
      %run_scoped3A_105 = tpu.sem_alloc : memref<!tpu.dma_semaphore, #tpu.memory_space<semaphore_mem>>
      %dma_start3A_106 = arith.constant 0 : i32
      %dma_start3A_107 = arith.constant 0 : i32
      %dma_start3A_108 = tpu.memref_slice %arg8[%run_scoped3A_20, %dma_start3A_106, %dma_start3A_107] : memref<2x80x128xf32, #tpu.memory_space<vmem>> -> memref<1x80x128xf32, #tpu.memory_space<vmem>>
      %dma_start3A_109 = tpu.memref_squeeze %dma_start3A_108 : memref<1x80x128xf32, #tpu.memory_space<vmem>> -> memref<80x128xf32, #tpu.memory_space<vmem>>
      %dma_start3A_110 = arith.constant 0 : i32
      %dma_start3A_111 = tpu.memref_slice %arg9[%add3A_19, %dma_start3A_110] : memref<10240x128xf32, #tpu.memory_space<vmem_shared>> -> memref<80x128xf32, #tpu.memory_space<vmem_shared>>
      %dma_start3A_112 = arith.constant 0 : i32
      %dma_start3A_113 = tpu.memref_slice %arg9[%add3A_19, %dma_start3A_112] : memref<10240x128xf32, #tpu.memory_space<vmem_shared>> -> memref<80x128xf32, #tpu.memory_space<vmem_shared>>
      %dma_start3A_114 = arith.constant 0 : i32
      %dma_start3A_115 = arith.constant 0 : i32
      %dma_start3A_116 = tpu.memref_slice %arg8[%run_scoped3A_20, %dma_start3A_114, %dma_start3A_115] : memref<2x80x128xf32, #tpu.memory_space<vmem>> -> memref<1x80x128xf32, #tpu.memory_space<vmem>>
      %dma_start3A_117 = tpu.memref_squeeze %dma_start3A_116 : memref<1x80x128xf32, #tpu.memory_space<vmem>> -> memref<80x128xf32, #tpu.memory_space<vmem>>
      tpu.enqueue_dma source(%dma_start3A_117 : memref<80x128xf32, #tpu.memory_space<vmem>>) target(%dma_start3A_113 : memref<80x128xf32, #tpu.memory_space<vmem_shared>>) target_semaphore(%run_scoped3A_105 : memref<!tpu.dma_semaphore, #tpu.memory_space<semaphore_mem>>)
      %dma_wait3A_118 = arith.constant 0 : i32
      %dma_wait3A_119 = arith.constant 0 : i32
      %dma_wait3A_120 = tpu.memref_slice %arg8[%run_scoped3A_20, %dma_wait3A_118, %dma_wait3A_119] : memref<2x80x128xf32, #tpu.memory_space<vmem>> -> memref<1x80x128xf32, #tpu.memory_space<vmem>>
      %dma_wait3A_121 = tpu.memref_squeeze %dma_wait3A_120 : memref<1x80x128xf32, #tpu.memory_space<vmem>> -> memref<80x128xf32, #tpu.memory_space<vmem>>
      %dma_wait3A_122 = arith.constant 0 : i32
      %dma_wait3A_123 = tpu.memref_slice %arg9[%add3A_19, %dma_wait3A_122] : memref<10240x128xf32, #tpu.memory_space<vmem_shared>> -> memref<80x128xf32, #tpu.memory_space<vmem_shared>>
      %dma_wait3A_124 = arith.constant 0 : i32
      %dma_wait3A_125 = tpu.memref_slice %arg9[%add3A_19, %dma_wait3A_124] : memref<10240x128xf32, #tpu.memory_space<vmem_shared>> -> memref<80x128xf32, #tpu.memory_space<vmem_shared>>
      %dma_wait3A_126 = arith.constant 0 : i32
      %dma_wait3A_127 = arith.constant 0 : i32
      %dma_wait3A_128 = tpu.memref_slice %arg8[%run_scoped3A_20, %dma_wait3A_126, %dma_wait3A_127] : memref<2x80x128xf32, #tpu.memory_space<vmem>> -> memref<1x80x128xf32, #tpu.memory_space<vmem>>
      %dma_wait3A_129 = tpu.memref_squeeze %dma_wait3A_128 : memref<1x80x128xf32, #tpu.memory_space<vmem>> -> memref<80x128xf32, #tpu.memory_space<vmem>>
      tpu.wait_dma2 semaphore(%run_scoped3A_105 : memref<!tpu.dma_semaphore, #tpu.memory_space<semaphore_mem>>) src(%dma_wait3A_129 : memref<80x128xf32, #tpu.memory_space<vmem>>) dst(%dma_wait3A_125 : memref<80x128xf32, #tpu.memory_space<vmem_shared>>)
      tpu.yield
    }) : () -> ()
    %mul3A_21 = arith.constant 640 : i32
    %mul3A_22 = arith.muli %arg1, %mul3A_21 : i32
    %add3A_23 = arith.constant 240 : i32
    %add3A_24 = arith.addi %mul3A_22, %add3A_23 : i32
    %run_scoped3A_25 = arith.constant 0 : i32
    "tpu.region"() ({
      %run_scoped3A_105 = tpu.sem_alloc : memref<!tpu.dma_semaphore, #tpu.memory_space<semaphore_mem>>
      %dma_start3A_106 = arith.constant 0 : i32
      %dma_start3A_107 = arith.constant 0 : i32
      %dma_start3A_108 = tpu.memref_slice %arg8[%run_scoped3A_25, %dma_start3A_106, %dma_start3A_107] : memref<2x80x128xf32, #tpu.memory_space<vmem>> -> memref<1x80x128xf32, #tpu.memory_space<vmem>>
      %dma_start3A_109 = tpu.memref_squeeze %dma_start3A_108 : memref<1x80x128xf32, #tpu.memory_space<vmem>> -> memref<80x128xf32, #tpu.memory_space<vmem>>
      %dma_start3A_110 = arith.constant 0 : i32
      %dma_start3A_111 = tpu.memref_slice %arg9[%add3A_24, %dma_start3A_110] : memref<10240x128xf32, #tpu.memory_space<vmem_shared>> -> memref<80x128xf32, #tpu.memory_space<vmem_shared>>
      %dma_start3A_112 = arith.constant 0 : i32
      %dma_start3A_113 = tpu.memref_slice %arg9[%add3A_24, %dma_start3A_112] : memref<10240x128xf32, #tpu.memory_space<vmem_shared>> -> memref<80x128xf32, #tpu.memory_space<vmem_shared>>
      %dma_start3A_114 = arith.constant 0 : i32
      %dma_start3A_115 = arith.constant 0 : i32
      %dma_start3A_116 = tpu.memref_slice %arg8[%run_scoped3A_25, %dma_start3A_114, %dma_start3A_115] : memref<2x80x128xf32, #tpu.memory_space<vmem>> -> memref<1x80x128xf32, #tpu.memory_space<vmem>>
      %dma_start3A_117 = tpu.memref_squeeze %dma_start3A_116 : memref<1x80x128xf32, #tpu.memory_space<vmem>> -> memref<80x128xf32, #tpu.memory_space<vmem>>
      tpu.enqueue_dma source(%dma_start3A_117 : memref<80x128xf32, #tpu.memory_space<vmem>>) target(%dma_start3A_113 : memref<80x128xf32, #tpu.memory_space<vmem_shared>>) target_semaphore(%run_scoped3A_105 : memref<!tpu.dma_semaphore, #tpu.memory_space<semaphore_mem>>)
      %dma_wait3A_118 = arith.constant 0 : i32
      %dma_wait3A_119 = arith.constant 0 : i32
      %dma_wait3A_120 = tpu.memref_slice %arg8[%run_scoped3A_25, %dma_wait3A_118, %dma_wait3A_119] : memref<2x80x128xf32, #tpu.memory_space<vmem>> -> memref<1x80x128xf32, #tpu.memory_space<vmem>>
      %dma_wait3A_121 = tpu.memref_squeeze %dma_wait3A_120 : memref<1x80x128xf32, #tpu.memory_space<vmem>> -> memref<80x128xf32, #tpu.memory_space<vmem>>
      %dma_wait3A_122 = arith.constant 0 : i32
      %dma_wait3A_123 = tpu.memref_slice %arg9[%add3A_24, %dma_wait3A_122] : memref<10240x128xf32, #tpu.memory_space<vmem_shared>> -> memref<80x128xf32, #tpu.memory_space<vmem_shared>>
      %dma_wait3A_124 = arith.constant 0 : i32
      %dma_wait3A_125 = tpu.memref_slice %arg9[%add3A_24, %dma_wait3A_124] : memref<10240x128xf32, #tpu.memory_space<vmem_shared>> -> memref<80x128xf32, #tpu.memory_space<vmem_shared>>
      %dma_wait3A_126 = arith.constant 0 : i32
      %dma_wait3A_127 = arith.constant 0 : i32
      %dma_wait3A_128 = tpu.memref_slice %arg8[%run_scoped3A_25, %dma_wait3A_126, %dma_wait3A_127] : memref<2x80x128xf32, #tpu.memory_space<vmem>> -> memref<1x80x128xf32, #tpu.memory_space<vmem>>
      %dma_wait3A_129 = tpu.memref_squeeze %dma_wait3A_128 : memref<1x80x128xf32, #tpu.memory_space<vmem>> -> memref<80x128xf32, #tpu.memory_space<vmem>>
      tpu.wait_dma2 semaphore(%run_scoped3A_105 : memref<!tpu.dma_semaphore, #tpu.memory_space<semaphore_mem>>) src(%dma_wait3A_129 : memref<80x128xf32, #tpu.memory_space<vmem>>) dst(%dma_wait3A_125 : memref<80x128xf32, #tpu.memory_space<vmem_shared>>)
      tpu.yield
    }) : () -> ()
    %mul3A_26 = arith.constant 640 : i32
    %mul3A_27 = arith.muli %arg1, %mul3A_26 : i32
    %add3A_28 = arith.constant 320 : i32
    %add3A_29 = arith.addi %mul3A_27, %add3A_28 : i32
    %run_scoped3A_30 = arith.constant 0 : i32
    "tpu.region"() ({
      %run_scoped3A_105 = tpu.sem_alloc : memref<!tpu.dma_semaphore, #tpu.memory_space<semaphore_mem>>
      %dma_start3A_106 = arith.constant 0 : i32
      %dma_start3A_107 = arith.constant 0 : i32
      %dma_start3A_108 = tpu.memref_slice %arg8[%run_scoped3A_30, %dma_start3A_106, %dma_start3A_107] : memref<2x80x128xf32, #tpu.memory_space<vmem>> -> memref<1x80x128xf32, #tpu.memory_space<vmem>>
      %dma_start3A_109 = tpu.memref_squeeze %dma_start3A_108 : memref<1x80x128xf32, #tpu.memory_space<vmem>> -> memref<80x128xf32, #tpu.memory_space<vmem>>
      %dma_start3A_110 = arith.constant 0 : i32
      %dma_start3A_111 = tpu.memref_slice %arg9[%add3A_29, %dma_start3A_110] : memref<10240x128xf32, #tpu.memory_space<vmem_shared>> -> memref<80x128xf32, #tpu.memory_space<vmem_shared>>
      %dma_start3A_112 = arith.constant 0 : i32
      %dma_start3A_113 = tpu.memref_slice %arg9[%add3A_29, %dma_start3A_112] : memref<10240x128xf32, #tpu.memory_space<vmem_shared>> -> memref<80x128xf32, #tpu.memory_space<vmem_shared>>
      %dma_start3A_114 = arith.constant 0 : i32
      %dma_start3A_115 = arith.constant 0 : i32
      %dma_start3A_116 = tpu.memref_slice %arg8[%run_scoped3A_30, %dma_start3A_114, %dma_start3A_115] : memref<2x80x128xf32, #tpu.memory_space<vmem>> -> memref<1x80x128xf32, #tpu.memory_space<vmem>>
      %dma_start3A_117 = tpu.memref_squeeze %dma_start3A_116 : memref<1x80x128xf32, #tpu.memory_space<vmem>> -> memref<80x128xf32, #tpu.memory_space<vmem>>
      tpu.enqueue_dma source(%dma_start3A_117 : memref<80x128xf32, #tpu.memory_space<vmem>>) target(%dma_start3A_113 : memref<80x128xf32, #tpu.memory_space<vmem_shared>>) target_semaphore(%run_scoped3A_105 : memref<!tpu.dma_semaphore, #tpu.memory_space<semaphore_mem>>)
      %dma_wait3A_118 = arith.constant 0 : i32
      %dma_wait3A_119 = arith.constant 0 : i32
      %dma_wait3A_120 = tpu.memref_slice %arg8[%run_scoped3A_30, %dma_wait3A_118, %dma_wait3A_119] : memref<2x80x128xf32, #tpu.memory_space<vmem>> -> memref<1x80x128xf32, #tpu.memory_space<vmem>>
      %dma_wait3A_121 = tpu.memref_squeeze %dma_wait3A_120 : memref<1x80x128xf32, #tpu.memory_space<vmem>> -> memref<80x128xf32, #tpu.memory_space<vmem>>
      %dma_wait3A_122 = arith.constant 0 : i32
      %dma_wait3A_123 = tpu.memref_slice %arg9[%add3A_29, %dma_wait3A_122] : memref<10240x128xf32, #tpu.memory_space<vmem_shared>> -> memref<80x128xf32, #tpu.memory_space<vmem_shared>>
      %dma_wait3A_124 = arith.constant 0 : i32
      %dma_wait3A_125 = tpu.memref_slice %arg9[%add3A_29, %dma_wait3A_124] : memref<10240x128xf32, #tpu.memory_space<vmem_shared>> -> memref<80x128xf32, #tpu.memory_space<vmem_shared>>
      %dma_wait3A_126 = arith.constant 0 : i32
      %dma_wait3A_127 = arith.constant 0 : i32
      %dma_wait3A_128 = tpu.memref_slice %arg8[%run_scoped3A_30, %dma_wait3A_126, %dma_wait3A_127] : memref<2x80x128xf32, #tpu.memory_space<vmem>> -> memref<1x80x128xf32, #tpu.memory_space<vmem>>
      %dma_wait3A_129 = tpu.memref_squeeze %dma_wait3A_128 : memref<1x80x128xf32, #tpu.memory_space<vmem>> -> memref<80x128xf32, #tpu.memory_space<vmem>>
      tpu.wait_dma2 semaphore(%run_scoped3A_105 : memref<!tpu.dma_semaphore, #tpu.memory_space<semaphore_mem>>) src(%dma_wait3A_129 : memref<80x128xf32, #tpu.memory_space<vmem>>) dst(%dma_wait3A_125 : memref<80x128xf32, #tpu.memory_space<vmem_shared>>)
      tpu.yield
    }) : () -> ()
    %mul3A_31 = arith.constant 640 : i32
    %mul3A_32 = arith.muli %arg1, %mul3A_31 : i32
    %add3A_33 = arith.constant 400 : i32
    %add3A_34 = arith.addi %mul3A_32, %add3A_33 : i32
    %run_scoped3A_35 = arith.constant 0 : i32
    "tpu.region"() ({
      %run_scoped3A_105 = tpu.sem_alloc : memref<!tpu.dma_semaphore, #tpu.memory_space<semaphore_mem>>
      %dma_start3A_106 = arith.constant 0 : i32
      %dma_start3A_107 = arith.constant 0 : i32
      %dma_start3A_108 = tpu.memref_slice %arg8[%run_scoped3A_35, %dma_start3A_106, %dma_start3A_107] : memref<2x80x128xf32, #tpu.memory_space<vmem>> -> memref<1x80x128xf32, #tpu.memory_space<vmem>>
      %dma_start3A_109 = tpu.memref_squeeze %dma_start3A_108 : memref<1x80x128xf32, #tpu.memory_space<vmem>> -> memref<80x128xf32, #tpu.memory_space<vmem>>
      %dma_start3A_110 = arith.constant 0 : i32
      %dma_start3A_111 = tpu.memref_slice %arg9[%add3A_34, %dma_start3A_110] : memref<10240x128xf32, #tpu.memory_space<vmem_shared>> -> memref<80x128xf32, #tpu.memory_space<vmem_shared>>
      %dma_start3A_112 = arith.constant 0 : i32
      %dma_start3A_113 = tpu.memref_slice %arg9[%add3A_34, %dma_start3A_112] : memref<10240x128xf32, #tpu.memory_space<vmem_shared>> -> memref<80x128xf32, #tpu.memory_space<vmem_shared>>
      %dma_start3A_114 = arith.constant 0 : i32
      %dma_start3A_115 = arith.constant 0 : i32
      %dma_start3A_116 = tpu.memref_slice %arg8[%run_scoped3A_35, %dma_start3A_114, %dma_start3A_115] : memref<2x80x128xf32, #tpu.memory_space<vmem>> -> memref<1x80x128xf32, #tpu.memory_space<vmem>>
      %dma_start3A_117 = tpu.memref_squeeze %dma_start3A_116 : memref<1x80x128xf32, #tpu.memory_space<vmem>> -> memref<80x128xf32, #tpu.memory_space<vmem>>
      tpu.enqueue_dma source(%dma_start3A_117 : memref<80x128xf32, #tpu.memory_space<vmem>>) target(%dma_start3A_113 : memref<80x128xf32, #tpu.memory_space<vmem_shared>>) target_semaphore(%run_scoped3A_105 : memref<!tpu.dma_semaphore, #tpu.memory_space<semaphore_mem>>)
      %dma_wait3A_118 = arith.constant 0 : i32
      %dma_wait3A_119 = arith.constant 0 : i32
      %dma_wait3A_120 = tpu.memref_slice %arg8[%run_scoped3A_35, %dma_wait3A_118, %dma_wait3A_119] : memref<2x80x128xf32, #tpu.memory_space<vmem>> -> memref<1x80x128xf32, #tpu.memory_space<vmem>>
      %dma_wait3A_121 = tpu.memref_squeeze %dma_wait3A_120 : memref<1x80x128xf32, #tpu.memory_space<vmem>> -> memref<80x128xf32, #tpu.memory_space<vmem>>
      %dma_wait3A_122 = arith.constant 0 : i32
      %dma_wait3A_123 = tpu.memref_slice %arg9[%add3A_34, %dma_wait3A_122] : memref<10240x128xf32, #tpu.memory_space<vmem_shared>> -> memref<80x128xf32, #tpu.memory_space<vmem_shared>>
      %dma_wait3A_124 = arith.constant 0 : i32
      %dma_wait3A_125 = tpu.memref_slice %arg9[%add3A_34, %dma_wait3A_124] : memref<10240x128xf32, #tpu.memory_space<vmem_shared>> -> memref<80x128xf32, #tpu.memory_space<vmem_shared>>
      %dma_wait3A_126 = arith.constant 0 : i32
      %dma_wait3A_127 = arith.constant 0 : i32
      %dma_wait3A_128 = tpu.memref_slice %arg8[%run_scoped3A_35, %dma_wait3A_126, %dma_wait3A_127] : memref<2x80x128xf32, #tpu.memory_space<vmem>> -> memref<1x80x128xf32, #tpu.memory_space<vmem>>
      %dma_wait3A_129 = tpu.memref_squeeze %dma_wait3A_128 : memref<1x80x128xf32, #tpu.memory_space<vmem>> -> memref<80x128xf32, #tpu.memory_space<vmem>>
      tpu.wait_dma2 semaphore(%run_scoped3A_105 : memref<!tpu.dma_semaphore, #tpu.memory_space<semaphore_mem>>) src(%dma_wait3A_129 : memref<80x128xf32, #tpu.memory_space<vmem>>) dst(%dma_wait3A_125 : memref<80x128xf32, #tpu.memory_space<vmem_shared>>)
      tpu.yield
    }) : () -> ()
    %mul3A_36 = arith.constant 640 : i32
    %mul3A_37 = arith.muli %arg1, %mul3A_36 : i32
    %add3A_38 = arith.constant 480 : i32
    %add3A_39 = arith.addi %mul3A_37, %add3A_38 : i32
    %run_scoped3A_40 = arith.constant 0 : i32
    "tpu.region"() ({
      %run_scoped3A_105 = tpu.sem_alloc : memref<!tpu.dma_semaphore, #tpu.memory_space<semaphore_mem>>
      %dma_start3A_106 = arith.constant 0 : i32
      %dma_start3A_107 = arith.constant 0 : i32
      %dma_start3A_108 = tpu.memref_slice %arg8[%run_scoped3A_40, %dma_start3A_106, %dma_start3A_107] : memref<2x80x128xf32, #tpu.memory_space<vmem>> -> memref<1x80x128xf32, #tpu.memory_space<vmem>>
      %dma_start3A_109 = tpu.memref_squeeze %dma_start3A_108 : memref<1x80x128xf32, #tpu.memory_space<vmem>> -> memref<80x128xf32, #tpu.memory_space<vmem>>
      %dma_start3A_110 = arith.constant 0 : i32
      %dma_start3A_111 = tpu.memref_slice %arg9[%add3A_39, %dma_start3A_110] : memref<10240x128xf32, #tpu.memory_space<vmem_shared>> -> memref<80x128xf32, #tpu.memory_space<vmem_shared>>
      %dma_start3A_112 = arith.constant 0 : i32
      %dma_start3A_113 = tpu.memref_slice %arg9[%add3A_39, %dma_start3A_112] : memref<10240x128xf32, #tpu.memory_space<vmem_shared>> -> memref<80x128xf32, #tpu.memory_space<vmem_shared>>
      %dma_start3A_114 = arith.constant 0 : i32
      %dma_start3A_115 = arith.constant 0 : i32
      %dma_start3A_116 = tpu.memref_slice %arg8[%run_scoped3A_40, %dma_start3A_114, %dma_start3A_115] : memref<2x80x128xf32, #tpu.memory_space<vmem>> -> memref<1x80x128xf32, #tpu.memory_space<vmem>>
      %dma_start3A_117 = tpu.memref_squeeze %dma_start3A_116 : memref<1x80x128xf32, #tpu.memory_space<vmem>> -> memref<80x128xf32, #tpu.memory_space<vmem>>
      tpu.enqueue_dma source(%dma_start3A_117 : memref<80x128xf32, #tpu.memory_space<vmem>>) target(%dma_start3A_113 : memref<80x128xf32, #tpu.memory_space<vmem_shared>>) target_semaphore(%run_scoped3A_105 : memref<!tpu.dma_semaphore, #tpu.memory_space<semaphore_mem>>)
      %dma_wait3A_118 = arith.constant 0 : i32
      %dma_wait3A_119 = arith.constant 0 : i32
      %dma_wait3A_120 = tpu.memref_slice %arg8[%run_scoped3A_40, %dma_wait3A_118, %dma_wait3A_119] : memref<2x80x128xf32, #tpu.memory_space<vmem>> -> memref<1x80x128xf32, #tpu.memory_space<vmem>>
      %dma_wait3A_121 = tpu.memref_squeeze %dma_wait3A_120 : memref<1x80x128xf32, #tpu.memory_space<vmem>> -> memref<80x128xf32, #tpu.memory_space<vmem>>
      %dma_wait3A_122 = arith.constant 0 : i32
      %dma_wait3A_123 = tpu.memref_slice %arg9[%add3A_39, %dma_wait3A_122] : memref<10240x128xf32, #tpu.memory_space<vmem_shared>> -> memref<80x128xf32, #tpu.memory_space<vmem_shared>>
      %dma_wait3A_124 = arith.constant 0 : i32
      %dma_wait3A_125 = tpu.memref_slice %arg9[%add3A_39, %dma_wait3A_124] : memref<10240x128xf32, #tpu.memory_space<vmem_shared>> -> memref<80x128xf32, #tpu.memory_space<vmem_shared>>
      %dma_wait3A_126 = arith.constant 0 : i32
      %dma_wait3A_127 = arith.constant 0 : i32
      %dma_wait3A_128 = tpu.memref_slice %arg8[%run_scoped3A_40, %dma_wait3A_126, %dma_wait3A_127] : memref<2x80x128xf32, #tpu.memory_space<vmem>> -> memref<1x80x128xf32, #tpu.memory_space<vmem>>
      %dma_wait3A_129 = tpu.memref_squeeze %dma_wait3A_128 : memref<1x80x128xf32, #tpu.memory_space<vmem>> -> memref<80x128xf32, #tpu.memory_space<vmem>>
      tpu.wait_dma2 semaphore(%run_scoped3A_105 : memref<!tpu.dma_semaphore, #tpu.memory_space<semaphore_mem>>) src(%dma_wait3A_129 : memref<80x128xf32, #tpu.memory_space<vmem>>) dst(%dma_wait3A_125 : memref<80x128xf32, #tpu.memory_space<vmem_shared>>)
      tpu.yield
    }) : () -> ()
    %mul3A_41 = arith.constant 640 : i32
    %mul3A_42 = arith.muli %arg1, %mul3A_41 : i32
    %add3A_43 = arith.constant 560 : i32
    %add3A_44 = arith.addi %mul3A_42, %add3A_43 : i32
    %run_scoped3A_45 = arith.constant 0 : i32
    "tpu.region"() ({
      %run_scoped3A_105 = tpu.sem_alloc : memref<!tpu.dma_semaphore, #tpu.memory_space<semaphore_mem>>
      %dma_start3A_106 = arith.constant 0 : i32
      %dma_start3A_107 = arith.constant 0 : i32
      %dma_start3A_108 = tpu.memref_slice %arg8[%run_scoped3A_45, %dma_start3A_106, %dma_start3A_107] : memref<2x80x128xf32, #tpu.memory_space<vmem>> -> memref<1x80x128xf32, #tpu.memory_space<vmem>>
      %dma_start3A_109 = tpu.memref_squeeze %dma_start3A_108 : memref<1x80x128xf32, #tpu.memory_space<vmem>> -> memref<80x128xf32, #tpu.memory_space<vmem>>
      %dma_start3A_110 = arith.constant 0 : i32
      %dma_start3A_111 = tpu.memref_slice %arg9[%add3A_44, %dma_start3A_110] : memref<10240x128xf32, #tpu.memory_space<vmem_shared>> -> memref<80x128xf32, #tpu.memory_space<vmem_shared>>
      %dma_start3A_112 = arith.constant 0 : i32
      %dma_start3A_113 = tpu.memref_slice %arg9[%add3A_44, %dma_start3A_112] : memref<10240x128xf32, #tpu.memory_space<vmem_shared>> -> memref<80x128xf32, #tpu.memory_space<vmem_shared>>
      %dma_start3A_114 = arith.constant 0 : i32
      %dma_start3A_115 = arith.constant 0 : i32
      %dma_start3A_116 = tpu.memref_slice %arg8[%run_scoped3A_45, %dma_start3A_114, %dma_start3A_115] : memref<2x80x128xf32, #tpu.memory_space<vmem>> -> memref<1x80x128xf32, #tpu.memory_space<vmem>>
      %dma_start3A_117 = tpu.memref_squeeze %dma_start3A_116 : memref<1x80x128xf32, #tpu.memory_space<vmem>> -> memref<80x128xf32, #tpu.memory_space<vmem>>
      tpu.enqueue_dma source(%dma_start3A_117 : memref<80x128xf32, #tpu.memory_space<vmem>>) target(%dma_start3A_113 : memref<80x128xf32, #tpu.memory_space<vmem_shared>>) target_semaphore(%run_scoped3A_105 : memref<!tpu.dma_semaphore, #tpu.memory_space<semaphore_mem>>)
      %dma_wait3A_118 = arith.constant 0 : i32
      %dma_wait3A_119 = arith.constant 0 : i32
      %dma_wait3A_120 = tpu.memref_slice %arg8[%run_scoped3A_45, %dma_wait3A_118, %dma_wait3A_119] : memref<2x80x128xf32, #tpu.memory_space<vmem>> -> memref<1x80x128xf32, #tpu.memory_space<vmem>>
      %dma_wait3A_121 = tpu.memref_squeeze %dma_wait3A_120 : memref<1x80x128xf32, #tpu.memory_space<vmem>> -> memref<80x128xf32, #tpu.memory_space<vmem>>
      %dma_wait3A_122 = arith.constant 0 : i32
      %dma_wait3A_123 = tpu.memref_slice %arg9[%add3A_44, %dma_wait3A_122] : memref<10240x128xf32, #tpu.memory_space<vmem_shared>> -> memref<80x128xf32, #tpu.memory_space<vmem_shared>>
      %dma_wait3A_124 = arith.constant 0 : i32
      %dma_wait3A_125 = tpu.memref_slice %arg9[%add3A_44, %dma_wait3A_124] : memref<10240x128xf32, #tpu.memory_space<vmem_shared>> -> memref<80x128xf32, #tpu.memory_space<vmem_shared>>
      %dma_wait3A_126 = arith.constant 0 : i32
      %dma_wait3A_127 = arith.constant 0 : i32
      %dma_wait3A_128 = tpu.memref_slice %arg8[%run_scoped3A_45, %dma_wait3A_126, %dma_wait3A_127] : memref<2x80x128xf32, #tpu.memory_space<vmem>> -> memref<1x80x128xf32, #tpu.memory_space<vmem>>
      %dma_wait3A_129 = tpu.memref_squeeze %dma_wait3A_128 : memref<1x80x128xf32, #tpu.memory_space<vmem>> -> memref<80x128xf32, #tpu.memory_space<vmem>>
      tpu.wait_dma2 semaphore(%run_scoped3A_105 : memref<!tpu.dma_semaphore, #tpu.memory_space<semaphore_mem>>) src(%dma_wait3A_129 : memref<80x128xf32, #tpu.memory_space<vmem>>) dst(%dma_wait3A_125 : memref<80x128xf32, #tpu.memory_space<vmem_shared>>)
      tpu.yield
    }) : () -> ()
    %barrier3A = arith.constant 0 : index
    tpu.barrier barrier_id(%barrier3A)
    %dma_start3A = arith.constant 0 : i32
    %dma_start3A_46 = arith.constant 0 : i32
    %dma_start3A_47 = arith.constant 0 : i32
    %dma_start3A_48 = tpu.memref_slice %arg8[%dma_start3A, %dma_start3A_46, %dma_start3A_47] : memref<2x80x128xf32, #tpu.memory_space<vmem>> -> memref<1x80x128xf32, #tpu.memory_space<vmem>>
    %dma_start3A_49 = tpu.memref_squeeze %dma_start3A_48 : memref<1x80x128xf32, #tpu.memory_space<vmem>> -> memref<80x128xf32, #tpu.memory_space<vmem>>
    %dma_start3A_50 = arith.constant 0 : i32
    %dma_start3A_51 = tpu.memref_slice %arg6[%dma_start3A_50] : memref<10000xi32, #tpu.memory_space<vmem>> -> memref<80xi32, #tpu.memory_space<vmem>>
    %dma_start3A_52 = arith.constant 0 : i32
    %dma_start3A_53 = arith.constant 0 : i32
    %dma_start3A_54 = tpu.memref_slice %arg2[%dma_start3A_52, %dma_start3A_53] : memref<10240x128xf32, #tpu.memory_space<hbm>> -> memref<10240x128xf32, #tpu.memory_space<hbm>>
    tpu.enqueue_indirect_dma source(%dma_start3A_54 : memref<10240x128xf32, #tpu.memory_space<hbm>>) target(%dma_start3A_49 : memref<80x128xf32, #tpu.memory_space<vmem>>) offsets(%dma_start3A_51 : memref<80xi32, #tpu.memory_space<vmem>>) semaphore(%arg10 : memref<!tpu.dma_semaphore, #tpu.memory_space<semaphore_mem>>)
    %scan3A_55 = arith.constant 0 : i32
    %scan3A_56 = arith.constant 0 : i32
    %scan3A_57 = arith.constant 62 : i32
    %scan3A_58 = arith.addi %scan3A_56, %scan3A_57 : i32
    %scan3A_59 = arith.constant 1 : i32
    scf.for %scan3A_105 = %scan3A_56 to %scan3A_58 step %scan3A_59  : i32 {
      %mul3A_106 = arith.constant 2 : i32
      %mul3A_107 = arith.muli %mul3A_106, %scan3A_105 : i32
      %add3A_108 = arith.constant 0 : i32
      %add3A_109 = arith.addi %mul3A_107, %add3A_108 : i32
      %mul3A_110 = arith.constant 80 : i32
      %mul3A_111 = arith.muli %add3A_109, %mul3A_110 : i32
      %dma_wait3A_112 = arith.constant 0 : i32
      %dma_wait3A_113 = arith.constant 0 : i32
      %dma_wait3A_114 = arith.constant 0 : i32
      %dma_wait3A_115 = tpu.memref_slice %arg8[%dma_wait3A_112, %dma_wait3A_113, %dma_wait3A_114] : memref<2x80x128xf32, #tpu.memory_space<vmem>> -> memref<1x80x128xf32, #tpu.memory_space<vmem>>
      %dma_wait3A_116 = tpu.memref_squeeze %dma_wait3A_115 : memref<1x80x128xf32, #tpu.memory_space<vmem>> -> memref<80x128xf32, #tpu.memory_space<vmem>>
      %dma_wait3A_117 = tpu.memref_slice %arg6[%mul3A_111] : memref<10000xi32, #tpu.memory_space<vmem>> -> memref<80xi32, #tpu.memory_space<vmem>>
      %dma_wait3A_118 = arith.constant 0 : i32
      %dma_wait3A_119 = arith.constant 0 : i32
      %dma_wait3A_120 = tpu.memref_slice %arg2[%dma_wait3A_118, %dma_wait3A_119] : memref<10240x128xf32, #tpu.memory_space<hbm>> -> memref<10240x128xf32, #tpu.memory_space<hbm>>
      tpu.wait_indirect_dma semaphore(%arg10 : memref<!tpu.dma_semaphore, #tpu.memory_space<semaphore_mem>>) src(%dma_wait3A_120 : memref<10240x128xf32, #tpu.memory_space<hbm>>) dst(%dma_wait3A_116 : memref<80x128xf32, #tpu.memory_space<vmem>>)
      %add3A_121 = arith.constant 1 : i32
      %add3A_122 = arith.addi %add3A_109, %add3A_121 : i32
      %mul3A_123 = arith.constant 80 : i32
      %mul3A_124 = arith.muli %add3A_122, %mul3A_123 : i32
      %dma_start3A_125 = arith.constant 1 : i32
      %dma_start3A_126 = arith.constant 0 : i32
      %dma_start3A_127 = arith.constant 0 : i32
      %dma_start3A_128 = tpu.memref_slice %arg8[%dma_start3A_125, %dma_start3A_126, %dma_start3A_127] : memref<2x80x128xf32, #tpu.memory_space<vmem>> -> memref<1x80x128xf32, #tpu.memory_space<vmem>>
      %dma_start3A_129 = tpu.memref_squeeze %dma_start3A_128 : memref<1x80x128xf32, #tpu.memory_space<vmem>> -> memref<80x128xf32, #tpu.memory_space<vmem>>
      %dma_start3A_130 = tpu.memref_slice %arg6[%mul3A_124] : memref<10000xi32, #tpu.memory_space<vmem>> -> memref<80xi32, #tpu.memory_space<vmem>>
      %dma_start3A_131 = arith.constant 0 : i32
      %dma_start3A_132 = arith.constant 0 : i32
      %dma_start3A_133 = tpu.memref_slice %arg2[%dma_start3A_131, %dma_start3A_132] : memref<10240x128xf32, #tpu.memory_space<hbm>> -> memref<10240x128xf32, #tpu.memory_space<hbm>>
      tpu.enqueue_indirect_dma source(%dma_start3A_133 : memref<10240x128xf32, #tpu.memory_space<hbm>>) target(%dma_start3A_129 : memref<80x128xf32, #tpu.memory_space<vmem>>) offsets(%dma_start3A_130 : memref<80xi32, #tpu.memory_space<vmem>>) semaphore(%arg10 : memref<!tpu.dma_semaphore, #tpu.memory_space<semaphore_mem>>)
      %run_scoped3A_134 = arith.constant 0 : i32
      "tpu.region"() ({
        %run_scoped3A_162 = tpu.sem_alloc : memref<!tpu.dma_semaphore, #tpu.memory_space<semaphore_mem>>
        %dma_start3A_163 = arith.constant 0 : i32
        %dma_start3A_164 = arith.constant 0 : i32
        %dma_start3A_165 = tpu.memref_slice %arg8[%run_scoped3A_134, %dma_start3A_163, %dma_start3A_164] : memref<2x80x128xf32, #tpu.memory_space<vmem>> -> memref<1x80x128xf32, #tpu.memory_space<vmem>>
        %dma_start3A_166 = tpu.memref_squeeze %dma_start3A_165 : memref<1x80x128xf32, #tpu.memory_space<vmem>> -> memref<80x128xf32, #tpu.memory_space<vmem>>
        %dma_start3A_167 = arith.constant 0 : i32
        %dma_start3A_168 = tpu.memref_slice %arg7[%add3A_109, %dma_start3A_167] : memref<125x80xi32, #tpu.memory_space<vmem>> -> memref<1x80xi32, #tpu.memory_space<vmem>>
        %dma_start3A_169 = tpu.memref_squeeze %dma_start3A_168 : memref<1x80xi32, #tpu.memory_space<vmem>> -> memref<80xi32, #tpu.memory_space<vmem>>
        %dma_start3A_170 = arith.constant 0 : i32
        %dma_start3A_171 = arith.constant 0 : i32
        %dma_start3A_172 = tpu.memref_slice %arg9[%dma_start3A_170, %dma_start3A_171] : memref<10240x128xf32, #tpu.memory_space<vmem_shared>> -> memref<10240x128xf32, #tpu.memory_space<vmem_shared>>
        tpu.enqueue_indirect_dma source(%dma_start3A_166 : memref<80x128xf32, #tpu.memory_space<vmem>>) target(%dma_start3A_172 : memref<10240x128xf32, #tpu.memory_space<vmem_shared>>) offsets(%dma_start3A_169 : memref<80xi32, #tpu.memory_space<vmem>>) semaphore(%run_scoped3A_162 : memref<!tpu.dma_semaphore, #tpu.memory_space<semaphore_mem>>) {add = true}
        %dma_wait3A_173 = arith.constant 0 : i32
        %dma_wait3A_174 = arith.constant 0 : i32
        %dma_wait3A_175 = tpu.memref_slice %arg8[%run_scoped3A_134, %dma_wait3A_173, %dma_wait3A_174] : memref<2x80x128xf32, #tpu.memory_space<vmem>> -> memref<1x80x128xf32, #tpu.memory_space<vmem>>
        %dma_wait3A_176 = tpu.memref_squeeze %dma_wait3A_175 : memref<1x80x128xf32, #tpu.memory_space<vmem>> -> memref<80x128xf32, #tpu.memory_space<vmem>>
        %dma_wait3A_177 = arith.constant 0 : i32
        %dma_wait3A_178 = tpu.memref_slice %arg7[%add3A_109, %dma_wait3A_177] : memref<125x80xi32, #tpu.memory_space<vmem>> -> memref<1x80xi32, #tpu.memory_space<vmem>>
        %dma_wait3A_179 = tpu.memref_squeeze %dma_wait3A_178 : memref<1x80xi32, #tpu.memory_space<vmem>> -> memref<80xi32, #tpu.memory_space<vmem>>
        %dma_wait3A_180 = arith.constant 0 : i32
        %dma_wait3A_181 = arith.constant 0 : i32
        %dma_wait3A_182 = tpu.memref_slice %arg9[%dma_wait3A_180, %dma_wait3A_181] : memref<10240x128xf32, #tpu.memory_space<vmem_shared>> -> memref<10240x128xf32, #tpu.memory_space<vmem_shared>>
        tpu.wait_indirect_dma semaphore(%run_scoped3A_162 : memref<!tpu.dma_semaphore, #tpu.memory_space<semaphore_mem>>) src(%dma_wait3A_176 : memref<80x128xf32, #tpu.memory_space<vmem>>) dst(%dma_wait3A_182 : memref<10240x128xf32, #tpu.memory_space<vmem_shared>>)
        tpu.yield
      }) : () -> ()
      %add3A_135 = arith.constant 1 : i32
      %add3A_136 = arith.addi %mul3A_107, %add3A_135 : i32
      %mul3A_137 = arith.constant 80 : i32
      %mul3A_138 = arith.muli %add3A_136, %mul3A_137 : i32
      %dma_wait3A_139 = arith.constant 1 : i32
      %dma_wait3A_140 = arith.constant 0 : i32
      %dma_wait3A_141 = arith.constant 0 : i32
      %dma_wait3A_142 = tpu.memref_slice %arg8[%dma_wait3A_139, %dma_wait3A_140, %dma_wait3A_141] : memref<2x80x128xf32, #tpu.memory_space<vmem>> -> memref<1x80x128xf32, #tpu.memory_space<vmem>>
      %dma_wait3A_143 = tpu.memref_squeeze %dma_wait3A_142 : memref<1x80x128xf32, #tpu.memory_space<vmem>> -> memref<80x128xf32, #tpu.memory_space<vmem>>
      %dma_wait3A_144 = tpu.memref_slice %arg6[%mul3A_138] : memref<10000xi32, #tpu.memory_space<vmem>> -> memref<80xi32, #tpu.memory_space<vmem>>
      %dma_wait3A_145 = arith.constant 0 : i32
      %dma_wait3A_146 = arith.constant 0 : i32
      %dma_wait3A_147 = tpu.memref_slice %arg2[%dma_wait3A_145, %dma_wait3A_146] : memref<10240x128xf32, #tpu.memory_space<hbm>> -> memref<10240x128xf32, #tpu.memory_space<hbm>>
      tpu.wait_indirect_dma semaphore(%arg10 : memref<!tpu.dma_semaphore, #tpu.memory_space<semaphore_mem>>) src(%dma_wait3A_147 : memref<10240x128xf32, #tpu.memory_space<hbm>>) dst(%dma_wait3A_143 : memref<80x128xf32, #tpu.memory_space<vmem>>)
      %add3A_148 = arith.constant 1 : i32
      %add3A_149 = arith.addi %add3A_136, %add3A_148 : i32
      %mul3A_150 = arith.constant 80 : i32
      %mul3A_151 = arith.muli %add3A_149, %mul3A_150 : i32
      %dma_start3A_152 = arith.constant 0 : i32
      %dma_start3A_153 = arith.constant 0 : i32
      %dma_start3A_154 = arith.constant 0 : i32
      %dma_start3A_155 = tpu.memref_slice %arg8[%dma_start3A_152, %dma_start3A_153, %dma_start3A_154] : memref<2x80x128xf32, #tpu.memory_space<vmem>> -> memref<1x80x128xf32, #tpu.memory_space<vmem>>
      %dma_start3A_156 = tpu.memref_squeeze %dma_start3A_155 : memref<1x80x128xf32, #tpu.memory_space<vmem>> -> memref<80x128xf32, #tpu.memory_space<vmem>>
      %dma_start3A_157 = tpu.memref_slice %arg6[%mul3A_151] : memref<10000xi32, #tpu.memory_space<vmem>> -> memref<80xi32, #tpu.memory_space<vmem>>
      %dma_start3A_158 = arith.constant 0 : i32
      %dma_start3A_159 = arith.constant 0 : i32
      %dma_start3A_160 = tpu.memref_slice %arg2[%dma_start3A_158, %dma_start3A_159] : memref<10240x128xf32, #tpu.memory_space<hbm>> -> memref<10240x128xf32, #tpu.memory_space<hbm>>
      tpu.enqueue_indirect_dma source(%dma_start3A_160 : memref<10240x128xf32, #tpu.memory_space<hbm>>) target(%dma_start3A_156 : memref<80x128xf32, #tpu.memory_space<vmem>>) offsets(%dma_start3A_157 : memref<80xi32, #tpu.memory_space<vmem>>) semaphore(%arg10 : memref<!tpu.dma_semaphore, #tpu.memory_space<semaphore_mem>>)
      %run_scoped3A_161 = arith.constant 1 : i32
      "tpu.region"() ({
        %run_scoped3A_162 = tpu.sem_alloc : memref<!tpu.dma_semaphore, #tpu.memory_space<semaphore_mem>>
        %dma_start3A_163 = arith.constant 0 : i32
        %dma_start3A_164 = arith.constant 0 : i32
        %dma_start3A_165 = tpu.memref_slice %arg8[%run_scoped3A_161, %dma_start3A_163, %dma_start3A_164] : memref<2x80x128xf32, #tpu.memory_space<vmem>> -> memref<1x80x128xf32, #tpu.memory_space<vmem>>
        %dma_start3A_166 = tpu.memref_squeeze %dma_start3A_165 : memref<1x80x128xf32, #tpu.memory_space<vmem>> -> memref<80x128xf32, #tpu.memory_space<vmem>>
        %dma_start3A_167 = arith.constant 0 : i32
        %dma_start3A_168 = tpu.memref_slice %arg7[%add3A_136, %dma_start3A_167] : memref<125x80xi32, #tpu.memory_space<vmem>> -> memref<1x80xi32, #tpu.memory_space<vmem>>
        %dma_start3A_169 = tpu.memref_squeeze %dma_start3A_168 : memref<1x80xi32, #tpu.memory_space<vmem>> -> memref<80xi32, #tpu.memory_space<vmem>>
        %dma_start3A_170 = arith.constant 0 : i32
        %dma_start3A_171 = arith.constant 0 : i32
        %dma_start3A_172 = tpu.memref_slice %arg9[%dma_start3A_170, %dma_start3A_171] : memref<10240x128xf32, #tpu.memory_space<vmem_shared>> -> memref<10240x128xf32, #tpu.memory_space<vmem_shared>>
        tpu.enqueue_indirect_dma source(%dma_start3A_166 : memref<80x128xf32, #tpu.memory_space<vmem>>) target(%dma_start3A_172 : memref<10240x128xf32, #tpu.memory_space<vmem_shared>>) offsets(%dma_start3A_169 : memref<80xi32, #tpu.memory_space<vmem>>) semaphore(%run_scoped3A_162 : memref<!tpu.dma_semaphore, #tpu.memory_space<semaphore_mem>>) {add = true}
        %dma_wait3A_173 = arith.constant 0 : i32
        %dma_wait3A_174 = arith.constant 0 : i32
        %dma_wait3A_175 = tpu.memref_slice %arg8[%run_scoped3A_161, %dma_wait3A_173, %dma_wait3A_174] : memref<2x80x128xf32, #tpu.memory_space<vmem>> -> memref<1x80x128xf32, #tpu.memory_space<vmem>>
        %dma_wait3A_176 = tpu.memref_squeeze %dma_wait3A_175 : memref<1x80x128xf32, #tpu.memory_space<vmem>> -> memref<80x128xf32, #tpu.memory_space<vmem>>
        %dma_wait3A_177 = arith.constant 0 : i32
        %dma_wait3A_178 = tpu.memref_slice %arg7[%add3A_136, %dma_wait3A_177] : memref<125x80xi32, #tpu.memory_space<vmem>> -> memref<1x80xi32, #tpu.memory_space<vmem>>
        %dma_wait3A_179 = tpu.memref_squeeze %dma_wait3A_178 : memref<1x80xi32, #tpu.memory_space<vmem>> -> memref<80xi32, #tpu.memory_space<vmem>>
        %dma_wait3A_180 = arith.constant 0 : i32
        %dma_wait3A_181 = arith.constant 0 : i32
        %dma_wait3A_182 = tpu.memref_slice %arg9[%dma_wait3A_180, %dma_wait3A_181] : memref<10240x128xf32, #tpu.memory_space<vmem_shared>> -> memref<10240x128xf32, #tpu.memory_space<vmem_shared>>
        tpu.wait_indirect_dma semaphore(%run_scoped3A_162 : memref<!tpu.dma_semaphore, #tpu.memory_space<semaphore_mem>>) src(%dma_wait3A_176 : memref<80x128xf32, #tpu.memory_space<vmem>>) dst(%dma_wait3A_182 : memref<10240x128xf32, #tpu.memory_space<vmem_shared>>)
        tpu.yield
      }) : () -> ()
    }
    %scan3A_60 = arith.constant 62 : i32
    %dma_wait3A = arith.constant 0 : i32
    %dma_wait3A_61 = arith.constant 0 : i32
    %dma_wait3A_62 = arith.constant 0 : i32
    %dma_wait3A_63 = tpu.memref_slice %arg8[%dma_wait3A, %dma_wait3A_61, %dma_wait3A_62] : memref<2x80x128xf32, #tpu.memory_space<vmem>> -> memref<1x80x128xf32, #tpu.memory_space<vmem>>
    %dma_wait3A_64 = tpu.memref_squeeze %dma_wait3A_63 : memref<1x80x128xf32, #tpu.memory_space<vmem>> -> memref<80x128xf32, #tpu.memory_space<vmem>>
    %dma_wait3A_65 = arith.constant 9920 : i32
    %dma_wait3A_66 = tpu.memref_slice %arg6[%dma_wait3A_65] : memref<10000xi32, #tpu.memory_space<vmem>> -> memref<80xi32, #tpu.memory_space<vmem>>
    %dma_wait3A_67 = arith.constant 0 : i32
    %dma_wait3A_68 = arith.constant 0 : i32
    %dma_wait3A_69 = tpu.memref_slice %arg2[%dma_wait3A_67, %dma_wait3A_68] : memref<10240x128xf32, #tpu.memory_space<hbm>> -> memref<10240x128xf32, #tpu.memory_space<hbm>>
    tpu.wait_indirect_dma semaphore(%arg10 : memref<!tpu.dma_semaphore, #tpu.memory_space<semaphore_mem>>) src(%dma_wait3A_69 : memref<10240x128xf32, #tpu.memory_space<hbm>>) dst(%dma_wait3A_64 : memref<80x128xf32, #tpu.memory_space<vmem>>)
    %run_scoped3A_70 = arith.constant 0 : i32
    %run_scoped3A_71 = arith.constant 124 : i32
    "tpu.region"() ({
      %run_scoped3A_105 = tpu.sem_alloc : memref<!tpu.dma_semaphore, #tpu.memory_space<semaphore_mem>>
      %dma_start3A_106 = arith.constant 0 : i32
      %dma_start3A_107 = arith.constant 0 : i32
      %dma_start3A_108 = tpu.memref_slice %arg8[%run_scoped3A_70, %dma_start3A_106, %dma_start3A_107] : memref<2x80x128xf32, #tpu.memory_space<vmem>> -> memref<1x80x128xf32, #tpu.memory_space<vmem>>
      %dma_start3A_109 = tpu.memref_squeeze %dma_start3A_108 : memref<1x80x128xf32, #tpu.memory_space<vmem>> -> memref<80x128xf32, #tpu.memory_space<vmem>>
      %dma_start3A_110 = arith.constant 0 : i32
      %dma_start3A_111 = tpu.memref_slice %arg7[%run_scoped3A_71, %dma_start3A_110] : memref<125x80xi32, #tpu.memory_space<vmem>> -> memref<1x80xi32, #tpu.memory_space<vmem>>
      %dma_start3A_112 = tpu.memref_squeeze %dma_start3A_111 : memref<1x80xi32, #tpu.memory_space<vmem>> -> memref<80xi32, #tpu.memory_space<vmem>>
      %dma_start3A_113 = arith.constant 0 : i32
      %dma_start3A_114 = arith.constant 0 : i32
      %dma_start3A_115 = tpu.memref_slice %arg9[%dma_start3A_113, %dma_start3A_114] : memref<10240x128xf32, #tpu.memory_space<vmem_shared>> -> memref<10240x128xf32, #tpu.memory_space<vmem_shared>>
      tpu.enqueue_indirect_dma source(%dma_start3A_109 : memref<80x128xf32, #tpu.memory_space<vmem>>) target(%dma_start3A_115 : memref<10240x128xf32, #tpu.memory_space<vmem_shared>>) offsets(%dma_start3A_112 : memref<80xi32, #tpu.memory_space<vmem>>) semaphore(%run_scoped3A_105 : memref<!tpu.dma_semaphore, #tpu.memory_space<semaphore_mem>>) {add = true}
      %dma_wait3A_116 = arith.constant 0 : i32
      %dma_wait3A_117 = arith.constant 0 : i32
      %dma_wait3A_118 = tpu.memref_slice %arg8[%run_scoped3A_70, %dma_wait3A_116, %dma_wait3A_117] : memref<2x80x128xf32, #tpu.memory_space<vmem>> -> memref<1x80x128xf32, #tpu.memory_space<vmem>>
      %dma_wait3A_119 = tpu.memref_squeeze %dma_wait3A_118 : memref<1x80x128xf32, #tpu.memory_space<vmem>> -> memref<80x128xf32, #tpu.memory_space<vmem>>
      %dma_wait3A_120 = arith.constant 0 : i32
      %dma_wait3A_121 = tpu.memref_slice %arg7[%run_scoped3A_71, %dma_wait3A_120] : memref<125x80xi32, #tpu.memory_space<vmem>> -> memref<1x80xi32, #tpu.memory_space<vmem>>
      %dma_wait3A_122 = tpu.memref_squeeze %dma_wait3A_121 : memref<1x80xi32, #tpu.memory_space<vmem>> -> memref<80xi32, #tpu.memory_space<vmem>>
      %dma_wait3A_123 = arith.constant 0 : i32
      %dma_wait3A_124 = arith.constant 0 : i32
      %dma_wait3A_125 = tpu.memref_slice %arg9[%dma_wait3A_123, %dma_wait3A_124] : memref<10240x128xf32, #tpu.memory_space<vmem_shared>> -> memref<10240x128xf32, #tpu.memory_space<vmem_shared>>
      tpu.wait_indirect_dma semaphore(%run_scoped3A_105 : memref<!tpu.dma_semaphore, #tpu.memory_space<semaphore_mem>>) src(%dma_wait3A_119 : memref<80x128xf32, #tpu.memory_space<vmem>>) dst(%dma_wait3A_125 : memref<10240x128xf32, #tpu.memory_space<vmem_shared>>)
      tpu.yield
    }) : () -> ()
    %barrier3A_72 = arith.constant 0 : index
    tpu.barrier barrier_id(%barrier3A_72)
    %mul3A_73 = arith.constant 640 : i32
    %mul3A_74 = arith.muli %arg1, %mul3A_73 : i32
    %add3A_75 = arith.constant 0 : i32
    %add3A_76 = arith.addi %mul3A_74, %add3A_75 : i32
    "tpu.region"() ({
      %run_scoped3A_105 = tpu.sem_alloc : memref<!tpu.dma_semaphore, #tpu.memory_space<semaphore_mem>>
      %dma_start3A_106 = arith.constant 0 : i32
      %dma_start3A_107 = tpu.memref_slice %arg5[%arg0, %add3A_76, %dma_start3A_106] : memref<2x10240x128xf32, #tpu.memory_space<hbm>> -> memref<1x80x128xf32, #tpu.memory_space<hbm>>
      %dma_start3A_108 = tpu.memref_squeeze %dma_start3A_107 : memref<1x80x128xf32, #tpu.memory_space<hbm>> -> memref<80x128xf32, #tpu.memory_space<hbm>>
      %dma_start3A_109 = arith.constant 0 : i32
      %dma_start3A_110 = tpu.memref_slice %arg9[%add3A_76, %dma_start3A_109] : memref<10240x128xf32, #tpu.memory_space<vmem_shared>> -> memref<80x128xf32, #tpu.memory_space<vmem_shared>>
      tpu.enqueue_dma source(%dma_start3A_110 : memref<80x128xf32, #tpu.memory_space<vmem_shared>>) target(%dma_start3A_108 : memref<80x128xf32, #tpu.memory_space<hbm>>) target_semaphore(%run_scoped3A_105 : memref<!tpu.dma_semaphore, #tpu.memory_space<semaphore_mem>>)
      %dma_wait3A_111 = arith.constant 0 : i32
      %dma_wait3A_112 = tpu.memref_slice %arg5[%arg0, %add3A_76, %dma_wait3A_111] : memref<2x10240x128xf32, #tpu.memory_space<hbm>> -> memref<1x80x128xf32, #tpu.memory_space<hbm>>
      %dma_wait3A_113 = tpu.memref_squeeze %dma_wait3A_112 : memref<1x80x128xf32, #tpu.memory_space<hbm>> -> memref<80x128xf32, #tpu.memory_space<hbm>>
      %dma_wait3A_114 = arith.constant 0 : i32
      %dma_wait3A_115 = tpu.memref_slice %arg9[%add3A_76, %dma_wait3A_114] : memref<10240x128xf32, #tpu.memory_space<vmem_shared>> -> memref<80x128xf32, #tpu.memory_space<vmem_shared>>
      tpu.wait_dma2 semaphore(%run_scoped3A_105 : memref<!tpu.dma_semaphore, #tpu.memory_space<semaphore_mem>>) src(%dma_wait3A_115 : memref<80x128xf32, #tpu.memory_space<vmem_shared>>) dst(%dma_wait3A_113 : memref<80x128xf32, #tpu.memory_space<hbm>>)
      tpu.yield
    }) : () -> ()
    %mul3A_77 = arith.constant 640 : i32
    %mul3A_78 = arith.muli %arg1, %mul3A_77 : i32
    %add3A_79 = arith.constant 80 : i32
    %add3A_80 = arith.addi %mul3A_78, %add3A_79 : i32
    "tpu.region"() ({
      %run_scoped3A_105 = tpu.sem_alloc : memref<!tpu.dma_semaphore, #tpu.memory_space<semaphore_mem>>
      %dma_start3A_106 = arith.constant 0 : i32
      %dma_start3A_107 = tpu.memref_slice %arg5[%arg0, %add3A_80, %dma_start3A_106] : memref<2x10240x128xf32, #tpu.memory_space<hbm>> -> memref<1x80x128xf32, #tpu.memory_space<hbm>>
      %dma_start3A_108 = tpu.memref_squeeze %dma_start3A_107 : memref<1x80x128xf32, #tpu.memory_space<hbm>> -> memref<80x128xf32, #tpu.memory_space<hbm>>
      %dma_start3A_109 = arith.constant 0 : i32
      %dma_start3A_110 = tpu.memref_slice %arg9[%add3A_80, %dma_start3A_109] : memref<10240x128xf32, #tpu.memory_space<vmem_shared>> -> memref<80x128xf32, #tpu.memory_space<vmem_shared>>
      tpu.enqueue_dma source(%dma_start3A_110 : memref<80x128xf32, #tpu.memory_space<vmem_shared>>) target(%dma_start3A_108 : memref<80x128xf32, #tpu.memory_space<hbm>>) target_semaphore(%run_scoped3A_105 : memref<!tpu.dma_semaphore, #tpu.memory_space<semaphore_mem>>)
      %dma_wait3A_111 = arith.constant 0 : i32
      %dma_wait3A_112 = tpu.memref_slice %arg5[%arg0, %add3A_80, %dma_wait3A_111] : memref<2x10240x128xf32, #tpu.memory_space<hbm>> -> memref<1x80x128xf32, #tpu.memory_space<hbm>>
      %dma_wait3A_113 = tpu.memref_squeeze %dma_wait3A_112 : memref<1x80x128xf32, #tpu.memory_space<hbm>> -> memref<80x128xf32, #tpu.memory_space<hbm>>
      %dma_wait3A_114 = arith.constant 0 : i32
      %dma_wait3A_115 = tpu.memref_slice %arg9[%add3A_80, %dma_wait3A_114] : memref<10240x128xf32, #tpu.memory_space<vmem_shared>> -> memref<80x128xf32, #tpu.memory_space<vmem_shared>>
      tpu.wait_dma2 semaphore(%run_scoped3A_105 : memref<!tpu.dma_semaphore, #tpu.memory_space<semaphore_mem>>) src(%dma_wait3A_115 : memref<80x128xf32, #tpu.memory_space<vmem_shared>>) dst(%dma_wait3A_113 : memref<80x128xf32, #tpu.memory_space<hbm>>)
      tpu.yield
    }) : () -> ()
    %mul3A_81 = arith.constant 640 : i32
    %mul3A_82 = arith.muli %arg1, %mul3A_81 : i32
    %add3A_83 = arith.constant 160 : i32
    %add3A_84 = arith.addi %mul3A_82, %add3A_83 : i32
    "tpu.region"() ({
      %run_scoped3A_105 = tpu.sem_alloc : memref<!tpu.dma_semaphore, #tpu.memory_space<semaphore_mem>>
      %dma_start3A_106 = arith.constant 0 : i32
      %dma_start3A_107 = tpu.memref_slice %arg5[%arg0, %add3A_84, %dma_start3A_106] : memref<2x10240x128xf32, #tpu.memory_space<hbm>> -> memref<1x80x128xf32, #tpu.memory_space<hbm>>
      %dma_start3A_108 = tpu.memref_squeeze %dma_start3A_107 : memref<1x80x128xf32, #tpu.memory_space<hbm>> -> memref<80x128xf32, #tpu.memory_space<hbm>>
      %dma_start3A_109 = arith.constant 0 : i32
      %dma_start3A_110 = tpu.memref_slice %arg9[%add3A_84, %dma_start3A_109] : memref<10240x128xf32, #tpu.memory_space<vmem_shared>> -> memref<80x128xf32, #tpu.memory_space<vmem_shared>>
      tpu.enqueue_dma source(%dma_start3A_110 : memref<80x128xf32, #tpu.memory_space<vmem_shared>>) target(%dma_start3A_108 : memref<80x128xf32, #tpu.memory_space<hbm>>) target_semaphore(%run_scoped3A_105 : memref<!tpu.dma_semaphore, #tpu.memory_space<semaphore_mem>>)
      %dma_wait3A_111 = arith.constant 0 : i32
      %dma_wait3A_112 = tpu.memref_slice %arg5[%arg0, %add3A_84, %dma_wait3A_111] : memref<2x10240x128xf32, #tpu.memory_space<hbm>> -> memref<1x80x128xf32, #tpu.memory_space<hbm>>
      %dma_wait3A_113 = tpu.memref_squeeze %dma_wait3A_112 : memref<1x80x128xf32, #tpu.memory_space<hbm>> -> memref<80x128xf32, #tpu.memory_space<hbm>>
      %dma_wait3A_114 = arith.constant 0 : i32
      %dma_wait3A_115 = tpu.memref_slice %arg9[%add3A_84, %dma_wait3A_114] : memref<10240x128xf32, #tpu.memory_space<vmem_shared>> -> memref<80x128xf32, #tpu.memory_space<vmem_shared>>
      tpu.wait_dma2 semaphore(%run_scoped3A_105 : memref<!tpu.dma_semaphore, #tpu.memory_space<semaphore_mem>>) src(%dma_wait3A_115 : memref<80x128xf32, #tpu.memory_space<vmem_shared>>) dst(%dma_wait3A_113 : memref<80x128xf32, #tpu.memory_space<hbm>>)
      tpu.yield
    }) : () -> ()
    %mul3A_85 = arith.constant 640 : i32
    %mul3A_86 = arith.muli %arg1, %mul3A_85 : i32
    %add3A_87 = arith.constant 240 : i32
    %add3A_88 = arith.addi %mul3A_86, %add3A_87 : i32
    "tpu.region"() ({
      %run_scoped3A_105 = tpu.sem_alloc : memref<!tpu.dma_semaphore, #tpu.memory_space<semaphore_mem>>
      %dma_start3A_106 = arith.constant 0 : i32
      %dma_start3A_107 = tpu.memref_slice %arg5[%arg0, %add3A_88, %dma_start3A_106] : memref<2x10240x128xf32, #tpu.memory_space<hbm>> -> memref<1x80x128xf32, #tpu.memory_space<hbm>>
      %dma_start3A_108 = tpu.memref_squeeze %dma_start3A_107 : memref<1x80x128xf32, #tpu.memory_space<hbm>> -> memref<80x128xf32, #tpu.memory_space<hbm>>
      %dma_start3A_109 = arith.constant 0 : i32
      %dma_start3A_110 = tpu.memref_slice %arg9[%add3A_88, %dma_start3A_109] : memref<10240x128xf32, #tpu.memory_space<vmem_shared>> -> memref<80x128xf32, #tpu.memory_space<vmem_shared>>
      tpu.enqueue_dma source(%dma_start3A_110 : memref<80x128xf32, #tpu.memory_space<vmem_shared>>) target(%dma_start3A_108 : memref<80x128xf32, #tpu.memory_space<hbm>>) target_semaphore(%run_scoped3A_105 : memref<!tpu.dma_semaphore, #tpu.memory_space<semaphore_mem>>)
      %dma_wait3A_111 = arith.constant 0 : i32
      %dma_wait3A_112 = tpu.memref_slice %arg5[%arg0, %add3A_88, %dma_wait3A_111] : memref<2x10240x128xf32, #tpu.memory_space<hbm>> -> memref<1x80x128xf32, #tpu.memory_space<hbm>>
      %dma_wait3A_113 = tpu.memref_squeeze %dma_wait3A_112 : memref<1x80x128xf32, #tpu.memory_space<hbm>> -> memref<80x128xf32, #tpu.memory_space<hbm>>
      %dma_wait3A_114 = arith.constant 0 : i32
      %dma_wait3A_115 = tpu.memref_slice %arg9[%add3A_88, %dma_wait3A_114] : memref<10240x128xf32, #tpu.memory_space<vmem_shared>> -> memref<80x128xf32, #tpu.memory_space<vmem_shared>>
      tpu.wait_dma2 semaphore(%run_scoped3A_105 : memref<!tpu.dma_semaphore, #tpu.memory_space<semaphore_mem>>) src(%dma_wait3A_115 : memref<80x128xf32, #tpu.memory_space<vmem_shared>>) dst(%dma_wait3A_113 : memref<80x128xf32, #tpu.memory_space<hbm>>)
      tpu.yield
    }) : () -> ()
    %mul3A_89 = arith.constant 640 : i32
    %mul3A_90 = arith.muli %arg1, %mul3A_89 : i32
    %add3A_91 = arith.constant 320 : i32
    %add3A_92 = arith.addi %mul3A_90, %add3A_91 : i32
    "tpu.region"() ({
      %run_scoped3A_105 = tpu.sem_alloc : memref<!tpu.dma_semaphore, #tpu.memory_space<semaphore_mem>>
      %dma_start3A_106 = arith.constant 0 : i32
      %dma_start3A_107 = tpu.memref_slice %arg5[%arg0, %add3A_92, %dma_start3A_106] : memref<2x10240x128xf32, #tpu.memory_space<hbm>> -> memref<1x80x128xf32, #tpu.memory_space<hbm>>
      %dma_start3A_108 = tpu.memref_squeeze %dma_start3A_107 : memref<1x80x128xf32, #tpu.memory_space<hbm>> -> memref<80x128xf32, #tpu.memory_space<hbm>>
      %dma_start3A_109 = arith.constant 0 : i32
      %dma_start3A_110 = tpu.memref_slice %arg9[%add3A_92, %dma_start3A_109] : memref<10240x128xf32, #tpu.memory_space<vmem_shared>> -> memref<80x128xf32, #tpu.memory_space<vmem_shared>>
      tpu.enqueue_dma source(%dma_start3A_110 : memref<80x128xf32, #tpu.memory_space<vmem_shared>>) target(%dma_start3A_108 : memref<80x128xf32, #tpu.memory_space<hbm>>) target_semaphore(%run_scoped3A_105 : memref<!tpu.dma_semaphore, #tpu.memory_space<semaphore_mem>>)
      %dma_wait3A_111 = arith.constant 0 : i32
      %dma_wait3A_112 = tpu.memref_slice %arg5[%arg0, %add3A_92, %dma_wait3A_111] : memref<2x10240x128xf32, #tpu.memory_space<hbm>> -> memref<1x80x128xf32, #tpu.memory_space<hbm>>
      %dma_wait3A_113 = tpu.memref_squeeze %dma_wait3A_112 : memref<1x80x128xf32, #tpu.memory_space<hbm>> -> memref<80x128xf32, #tpu.memory_space<hbm>>
      %dma_wait3A_114 = arith.constant 0 : i32
      %dma_wait3A_115 = tpu.memref_slice %arg9[%add3A_92, %dma_wait3A_114] : memref<10240x128xf32, #tpu.memory_space<vmem_shared>> -> memref<80x128xf32, #tpu.memory_space<vmem_shared>>
      tpu.wait_dma2 semaphore(%run_scoped3A_105 : memref<!tpu.dma_semaphore, #tpu.memory_space<semaphore_mem>>) src(%dma_wait3A_115 : memref<80x128xf32, #tpu.memory_space<vmem_shared>>) dst(%dma_wait3A_113 : memref<80x128xf32, #tpu.memory_space<hbm>>)
      tpu.yield
    }) : () -> ()
    %mul3A_93 = arith.constant 640 : i32
    %mul3A_94 = arith.muli %arg1, %mul3A_93 : i32
    %add3A_95 = arith.constant 400 : i32
    %add3A_96 = arith.addi %mul3A_94, %add3A_95 : i32
    "tpu.region"() ({
      %run_scoped3A_105 = tpu.sem_alloc : memref<!tpu.dma_semaphore, #tpu.memory_space<semaphore_mem>>
      %dma_start3A_106 = arith.constant 0 : i32
      %dma_start3A_107 = tpu.memref_slice %arg5[%arg0, %add3A_96, %dma_start3A_106] : memref<2x10240x128xf32, #tpu.memory_space<hbm>> -> memref<1x80x128xf32, #tpu.memory_space<hbm>>
      %dma_start3A_108 = tpu.memref_squeeze %dma_start3A_107 : memref<1x80x128xf32, #tpu.memory_space<hbm>> -> memref<80x128xf32, #tpu.memory_space<hbm>>
      %dma_start3A_109 = arith.constant 0 : i32
      %dma_start3A_110 = tpu.memref_slice %arg9[%add3A_96, %dma_start3A_109] : memref<10240x128xf32, #tpu.memory_space<vmem_shared>> -> memref<80x128xf32, #tpu.memory_space<vmem_shared>>
      tpu.enqueue_dma source(%dma_start3A_110 : memref<80x128xf32, #tpu.memory_space<vmem_shared>>) target(%dma_start3A_108 : memref<80x128xf32, #tpu.memory_space<hbm>>) target_semaphore(%run_scoped3A_105 : memref<!tpu.dma_semaphore, #tpu.memory_space<semaphore_mem>>)
      %dma_wait3A_111 = arith.constant 0 : i32
      %dma_wait3A_112 = tpu.memref_slice %arg5[%arg0, %add3A_96, %dma_wait3A_111] : memref<2x10240x128xf32, #tpu.memory_space<hbm>> -> memref<1x80x128xf32, #tpu.memory_space<hbm>>
      %dma_wait3A_113 = tpu.memref_squeeze %dma_wait3A_112 : memref<1x80x128xf32, #tpu.memory_space<hbm>> -> memref<80x128xf32, #tpu.memory_space<hbm>>
      %dma_wait3A_114 = arith.constant 0 : i32
      %dma_wait3A_115 = tpu.memref_slice %arg9[%add3A_96, %dma_wait3A_114] : memref<10240x128xf32, #tpu.memory_space<vmem_shared>> -> memref<80x128xf32, #tpu.memory_space<vmem_shared>>
      tpu.wait_dma2 semaphore(%run_scoped3A_105 : memref<!tpu.dma_semaphore, #tpu.memory_space<semaphore_mem>>) src(%dma_wait3A_115 : memref<80x128xf32, #tpu.memory_space<vmem_shared>>) dst(%dma_wait3A_113 : memref<80x128xf32, #tpu.memory_space<hbm>>)
      tpu.yield
    }) : () -> ()
    %mul3A_97 = arith.constant 640 : i32
    %mul3A_98 = arith.muli %arg1, %mul3A_97 : i32
    %add3A_99 = arith.constant 480 : i32
    %add3A_100 = arith.addi %mul3A_98, %add3A_99 : i32
    "tpu.region"() ({
      %run_scoped3A_105 = tpu.sem_alloc : memref<!tpu.dma_semaphore, #tpu.memory_space<semaphore_mem>>
      %dma_start3A_106 = arith.constant 0 : i32
      %dma_start3A_107 = tpu.memref_slice %arg5[%arg0, %add3A_100, %dma_start3A_106] : memref<2x10240x128xf32, #tpu.memory_space<hbm>> -> memref<1x80x128xf32, #tpu.memory_space<hbm>>
      %dma_start3A_108 = tpu.memref_squeeze %dma_start3A_107 : memref<1x80x128xf32, #tpu.memory_space<hbm>> -> memref<80x128xf32, #tpu.memory_space<hbm>>
      %dma_start3A_109 = arith.constant 0 : i32
      %dma_start3A_110 = tpu.memref_slice %arg9[%add3A_100, %dma_start3A_109] : memref<10240x128xf32, #tpu.memory_space<vmem_shared>> -> memref<80x128xf32, #tpu.memory_space<vmem_shared>>
      tpu.enqueue_dma source(%dma_start3A_110 : memref<80x128xf32, #tpu.memory_space<vmem_shared>>) target(%dma_start3A_108 : memref<80x128xf32, #tpu.memory_space<hbm>>) target_semaphore(%run_scoped3A_105 : memref<!tpu.dma_semaphore, #tpu.memory_space<semaphore_mem>>)
      %dma_wait3A_111 = arith.constant 0 : i32
      %dma_wait3A_112 = tpu.memref_slice %arg5[%arg0, %add3A_100, %dma_wait3A_111] : memref<2x10240x128xf32, #tpu.memory_space<hbm>> -> memref<1x80x128xf32, #tpu.memory_space<hbm>>
      %dma_wait3A_113 = tpu.memref_squeeze %dma_wait3A_112 : memref<1x80x128xf32, #tpu.memory_space<hbm>> -> memref<80x128xf32, #tpu.memory_space<hbm>>
      %dma_wait3A_114 = arith.constant 0 : i32
      %dma_wait3A_115 = tpu.memref_slice %arg9[%add3A_100, %dma_wait3A_114] : memref<10240x128xf32, #tpu.memory_space<vmem_shared>> -> memref<80x128xf32, #tpu.memory_space<vmem_shared>>
      tpu.wait_dma2 semaphore(%run_scoped3A_105 : memref<!tpu.dma_semaphore, #tpu.memory_space<semaphore_mem>>) src(%dma_wait3A_115 : memref<80x128xf32, #tpu.memory_space<vmem_shared>>) dst(%dma_wait3A_113 : memref<80x128xf32, #tpu.memory_space<hbm>>)
      tpu.yield
    }) : () -> ()
    %mul3A_101 = arith.constant 640 : i32
    %mul3A_102 = arith.muli %arg1, %mul3A_101 : i32
    %add3A_103 = arith.constant 560 : i32
    %add3A_104 = arith.addi %mul3A_102, %add3A_103 : i32
    "tpu.region"() ({
      %run_scoped3A_105 = tpu.sem_alloc : memref<!tpu.dma_semaphore, #tpu.memory_space<semaphore_mem>>
      %dma_start3A_106 = arith.constant 0 : i32
      %dma_start3A_107 = tpu.memref_slice %arg5[%arg0, %add3A_104, %dma_start3A_106] : memref<2x10240x128xf32, #tpu.memory_space<hbm>> -> memref<1x80x128xf32, #tpu.memory_space<hbm>>
      %dma_start3A_108 = tpu.memref_squeeze %dma_start3A_107 : memref<1x80x128xf32, #tpu.memory_space<hbm>> -> memref<80x128xf32, #tpu.memory_space<hbm>>
      %dma_start3A_109 = arith.constant 0 : i32
      %dma_start3A_110 = tpu.memref_slice %arg9[%add3A_104, %dma_start3A_109] : memref<10240x128xf32, #tpu.memory_space<vmem_shared>> -> memref<80x128xf32, #tpu.memory_space<vmem_shared>>
      tpu.enqueue_dma source(%dma_start3A_110 : memref<80x128xf32, #tpu.memory_space<vmem_shared>>) target(%dma_start3A_108 : memref<80x128xf32, #tpu.memory_space<hbm>>) target_semaphore(%run_scoped3A_105 : memref<!tpu.dma_semaphore, #tpu.memory_space<semaphore_mem>>)
      %dma_wait3A_111 = arith.constant 0 : i32
      %dma_wait3A_112 = tpu.memref_slice %arg5[%arg0, %add3A_104, %dma_wait3A_111] : memref<2x10240x128xf32, #tpu.memory_space<hbm>> -> memref<1x80x128xf32, #tpu.memory_space<hbm>>
      %dma_wait3A_113 = tpu.memref_squeeze %dma_wait3A_112 : memref<1x80x128xf32, #tpu.memory_space<hbm>> -> memref<80x128xf32, #tpu.memory_space<hbm>>
      %dma_wait3A_114 = arith.constant 0 : i32
      %dma_wait3A_115 = tpu.memref_slice %arg9[%add3A_104, %dma_wait3A_114] : memref<10240x128xf32, #tpu.memory_space<vmem_shared>> -> memref<80x128xf32, #tpu.memory_space<vmem_shared>>
      tpu.wait_dma2 semaphore(%run_scoped3A_105 : memref<!tpu.dma_semaphore, #tpu.memory_space<semaphore_mem>>) src(%dma_wait3A_115 : memref<80x128xf32, #tpu.memory_space<vmem_shared>>) dst(%dma_wait3A_113 : memref<80x128xf32, #tpu.memory_space<hbm>>)
      tpu.yield
    }) : () -> ()
    return
  }
}

module attributes {stable_mosaic.version = 14 : i64} {
  func.func @_matmul_body(%arg0: i32, %arg1: memref<2x1024x128xf32, #tpu.memory_space<vmem>>, %arg2: memref<1024x128xf32, #tpu.memory_space<vmem>>, %arg3: memref<128x128xf32, #tpu.memory_space<vmem>>, %arg4: memref<1x128xf32, #tpu.memory_space<vmem>>, %arg5: memref<128x128xf32, #tpu.memory_space<vmem>>, %arg6: memref<128x1xf32, #tpu.memory_space<vmem>>, %arg7: memref<1024x128xf32, #tpu.memory_space<vmem>>, %arg8: memref<1024x1xf32, #tpu.memory_space<vmem>>) attributes {dimension_semantics = [#tpu.dimension_semantics<arbitrary>], iteration_bounds = array<i64: 10>, scalar_prefetch = 0 : i64, scratch_operands = 0 : i64, tpu.core_type = #tpu.core_type<tc>, window_params = [{transform_indices = @transform_0, window_bounds = array<i64: 2, 1024, 128>}, {transform_indices = @transform_1, window_bounds = array<i64: 1024, 128>}, {pipeline_mode = #tpu.pipeline_mode<synchronous>, transform_indices = @transform_2, window_bounds = array<i64: 128, 128>}, {pipeline_mode = #tpu.pipeline_mode<synchronous>, transform_indices = @transform_3, window_bounds = array<i64: 1, 128>}, {pipeline_mode = #tpu.pipeline_mode<synchronous>, transform_indices = @transform_4, window_bounds = array<i64: 128, 128>}, {pipeline_mode = #tpu.pipeline_mode<synchronous>, transform_indices = @transform_5, window_bounds = array<i64: 128, 1>}, {transform_indices = @transform_6, window_bounds = array<i64: 1024, 128>}, {transform_indices = @transform_7, window_bounds = array<i64: 1024, 1>}]} {
    %get3A = arith.constant 0 : index
    %get3A_0 = arith.constant 0 : index
    %get3A_1 = arith.constant 0 : index
    %get3A_2 = vector.load %arg1[%get3A, %get3A_0, %get3A_1] : memref<2x1024x128xf32, #tpu.memory_space<vmem>>, vector<1x1024x128xf32>
    %get3A_3 = vector.shape_cast %get3A_2 : vector<1x1024x128xf32> to vector<1024x128xf32>
    %get3A_4 = arith.constant 1 : index
    %get3A_5 = arith.constant 0 : index
    %get3A_6 = arith.constant 0 : index
    %get3A_7 = vector.load %arg1[%get3A_4, %get3A_5, %get3A_6] : memref<2x1024x128xf32, #tpu.memory_space<vmem>>, vector<1x1024x128xf32>
    %get3A_8 = vector.shape_cast %get3A_7 : vector<1x1024x128xf32> to vector<1024x128xf32>
    %add3A = arith.addf %get3A_3, %get3A_8 : vector<1024x128xf32>
    %get3A_9 = arith.constant 0 : index
    %get3A_10 = arith.constant 0 : index
    %get3A_11 = vector.load %arg3[%get3A_9, %get3A_10] : memref<128x128xf32, #tpu.memory_space<vmem>>, vector<128x128xf32>
    %dot_general3A = arith.constant dense<0.000000e+00> : vector<1024x128xf32>
    %dot_general3A_12 = tpu.matmul %add3A, %get3A_11, %dot_general3A {dimension_numbers = #tpu.dot_dimension_numbers<[1], [0], [0], [1], [0, 0, 1, 1], [], []>, transpose_lhs_hint = false} : vector<1024x128xf32>, vector<128x128xf32>, vector<1024x128xf32> -> vector<1024x128xf32>
    %get3A_13 = arith.constant 0 : index
    %get3A_14 = arith.constant 0 : index
    %get3A_15 = vector.load %arg4[%get3A_13, %get3A_14] : memref<1x128xf32, #tpu.memory_space<vmem>>, vector<1x128xf32>
    %add3A_16 = vector.broadcast %get3A_15 : vector<1x128xf32> to vector<1024x128xf32>
    %add3A_17 = arith.addf %dot_general3A_12, %add3A_16 : vector<1024x128xf32>
    %get3A_18 = arith.constant 0 : index
    %get3A_19 = arith.constant 0 : index
    %get3A_20 = vector.load %arg2[%get3A_18, %get3A_19] : memref<1024x128xf32, #tpu.memory_space<vmem>>, vector<1024x128xf32>
    %get3A_21 = arith.constant 0 : index
    %get3A_22 = arith.constant 0 : index
    %get3A_23 = vector.load %arg5[%get3A_21, %get3A_22] : memref<128x128xf32, #tpu.memory_space<vmem>>, vector<128x128xf32>
    %dot_general3A_24 = arith.constant dense<0.000000e+00> : vector<1024x128xf32>
    %dot_general3A_25 = tpu.matmul %get3A_20, %get3A_23, %dot_general3A_24 {dimension_numbers = #tpu.dot_dimension_numbers<[1], [0], [0], [1], [0, 0, 1, 1], [], []>, transpose_lhs_hint = false} : vector<1024x128xf32>, vector<128x128xf32>, vector<1024x128xf32> -> vector<1024x128xf32>
    %add3A_26 = arith.addf %add3A_17, %dot_general3A_25 : vector<1024x128xf32>
    %max3A = arith.constant 0.000000e+00 : f32
    %max3A_27 = vector.broadcast %max3A : f32 to vector<1024x128xf32>
    %max3A_28 = arith.maximumf %add3A_26, %max3A_27 : vector<1024x128xf32>
    %get3A_29 = arith.constant 0 : index
    %get3A_30 = arith.constant 0 : index
    %get3A_31 = vector.load %arg6[%get3A_29, %get3A_30] : memref<128x1xf32, #tpu.memory_space<vmem>>, vector<128x1xf32>
    %mul3A = arith.mulf %get3A_31, %get3A_31 : vector<128x1xf32>
    %reduce_sum3A = vector.shape_cast %mul3A : vector<128x1xf32> to vector<1x128x1xf32>
    %reduce_sum3A_32 = arith.constant dense<0.000000e+00> : vector<1xf32>
    %reduce_sum3A_33 = vector.multi_reduction <add>, %reduce_sum3A, %reduce_sum3A_32 [1, 2] : vector<1x128x1xf32> to vector<1xf32>
    %reduce_sum3A_34 = vector.shape_cast %reduce_sum3A_33 : vector<1xf32> to vector<1x1x1xf32>
    %reduce_sum3A_35 = vector.extract %reduce_sum3A_34[0, 0, 0] : f32 from vector<1x1x1xf32>
    %rsqrt3A = math.rsqrt %reduce_sum3A_35 : f32
    %swap3A = arith.constant 0 : index
    %swap3A_36 = arith.constant 0 : index
    %swap3A_37 = vector.load %arg7[%swap3A, %swap3A_36] : memref<1024x128xf32, #tpu.memory_space<vmem>>, vector<1024x128xf32>
    tpu.vector_store %arg7[%swap3A, %swap3A_36], %max3A_28 {strides = array<i32>} : memref<1024x128xf32, #tpu.memory_space<vmem>>, vector<1024x128xf32>,
    %dot_general3A_38 = arith.constant dense<0.000000e+00> : vector<1024x1xf32>
    %dot_general3A_39 = tpu.matmul %max3A_28, %get3A_31, %dot_general3A_38 {dimension_numbers = #tpu.dot_dimension_numbers<[1], [0], [0], [1], [0, 0, 1, 1], [], []>, transpose_lhs_hint = false} : vector<1024x128xf32>, vector<128x1xf32>, vector<1024x1xf32> -> vector<1024x1xf32>
    %mul3A_40 = vector.broadcast %rsqrt3A : f32 to vector<1024x1xf32>
    %mul3A_41 = arith.mulf %dot_general3A_39, %mul3A_40 : vector<1024x1xf32>
    %swap3A_42 = arith.constant 0 : index
    %swap3A_43 = arith.constant 0 : index
    %swap3A_44 = vector.load %arg8[%swap3A_42, %swap3A_43] : memref<1024x1xf32, #tpu.memory_space<vmem>>, vector<1024x1xf32>
    tpu.vector_store %arg8[%swap3A_42, %swap3A_43], %mul3A_41 {strides = array<i32>} : memref<1024x1xf32, #tpu.memory_space<vmem>>, vector<1024x1xf32>,
    return
  }
  func.func @transform_0(%arg0: i32) -> (i32, i32, i32) {
    %c0_i32 = arith.constant 0 : i32
    %c0_i32_0 = arith.constant 0 : i32
    %c0_i32_1 = arith.constant 0 : i32
    return %c0_i32, %arg0, %c0_i32_0 : i32, i32, i32
  }
  func.func @transform_1(%arg0: i32) -> (i32, i32) {
    %c0_i32 = arith.constant 0 : i32
    %c0_i32_0 = arith.constant 0 : i32
    return %arg0, %c0_i32 : i32, i32
  }
  func.func @transform_2(%arg0: i32) -> (i32, i32) {
    %c0_i32 = arith.constant 0 : i32
    %c0_i32_0 = arith.constant 0 : i32
    %c0_i32_1 = arith.constant 0 : i32
    return %c0_i32, %c0_i32_0 : i32, i32
  }
  func.func @transform_3(%arg0: i32) -> (i32, i32) {
    %c0_i32 = arith.constant 0 : i32
    %c0_i32_0 = arith.constant 0 : i32
    %c0_i32_1 = arith.constant 0 : i32
    return %c0_i32, %c0_i32_0 : i32, i32
  }
  func.func @transform_4(%arg0: i32) -> (i32, i32) {
    %c0_i32 = arith.constant 0 : i32
    %c0_i32_0 = arith.constant 0 : i32
    %c0_i32_1 = arith.constant 0 : i32
    return %c0_i32, %c0_i32_0 : i32, i32
  }
  func.func @transform_5(%arg0: i32) -> (i32, i32) {
    %c0_i32 = arith.constant 0 : i32
    %c0_i32_0 = arith.constant 0 : i32
    %c0_i32_1 = arith.constant 0 : i32
    return %c0_i32, %c0_i32_0 : i32, i32
  }
  func.func @transform_6(%arg0: i32) -> (i32, i32) {
    %c0_i32 = arith.constant 0 : i32
    %c0_i32_0 = arith.constant 0 : i32
    return %arg0, %c0_i32 : i32, i32
  }
  func.func @transform_7(%arg0: i32) -> (i32, i32) {
    %c0_i32 = arith.constant 0 : i32
    %c0_i32_0 = arith.constant 0 : i32
    return %arg0, %c0_i32 : i32, i32
  }
}

module attributes {stable_mosaic.version = 14 : i64} {
  func.func @_pool_body(%arg0: memref<10240x128xf32, #tpu.memory_space<vmem>>, %arg1: memref<10240x1xf32, #tpu.memory_space<vmem>>, %arg2: memref<80x128xf32, #tpu.memory_space<vmem>>, %arg3: memref<80x128xf32, #tpu.memory_space<vmem>>, %arg4: memref<10240x1xf32, #tpu.memory_space<vmem>>, %arg5: memref<10240x128xf32, #tpu.memory_space<vmem>>, %arg6: memref<80x128xf32, #tpu.memory_space<vmem>>) attributes {dimension_semantics = [], scalar_prefetch = 0 : i64, scratch_operands = 0 : i64, tpu.core_type = #tpu.core_type<tc>} {
    %get3A = arith.constant 0 : index
    %get3A_0 = arith.constant 0 : index
    %get3A_1 = vector.load %arg3[%get3A, %get3A_0] : memref<80x128xf32, #tpu.memory_space<vmem>>, vector<80x128xf32>
    %gt3A = arith.constant 0.000000e+00 : f32
    %gt3A_2 = vector.broadcast %gt3A : f32 to vector<80x128xf32>
    %gt3A_3 = arith.cmpf ogt, %get3A_1, %gt3A_2 : vector<80x128xf32>
    %get3A_4 = arith.constant 0 : index
    %get3A_5 = arith.constant 0 : index
    %get3A_6 = vector.load %arg2[%get3A_4, %get3A_5] : memref<80x128xf32, #tpu.memory_space<vmem>>, vector<80x128xf32>
    %jit3A = arith.constant -3.000000e+38 : f32
    %broadcast_in_dim3A = vector.broadcast %jit3A : f32 to vector<80x128xf32>
    %select_n3A = arith.select %gt3A_3, %get3A_6, %broadcast_in_dim3A : vector<80x128xi1>, vector<80x128xf32>
    %bitcast_convert_type3A = tpu.bitcast %select_n3A : vector<80x128xf32> -> vector<80x128xi32>
    %shift_right_logical3A = arith.constant 31 : i32
    %shift_right_logical3A_7 = vector.broadcast %shift_right_logical3A : i32 to vector<80x128xi32>
    %shift_right_logical3A_8 = arith.shrui %bitcast_convert_type3A, %shift_right_logical3A_7 : vector<80x128xi32>
    %ne3A = arith.constant 0 : i32
    %ne3A_9 = vector.broadcast %ne3A : i32 to vector<80x128xi32>
    %ne3A_10 = arith.cmpi ne, %shift_right_logical3A_8, %ne3A_9 : vector<80x128xi32>
    %not3A = arith.constant dense<-1> : vector<80x128xi32>
    %not3A_11 = arith.xori %bitcast_convert_type3A, %not3A : vector<80x128xi32>
    %or3A = arith.constant -2147483648 : i32
    %or3A_12 = vector.broadcast %or3A : i32 to vector<80x128xi32>
    %or3A_13 = arith.ori %bitcast_convert_type3A, %or3A_12 : vector<80x128xi32>
    %select_n3A_14 = arith.select %ne3A_10, %not3A_11, %or3A_13 : vector<80x128xi1>, vector<80x128xi32>
    %scan3A = arith.constant 0 : i32
    %scan3A_15 = arith.constant 0 : i32
    %scan3A_16 = arith.constant 32 : i32
    %scan3A_17 = arith.addi %scan3A_15, %scan3A_16 : i32
    %scan3A_18 = arith.constant 1 : i32
    %scan3A_19 = scf.for %scan3A_63 = %scan3A_15 to %scan3A_17 step %scan3A_18 iter_args(%scan3A_64 = %scan3A) -> (i32)  : i32 {
      %sub3A = arith.constant 31 : i32
      %sub3A_65 = arith.subi %sub3A, %scan3A_63 : i32
      %shift_left3A = arith.constant 1 : i32
      %shift_left3A_66 = arith.shli %shift_left3A, %sub3A_65 : i32
      %or3A_67 = arith.ori %scan3A_64, %shift_left3A_66 : i32
      %ge3A_68 = vector.broadcast %or3A_67 : i32 to vector<80x128xi32>
      %ge3A_69 = arith.cmpi uge, %select_n3A_14, %ge3A_68 : vector<80x128xi32>
      %convert_element_type3A_70 = arith.extui %ge3A_69 : vector<80x128xi1> to vector<80x128xi32>
      %reduce_sum3A = vector.shape_cast %convert_element_type3A_70 : vector<80x128xi32> to vector<1x80x128xi32>
      %reduce_sum3A_71 = arith.constant dense<0> : vector<1xi32>
      %reduce_sum3A_72 = vector.multi_reduction <add>, %reduce_sum3A, %reduce_sum3A_71 [1, 2] : vector<1x80x128xi32> to vector<1xi32>
      %reduce_sum3A_73 = vector.shape_cast %reduce_sum3A_72 : vector<1xi32> to vector<1x1x1xi32>
      %reduce_sum3A_74 = vector.extract %reduce_sum3A_73[0, 0, 0] : i32 from vector<1x1x1xi32>
      %ge3A_75 = arith.constant 8000 : i32
      %ge3A_76 = arith.cmpi sge, %reduce_sum3A_74, %ge3A_75 : i32
      %select_n3A_77 = arith.select %ge3A_76, %or3A_67, %scan3A_64 : i32
      scf.yield %select_n3A_77 : i32
    }
    %scan3A_20 = arith.constant 32 : i32
    %ge3A = vector.broadcast %scan3A_19 : i32 to vector<80x128xi32>
    %ge3A_21 = arith.cmpi uge, %select_n3A_14, %ge3A : vector<80x128xi32>
    %convert_element_type3A = arith.extui %ge3A_21 : vector<80x128xi1> to vector<80x128xi32>
    %convert_element_type3A_22 = arith.sitofp %convert_element_type3A : vector<80x128xi32> to vector<80x128xf32>
    %swap3A = arith.constant 0 : index
    %swap3A_23 = arith.constant 0 : index
    %swap3A_24 = vector.load %arg6[%swap3A, %swap3A_23] : memref<80x128xf32, #tpu.memory_space<vmem>>, vector<80x128xf32>
    tpu.vector_store %arg6[%swap3A, %swap3A_23], %convert_element_type3A_22 {strides = array<i32>} : memref<80x128xf32, #tpu.memory_space<vmem>>, vector<80x128xf32>,
    %get3A_25 = arith.constant 0 : index
    %get3A_26 = arith.constant 0 : index
    %get3A_27 = vector.load %arg1[%get3A_25, %get3A_26] : memref<10240x1xf32, #tpu.memory_space<vmem>>, vector<10240x1xf32>
    %bitcast_convert_type3A_28 = tpu.bitcast %get3A_27 : vector<10240x1xf32> -> vector<10240x1xi32>
    %shift_right_logical3A_29 = arith.constant 31 : i32
    %shift_right_logical3A_30 = vector.broadcast %shift_right_logical3A_29 : i32 to vector<10240x1xi32>
    %shift_right_logical3A_31 = arith.shrui %bitcast_convert_type3A_28, %shift_right_logical3A_30 : vector<10240x1xi32>
    %ne3A_32 = arith.constant 0 : i32
    %ne3A_33 = vector.broadcast %ne3A_32 : i32 to vector<10240x1xi32>
    %ne3A_34 = arith.cmpi ne, %shift_right_logical3A_31, %ne3A_33 : vector<10240x1xi32>
    %not3A_35 = arith.constant dense<-1> : vector<10240x1xi32>
    %not3A_36 = arith.xori %bitcast_convert_type3A_28, %not3A_35 : vector<10240x1xi32>
    %or3A_37 = arith.constant -2147483648 : i32
    %or3A_38 = vector.broadcast %or3A_37 : i32 to vector<10240x1xi32>
    %or3A_39 = arith.ori %bitcast_convert_type3A_28, %or3A_38 : vector<10240x1xi32>
    %select_n3A_40 = arith.select %ne3A_34, %not3A_36, %or3A_39 : vector<10240x1xi1>, vector<10240x1xi32>
    %ge3A_41 = vector.broadcast %scan3A_19 : i32 to vector<10240x1xi32>
    %ge3A_42 = arith.cmpi uge, %select_n3A_40, %ge3A_41 : vector<10240x1xi32>
    %get3A_43 = arith.constant 0 : index
    %get3A_44 = arith.constant 0 : index
    %get3A_45 = vector.load %arg4[%get3A_43, %get3A_44] : memref<10240x1xf32, #tpu.memory_space<vmem>>, vector<10240x1xf32>
    %gt3A_46 = arith.constant 0.000000e+00 : f32
    %gt3A_47 = vector.broadcast %gt3A_46 : f32 to vector<10240x1xf32>
    %gt3A_48 = arith.cmpf ogt, %get3A_45, %gt3A_47 : vector<10240x1xf32>
    %and3A = arith.andi %ge3A_42, %gt3A_48 : vector<10240x1xi1>
    %jit3A_49 = arith.constant 1.000000e+00 : f32
    %jit3A_50 = arith.constant 0.000000e+00 : f32
    %broadcast_in_dim3A_51 = vector.broadcast %jit3A_49 : f32 to vector<10240x1xf32>
    %broadcast_in_dim3A_52 = vector.broadcast %jit3A_50 : f32 to vector<10240x1xf32>
    %select_n3A_53 = arith.select %and3A, %broadcast_in_dim3A_51, %broadcast_in_dim3A_52 : vector<10240x1xi1>, vector<10240x1xf32>
    %get3A_54 = arith.constant 0 : index
    %get3A_55 = arith.constant 0 : index
    %get3A_56 = vector.load %arg0[%get3A_54, %get3A_55] : memref<10240x128xf32, #tpu.memory_space<vmem>>, vector<10240x128xf32>
    %tanh3A = math.tanh %get3A_27 : vector<10240x1xf32>
    %mul3A = vector.broadcast %tanh3A : vector<10240x1xf32> to vector<10240x128xf32>
    %mul3A_57 = arith.mulf %get3A_56, %mul3A : vector<10240x128xf32>
    %mul3A_58 = vector.broadcast %select_n3A_53 : vector<10240x1xf32> to vector<10240x128xf32>
    %mul3A_59 = arith.mulf %mul3A_57, %mul3A_58 : vector<10240x128xf32>
    %swap3A_60 = arith.constant 0 : index
    %swap3A_61 = arith.constant 0 : index
    %swap3A_62 = vector.load %arg5[%swap3A_60, %swap3A_61] : memref<10240x128xf32, #tpu.memory_space<vmem>>, vector<10240x128xf32>
    tpu.vector_store %arg5[%swap3A_60, %swap3A_61], %mul3A_59 {strides = array<i32>} : memref<10240x128xf32, #tpu.memory_space<vmem>>, vector<10240x128xf32>,
    return
  }
}

module attributes {stable_mosaic.version = 14 : i64} {
  func.func @_pool_body(%arg0: memref<10240x128xf32, #tpu.memory_space<vmem>>, %arg1: memref<10240x1xf32, #tpu.memory_space<vmem>>, %arg2: memref<80x128xf32, #tpu.memory_space<vmem>>, %arg3: memref<80x128xf32, #tpu.memory_space<vmem>>, %arg4: memref<10240x1xf32, #tpu.memory_space<vmem>>, %arg5: memref<10240x128xf32, #tpu.memory_space<vmem>>, %arg6: memref<80x128xf32, #tpu.memory_space<vmem>>) attributes {dimension_semantics = [], scalar_prefetch = 0 : i64, scratch_operands = 0 : i64, tpu.core_type = #tpu.core_type<tc>} {
    %get3A = arith.constant 0 : index
    %get3A_0 = arith.constant 0 : index
    %get3A_1 = vector.load %arg3[%get3A, %get3A_0] : memref<80x128xf32, #tpu.memory_space<vmem>>, vector<80x128xf32>
    %gt3A = arith.constant 0.000000e+00 : f32
    %gt3A_2 = vector.broadcast %gt3A : f32 to vector<80x128xf32>
    %gt3A_3 = arith.cmpf ogt, %get3A_1, %gt3A_2 : vector<80x128xf32>
    %get3A_4 = arith.constant 0 : index
    %get3A_5 = arith.constant 0 : index
    %get3A_6 = vector.load %arg2[%get3A_4, %get3A_5] : memref<80x128xf32, #tpu.memory_space<vmem>>, vector<80x128xf32>
    %jit3A = arith.constant -3.000000e+38 : f32
    %broadcast_in_dim3A = vector.broadcast %jit3A : f32 to vector<80x128xf32>
    %select_n3A = arith.select %gt3A_3, %get3A_6, %broadcast_in_dim3A : vector<80x128xi1>, vector<80x128xf32>
    %bitcast_convert_type3A = tpu.bitcast %select_n3A : vector<80x128xf32> -> vector<80x128xi32>
    %shift_right_logical3A = arith.constant 31 : i32
    %shift_right_logical3A_7 = vector.broadcast %shift_right_logical3A : i32 to vector<80x128xi32>
    %shift_right_logical3A_8 = arith.shrui %bitcast_convert_type3A, %shift_right_logical3A_7 : vector<80x128xi32>
    %ne3A = arith.constant 0 : i32
    %ne3A_9 = vector.broadcast %ne3A : i32 to vector<80x128xi32>
    %ne3A_10 = arith.cmpi ne, %shift_right_logical3A_8, %ne3A_9 : vector<80x128xi32>
    %not3A = arith.constant dense<-1> : vector<80x128xi32>
    %not3A_11 = arith.xori %bitcast_convert_type3A, %not3A : vector<80x128xi32>
    %or3A = arith.constant -2147483648 : i32
    %or3A_12 = vector.broadcast %or3A : i32 to vector<80x128xi32>
    %or3A_13 = arith.ori %bitcast_convert_type3A, %or3A_12 : vector<80x128xi32>
    %select_n3A_14 = arith.select %ne3A_10, %not3A_11, %or3A_13 : vector<80x128xi1>, vector<80x128xi32>
    %scan3A = arith.constant 0 : i32
    %scan3A_15 = arith.constant 0 : i32
    %scan3A_16 = arith.constant 32 : i32
    %scan3A_17 = arith.addi %scan3A_15, %scan3A_16 : i32
    %scan3A_18 = arith.constant 1 : i32
    %scan3A_19 = scf.for %scan3A_63 = %scan3A_15 to %scan3A_17 step %scan3A_18 iter_args(%scan3A_64 = %scan3A) -> (i32)  : i32 {
      %sub3A = arith.constant 31 : i32
      %sub3A_65 = arith.subi %sub3A, %scan3A_63 : i32
      %shift_left3A = arith.constant 1 : i32
      %shift_left3A_66 = arith.shli %shift_left3A, %sub3A_65 : i32
      %or3A_67 = arith.ori %scan3A_64, %shift_left3A_66 : i32
      %ge3A_68 = vector.broadcast %or3A_67 : i32 to vector<80x128xi32>
      %ge3A_69 = arith.cmpi uge, %select_n3A_14, %ge3A_68 : vector<80x128xi32>
      %convert_element_type3A_70 = arith.extui %ge3A_69 : vector<80x128xi1> to vector<80x128xi32>
      %reduce_sum3A = vector.shape_cast %convert_element_type3A_70 : vector<80x128xi32> to vector<1x80x128xi32>
      %reduce_sum3A_71 = arith.constant dense<0> : vector<1xi32>
      %reduce_sum3A_72 = vector.multi_reduction <add>, %reduce_sum3A, %reduce_sum3A_71 [1, 2] : vector<1x80x128xi32> to vector<1xi32>
      %reduce_sum3A_73 = vector.shape_cast %reduce_sum3A_72 : vector<1xi32> to vector<1x1x1xi32>
      %reduce_sum3A_74 = vector.extract %reduce_sum3A_73[0, 0, 0] : i32 from vector<1x1x1xi32>
      %ge3A_75 = arith.constant 6400 : i32
      %ge3A_76 = arith.cmpi sge, %reduce_sum3A_74, %ge3A_75 : i32
      %select_n3A_77 = arith.select %ge3A_76, %or3A_67, %scan3A_64 : i32
      scf.yield %select_n3A_77 : i32
    }
    %scan3A_20 = arith.constant 32 : i32
    %ge3A = vector.broadcast %scan3A_19 : i32 to vector<80x128xi32>
    %ge3A_21 = arith.cmpi uge, %select_n3A_14, %ge3A : vector<80x128xi32>
    %convert_element_type3A = arith.extui %ge3A_21 : vector<80x128xi1> to vector<80x128xi32>
    %convert_element_type3A_22 = arith.sitofp %convert_element_type3A : vector<80x128xi32> to vector<80x128xf32>
    %swap3A = arith.constant 0 : index
    %swap3A_23 = arith.constant 0 : index
    %swap3A_24 = vector.load %arg6[%swap3A, %swap3A_23] : memref<80x128xf32, #tpu.memory_space<vmem>>, vector<80x128xf32>
    tpu.vector_store %arg6[%swap3A, %swap3A_23], %convert_element_type3A_22 {strides = array<i32>} : memref<80x128xf32, #tpu.memory_space<vmem>>, vector<80x128xf32>,
    %get3A_25 = arith.constant 0 : index
    %get3A_26 = arith.constant 0 : index
    %get3A_27 = vector.load %arg1[%get3A_25, %get3A_26] : memref<10240x1xf32, #tpu.memory_space<vmem>>, vector<10240x1xf32>
    %bitcast_convert_type3A_28 = tpu.bitcast %get3A_27 : vector<10240x1xf32> -> vector<10240x1xi32>
    %shift_right_logical3A_29 = arith.constant 31 : i32
    %shift_right_logical3A_30 = vector.broadcast %shift_right_logical3A_29 : i32 to vector<10240x1xi32>
    %shift_right_logical3A_31 = arith.shrui %bitcast_convert_type3A_28, %shift_right_logical3A_30 : vector<10240x1xi32>
    %ne3A_32 = arith.constant 0 : i32
    %ne3A_33 = vector.broadcast %ne3A_32 : i32 to vector<10240x1xi32>
    %ne3A_34 = arith.cmpi ne, %shift_right_logical3A_31, %ne3A_33 : vector<10240x1xi32>
    %not3A_35 = arith.constant dense<-1> : vector<10240x1xi32>
    %not3A_36 = arith.xori %bitcast_convert_type3A_28, %not3A_35 : vector<10240x1xi32>
    %or3A_37 = arith.constant -2147483648 : i32
    %or3A_38 = vector.broadcast %or3A_37 : i32 to vector<10240x1xi32>
    %or3A_39 = arith.ori %bitcast_convert_type3A_28, %or3A_38 : vector<10240x1xi32>
    %select_n3A_40 = arith.select %ne3A_34, %not3A_36, %or3A_39 : vector<10240x1xi1>, vector<10240x1xi32>
    %ge3A_41 = vector.broadcast %scan3A_19 : i32 to vector<10240x1xi32>
    %ge3A_42 = arith.cmpi uge, %select_n3A_40, %ge3A_41 : vector<10240x1xi32>
    %get3A_43 = arith.constant 0 : index
    %get3A_44 = arith.constant 0 : index
    %get3A_45 = vector.load %arg4[%get3A_43, %get3A_44] : memref<10240x1xf32, #tpu.memory_space<vmem>>, vector<10240x1xf32>
    %gt3A_46 = arith.constant 0.000000e+00 : f32
    %gt3A_47 = vector.broadcast %gt3A_46 : f32 to vector<10240x1xf32>
    %gt3A_48 = arith.cmpf ogt, %get3A_45, %gt3A_47 : vector<10240x1xf32>
    %and3A = arith.andi %ge3A_42, %gt3A_48 : vector<10240x1xi1>
    %jit3A_49 = arith.constant 1.000000e+00 : f32
    %jit3A_50 = arith.constant 0.000000e+00 : f32
    %broadcast_in_dim3A_51 = vector.broadcast %jit3A_49 : f32 to vector<10240x1xf32>
    %broadcast_in_dim3A_52 = vector.broadcast %jit3A_50 : f32 to vector<10240x1xf32>
    %select_n3A_53 = arith.select %and3A, %broadcast_in_dim3A_51, %broadcast_in_dim3A_52 : vector<10240x1xi1>, vector<10240x1xf32>
    %get3A_54 = arith.constant 0 : index
    %get3A_55 = arith.constant 0 : index
    %get3A_56 = vector.load %arg0[%get3A_54, %get3A_55] : memref<10240x128xf32, #tpu.memory_space<vmem>>, vector<10240x128xf32>
    %tanh3A = math.tanh %get3A_27 : vector<10240x1xf32>
    %mul3A = vector.broadcast %tanh3A : vector<10240x1xf32> to vector<10240x128xf32>
    %mul3A_57 = arith.mulf %get3A_56, %mul3A : vector<10240x128xf32>
    %mul3A_58 = vector.broadcast %select_n3A_53 : vector<10240x1xf32> to vector<10240x128xf32>
    %mul3A_59 = arith.mulf %mul3A_57, %mul3A_58 : vector<10240x128xf32>
    %swap3A_60 = arith.constant 0 : index
    %swap3A_61 = arith.constant 0 : index
    %swap3A_62 = vector.load %arg5[%swap3A_60, %swap3A_61] : memref<10240x128xf32, #tpu.memory_space<vmem>>, vector<10240x128xf32>
    tpu.vector_store %arg5[%swap3A_60, %swap3A_61], %mul3A_59 {strides = array<i32>} : memref<10240x128xf32, #tpu.memory_space<vmem>>, vector<10240x128xf32>,
    return
  }
}

module attributes {stable_mosaic.version = 14 : i64} {
  func.func @_final_body(%arg0: memref<10240x128xf32, #tpu.memory_space<vmem>>, %arg1: memref<10240x1xf32, #tpu.memory_space<vmem>>, %arg2: memref<80x128xf32, #tpu.memory_space<vmem>>, %arg3: memref<80x128xf32, #tpu.memory_space<vmem>>, %arg4: memref<10x128xf32, #tpu.memory_space<vmem>>) attributes {dimension_semantics = [], scalar_prefetch = 0 : i64, scratch_operands = 0 : i64, tpu.core_type = #tpu.core_type<tc>} {
    %get3A = arith.constant 0 : index
    %get3A_0 = arith.constant 0 : index
    %get3A_1 = vector.load %arg3[%get3A, %get3A_0] : memref<80x128xf32, #tpu.memory_space<vmem>>, vector<80x128xf32>
    %gt3A = arith.constant 0.000000e+00 : f32
    %gt3A_2 = vector.broadcast %gt3A : f32 to vector<80x128xf32>
    %gt3A_3 = arith.cmpf ogt, %get3A_1, %gt3A_2 : vector<80x128xf32>
    %get3A_4 = arith.constant 0 : index
    %get3A_5 = arith.constant 0 : index
    %get3A_6 = vector.load %arg2[%get3A_4, %get3A_5] : memref<80x128xf32, #tpu.memory_space<vmem>>, vector<80x128xf32>
    %jit3A = arith.constant -3.000000e+38 : f32
    %broadcast_in_dim3A = vector.broadcast %jit3A : f32 to vector<80x128xf32>
    %select_n3A = arith.select %gt3A_3, %get3A_6, %broadcast_in_dim3A : vector<80x128xi1>, vector<80x128xf32>
    %iota3A = tpu.iota {dimensions = array<i32: 0>} : vector<80x128xi32>
    %mul3A = arith.constant 128 : i32
    %mul3A_7 = vector.broadcast %mul3A : i32 to vector<80x128xi32>
    %mul3A_8 = arith.muli %iota3A, %mul3A_7 : vector<80x128xi32>
    %iota3A_9 = tpu.iota {dimensions = array<i32: 1>} : vector<80x128xi32>
    %add3A = arith.addi %mul3A_8, %iota3A_9 : vector<80x128xi32>
    %reduce_max3A = vector.shape_cast %select_n3A : vector<80x128xf32> to vector<1x80x128xf32>
    %reduce_max3A_10 = arith.constant dense<0xFF800000> : vector<1xf32>
    %reduce_max3A_11 = vector.multi_reduction <maximumf>, %reduce_max3A, %reduce_max3A_10 [1, 2] : vector<1x80x128xf32> to vector<1xf32>
    %reduce_max3A_12 = vector.shape_cast %reduce_max3A_11 : vector<1xf32> to vector<1x1x1xf32>
    %reduce_max3A_13 = vector.extract %reduce_max3A_12[0, 0, 0] : f32 from vector<1x1x1xf32>
    %eq3A = vector.broadcast %reduce_max3A_13 : f32 to vector<80x128xf32>
    %eq3A_14 = arith.cmpf oeq, %select_n3A, %eq3A : vector<80x128xf32>
    %jit3A_15 = arith.constant 10240 : i32
    %broadcast_in_dim3A_16 = vector.broadcast %jit3A_15 : i32 to vector<80x128xi32>
    %select_n3A_17 = arith.select %eq3A_14, %add3A, %broadcast_in_dim3A_16 : vector<80x128xi1>, vector<80x128xi32>
    %reduce_min3A = vector.shape_cast %select_n3A_17 : vector<80x128xi32> to vector<1x80x128xi32>
    %reduce_min3A_18 = arith.constant dense<2147483647> : vector<1xi32>
    %reduce_min3A_19 = vector.multi_reduction <minsi>, %reduce_min3A, %reduce_min3A_18 [1, 2] : vector<1x80x128xi32> to vector<1xi32>
    %reduce_min3A_20 = vector.shape_cast %reduce_min3A_19 : vector<1xi32> to vector<1x1x1xi32>
    %reduce_min3A_21 = vector.extract %reduce_min3A_20[0, 0, 0] : i32 from vector<1x1x1xi32>
    %get3A_22 = arith.index_cast %reduce_min3A_21 : i32 to index
    %get3A_23 = arith.constant 0 : index
    %get3A_24 = vector.load %arg0[%get3A_22, %get3A_23] : memref<10240x128xf32, #tpu.memory_space<vmem>>, vector<1x128xf32>
    %get3A_25 = arith.index_cast %reduce_min3A_21 : i32 to index
    %get3A_26 = arith.constant 0 : index
    %get3A_27 = vector.load %arg1[%get3A_25, %get3A_26] : memref<10240x1xf32, #tpu.memory_space<vmem>>, vector<1x1xf32>
    %eq3A_28 = vector.broadcast %reduce_min3A_21 : i32 to vector<80x128xi32>
    %eq3A_29 = arith.cmpi eq, %add3A, %eq3A_28 : vector<80x128xi32>
    %jit3A_30 = arith.constant -3.000000e+38 : f32
    %broadcast_in_dim3A_31 = vector.broadcast %jit3A_30 : f32 to vector<80x128xf32>
    %select_n3A_32 = arith.select %eq3A_29, %broadcast_in_dim3A_31, %select_n3A : vector<80x128xi1>, vector<80x128xf32>
    %reduce_max3A_33 = vector.shape_cast %select_n3A_32 : vector<80x128xf32> to vector<1x80x128xf32>
    %reduce_max3A_34 = arith.constant dense<0xFF800000> : vector<1xf32>
    %reduce_max3A_35 = vector.multi_reduction <maximumf>, %reduce_max3A_33, %reduce_max3A_34 [1, 2] : vector<1x80x128xf32> to vector<1xf32>
    %reduce_max3A_36 = vector.shape_cast %reduce_max3A_35 : vector<1xf32> to vector<1x1x1xf32>
    %reduce_max3A_37 = vector.extract %reduce_max3A_36[0, 0, 0] : f32 from vector<1x1x1xf32>
    %eq3A_38 = vector.broadcast %reduce_max3A_37 : f32 to vector<80x128xf32>
    %eq3A_39 = arith.cmpf oeq, %select_n3A_32, %eq3A_38 : vector<80x128xf32>
    %jit3A_40 = arith.constant 10240 : i32
    %broadcast_in_dim3A_41 = vector.broadcast %jit3A_40 : i32 to vector<80x128xi32>
    %select_n3A_42 = arith.select %eq3A_39, %add3A, %broadcast_in_dim3A_41 : vector<80x128xi1>, vector<80x128xi32>
    %reduce_min3A_43 = vector.shape_cast %select_n3A_42 : vector<80x128xi32> to vector<1x80x128xi32>
    %reduce_min3A_44 = arith.constant dense<2147483647> : vector<1xi32>
    %reduce_min3A_45 = vector.multi_reduction <minsi>, %reduce_min3A_43, %reduce_min3A_44 [1, 2] : vector<1x80x128xi32> to vector<1xi32>
    %reduce_min3A_46 = vector.shape_cast %reduce_min3A_45 : vector<1xi32> to vector<1x1x1xi32>
    %reduce_min3A_47 = vector.extract %reduce_min3A_46[0, 0, 0] : i32 from vector<1x1x1xi32>
    %get3A_48 = arith.index_cast %reduce_min3A_47 : i32 to index
    %get3A_49 = arith.constant 0 : index
    %get3A_50 = vector.load %arg0[%get3A_48, %get3A_49] : memref<10240x128xf32, #tpu.memory_space<vmem>>, vector<1x128xf32>
    %get3A_51 = arith.index_cast %reduce_min3A_47 : i32 to index
    %get3A_52 = arith.constant 0 : index
    %get3A_53 = vector.load %arg1[%get3A_51, %get3A_52] : memref<10240x1xf32, #tpu.memory_space<vmem>>, vector<1x1xf32>
    %eq3A_54 = vector.broadcast %reduce_min3A_47 : i32 to vector<80x128xi32>
    %eq3A_55 = arith.cmpi eq, %add3A, %eq3A_54 : vector<80x128xi32>
    %jit3A_56 = arith.constant -3.000000e+38 : f32
    %broadcast_in_dim3A_57 = vector.broadcast %jit3A_56 : f32 to vector<80x128xf32>
    %select_n3A_58 = arith.select %eq3A_55, %broadcast_in_dim3A_57, %select_n3A_32 : vector<80x128xi1>, vector<80x128xf32>
    %reduce_max3A_59 = vector.shape_cast %select_n3A_58 : vector<80x128xf32> to vector<1x80x128xf32>
    %reduce_max3A_60 = arith.constant dense<0xFF800000> : vector<1xf32>
    %reduce_max3A_61 = vector.multi_reduction <maximumf>, %reduce_max3A_59, %reduce_max3A_60 [1, 2] : vector<1x80x128xf32> to vector<1xf32>
    %reduce_max3A_62 = vector.shape_cast %reduce_max3A_61 : vector<1xf32> to vector<1x1x1xf32>
    %reduce_max3A_63 = vector.extract %reduce_max3A_62[0, 0, 0] : f32 from vector<1x1x1xf32>
    %eq3A_64 = vector.broadcast %reduce_max3A_63 : f32 to vector<80x128xf32>
    %eq3A_65 = arith.cmpf oeq, %select_n3A_58, %eq3A_64 : vector<80x128xf32>
    %jit3A_66 = arith.constant 10240 : i32
    %broadcast_in_dim3A_67 = vector.broadcast %jit3A_66 : i32 to vector<80x128xi32>
    %select_n3A_68 = arith.select %eq3A_65, %add3A, %broadcast_in_dim3A_67 : vector<80x128xi1>, vector<80x128xi32>
    %reduce_min3A_69 = vector.shape_cast %select_n3A_68 : vector<80x128xi32> to vector<1x80x128xi32>
    %reduce_min3A_70 = arith.constant dense<2147483647> : vector<1xi32>
    %reduce_min3A_71 = vector.multi_reduction <minsi>, %reduce_min3A_69, %reduce_min3A_70 [1, 2] : vector<1x80x128xi32> to vector<1xi32>
    %reduce_min3A_72 = vector.shape_cast %reduce_min3A_71 : vector<1xi32> to vector<1x1x1xi32>
    %reduce_min3A_73 = vector.extract %reduce_min3A_72[0, 0, 0] : i32 from vector<1x1x1xi32>
    %get3A_74 = arith.index_cast %reduce_min3A_73 : i32 to index
    %get3A_75 = arith.constant 0 : index
    %get3A_76 = vector.load %arg0[%get3A_74, %get3A_75] : memref<10240x128xf32, #tpu.memory_space<vmem>>, vector<1x128xf32>
    %get3A_77 = arith.index_cast %reduce_min3A_73 : i32 to index
    %get3A_78 = arith.constant 0 : index
    %get3A_79 = vector.load %arg1[%get3A_77, %get3A_78] : memref<10240x1xf32, #tpu.memory_space<vmem>>, vector<1x1xf32>
    %eq3A_80 = vector.broadcast %reduce_min3A_73 : i32 to vector<80x128xi32>
    %eq3A_81 = arith.cmpi eq, %add3A, %eq3A_80 : vector<80x128xi32>
    %jit3A_82 = arith.constant -3.000000e+38 : f32
    %broadcast_in_dim3A_83 = vector.broadcast %jit3A_82 : f32 to vector<80x128xf32>
    %select_n3A_84 = arith.select %eq3A_81, %broadcast_in_dim3A_83, %select_n3A_58 : vector<80x128xi1>, vector<80x128xf32>
    %reduce_max3A_85 = vector.shape_cast %select_n3A_84 : vector<80x128xf32> to vector<1x80x128xf32>
    %reduce_max3A_86 = arith.constant dense<0xFF800000> : vector<1xf32>
    %reduce_max3A_87 = vector.multi_reduction <maximumf>, %reduce_max3A_85, %reduce_max3A_86 [1, 2] : vector<1x80x128xf32> to vector<1xf32>
    %reduce_max3A_88 = vector.shape_cast %reduce_max3A_87 : vector<1xf32> to vector<1x1x1xf32>
    %reduce_max3A_89 = vector.extract %reduce_max3A_88[0, 0, 0] : f32 from vector<1x1x1xf32>
    %eq3A_90 = vector.broadcast %reduce_max3A_89 : f32 to vector<80x128xf32>
    %eq3A_91 = arith.cmpf oeq, %select_n3A_84, %eq3A_90 : vector<80x128xf32>
    %jit3A_92 = arith.constant 10240 : i32
    %broadcast_in_dim3A_93 = vector.broadcast %jit3A_92 : i32 to vector<80x128xi32>
    %select_n3A_94 = arith.select %eq3A_91, %add3A, %broadcast_in_dim3A_93 : vector<80x128xi1>, vector<80x128xi32>
    %reduce_min3A_95 = vector.shape_cast %select_n3A_94 : vector<80x128xi32> to vector<1x80x128xi32>
    %reduce_min3A_96 = arith.constant dense<2147483647> : vector<1xi32>
    %reduce_min3A_97 = vector.multi_reduction <minsi>, %reduce_min3A_95, %reduce_min3A_96 [1, 2] : vector<1x80x128xi32> to vector<1xi32>
    %reduce_min3A_98 = vector.shape_cast %reduce_min3A_97 : vector<1xi32> to vector<1x1x1xi32>
    %reduce_min3A_99 = vector.extract %reduce_min3A_98[0, 0, 0] : i32 from vector<1x1x1xi32>
    %get3A_100 = arith.index_cast %reduce_min3A_99 : i32 to index
    %get3A_101 = arith.constant 0 : index
    %get3A_102 = vector.load %arg0[%get3A_100, %get3A_101] : memref<10240x128xf32, #tpu.memory_space<vmem>>, vector<1x128xf32>
    %get3A_103 = arith.index_cast %reduce_min3A_99 : i32 to index
    %get3A_104 = arith.constant 0 : index
    %get3A_105 = vector.load %arg1[%get3A_103, %get3A_104] : memref<10240x1xf32, #tpu.memory_space<vmem>>, vector<1x1xf32>
    %eq3A_106 = vector.broadcast %reduce_min3A_99 : i32 to vector<80x128xi32>
    %eq3A_107 = arith.cmpi eq, %add3A, %eq3A_106 : vector<80x128xi32>
    %jit3A_108 = arith.constant -3.000000e+38 : f32
    %broadcast_in_dim3A_109 = vector.broadcast %jit3A_108 : f32 to vector<80x128xf32>
    %select_n3A_110 = arith.select %eq3A_107, %broadcast_in_dim3A_109, %select_n3A_84 : vector<80x128xi1>, vector<80x128xf32>
    %reduce_max3A_111 = vector.shape_cast %select_n3A_110 : vector<80x128xf32> to vector<1x80x128xf32>
    %reduce_max3A_112 = arith.constant dense<0xFF800000> : vector<1xf32>
    %reduce_max3A_113 = vector.multi_reduction <maximumf>, %reduce_max3A_111, %reduce_max3A_112 [1, 2] : vector<1x80x128xf32> to vector<1xf32>
    %reduce_max3A_114 = vector.shape_cast %reduce_max3A_113 : vector<1xf32> to vector<1x1x1xf32>
    %reduce_max3A_115 = vector.extract %reduce_max3A_114[0, 0, 0] : f32 from vector<1x1x1xf32>
    %eq3A_116 = vector.broadcast %reduce_max3A_115 : f32 to vector<80x128xf32>
    %eq3A_117 = arith.cmpf oeq, %select_n3A_110, %eq3A_116 : vector<80x128xf32>
    %jit3A_118 = arith.constant 10240 : i32
    %broadcast_in_dim3A_119 = vector.broadcast %jit3A_118 : i32 to vector<80x128xi32>
    %select_n3A_120 = arith.select %eq3A_117, %add3A, %broadcast_in_dim3A_119 : vector<80x128xi1>, vector<80x128xi32>
    %reduce_min3A_121 = vector.shape_cast %select_n3A_120 : vector<80x128xi32> to vector<1x80x128xi32>
    %reduce_min3A_122 = arith.constant dense<2147483647> : vector<1xi32>
    %reduce_min3A_123 = vector.multi_reduction <minsi>, %reduce_min3A_121, %reduce_min3A_122 [1, 2] : vector<1x80x128xi32> to vector<1xi32>
    %reduce_min3A_124 = vector.shape_cast %reduce_min3A_123 : vector<1xi32> to vector<1x1x1xi32>
    %reduce_min3A_125 = vector.extract %reduce_min3A_124[0, 0, 0] : i32 from vector<1x1x1xi32>
    %get3A_126 = arith.index_cast %reduce_min3A_125 : i32 to index
    %get3A_127 = arith.constant 0 : index
    %get3A_128 = vector.load %arg0[%get3A_126, %get3A_127] : memref<10240x128xf32, #tpu.memory_space<vmem>>, vector<1x128xf32>
    %get3A_129 = arith.index_cast %reduce_min3A_125 : i32 to index
    %get3A_130 = arith.constant 0 : index
    %get3A_131 = vector.load %arg1[%get3A_129, %get3A_130] : memref<10240x1xf32, #tpu.memory_space<vmem>>, vector<1x1xf32>
    %eq3A_132 = vector.broadcast %reduce_min3A_125 : i32 to vector<80x128xi32>
    %eq3A_133 = arith.cmpi eq, %add3A, %eq3A_132 : vector<80x128xi32>
    %jit3A_134 = arith.constant -3.000000e+38 : f32
    %broadcast_in_dim3A_135 = vector.broadcast %jit3A_134 : f32 to vector<80x128xf32>
    %select_n3A_136 = arith.select %eq3A_133, %broadcast_in_dim3A_135, %select_n3A_110 : vector<80x128xi1>, vector<80x128xf32>
    %reduce_max3A_137 = vector.shape_cast %select_n3A_136 : vector<80x128xf32> to vector<1x80x128xf32>
    %reduce_max3A_138 = arith.constant dense<0xFF800000> : vector<1xf32>
    %reduce_max3A_139 = vector.multi_reduction <maximumf>, %reduce_max3A_137, %reduce_max3A_138 [1, 2] : vector<1x80x128xf32> to vector<1xf32>
    %reduce_max3A_140 = vector.shape_cast %reduce_max3A_139 : vector<1xf32> to vector<1x1x1xf32>
    %reduce_max3A_141 = vector.extract %reduce_max3A_140[0, 0, 0] : f32 from vector<1x1x1xf32>
    %eq3A_142 = vector.broadcast %reduce_max3A_141 : f32 to vector<80x128xf32>
    %eq3A_143 = arith.cmpf oeq, %select_n3A_136, %eq3A_142 : vector<80x128xf32>
    %jit3A_144 = arith.constant 10240 : i32
    %broadcast_in_dim3A_145 = vector.broadcast %jit3A_144 : i32 to vector<80x128xi32>
    %select_n3A_146 = arith.select %eq3A_143, %add3A, %broadcast_in_dim3A_145 : vector<80x128xi1>, vector<80x128xi32>
    %reduce_min3A_147 = vector.shape_cast %select_n3A_146 : vector<80x128xi32> to vector<1x80x128xi32>
    %reduce_min3A_148 = arith.constant dense<2147483647> : vector<1xi32>
    %reduce_min3A_149 = vector.multi_reduction <minsi>, %reduce_min3A_147, %reduce_min3A_148 [1, 2] : vector<1x80x128xi32> to vector<1xi32>
    %reduce_min3A_150 = vector.shape_cast %reduce_min3A_149 : vector<1xi32> to vector<1x1x1xi32>
    %reduce_min3A_151 = vector.extract %reduce_min3A_150[0, 0, 0] : i32 from vector<1x1x1xi32>
    %get3A_152 = arith.index_cast %reduce_min3A_151 : i32 to index
    %get3A_153 = arith.constant 0 : index
    %get3A_154 = vector.load %arg0[%get3A_152, %get3A_153] : memref<10240x128xf32, #tpu.memory_space<vmem>>, vector<1x128xf32>
    %get3A_155 = arith.index_cast %reduce_min3A_151 : i32 to index
    %get3A_156 = arith.constant 0 : index
    %get3A_157 = vector.load %arg1[%get3A_155, %get3A_156] : memref<10240x1xf32, #tpu.memory_space<vmem>>, vector<1x1xf32>
    %eq3A_158 = vector.broadcast %reduce_min3A_151 : i32 to vector<80x128xi32>
    %eq3A_159 = arith.cmpi eq, %add3A, %eq3A_158 : vector<80x128xi32>
    %jit3A_160 = arith.constant -3.000000e+38 : f32
    %broadcast_in_dim3A_161 = vector.broadcast %jit3A_160 : f32 to vector<80x128xf32>
    %select_n3A_162 = arith.select %eq3A_159, %broadcast_in_dim3A_161, %select_n3A_136 : vector<80x128xi1>, vector<80x128xf32>
    %reduce_max3A_163 = vector.shape_cast %select_n3A_162 : vector<80x128xf32> to vector<1x80x128xf32>
    %reduce_max3A_164 = arith.constant dense<0xFF800000> : vector<1xf32>
    %reduce_max3A_165 = vector.multi_reduction <maximumf>, %reduce_max3A_163, %reduce_max3A_164 [1, 2] : vector<1x80x128xf32> to vector<1xf32>
    %reduce_max3A_166 = vector.shape_cast %reduce_max3A_165 : vector<1xf32> to vector<1x1x1xf32>
    %reduce_max3A_167 = vector.extract %reduce_max3A_166[0, 0, 0] : f32 from vector<1x1x1xf32>
    %eq3A_168 = vector.broadcast %reduce_max3A_167 : f32 to vector<80x128xf32>
    %eq3A_169 = arith.cmpf oeq, %select_n3A_162, %eq3A_168 : vector<80x128xf32>
    %jit3A_170 = arith.constant 10240 : i32
    %broadcast_in_dim3A_171 = vector.broadcast %jit3A_170 : i32 to vector<80x128xi32>
    %select_n3A_172 = arith.select %eq3A_169, %add3A, %broadcast_in_dim3A_171 : vector<80x128xi1>, vector<80x128xi32>
    %reduce_min3A_173 = vector.shape_cast %select_n3A_172 : vector<80x128xi32> to vector<1x80x128xi32>
    %reduce_min3A_174 = arith.constant dense<2147483647> : vector<1xi32>
    %reduce_min3A_175 = vector.multi_reduction <minsi>, %reduce_min3A_173, %reduce_min3A_174 [1, 2] : vector<1x80x128xi32> to vector<1xi32>
    %reduce_min3A_176 = vector.shape_cast %reduce_min3A_175 : vector<1xi32> to vector<1x1x1xi32>
    %reduce_min3A_177 = vector.extract %reduce_min3A_176[0, 0, 0] : i32 from vector<1x1x1xi32>
    %get3A_178 = arith.index_cast %reduce_min3A_177 : i32 to index
    %get3A_179 = arith.constant 0 : index
    %get3A_180 = vector.load %arg0[%get3A_178, %get3A_179] : memref<10240x128xf32, #tpu.memory_space<vmem>>, vector<1x128xf32>
    %get3A_181 = arith.index_cast %reduce_min3A_177 : i32 to index
    %get3A_182 = arith.constant 0 : index
    %get3A_183 = vector.load %arg1[%get3A_181, %get3A_182] : memref<10240x1xf32, #tpu.memory_space<vmem>>, vector<1x1xf32>
    %eq3A_184 = vector.broadcast %reduce_min3A_177 : i32 to vector<80x128xi32>
    %eq3A_185 = arith.cmpi eq, %add3A, %eq3A_184 : vector<80x128xi32>
    %jit3A_186 = arith.constant -3.000000e+38 : f32
    %broadcast_in_dim3A_187 = vector.broadcast %jit3A_186 : f32 to vector<80x128xf32>
    %select_n3A_188 = arith.select %eq3A_185, %broadcast_in_dim3A_187, %select_n3A_162 : vector<80x128xi1>, vector<80x128xf32>
    %reduce_max3A_189 = vector.shape_cast %select_n3A_188 : vector<80x128xf32> to vector<1x80x128xf32>
    %reduce_max3A_190 = arith.constant dense<0xFF800000> : vector<1xf32>
    %reduce_max3A_191 = vector.multi_reduction <maximumf>, %reduce_max3A_189, %reduce_max3A_190 [1, 2] : vector<1x80x128xf32> to vector<1xf32>
    %reduce_max3A_192 = vector.shape_cast %reduce_max3A_191 : vector<1xf32> to vector<1x1x1xf32>
    %reduce_max3A_193 = vector.extract %reduce_max3A_192[0, 0, 0] : f32 from vector<1x1x1xf32>
    %eq3A_194 = vector.broadcast %reduce_max3A_193 : f32 to vector<80x128xf32>
    %eq3A_195 = arith.cmpf oeq, %select_n3A_188, %eq3A_194 : vector<80x128xf32>
    %jit3A_196 = arith.constant 10240 : i32
    %broadcast_in_dim3A_197 = vector.broadcast %jit3A_196 : i32 to vector<80x128xi32>
    %select_n3A_198 = arith.select %eq3A_195, %add3A, %broadcast_in_dim3A_197 : vector<80x128xi1>, vector<80x128xi32>
    %reduce_min3A_199 = vector.shape_cast %select_n3A_198 : vector<80x128xi32> to vector<1x80x128xi32>
    %reduce_min3A_200 = arith.constant dense<2147483647> : vector<1xi32>
    %reduce_min3A_201 = vector.multi_reduction <minsi>, %reduce_min3A_199, %reduce_min3A_200 [1, 2] : vector<1x80x128xi32> to vector<1xi32>
    %reduce_min3A_202 = vector.shape_cast %reduce_min3A_201 : vector<1xi32> to vector<1x1x1xi32>
    %reduce_min3A_203 = vector.extract %reduce_min3A_202[0, 0, 0] : i32 from vector<1x1x1xi32>
    %get3A_204 = arith.index_cast %reduce_min3A_203 : i32 to index
    %get3A_205 = arith.constant 0 : index
    %get3A_206 = vector.load %arg0[%get3A_204, %get3A_205] : memref<10240x128xf32, #tpu.memory_space<vmem>>, vector<1x128xf32>
    %get3A_207 = arith.index_cast %reduce_min3A_203 : i32 to index
    %get3A_208 = arith.constant 0 : index
    %get3A_209 = vector.load %arg1[%get3A_207, %get3A_208] : memref<10240x1xf32, #tpu.memory_space<vmem>>, vector<1x1xf32>
    %eq3A_210 = vector.broadcast %reduce_min3A_203 : i32 to vector<80x128xi32>
    %eq3A_211 = arith.cmpi eq, %add3A, %eq3A_210 : vector<80x128xi32>
    %jit3A_212 = arith.constant -3.000000e+38 : f32
    %broadcast_in_dim3A_213 = vector.broadcast %jit3A_212 : f32 to vector<80x128xf32>
    %select_n3A_214 = arith.select %eq3A_211, %broadcast_in_dim3A_213, %select_n3A_188 : vector<80x128xi1>, vector<80x128xf32>
    %reduce_max3A_215 = vector.shape_cast %select_n3A_214 : vector<80x128xf32> to vector<1x80x128xf32>
    %reduce_max3A_216 = arith.constant dense<0xFF800000> : vector<1xf32>
    %reduce_max3A_217 = vector.multi_reduction <maximumf>, %reduce_max3A_215, %reduce_max3A_216 [1, 2] : vector<1x80x128xf32> to vector<1xf32>
    %reduce_max3A_218 = vector.shape_cast %reduce_max3A_217 : vector<1xf32> to vector<1x1x1xf32>
    %reduce_max3A_219 = vector.extract %reduce_max3A_218[0, 0, 0] : f32 from vector<1x1x1xf32>
    %eq3A_220 = vector.broadcast %reduce_max3A_219 : f32 to vector<80x128xf32>
    %eq3A_221 = arith.cmpf oeq, %select_n3A_214, %eq3A_220 : vector<80x128xf32>
    %jit3A_222 = arith.constant 10240 : i32
    %broadcast_in_dim3A_223 = vector.broadcast %jit3A_222 : i32 to vector<80x128xi32>
    %select_n3A_224 = arith.select %eq3A_221, %add3A, %broadcast_in_dim3A_223 : vector<80x128xi1>, vector<80x128xi32>
    %reduce_min3A_225 = vector.shape_cast %select_n3A_224 : vector<80x128xi32> to vector<1x80x128xi32>
    %reduce_min3A_226 = arith.constant dense<2147483647> : vector<1xi32>
    %reduce_min3A_227 = vector.multi_reduction <minsi>, %reduce_min3A_225, %reduce_min3A_226 [1, 2] : vector<1x80x128xi32> to vector<1xi32>
    %reduce_min3A_228 = vector.shape_cast %reduce_min3A_227 : vector<1xi32> to vector<1x1x1xi32>
    %reduce_min3A_229 = vector.extract %reduce_min3A_228[0, 0, 0] : i32 from vector<1x1x1xi32>
    %get3A_230 = arith.index_cast %reduce_min3A_229 : i32 to index
    %get3A_231 = arith.constant 0 : index
    %get3A_232 = vector.load %arg0[%get3A_230, %get3A_231] : memref<10240x128xf32, #tpu.memory_space<vmem>>, vector<1x128xf32>
    %get3A_233 = arith.index_cast %reduce_min3A_229 : i32 to index
    %get3A_234 = arith.constant 0 : index
    %get3A_235 = vector.load %arg1[%get3A_233, %get3A_234] : memref<10240x1xf32, #tpu.memory_space<vmem>>, vector<1x1xf32>
    %eq3A_236 = vector.broadcast %reduce_min3A_229 : i32 to vector<80x128xi32>
    %eq3A_237 = arith.cmpi eq, %add3A, %eq3A_236 : vector<80x128xi32>
    %jit3A_238 = arith.constant -3.000000e+38 : f32
    %broadcast_in_dim3A_239 = vector.broadcast %jit3A_238 : f32 to vector<80x128xf32>
    %select_n3A_240 = arith.select %eq3A_237, %broadcast_in_dim3A_239, %select_n3A_214 : vector<80x128xi1>, vector<80x128xf32>
    %reduce_max3A_241 = vector.shape_cast %select_n3A_240 : vector<80x128xf32> to vector<1x80x128xf32>
    %reduce_max3A_242 = arith.constant dense<0xFF800000> : vector<1xf32>
    %reduce_max3A_243 = vector.multi_reduction <maximumf>, %reduce_max3A_241, %reduce_max3A_242 [1, 2] : vector<1x80x128xf32> to vector<1xf32>
    %reduce_max3A_244 = vector.shape_cast %reduce_max3A_243 : vector<1xf32> to vector<1x1x1xf32>
    %reduce_max3A_245 = vector.extract %reduce_max3A_244[0, 0, 0] : f32 from vector<1x1x1xf32>
    %eq3A_246 = vector.broadcast %reduce_max3A_245 : f32 to vector<80x128xf32>
    %eq3A_247 = arith.cmpf oeq, %select_n3A_240, %eq3A_246 : vector<80x128xf32>
    %jit3A_248 = arith.constant 10240 : i32
    %broadcast_in_dim3A_249 = vector.broadcast %jit3A_248 : i32 to vector<80x128xi32>
    %select_n3A_250 = arith.select %eq3A_247, %add3A, %broadcast_in_dim3A_249 : vector<80x128xi1>, vector<80x128xi32>
    %reduce_min3A_251 = vector.shape_cast %select_n3A_250 : vector<80x128xi32> to vector<1x80x128xi32>
    %reduce_min3A_252 = arith.constant dense<2147483647> : vector<1xi32>
    %reduce_min3A_253 = vector.multi_reduction <minsi>, %reduce_min3A_251, %reduce_min3A_252 [1, 2] : vector<1x80x128xi32> to vector<1xi32>
    %reduce_min3A_254 = vector.shape_cast %reduce_min3A_253 : vector<1xi32> to vector<1x1x1xi32>
    %reduce_min3A_255 = vector.extract %reduce_min3A_254[0, 0, 0] : i32 from vector<1x1x1xi32>
    %get3A_256 = arith.index_cast %reduce_min3A_255 : i32 to index
    %get3A_257 = arith.constant 0 : index
    %get3A_258 = vector.load %arg0[%get3A_256, %get3A_257] : memref<10240x128xf32, #tpu.memory_space<vmem>>, vector<1x128xf32>
    %get3A_259 = arith.index_cast %reduce_min3A_255 : i32 to index
    %get3A_260 = arith.constant 0 : index
    %get3A_261 = vector.load %arg1[%get3A_259, %get3A_260] : memref<10240x1xf32, #tpu.memory_space<vmem>>, vector<1x1xf32>
    %concatenate3A = tpu.concatenate %get3A_24, %get3A_50, %get3A_76, %get3A_102, %get3A_128, %get3A_154, %get3A_180, %get3A_206, %get3A_232, %get3A_258 in 0 : vector<1x128xf32>, vector<1x128xf32>, vector<1x128xf32>, vector<1x128xf32>, vector<1x128xf32>, vector<1x128xf32>, vector<1x128xf32>, vector<1x128xf32>, vector<1x128xf32>, vector<1x128xf32> -> vector<10x128xf32>
    %concatenate3A_262 = tpu.concatenate %get3A_27, %get3A_53, %get3A_79, %get3A_105, %get3A_131, %get3A_157, %get3A_183, %get3A_209, %get3A_235, %get3A_261 in 0 : vector<1x1xf32>, vector<1x1xf32>, vector<1x1xf32>, vector<1x1xf32>, vector<1x1xf32>, vector<1x1xf32>, vector<1x1xf32>, vector<1x1xf32>, vector<1x1xf32>, vector<1x1xf32> -> vector<10x1xf32>
    %tanh3A = math.tanh %concatenate3A_262 : vector<10x1xf32>
    %mul3A_263 = vector.broadcast %tanh3A : vector<10x1xf32> to vector<10x128xf32>
    %mul3A_264 = arith.mulf %concatenate3A, %mul3A_263 : vector<10x128xf32>
    %reduce_max3A_265 = arith.constant dense<0xFF800000> : vector<10xf32>
    %reduce_max3A_266 = vector.multi_reduction <maximumf>, %mul3A_264, %reduce_max3A_265 [1] : vector<10x128xf32> to vector<10xf32>
    %broadcast_in_dim3A_267 = vector.shape_cast %reduce_max3A_266 : vector<10xf32> to vector<10x1xf32>
    %sub3A = vector.broadcast %broadcast_in_dim3A_267 : vector<10x1xf32> to vector<10x128xf32>
    %sub3A_268 = arith.subf %mul3A_264, %sub3A : vector<10x128xf32>
    %exp3A = math.exp %sub3A_268 : vector<10x128xf32>
    %reduce_sum3A = arith.constant dense<0.000000e+00> : vector<10xf32>
    %reduce_sum3A_269 = vector.multi_reduction <add>, %exp3A, %reduce_sum3A [1] : vector<10x128xf32> to vector<10xf32>
    %broadcast_in_dim3A_270 = vector.shape_cast %reduce_sum3A_269 : vector<10xf32> to vector<10x1xf32>
    %log3A = math.log %broadcast_in_dim3A_270 : vector<10x1xf32>
    %sub3A_271 = vector.broadcast %log3A : vector<10x1xf32> to vector<10x128xf32>
    %sub3A_272 = arith.subf %sub3A_268, %sub3A_271 : vector<10x128xf32>
    %swap3A = arith.constant 0 : index
    %swap3A_273 = arith.constant 0 : index
    %swap3A_274 = vector.load %arg4[%swap3A, %swap3A_273] : memref<10x128xf32, #tpu.memory_space<vmem>>, vector<10x128xf32>
    tpu.vector_store %arg4[%swap3A, %swap3A_273], %sub3A_272 {strides = array<i32>} : memref<10x128xf32, #tpu.memory_space<vmem>>, vector<10x128xf32>,
    return
  }
}

</mosaic_0001>

<sc_bundles>
// kernel: kernel.11.cloned.1.call-start
scs
__scs_entry_jumppad:
0x0: {  	(pc) =	sbr.rel $0x88, $3  }
0x1: {  	(tag) =	ssettag $0x0;
	lr =	simm.s32 $0x1  }
0x2: {  	[smem:$0x3F93] =	sst lr;
	_ =	strace $0xD0000000  }
0x3: {  	_ = 	snop  }
0x4: {  	_ = 	snop  }
0x5: {  	_ = 	snop  }
0x6: {  	_ = 	snop  }
0x7: {  	_ = 	snop  }
__scs_overlays_trampoline_lowered:
0x8: {  	[smem:$0x3FA2] =	sst s0  }
0x9: {  	[smem:$0x3FA3] =	sst s1  }
0xa: {  	[smem:$0x3FA4] =	sst s2  }
0xb: {  	[smem:$0x3FA5] =	sst s3  }
0xc: {  	[smem:$0x3FA6] =	sst s4  }
0xd: {  	[smem:$0x3FA7] =	sst s5  }
0xe: {  	[smem:$0x3FA8] =	sst s6  }
0xf: {  	[smem:$0x3FA9] =	sst s7  }
0x10: {  	[smem:$0x3FAA] =	sst s8  }
0x11: {  	[smem:$0x3FAB] =	sst s9;
	s0 =	simm.s32 @!p0 $0x0  }
0x12: {  	s1 =	sld [smem:$0x3F91];
	s0 =	simm.s32 @p0 $0x1  }
0x13: {  	[smem:$0x3FAC] =	sst s0;
	s0 =	simm.s32 @!p1 $0x0  }
0x14: {  	s2 =	sld [smem:$0x3F90];
	s0 =	simm.s32 @p1 $0x1  }
0x15: {  	[smem:$0x3FAD] =	sst s0;
	s0 =	simm.s32 @!p2 $0x0  }
0x16: {  	s3 =	sld [smem:$0x3FDB];
	s0 =	simm.s32 @p2 $0x1  }
0x17: {  	s4 =	simm.s32 $0x1BF5;
	[smem:$0x3FAF] =	sst s0  }
0x18: {  	s0 =	sld [smem:$0x3F92];
	_ =	swait.ge [sflag:s4], $0x0  }
0x19: {  	s7 =	sld [smem:$0x3F93]  }
0x1a: {  	s8 =	sadd.s32 $0xFFFFE003, lr  }
0x1b: {  	s9 =	sadd.s32 $0xFFFFFEF7, lr;
	s5 =	simm.s32 $0xFFFFFFFF;
	p2 =	slt.u32 s8, $0xFFFFF086  }
0x1c: {  	p1 =	slt.u32 s9, $0xF7A;
	s5 =	simm.s32 @!p2 $0x0  }
0x1d: {  	s5 =	simm.s32 @p1 $0x1;
	p0 =	seq.s32 s7, s2  }
0x1e: {  	s7 =	smul.u32 @!p0 $0xF7A, s2;
	p2 =	seq.s32 @!p0 s5, $0x0  }
0x1f: {  	s9 =	smul.u32 $0xF7A, s1;
	s8 =	simm.s32 @!p0 $0x1BF5;
	p2 =	por !p2, p0  }
0x20: {  	[sflag:s8] =	ssyncset.s32 @!p0 $0xFFFFF086;
	s6 =	sadd.s32 @!p0 s3, s7;
	s7 =	simm.s32 @!p0 $0x108  }
0x21: {  	s3 =	sadd.s32 s3, s9;
	s6 =	sadd.s32 @!p0 $0x88, s6;
	s7 =	simm.s32 @p2 $0x1082  }
0x22: {  	[simem:s7], [sflag:s8] =	dma.local @!p0 [hbm:s6], $0xF7A  }
0x23: {  	s9 =	sor.u32 $0xD0000000, s2;
	s6 =	simm.s32 $0x108;
	_ =	swait.ge @!p0 [sflag:s8], $0x0  }
0x24: {  	s3 =	sadd.s32 $0x88, s3;
	s6 =	simm.s32 @!p1 $0x1082;
	[sflag:s4] =	ssyncset.s32 $0xFFFFF086  }
0x25: {  	[simem:s6], [sflag:s4] =	dma.local [hbm:s3], $0xF7A  }
0x26: {  	[smem:$0x3F93] =	sst s1;
	(tag) =	ssettag s2;
	_ =	strace s9  }
0x27: {  	s1 =	sld [smem:$0x3FA3]  }
0x28: {  	s2 =	sld [smem:$0x3FA4]  }
0x29: {  	s4 =	sld [smem:$0x3FA6]  }
0x2a: {  	p0 =	seq.s32 s5, $0x0;
	s5 =	sld [smem:$0x3FA7]  }
0x2b: {  	s6 =	sld [smem:$0x3FA8]  }
0x2c: {  	s7 =	sld [smem:$0x3FA9]  }
0x2d: {  	s3 =	simm.s32 $0x108;
	s8 =	sld [smem:$0x3FAA]  }
0x2e: {  	s3 =	simm.s32 @!p0 $0x1082;
	s9 =	sld [smem:$0x3FAB]  }
0x2f: {  	lr =	sadd.s32 s0, s3;
	s0 =	sld [smem:$0x3FA2]  }
0x30: {  	s3 =	sld [smem:$0x3FA5]  }
0x31: {  	[smem:$0x3FAE] =	sst s10  }
0x32: {  	s10 =	sld [smem:$0x3FAC];
	_ =	sdelay $0x3  }
0x33: {  	p0 =	seq.s32 s10, $0x1;
	s10 =	sld [smem:$0x3FAE];
	_ =	sdelay $0x3  }
0x34: {  	[smem:$0x3FAE] =	sst s10  }
0x35: {  	s10 =	sld [smem:$0x3FAD];
	_ =	sdelay $0x3  }
0x36: {  	p1 =	seq.s32 s10, $0x1;
	s10 =	sld [smem:$0x3FAE];
	_ =	sdelay $0x3  }
0x37: {  	[smem:$0x3FAE] =	sst s10  }
0x38: {  	s10 =	sld [smem:$0x3FAF]  }
0x39: {  	_ = 	snop;
	(pc) =	sbr.ind lr, $3  }
0x3a: {  	_ = 	snop  }
0x3b: {  	_ = 	snop  }
0x3c: {  	p2 =	seq.s32 s10, $0x1;
	s10 =	sld [smem:$0x3FAE]  }
0x3d: {  	_ =	shalt  }
0x3e: {  	_ =	shalt  }
0x3f: {  	_ =	shalt  }
0x40: {  	_ =	shalt  }
0x41: {  	_ =	shalt  }
0x42: {  	_ =	shalt  }
0x43: {  	_ =	shalt  }
0x44: {  	_ =	shalt  }
0x45: {  	_ =	shalt  }
0x46: {  	_ =	shalt  }
0x47: {  	_ =	shalt  }
0x48: {  	_ =	shalt  }
0x49: {  	_ =	shalt  }
0x4a: {  	_ =	shalt  }
0x4b: {  	_ =	shalt  }
0x4c: {  	_ =	shalt  }
0x4d: {  	_ =	shalt  }
0x4e: {  	_ =	shalt  }
0x4f: {  	_ =	shalt  }
0x50: {  	_ =	shalt  }
0x51: {  	_ =	shalt  }
0x52: {  	_ =	shalt  }
0x53: {  	_ =	shalt  }
0x54: {  	_ =	shalt  }
0x55: {  	_ =	shalt  }
0x56: {  	_ =	shalt  }
0x57: {  	_ =	shalt  }
0x58: {  	_ =	shalt  }
0x59: {  	_ =	shalt  }
0x5a: {  	_ =	shalt  }
0x5b: {  	_ =	shalt  }
0x5c: {  	_ =	shalt  }
0x5d: {  	_ =	shalt  }
0x5e: {  	_ =	shalt  }
0x5f: {  	_ =	shalt  }
0x60: {  	_ =	shalt  }
0x61: {  	_ =	shalt  }
0x62: {  	_ =	shalt  }
0x63: {  	_ =	shalt  }
0x64: {  	_ =	shalt  }
0x65: {  	_ =	shalt  }
0x66: {  	_ =	shalt  }
0x67: {  	_ =	shalt  }
0x68: {  	_ =	shalt  }
0x69: {  	_ =	shalt  }
0x6a: {  	_ =	shalt  }
0x6b: {  	_ =	shalt  }
0x6c: {  	_ =	shalt  }
0x6d: {  	_ =	shalt  }
0x6e: {  	_ =	shalt  }
0x6f: {  	_ =	shalt  }
0x70: {  	_ =	shalt  }
0x71: {  	_ =	shalt  }
0x72: {  	_ =	shalt  }
0x73: {  	_ =	shalt  }
0x74: {  	_ =	shalt  }
0x75: {  	_ =	shalt  }
0x76: {  	_ =	shalt  }
0x77: {  	_ =	shalt  }
0x78: {  	_ =	shalt  }
0x79: {  	_ =	shalt  }
0x7a: {  	_ =	shalt  }
0x7b: {  	_ =	shalt  }
0x7c: {  	_ =	shalt  }
0x7d: {  	_ =	shalt  }
0x7e: {  	_ =	shalt  }
0x7f: {  	_ =	shalt  }
0x80: {  	_ =	shalt  }
0x81: {  	_ =	shalt  }
0x82: {  	_ =	shalt  }
0x83: {  	_ =	shalt  }
0x84: {  	_ =	shalt  }
0x85: {  	_ =	shalt  }
0x86: {  	_ =	shalt  }
0x87: {  	_ =	shalt  }
.Lfunc_end0:
.L_simem_size_0:
called_computation_lowered:
.L_overlay_start_0:
0x88: {  	s2 =	sld [smem:$0x3FD9]  }
0x89: {  	s3 =	sld [smem:$0x3FFE];
	_ =	sdelay $0x1  }
0x8a: {  	s1 =	srdreg.scid  }
0x8b: {  	s0 =	sand.u32 $0x1, s1  }
0x8c: {  	s16 =	sshll.u32 s0, $0xA;
	s2 =	sadd.s32 s3, s2  }
0x8d: {  	s2 =	sadd.s32 s2, s16  }
0x8e: {  	[smem:$0x3FBA] =	sst s2  }
0x8f: {  	_ = 	snop  }
0x90: {  	(tm) =	ssettm $0x1  }
0x91: {  	s17 =	sld [smem:$0x3FFB];
	_ =	sdelay $0x3  }
0x92: {  	_ =	strace s17  }
0x93: {  	s2 =	sld [smem:$0x3FFC];
	_ =	sdelay $0x3  }
0x94: {  	_ =	strace s2  }
0x95: {  	s2 =	sld [smem:$0x3FFD];
	_ =	sdelay $0x3  }
0x96: {  	_ =	strace s2  }
0x97: {  	_ =	strace $0x8FFFFFFF  }
0x98: {  	s18 =	sld [smem:$0x3FDB];
	_ =	sdelay $0x1  }
0x99: {  	s19 =	simm.s32 $_scs_section_size  }
0x9a: {  	s4 =	simm.s32 $_size__tile_overlayer_lowered;
	s5 =	simm.s32 $_tile_overlayer_lowered  }
0x9b: {  	s22 =	simm.s32 $0x1BFF;
	s21 =	sshll.u32 s5, $0x1;
	s2 =	sadd.s32 s19, s18  }
0x9c: {  	s6 =	simm.s32 $0x0;
	s20 =	sshll.u32 s4, $0x1;
	s4 =	sadd.s32 s21, s2  }
0x9d: {  	[timem:s6], [sflag:s22] =	dma.local [hbm:s4], s20  }
0x9e: {  	_ =	swait.ge [sflag:s22], s20  }
0x9f: {  	s3 =	ssub.s32 $0x0, s20;
	[sflag:s22] =	ssyncset.done $0x0  }
0xa0: {  	[sflag:s22] =	ssyncadd.s32 s3;
	_ =	sdelay $0x1  }
0xa1: {  	s23 =	simm.s32 $0x1B8B  }
0xa2: {  	_ =	swait.ge [sflag:s23], $0x1  }
0xa3: {  	[sflag:s23] =	ssyncset.done $0x0  }
0xa4: {  	s25 =	simm.s32 $0x1B8E;
	s24 =	sld [smem:$0x3FFE];
	[sflag:s23] =	ssyncadd.s32 $0xFFFFFFFF  }
0xa5: {  	s26 =	simm.s32 $execute0_lowered;
	[smem:$0x3FD2] =	sst s25  }
0xa6: {  	s4 =	sshll.u32 s26, $0x1;
	_ =	strace $0x80000046;
	[dreg:$0x1] =	wrdreg $0xFFFFFFFF  }
0xa7: {  	s28 =	simm.s32 $_size_execute0_lowered;
	s2 =	sadd.s32 s2, s4;
	[dreg:$0x0] =	wrdreg $0x0  }
0xa8: {  	s4 =	sshll.u32 s28, $0x1;
	[dreg:$0x2] =	wrdreg s2  }
0xa9: {  	[dreg:$0x3] =	wrdreg s4  }
0xaa: {  	[dreg:$0x4] =	wrdreg $0xC0  }
0xab: {  	_ =	task [dreg:s6], $0x5FFFF  }
0xac: {  	[dreg:$0x1] =	wrdreg $0xFFFFFFFF  }
0xad: {  	[dreg:$0x0] =	wrdreg $0x60  }
0xae: {  	[dreg:$0x2] =	wrdreg s24  }
0xaf: {  	[dreg:$0x3] =	wrdreg $0xB7800  }
0xb0: {  	[dreg:$0x4] =	wrdreg $0x9  }
0xb1: {  	_ =	task.clear_ibuf [dreg:s6], $0x5FFFF;
	_ =	strace $0x90000046  }
0xb2: {  	s29 =	simm.s32 $0x9;
	_ =	strace $0x80000048  }
0xb3: {  	_ =	swait.ge [sflag:s29], $0x1  }
0xb4: {  	[sflag:s29] =	ssyncadd.s32 $0xFFFFFFFF  }
0xb5: {  	_ =	strace $0x90000048  }
0xb6: {  	_ =	sfence  }
0xb7: {  	s30 =	sld [smem:$0x0];
	_ =	sdelay $0x2  }
0xb8: {  	s31 =	sshll.u32 s1, $0xD;
	s1 =	sshrl.u32 s1, $0x2  }
0xb9: {  	s3 =	sand.u32 $0x4000, s31;
	s1 =	sadd.s32 s1, s30  }
0xba: {  	s0 =	sor.u32 s3, s0;
	s1 =	sshll.u32 s1, $0x11  }
0xbb: {  	s0 =	sor.u32 s1, s0  }
0xbc: {  	s0 =	sadd.s32 $0x8F2B, s0  }
0xbd: {  	[sflag:s0] =	ssyncadd.remote.s32 $0x1  }
0xbe: {  	_ =	sfence.sel $0xFFFF  }
0xbf: {  	[dreg:$0x0] =	wrdreg $0xFFFFFFFF;
	(pc) =	sbr.abs _section_cstart, $3  }
0xc0: {  	[dreg:$0x1] =	wrdreg $0xFFFFFFFF  }
0xc1: {  	_ =	task.clear_ibuf [dreg:s6], $0x2FFFF;
	_ =	strace $0x9FFFFFFF  }
0xc2: {  	(tm) =	ssettm $0x7FFFFFFF  }
0xc3: {  	_ =	shalt  }
tec
execute0_lowered:
.L_overlay_start_1:
0x0: {  	(tag) =	ssettag $0x1  }
0x1: {  	s0 =	srdreg.scid;
	s5 =	rddreg [dreg:$0x0]  }
0x2: {  	s10 =	stileid.u32;
	s2 =	rddreg [dreg:$0x1]  }
0x3: {  	s14 =	simm.s32 $0x0;
	s29 =	simm.s32 $0x6780;
	s30 =	simm.s32 $0x50  }
0x4: {  	s31 =	simm.s32 $0x1;
	s0 =	sand.u32 $0x1, s0;
	s6 =	sshll.u32 s10, $0x7  }
0x5: {  	[smem:$0x7FF] =	sst s14;
	s9 =	smul.u32 $0x50000, s10;
	s22 =	sadd.s32 $0x44A00, s5  }
0x6: {  	s14 =	smul.u32 $0x14000, s10;
	s1 =	sshll.u32 s0, $0x4;
	s6 =	sand.u32 $0x380, s6  }
0x7: {  	_ =	strace $0x80000047;
	s7 =	ssub.s32 $0x2, s0;
	s0 =	smul.u32 $0x140000, s0  }
0x8: {  	s1 =	sor.u32 s10, s1;
	s8 =	sshrl.u32 s7, $0x1;
	s15 =	sshrl.u32 s9, $0x2  }
0x9: {  	s16 =	sor.u32 $0x2800, s14;
	s17 =	sadd.s32 $0x5000, s14;
	s18 =	sadd.s32 $0x7800, s14  }
0xa: {  	s19 =	sadd.s32 $0xA000, s14;
	s20 =	sadd.s32 $0xC800, s14;
	s21 =	sadd.s32 $0xF000, s14  }
0xb: {  	s24 =	sadd.s32 $0x11800, s14;
	s3 =	sshrl.u32 s1, $0x3;
	s1 =	sshll.u32 s1, $0xB  }
0xc: {  	s23 =	ssub.s32 s7, s8;
	s7 =	sadd.s32 s15, s2;
	s8 =	sadd.s32 s16, s2  }
0xd: {  	s9 =	sadd.s32 s17, s2;
	s10 =	sadd.s32 s18, s2;
	s11 =	sadd.s32 s19, s2  }
0xe: {  	s12 =	sadd.s32 s20, s2;
	s13 =	sadd.s32 s21, s2;
	s15 =	sadd.s32 s14, s0  }
0xf: {  	s14 =	sadd.s32 s24, s2;
	s17 =	sadd.s32 s0, s17;
	s18 =	sadd.s32 s0, s18  }
0x10: {  	s19 =	sadd.s32 s0, s19;
	s26 =	sadd.s32 s0, s20;
	s28 =	sadd.s32 s0, s21  }
0x11: {  	s4 =	smul.u32 $0x13C00, s3;
	s1 =	sadd.s32 s1, s5;
	s15 =	sshrl.u32 s15, $0x3  }
0x12: {  	s18 =	sshrl.u32 s18, $0x3;
	s25 =	sshrl.u32 s19, $0x3;
	s21 =	sshrl.u32 s28, $0x3  }
0x13: {  	s23 =	smax.u32 s23, $0x1;
	s15 =	sadd.s32 s22, s15;
	s6 =	sor.u32 s6, s4  }
0x14: {  	s18 =	sadd.s32 s22, s18;
	s19 =	sadd.s32 s22, s25;
	s6 =	sshrl.u32 s6, $0x3  }
0x15: {  	s21 =	sadd.s32 s22, s21;
	s4 =	sadd.s32 $0x1CA00, s5;
	s6 =	sadd.s32 s6, s5  }
0x16: {  	s5 =	sadd.s32 $0x12C00, s6;
	s6 =	sadd.s32 $0x2C00, s1;
	s1 =	sadd.s32 s0, s16  }
0x17: {  	s0 =	sadd.s32 s0, s24;
	s24 =	simm.s32 $0x0;
	s1 =	sshrl.u32 s1, $0x3  }
0x18: {  	s0 =	sshrl.u32 s0, $0x3;
	s16 =	sadd.s32 s22, s1;
	s1 =	sshrl.u32 s17, $0x3  }
0x19: {  	s17 =	sadd.s32 s22, s1;
	s1 =	sshrl.u32 s26, $0x3;
	s26 =	simm.s32 $0x2  }
0x1a: {  	v0 =	vimm.f32 $0.0e+00;
	s20 =	sadd.s32 s22, s1;
	s22 =	sadd.s32 s22, s0;
	s1 =	simm.s32 $0x8F80  }
.LBB2_1:
0x1b: {  	s0 =	simm.s32 $0x0;
	s3 =	simm.s32 $0x80;
	s25 =	simm.s32 $0x400  }
0x1c: {  	[tilespmem:s0], [sflag:$0x2] =	stream.strided.gather [hbm4b:s5+s3], $0x2780, s25, s3, $0x38;
	[tilespmem:$0x1F780] =	vst v63  }
0x1d: {  	_ =	swait.ge [sflag:s26], $0x2780  }
0x1e: {  	[sflag:s26] =	ssyncset.done $0x0  }
0x1f: {  	s25 =	simm.s32 $0x2780;
	[sflag:s26] =	ssyncadd.s32 $0xFFFFD880  }
0x20: {  	[tilespmem:s25], [sflag:$0x2] =	stream.linear.gather [hbm4b:s6+s0], $0x3E80, $0x38;
	[tilespmem:$0x1F780] =	vst v63  }
0x21: {  	_ =	swait.ge [sflag:s26], $0x3E80  }
0x22: {  	[sflag:s26] =	ssyncset.done $0x0  }
0x23: {  	s28 =	simm.s32 $0x200;
	s25 =	simm.s32 $0x0;
	[sflag:s26] =	ssyncadd.s32 $0xFFFFC180  }
.LBB2_2:
0x24: {  	p0 =	sne.s32 s28, $0x9E00;
	[tilespmem:s25+$0x67F0] =	vst v0  }
0x25: {  	[tilespmem:s25+$0x6780] =	vst v0  }
0x26: {  	[tilespmem:s25+$0x6790] =	vst v0  }
.Ltmp0:
0x27: {  	[tilespmem:s25+$0x67A0] =	vst v0;
	(pc) =	sbr.rel @p0 .LBB2_2-.Ltmp0, $4  }
0x28: {  	[tilespmem:s25+$0x67B0] =	vst v0  }
0x29: {  	[tilespmem:s25+$0x67C0] =	vst v0  }
0x2a: {  	[tilespmem:s25+$0x67D0] =	vst v0  }
0x2b: {  	[tilespmem:s25+$0x67E0] =	vst v0;
	s25 =	sshra.s32 s28, $0x2;
	s28 =	sadd.s32 $0x200, s28  }
0x2c: {  	[tilespmem:s25+$0x67F0] =	vst v0  }
0x2d: {  	[tilespmem:s25+$0x6780] =	vst v0  }
0x2e: {  	[tilespmem:s25+$0x6790] =	vst v0  }
0x2f: {  	[tilespmem:s25+$0x67A0] =	vst v0  }
0x30: {  	[tilespmem:s25+$0x67B0] =	vst v0  }
0x31: {  	[tilespmem:s25+$0x67C0] =	vst v0  }
0x32: {  	[tilespmem:s25+$0x67D0] =	vst v0  }
0x33: {  	[tilespmem:s25+$0x67E0] =	vst v0  }
0x34: {  	[spmem:s7] =	stream.linear.scatter [tilespmem:s29], [sflag:$0x2], $0x2800, $0x38;
	[tilespmem:$0x1F780] =	vst v63  }
0x35: {  	_ =	swait.ge [sflag:s26], $0x2800  }
0x36: {  	[sflag:s26] =	ssyncset.done $0x0  }
0x37: {  	[sflag:s26] =	ssyncadd.s32 $0xFFFFD800  }
0x38: {  	[spmem:s8] =	stream.linear.scatter [tilespmem:s29], [sflag:$0x2], $0x2800, $0x38;
	[tilespmem:$0x1F780] =	vst v63  }
0x39: {  	_ =	swait.ge [sflag:s26], $0x2800  }
0x3a: {  	[sflag:s26] =	ssyncset.done $0x0  }
0x3b: {  	[sflag:s26] =	ssyncadd.s32 $0xFFFFD800  }
0x3c: {  	[spmem:s9] =	stream.linear.scatter [tilespmem:s29], [sflag:$0x2], $0x2800, $0x38;
	[tilespmem:$0x1F780] =	vst v63  }
0x3d: {  	_ =	swait.ge [sflag:s26], $0x2800  }
0x3e: {  	[sflag:s26] =	ssyncset.done $0x0  }
0x3f: {  	[sflag:s26] =	ssyncadd.s32 $0xFFFFD800  }
0x40: {  	[spmem:s10] =	stream.linear.scatter [tilespmem:s29], [sflag:$0x2], $0x2800, $0x38;
	[tilespmem:$0x1F780] =	vst v63  }
0x41: {  	_ =	swait.ge [sflag:s26], $0x2800  }
0x42: {  	[sflag:s26] =	ssyncset.done $0x0  }
0x43: {  	[sflag:s26] =	ssyncadd.s32 $0xFFFFD800  }
0x44: {  	[spmem:s11] =	stream.linear.scatter [tilespmem:s29], [sflag:$0x2], $0x2800, $0x38;
	[tilespmem:$0x1F780] =	vst v63  }
0x45: {  	_ =	swait.ge [sflag:s26], $0x2800  }
0x46: {  	[sflag:s26] =	ssyncset.done $0x0  }
0x47: {  	[sflag:s26] =	ssyncadd.s32 $0xFFFFD800  }
0x48: {  	[spmem:s12] =	stream.linear.scatter [tilespmem:s29], [sflag:$0x2], $0x2800, $0x38;
	[tilespmem:$0x1F780] =	vst v63  }
0x49: {  	_ =	swait.ge [sflag:s26], $0x2800  }
0x4a: {  	[sflag:s26] =	ssyncset.done $0x0  }
0x4b: {  	[sflag:s26] =	ssyncadd.s32 $0xFFFFD800  }
0x4c: {  	[spmem:s13] =	stream.linear.scatter [tilespmem:s29], [sflag:$0x2], $0x2800, $0x38;
	[tilespmem:$0x1F780] =	vst v63  }
0x4d: {  	_ =	swait.ge [sflag:s26], $0x2800  }
0x4e: {  	[sflag:s26] =	ssyncset.done $0x0  }
0x4f: {  	[sflag:s26] =	ssyncadd.s32 $0xFFFFD800  }
0x50: {  	[spmem:s14] =	stream.linear.scatter [tilespmem:s29], [sflag:$0x2], $0x2800, $0x38;
	[tilespmem:$0x1F780] =	vst v63  }
0x51: {  	_ =	swait.ge [sflag:s26], $0x2800  }
0x52: {  	[sflag:s26] =	ssyncset.done $0x0  }
0x53: {  	[sflag:s26] =	ssyncadd.s32 $0xFFFFD800  }
0x54: {  	s3 =	simm.s32 $0x0;
	[bflag:$0x0] =	sbarrier.arrive $0xFFFF  }
0x55: {  	[tilespmem:s29], [sflag:$0x1] =	stream.indirect.gather [hbm4b:s4+s30], $0x80, s3, s30, $0xb8;
	[tilespmem:$0x1F780] =	vst v63  }
0x56: {  	_ =	swait.ge [sflag:s31], $0x2800  }
0x57: {  	[sflag:s31] =	ssyncset.done $0x0  }
0x58: {  	s0 =	simm.s32 $0x50;
	[sflag:s31] =	ssyncadd.s32 $0xFFFFD800  }
0x59: {  	[tilespmem:s1], [sflag:$0x1] =	stream.indirect.gather [hbm4b:s4+s30], $0x80, s0, s30, $0xb8;
	[tilespmem:$0x1F780] =	vst v63  }
0x5a: {  	s3 =	simm.s32 $0x2780  }
0x5b: {  	[spmem:s2] =	stream.indirect.scatter.add.f32 [tilespmem:s29], [sflag:$0x2], $0x80, s3, s30, $0xb8;
	[tilespmem:$0x1F780] =	vst v63  }
0x5c: {  	_ =	swait.ge [sflag:s26], $0x2800  }
0x5d: {  	[sflag:s26] =	ssyncset.done $0x0  }
0x5e: {  	[sflag:s26] =	ssyncadd.s32 $0xFFFFD800  }
0x5f: {  	_ =	swait.ge [sflag:s31], $0x2800  }
0x60: {  	[sflag:s31] =	ssyncset.done $0x0  }
0x61: {  	s25 =	simm.s32 $0xA0;
	[sflag:s31] =	ssyncadd.s32 $0xFFFFD800  }
0x62: {  	[tilespmem:s29], [sflag:$0x1] =	stream.indirect.gather [hbm4b:s4+s30], $0x80, s25, s30, $0xb8;
	[tilespmem:$0x1F780] =	vst v63  }
0x63: {  	s28 =	simm.s32 $0x2800  }
0x64: {  	[spmem:s2] =	stream.indirect.scatter.add.f32 [tilespmem:s1], [sflag:$0x2], $0x80, s28, s30, $0xb8;
	[tilespmem:$0x1F780] =	vst v63  }
0x65: {  	_ =	swait.ge [sflag:s26], $0x2800  }
0x66: {  	s28 =	simm.s32 $0x400;
	[sflag:s26] =	ssyncset.done $0x0  }
.LBB2_4:
0x67: {  	p0 =	sne.s32 s28, $0xF400;
	[sflag:s26] =	ssyncadd.s32 $0xFFFFD800;
	s25 =	sadd.s32 $0xA0, s25  }
0x68: {  	s0 =	smov.u32 s28;
	s28 =	sadd.s32 $0x400, s28  }
0x69: {  	_ =	swait.ge [sflag:s31], $0x2800  }
0x6a: {  	[sflag:s31] =	ssyncset.done $0x0  }
0x6b: {  	s3 =	sadd.s32 $0xFFFFFFB0, s25;
	s0 =	sshra.s32 s0, $0x2;
	[sflag:s31] =	ssyncadd.s32 $0xFFFFD800  }
0x6c: {  	[tilespmem:s1], [sflag:$0x1] =	stream.indirect.gather [hbm4b:s4+s30], $0x80, s3, s30, $0xb8;
	[tilespmem:$0x1F780] =	vst v63  }
0x6d: {  	s3 =	sadd.s32 $0x2780, s0  }
0x6e: {  	[spmem:s2] =	stream.indirect.scatter.add.f32 [tilespmem:s29], [sflag:$0x2], $0x80, s3, s30, $0xb8;
	[tilespmem:$0x1F780] =	vst v63  }
0x6f: {  	_ =	swait.ge [sflag:s26], $0x2800  }
0x70: {  	[sflag:s26] =	ssyncset.done $0x0  }
0x71: {  	[sflag:s26] =	ssyncadd.s32 $0xFFFFD800  }
0x72: {  	_ =	swait.ge [sflag:s31], $0x2800  }
0x73: {  	[sflag:s31] =	ssyncset.done $0x0  }
0x74: {  	[sflag:s31] =	ssyncadd.s32 $0xFFFFD800  }
0x75: {  	[tilespmem:s29], [sflag:$0x1] =	stream.indirect.gather [hbm4b:s4+s30], $0x80, s25, s30, $0xb8;
	[tilespmem:$0x1F780] =	vst v63  }
.Ltmp1:
0x76: {  	_ = 	snop;
	(pc) =	sbr.rel @p0 .LBB2_4-.Ltmp1, $4  }
0x77: {  	s0 =	sadd.s32 $0x2800, s0  }
0x78: {  	[spmem:s2] =	stream.indirect.scatter.add.f32 [tilespmem:s1], [sflag:$0x2], $0x80, s0, s30, $0xb8;
	[tilespmem:$0x1F780] =	vst v63  }
0x79: {  	_ =	swait.ge [sflag:s26], $0x2800  }
0x7a: {  	[sflag:s26] =	ssyncset.done $0x0  }
0x7b: {  	[sflag:s26] =	ssyncadd.s32 $0xFFFFD800  }
0x7c: {  	_ =	swait.ge [sflag:s31], $0x2800  }
0x7d: {  	[sflag:s31] =	ssyncset.done $0x0  }
0x7e: {  	s0 =	simm.s32 $0x6580;
	[sflag:s31] =	ssyncadd.s32 $0xFFFFD800  }
0x7f: {  	[spmem:s2] =	stream.indirect.scatter.add.f32 [tilespmem:s29], [sflag:$0x2], $0x80, s0, s30, $0xb8;
	[tilespmem:$0x1F780] =	vst v63  }
0x80: {  	_ =	swait.ge [sflag:s26], $0x2800  }
0x81: {  	s25 =	stileid.u32;
	[sflag:s26] =	ssyncset.done $0x0  }
0x82: {  	s0 =	sshll.u32 s25, $0x6;
	[sflag:s26] =	ssyncadd.s32 $0xFFFFD800  }
0x83: {  	s3 =	sshrl.u32 s7, $0x3;
	s0 =	sor.u32 $0x1C02, s0;
	[bflag:$0x0] =	sbarrier.arrive $0xFFFF  }
0x84: {  	[hbm:s15], [sflag:s0] =	dma.local [spmem:s3], $0x500  }
0x85: {  	_ =	swait.ge [sflag:s26], $0x500  }
0x86: {  	[sflag:s26] =	ssyncset.done $0x0  }
0x87: {  	s28 =	sshrl.u32 s8, $0x3;
	[sflag:s26] =	ssyncadd.s32 $0xFFFFFB00  }
0x88: {  	[hbm:s16], [sflag:s0] =	dma.local [spmem:s28], $0x500  }
0x89: {  	_ =	swait.ge [sflag:s26], $0x500  }
0x8a: {  	[sflag:s26] =	ssyncset.done $0x0  }
0x8b: {  	s25 =	sshrl.u32 s9, $0x3;
	[sflag:s26] =	ssyncadd.s32 $0xFFFFFB00  }
0x8c: {  	[hbm:s17], [sflag:s0] =	dma.local [spmem:s25], $0x500  }
0x8d: {  	_ =	swait.ge [sflag:s26], $0x500  }
0x8e: {  	[sflag:s26] =	ssyncset.done $0x0  }
0x8f: {  	s28 =	sshrl.u32 s10, $0x3;
	[sflag:s26] =	ssyncadd.s32 $0xFFFFFB00  }
0x90: {  	[hbm:s18], [sflag:s0] =	dma.local [spmem:s28], $0x500  }
0x91: {  	_ =	swait.ge [sflag:s26], $0x500  }
0x92: {  	[sflag:s26] =	ssyncset.done $0x0  }
0x93: {  	s25 =	sshrl.u32 s11, $0x3;
	[sflag:s26] =	ssyncadd.s32 $0xFFFFFB00  }
0x94: {  	[hbm:s19], [sflag:s0] =	dma.local [spmem:s25], $0x500  }
0x95: {  	_ =	swait.ge [sflag:s26], $0x500  }
0x96: {  	[sflag:s26] =	ssyncset.done $0x0  }
0x97: {  	s28 =	sshrl.u32 s12, $0x3;
	[sflag:s26] =	ssyncadd.s32 $0xFFFFFB00  }
0x98: {  	[hbm:s20], [sflag:s0] =	dma.local [spmem:s28], $0x500  }
0x99: {  	_ =	swait.ge [sflag:s26], $0x500  }
0x9a: {  	[sflag:s26] =	ssyncset.done $0x0  }
0x9b: {  	s25 =	sshrl.u32 s13, $0x3;
	[sflag:s26] =	ssyncadd.s32 $0xFFFFFB00  }
0x9c: {  	[hbm:s21], [sflag:s0] =	dma.local [spmem:s25], $0x500  }
0x9d: {  	s24 =	sadd.s32 $0x1, s24;
	_ =	swait.ge [sflag:s26], $0x500  }
0x9e: {  	p0 =	sne.s32 s24, s23;
	[sflag:s26] =	ssyncset.done $0x0  }
.Ltmp2:
0x9f: {  	s28 =	sshrl.u32 s14, $0x3;
	[sflag:s26] =	ssyncadd.s32 $0xFFFFFB00;
	(pc) =	sbr.rel @p0 .LBB2_1-.Ltmp2, $4  }
0xa0: {  	[hbm:s22], [sflag:s0] =	dma.local [spmem:s28], $0x500  }
0xa1: {  	_ =	swait.ge [sflag:s26], $0x500  }
0xa2: {  	[sflag:s26] =	ssyncset.done $0x0  }
0xa3: {  	[sflag:s26] =	ssyncadd.s32 $0xFFFFFB00  }
0xa4: {  	_ =	sfence.sel $0x180000  }
0xa5: {  	[bflag:$0x0] =	sbarrier.arrive $0xFFFF  }
0xa6: {  	_ =	strace $0x90000047  }
0xa7: {  	s0 =	stileid.u32;
	[bflag:$0x2] =	sbarrier.arrive $0xFFFF  }
0xa8: {  	p0 =	sne.s32 s0, $0x0;
	s0 =	rddreg [dreg:$0x2]  }
0xa9: {  	s0 =	sadd.s32 @!p0 $0x100000, s0  }
0xaa: {  	[sflag:s0] =	ssyncadd.tile.s32 @!p0 $0x1;
	_ =	shalt  }
.Lfunc_end2:
_tile_overlayer_lowered:
.L_overlay_start_2:
0xab: {  	(tag) =	ssettag $0x2  }
0xac: {  	s0 =	rddreg [dreg:$0x0];
	s2 =	stileid.u32  }
0xad: {  	s1 =	rddreg [dreg:$0x1];
	p0 =	sne.s32 s2, $0x0  }
0xae: {  	s3 =	rddreg [dreg:$0x2];
	[bflag:$0x3] =	sbarrier.arrive $0xFFFF;
	s2 =	simm.s32 @!p0 $0x1C02  }
0xaf: {  	[timem:s3], [sflag:s2] =	dma.local @!p0 [hbm:s0], s1  }
0xb0: {  	s0 =	simm.s32 @!p0 $0x2  }
0xb1: {  	_ =	swait.ge @!p0 [sflag:s0], s1  }
0xb2: {  	s1 =	ssub.s32 @!p0 $0x0, s1;
	[sflag:s0] =	ssyncset.done @!p0 $0x0  }
0xb3: {  	[sflag:s0] =	ssyncadd.s32 @!p0 s1  }
0xb4: {  	[bflag:$0x3] =	sbarrier.arrive $0xFFFF  }
0xb5: {  	_ =	shalt  }

// kernel: kernel.14.cloned.1.call-start
scs
__scs_entry_jumppad:
0x0: {  	(pc) =	sbr.rel $0x88, $3  }
0x1: {  	(tag) =	ssettag $0x0;
	lr =	simm.s32 $0x1  }
0x2: {  	[smem:$0x3F93] =	sst lr;
	_ =	strace $0xD0000000  }
0x3: {  	_ = 	snop  }
0x4: {  	_ = 	snop  }
0x5: {  	_ = 	snop  }
0x6: {  	_ = 	snop  }
0x7: {  	_ = 	snop  }
__scs_overlays_trampoline_lowered:
0x8: {  	[smem:$0x3FA2] =	sst s0  }
0x9: {  	[smem:$0x3FA3] =	sst s1  }
0xa: {  	[smem:$0x3FA4] =	sst s2  }
0xb: {  	[smem:$0x3FA5] =	sst s3  }
0xc: {  	[smem:$0x3FA6] =	sst s4  }
0xd: {  	[smem:$0x3FA7] =	sst s5  }
0xe: {  	[smem:$0x3FA8] =	sst s6  }
0xf: {  	[smem:$0x3FA9] =	sst s7  }
0x10: {  	[smem:$0x3FAA] =	sst s8  }
0x11: {  	[smem:$0x3FAB] =	sst s9;
	s0 =	simm.s32 @!p0 $0x0  }
0x12: {  	s1 =	sld [smem:$0x3F91];
	s0 =	simm.s32 @p0 $0x1  }
0x13: {  	[smem:$0x3FAC] =	sst s0;
	s0 =	simm.s32 @!p1 $0x0  }
0x14: {  	s2 =	sld [smem:$0x3F90];
	s0 =	simm.s32 @p1 $0x1  }
0x15: {  	[smem:$0x3FAD] =	sst s0;
	s0 =	simm.s32 @!p2 $0x0  }
0x16: {  	s3 =	sld [smem:$0x3FDB];
	s0 =	simm.s32 @p2 $0x1  }
0x17: {  	s4 =	simm.s32 $0x1BF5;
	[smem:$0x3FAF] =	sst s0  }
0x18: {  	s0 =	sld [smem:$0x3F92];
	_ =	swait.ge [sflag:s4], $0x0  }
0x19: {  	s7 =	sld [smem:$0x3F93]  }
0x1a: {  	s8 =	sadd.s32 $0xFFFFE003, lr  }
0x1b: {  	s9 =	sadd.s32 $0xFFFFFEF7, lr;
	s5 =	simm.s32 $0xFFFFFFFF;
	p2 =	slt.u32 s8, $0xFFFFF086  }
0x1c: {  	p1 =	slt.u32 s9, $0xF7A;
	s5 =	simm.s32 @!p2 $0x0  }
0x1d: {  	s5 =	simm.s32 @p1 $0x1;
	p0 =	seq.s32 s7, s2  }
0x1e: {  	s7 =	smul.u32 @!p0 $0xF7A, s2;
	p2 =	seq.s32 @!p0 s5, $0x0  }
0x1f: {  	s9 =	smul.u32 $0xF7A, s1;
	s8 =	simm.s32 @!p0 $0x1BF5;
	p2 =	por !p2, p0  }
0x20: {  	[sflag:s8] =	ssyncset.s32 @!p0 $0xFFFFF086;
	s6 =	sadd.s32 @!p0 s3, s7;
	s7 =	simm.s32 @!p0 $0x108  }
0x21: {  	s3 =	sadd.s32 s3, s9;
	s6 =	sadd.s32 @!p0 $0x88, s6;
	s7 =	simm.s32 @p2 $0x1082  }
0x22: {  	[simem:s7], [sflag:s8] =	dma.local @!p0 [hbm:s6], $0xF7A  }
0x23: {  	s9 =	sor.u32 $0xD0000000, s2;
	s6 =	simm.s32 $0x108;
	_ =	swait.ge @!p0 [sflag:s8], $0x0  }
0x24: {  	s3 =	sadd.s32 $0x88, s3;
	s6 =	simm.s32 @!p1 $0x1082;
	[sflag:s4] =	ssyncset.s32 $0xFFFFF086  }
0x25: {  	[simem:s6], [sflag:s4] =	dma.local [hbm:s3], $0xF7A  }
0x26: {  	[smem:$0x3F93] =	sst s1;
	(tag) =	ssettag s2;
	_ =	strace s9  }
0x27: {  	s1 =	sld [smem:$0x3FA3]  }
0x28: {  	s2 =	sld [smem:$0x3FA4]  }
0x29: {  	s4 =	sld [smem:$0x3FA6]  }
0x2a: {  	p0 =	seq.s32 s5, $0x0;
	s5 =	sld [smem:$0x3FA7]  }
0x2b: {  	s6 =	sld [smem:$0x3FA8]  }
0x2c: {  	s7 =	sld [smem:$0x3FA9]  }
0x2d: {  	s3 =	simm.s32 $0x108;
	s8 =	sld [smem:$0x3FAA]  }
0x2e: {  	s3 =	simm.s32 @!p0 $0x1082;
	s9 =	sld [smem:$0x3FAB]  }
0x2f: {  	lr =	sadd.s32 s0, s3;
	s0 =	sld [smem:$0x3FA2]  }
0x30: {  	s3 =	sld [smem:$0x3FA5]  }
0x31: {  	[smem:$0x3FAE] =	sst s10  }
0x32: {  	s10 =	sld [smem:$0x3FAC];
	_ =	sdelay $0x3  }
0x33: {  	p0 =	seq.s32 s10, $0x1;
	s10 =	sld [smem:$0x3FAE];
	_ =	sdelay $0x3  }
0x34: {  	[smem:$0x3FAE] =	sst s10  }
0x35: {  	s10 =	sld [smem:$0x3FAD];
	_ =	sdelay $0x3  }
0x36: {  	p1 =	seq.s32 s10, $0x1;
	s10 =	sld [smem:$0x3FAE];
	_ =	sdelay $0x3  }
0x37: {  	[smem:$0x3FAE] =	sst s10  }
0x38: {  	s10 =	sld [smem:$0x3FAF]  }
0x39: {  	_ = 	snop;
	(pc) =	sbr.ind lr, $3  }
0x3a: {  	_ = 	snop  }
0x3b: {  	_ = 	snop  }
0x3c: {  	p2 =	seq.s32 s10, $0x1;
	s10 =	sld [smem:$0x3FAE]  }
0x3d: {  	_ =	shalt  }
0x3e: {  	_ =	shalt  }
0x3f: {  	_ =	shalt  }
0x40: {  	_ =	shalt  }
0x41: {  	_ =	shalt  }
0x42: {  	_ =	shalt  }
0x43: {  	_ =	shalt  }
0x44: {  	_ =	shalt  }
0x45: {  	_ =	shalt  }
0x46: {  	_ =	shalt  }
0x47: {  	_ =	shalt  }
0x48: {  	_ =	shalt  }
0x49: {  	_ =	shalt  }
0x4a: {  	_ =	shalt  }
0x4b: {  	_ =	shalt  }
0x4c: {  	_ =	shalt  }
0x4d: {  	_ =	shalt  }
0x4e: {  	_ =	shalt  }
0x4f: {  	_ =	shalt  }
0x50: {  	_ =	shalt  }
0x51: {  	_ =	shalt  }
0x52: {  	_ =	shalt  }
0x53: {  	_ =	shalt  }
0x54: {  	_ =	shalt  }
0x55: {  	_ =	shalt  }
0x56: {  	_ =	shalt  }
0x57: {  	_ =	shalt  }
0x58: {  	_ =	shalt  }
0x59: {  	_ =	shalt  }
0x5a: {  	_ =	shalt  }
0x5b: {  	_ =	shalt  }
0x5c: {  	_ =	shalt  }
0x5d: {  	_ =	shalt  }
0x5e: {  	_ =	shalt  }
0x5f: {  	_ =	shalt  }
0x60: {  	_ =	shalt  }
0x61: {  	_ =	shalt  }
0x62: {  	_ =	shalt  }
0x63: {  	_ =	shalt  }
0x64: {  	_ =	shalt  }
0x65: {  	_ =	shalt  }
0x66: {  	_ =	shalt  }
0x67: {  	_ =	shalt  }
0x68: {  	_ =	shalt  }
0x69: {  	_ =	shalt  }
0x6a: {  	_ =	shalt  }
0x6b: {  	_ =	shalt  }
0x6c: {  	_ =	shalt  }
0x6d: {  	_ =	shalt  }
0x6e: {  	_ =	shalt  }
0x6f: {  	_ =	shalt  }
0x70: {  	_ =	shalt  }
0x71: {  	_ =	shalt  }
0x72: {  	_ =	shalt  }
0x73: {  	_ =	shalt  }
0x74: {  	_ =	shalt  }
0x75: {  	_ =	shalt  }
0x76: {  	_ =	shalt  }
0x77: {  	_ =	shalt  }
0x78: {  	_ =	shalt  }
0x79: {  	_ =	shalt  }
0x7a: {  	_ =	shalt  }
0x7b: {  	_ =	shalt  }
0x7c: {  	_ =	shalt  }
0x7d: {  	_ =	shalt  }
0x7e: {  	_ =	shalt  }
0x7f: {  	_ =	shalt  }
0x80: {  	_ =	shalt  }
0x81: {  	_ =	shalt  }
0x82: {  	_ =	shalt  }
0x83: {  	_ =	shalt  }
0x84: {  	_ =	shalt  }
0x85: {  	_ =	shalt  }
0x86: {  	_ =	shalt  }
0x87: {  	_ =	shalt  }
.Lfunc_end0:
.L_simem_size_0:
called_computation.1_lowered:
.L_overlay_start_0:
0x88: {  	s2 =	sld [smem:$0x3FD9]  }
0x89: {  	s3 =	sld [smem:$0x3FFE];
	_ =	sdelay $0x1  }
0x8a: {  	s1 =	srdreg.scid  }
0x8b: {  	s0 =	sand.u32 $0x1, s1  }
0x8c: {  	s16 =	sshll.u32 s0, $0xA;
	s2 =	sadd.s32 s3, s2  }
0x8d: {  	s2 =	sadd.s32 s2, s16  }
0x8e: {  	[smem:$0x3FBA] =	sst s2  }
0x8f: {  	_ = 	snop  }
0x90: {  	(tm) =	ssettm $0x1  }
0x91: {  	s17 =	sld [smem:$0x3FFB];
	_ =	sdelay $0x3  }
0x92: {  	_ =	strace s17  }
0x93: {  	s2 =	sld [smem:$0x3FFC];
	_ =	sdelay $0x3  }
0x94: {  	_ =	strace s2  }
0x95: {  	s2 =	sld [smem:$0x3FFD];
	_ =	sdelay $0x3  }
0x96: {  	_ =	strace s2  }
0x97: {  	_ =	strace $0x8FFFFFFF  }
0x98: {  	s18 =	sld [smem:$0x3FDB];
	_ =	sdelay $0x1  }
0x99: {  	s19 =	simm.s32 $_scs_section_size  }
0x9a: {  	s4 =	simm.s32 $_size__tile_overlayer_lowered;
	s5 =	simm.s32 $_tile_overlayer_lowered  }
0x9b: {  	s22 =	simm.s32 $0x1BFF;
	s21 =	sshll.u32 s5, $0x1;
	s2 =	sadd.s32 s19, s18  }
0x9c: {  	s6 =	simm.s32 $0x0;
	s20 =	sshll.u32 s4, $0x1;
	s4 =	sadd.s32 s21, s2  }
0x9d: {  	[timem:s6], [sflag:s22] =	dma.local [hbm:s4], s20  }
0x9e: {  	_ =	swait.ge [sflag:s22], s20  }
0x9f: {  	s3 =	ssub.s32 $0x0, s20;
	[sflag:s22] =	ssyncset.done $0x0  }
0xa0: {  	[sflag:s22] =	ssyncadd.s32 s3;
	_ =	sdelay $0x1  }
0xa1: {  	s23 =	simm.s32 $0x1B8B  }
0xa2: {  	_ =	swait.ge [sflag:s23], $0x1  }
0xa3: {  	[sflag:s23] =	ssyncset.done $0x0  }
0xa4: {  	s25 =	simm.s32 $0x1B8E;
	s24 =	sld [smem:$0x3FFE];
	[sflag:s23] =	ssyncadd.s32 $0xFFFFFFFF  }
0xa5: {  	s26 =	simm.s32 $execute0_lowered;
	[smem:$0x3FD2] =	sst s25  }
0xa6: {  	s4 =	sshll.u32 s26, $0x1;
	_ =	strace $0x80000049;
	[dreg:$0x1] =	wrdreg $0xFFFFFFFF  }
0xa7: {  	s28 =	simm.s32 $_size_execute0_lowered;
	s2 =	sadd.s32 s2, s4;
	[dreg:$0x0] =	wrdreg $0x0  }
0xa8: {  	s4 =	sshll.u32 s28, $0x1;
	[dreg:$0x2] =	wrdreg s2  }
0xa9: {  	[dreg:$0x3] =	wrdreg s4  }
0xaa: {  	[dreg:$0x4] =	wrdreg $0xC0  }
0xab: {  	_ =	task [dreg:s6], $0x5FFFF  }
0xac: {  	[dreg:$0x1] =	wrdreg $0xFFFFFFFF  }
0xad: {  	[dreg:$0x0] =	wrdreg $0x60  }
0xae: {  	[dreg:$0x2] =	wrdreg s24  }
0xaf: {  	[dreg:$0x3] =	wrdreg $0xB7800  }
0xb0: {  	[dreg:$0x4] =	wrdreg $0x9  }
0xb1: {  	_ =	task.clear_ibuf [dreg:s6], $0x5FFFF;
	_ =	strace $0x90000049  }
0xb2: {  	s29 =	simm.s32 $0x9;
	_ =	strace $0x8000004B  }
0xb3: {  	_ =	swait.ge [sflag:s29], $0x1  }
0xb4: {  	[sflag:s29] =	ssyncadd.s32 $0xFFFFFFFF  }
0xb5: {  	_ =	strace $0x9000004B  }
0xb6: {  	_ =	sfence  }
0xb7: {  	s30 =	sld [smem:$0x0];
	_ =	sdelay $0x2  }
0xb8: {  	s31 =	sshll.u32 s1, $0xD;
	s1 =	sshrl.u32 s1, $0x2  }
0xb9: {  	s3 =	sand.u32 $0x4000, s31;
	s1 =	sadd.s32 s1, s30  }
0xba: {  	s0 =	sor.u32 s3, s0;
	s1 =	sshll.u32 s1, $0x11  }
0xbb: {  	s0 =	sor.u32 s1, s0  }
0xbc: {  	s0 =	sadd.s32 $0x8F2B, s0  }
0xbd: {  	[sflag:s0] =	ssyncadd.remote.s32 $0x1  }
0xbe: {  	_ =	sfence.sel $0xFFFF  }
0xbf: {  	[dreg:$0x0] =	wrdreg $0xFFFFFFFF;
	(pc) =	sbr.abs _section_cstart, $3  }
0xc0: {  	[dreg:$0x1] =	wrdreg $0xFFFFFFFF  }
0xc1: {  	_ =	task.clear_ibuf [dreg:s6], $0x2FFFF;
	_ =	strace $0x9FFFFFFF  }
0xc2: {  	(tm) =	ssettm $0x7FFFFFFF  }
0xc3: {  	_ =	shalt  }
tec
execute0_lowered:
.L_overlay_start_1:
0x0: {  	(tag) =	ssettag $0x1  }
0x1: {  	s0 =	srdreg.scid;
	s5 =	rddreg [dreg:$0x0]  }
0x2: {  	s10 =	stileid.u32;
	s2 =	rddreg [dreg:$0x1]  }
0x3: {  	s14 =	simm.s32 $0x0;
	s29 =	simm.s32 $0x6780;
	s30 =	simm.s32 $0x50  }
0x4: {  	s31 =	simm.s32 $0x1;
	s0 =	sand.u32 $0x1, s0;
	s6 =	sshll.u32 s10, $0x7  }
0x5: {  	[smem:$0x7FF] =	sst s14;
	s9 =	smul.u32 $0x50000, s10;
	s22 =	sadd.s32 $0x44A00, s5  }
0x6: {  	s14 =	smul.u32 $0x14000, s10;
	s1 =	sshll.u32 s0, $0x4;
	s6 =	sand.u32 $0x380, s6  }
0x7: {  	_ =	strace $0x8000004A;
	s7 =	ssub.s32 $0x2, s0;
	s0 =	smul.u32 $0x140000, s0  }
0x8: {  	s1 =	sor.u32 s10, s1;
	s8 =	sshrl.u32 s7, $0x1;
	s15 =	sshrl.u32 s9, $0x2  }
0x9: {  	s16 =	sor.u32 $0x2800, s14;
	s17 =	sadd.s32 $0x5000, s14;
	s18 =	sadd.s32 $0x7800, s14  }
0xa: {  	s19 =	sadd.s32 $0xA000, s14;
	s20 =	sadd.s32 $0xC800, s14;
	s21 =	sadd.s32 $0xF000, s14  }
0xb: {  	s24 =	sadd.s32 $0x11800, s14;
	s3 =	sshrl.u32 s1, $0x3;
	s1 =	sshll.u32 s1, $0xB  }
0xc: {  	s23 =	ssub.s32 s7, s8;
	s7 =	sadd.s32 s15, s2;
	s8 =	sadd.s32 s16, s2  }
0xd: {  	s9 =	sadd.s32 s17, s2;
	s10 =	sadd.s32 s18, s2;
	s11 =	sadd.s32 s19, s2  }
0xe: {  	s12 =	sadd.s32 s20, s2;
	s13 =	sadd.s32 s21, s2;
	s15 =	sadd.s32 s14, s0  }
0xf: {  	s14 =	sadd.s32 s24, s2;
	s17 =	sadd.s32 s0, s17;
	s18 =	sadd.s32 s0, s18  }
0x10: {  	s19 =	sadd.s32 s0, s19;
	s26 =	sadd.s32 s0, s20;
	s28 =	sadd.s32 s0, s21  }
0x11: {  	s4 =	smul.u32 $0x13C00, s3;
	s1 =	sadd.s32 s1, s5;
	s15 =	sshrl.u32 s15, $0x3  }
0x12: {  	s18 =	sshrl.u32 s18, $0x3;
	s25 =	sshrl.u32 s19, $0x3;
	s21 =	sshrl.u32 s28, $0x3  }
0x13: {  	s23 =	smax.u32 s23, $0x1;
	s15 =	sadd.s32 s22, s15;
	s6 =	sor.u32 s6, s4  }
0x14: {  	s18 =	sadd.s32 s22, s18;
	s19 =	sadd.s32 s22, s25;
	s6 =	sshrl.u32 s6, $0x3  }
0x15: {  	s21 =	sadd.s32 s22, s21;
	s4 =	sadd.s32 $0x1CA00, s5;
	s6 =	sadd.s32 s6, s5  }
0x16: {  	s5 =	sadd.s32 $0x12C00, s6;
	s6 =	sadd.s32 $0x2C00, s1;
	s1 =	sadd.s32 s0, s16  }
0x17: {  	s0 =	sadd.s32 s0, s24;
	s24 =	simm.s32 $0x0;
	s1 =	sshrl.u32 s1, $0x3  }
0x18: {  	s0 =	sshrl.u32 s0, $0x3;
	s16 =	sadd.s32 s22, s1;
	s1 =	sshrl.u32 s17, $0x3  }
0x19: {  	s17 =	sadd.s32 s22, s1;
	s1 =	sshrl.u32 s26, $0x3;
	s26 =	simm.s32 $0x2  }
0x1a: {  	v0 =	vimm.f32 $0.0e+00;
	s20 =	sadd.s32 s22, s1;
	s22 =	sadd.s32 s22, s0;
	s1 =	simm.s32 $0x8F80  }
.LBB2_1:
0x1b: {  	s0 =	simm.s32 $0x0;
	s3 =	simm.s32 $0x80;
	s25 =	simm.s32 $0x400  }
0x1c: {  	[tilespmem:s0], [sflag:$0x2] =	stream.strided.gather [hbm4b:s5+s3], $0x2780, s25, s3, $0x38;
	[tilespmem:$0x1F780] =	vst v63  }
0x1d: {  	_ =	swait.ge [sflag:s26], $0x2780  }
0x1e: {  	[sflag:s26] =	ssyncset.done $0x0  }
0x1f: {  	s25 =	simm.s32 $0x2780;
	[sflag:s26] =	ssyncadd.s32 $0xFFFFD880  }
0x20: {  	[tilespmem:s25], [sflag:$0x2] =	stream.linear.gather [hbm4b:s6+s0], $0x3E80, $0x38;
	[tilespmem:$0x1F780] =	vst v63  }
0x21: {  	_ =	swait.ge [sflag:s26], $0x3E80  }
0x22: {  	[sflag:s26] =	ssyncset.done $0x0  }
0x23: {  	s28 =	simm.s32 $0x200;
	s25 =	simm.s32 $0x0;
	[sflag:s26] =	ssyncadd.s32 $0xFFFFC180  }
.LBB2_2:
0x24: {  	p0 =	sne.s32 s28, $0x9E00;
	[tilespmem:s25+$0x67F0] =	vst v0  }
0x25: {  	[tilespmem:s25+$0x6780] =	vst v0  }
0x26: {  	[tilespmem:s25+$0x6790] =	vst v0  }
.Ltmp0:
0x27: {  	[tilespmem:s25+$0x67A0] =	vst v0;
	(pc) =	sbr.rel @p0 .LBB2_2-.Ltmp0, $4  }
0x28: {  	[tilespmem:s25+$0x67B0] =	vst v0  }
0x29: {  	[tilespmem:s25+$0x67C0] =	vst v0  }
0x2a: {  	[tilespmem:s25+$0x67D0] =	vst v0  }
0x2b: {  	[tilespmem:s25+$0x67E0] =	vst v0;
	s25 =	sshra.s32 s28, $0x2;
	s28 =	sadd.s32 $0x200, s28  }
0x2c: {  	[tilespmem:s25+$0x67F0] =	vst v0  }
0x2d: {  	[tilespmem:s25+$0x6780] =	vst v0  }
0x2e: {  	[tilespmem:s25+$0x6790] =	vst v0  }
0x2f: {  	[tilespmem:s25+$0x67A0] =	vst v0  }
0x30: {  	[tilespmem:s25+$0x67B0] =	vst v0  }
0x31: {  	[tilespmem:s25+$0x67C0] =	vst v0  }
0x32: {  	[tilespmem:s25+$0x67D0] =	vst v0  }
0x33: {  	[tilespmem:s25+$0x67E0] =	vst v0  }
0x34: {  	[spmem:s7] =	stream.linear.scatter [tilespmem:s29], [sflag:$0x2], $0x2800, $0x38;
	[tilespmem:$0x1F780] =	vst v63  }
0x35: {  	_ =	swait.ge [sflag:s26], $0x2800  }
0x36: {  	[sflag:s26] =	ssyncset.done $0x0  }
0x37: {  	[sflag:s26] =	ssyncadd.s32 $0xFFFFD800  }
0x38: {  	[spmem:s8] =	stream.linear.scatter [tilespmem:s29], [sflag:$0x2], $0x2800, $0x38;
	[tilespmem:$0x1F780] =	vst v63  }
0x39: {  	_ =	swait.ge [sflag:s26], $0x2800  }
0x3a: {  	[sflag:s26] =	ssyncset.done $0x0  }
0x3b: {  	[sflag:s26] =	ssyncadd.s32 $0xFFFFD800  }
0x3c: {  	[spmem:s9] =	stream.linear.scatter [tilespmem:s29], [sflag:$0x2], $0x2800, $0x38;
	[tilespmem:$0x1F780] =	vst v63  }
0x3d: {  	_ =	swait.ge [sflag:s26], $0x2800  }
0x3e: {  	[sflag:s26] =	ssyncset.done $0x0  }
0x3f: {  	[sflag:s26] =	ssyncadd.s32 $0xFFFFD800  }
0x40: {  	[spmem:s10] =	stream.linear.scatter [tilespmem:s29], [sflag:$0x2], $0x2800, $0x38;
	[tilespmem:$0x1F780] =	vst v63  }
0x41: {  	_ =	swait.ge [sflag:s26], $0x2800  }
0x42: {  	[sflag:s26] =	ssyncset.done $0x0  }
0x43: {  	[sflag:s26] =	ssyncadd.s32 $0xFFFFD800  }
0x44: {  	[spmem:s11] =	stream.linear.scatter [tilespmem:s29], [sflag:$0x2], $0x2800, $0x38;
	[tilespmem:$0x1F780] =	vst v63  }
0x45: {  	_ =	swait.ge [sflag:s26], $0x2800  }
0x46: {  	[sflag:s26] =	ssyncset.done $0x0  }
0x47: {  	[sflag:s26] =	ssyncadd.s32 $0xFFFFD800  }
0x48: {  	[spmem:s12] =	stream.linear.scatter [tilespmem:s29], [sflag:$0x2], $0x2800, $0x38;
	[tilespmem:$0x1F780] =	vst v63  }
0x49: {  	_ =	swait.ge [sflag:s26], $0x2800  }
0x4a: {  	[sflag:s26] =	ssyncset.done $0x0  }
0x4b: {  	[sflag:s26] =	ssyncadd.s32 $0xFFFFD800  }
0x4c: {  	[spmem:s13] =	stream.linear.scatter [tilespmem:s29], [sflag:$0x2], $0x2800, $0x38;
	[tilespmem:$0x1F780] =	vst v63  }
0x4d: {  	_ =	swait.ge [sflag:s26], $0x2800  }
0x4e: {  	[sflag:s26] =	ssyncset.done $0x0  }
0x4f: {  	[sflag:s26] =	ssyncadd.s32 $0xFFFFD800  }
0x50: {  	[spmem:s14] =	stream.linear.scatter [tilespmem:s29], [sflag:$0x2], $0x2800, $0x38;
	[tilespmem:$0x1F780] =	vst v63  }
0x51: {  	_ =	swait.ge [sflag:s26], $0x2800  }
0x52: {  	[sflag:s26] =	ssyncset.done $0x0  }
0x53: {  	[sflag:s26] =	ssyncadd.s32 $0xFFFFD800  }
0x54: {  	s3 =	simm.s32 $0x0;
	[bflag:$0x0] =	sbarrier.arrive $0xFFFF  }
0x55: {  	[tilespmem:s29], [sflag:$0x1] =	stream.indirect.gather [hbm4b:s4+s30], $0x80, s3, s30, $0xb8;
	[tilespmem:$0x1F780] =	vst v63  }
0x56: {  	_ =	swait.ge [sflag:s31], $0x2800  }
0x57: {  	[sflag:s31] =	ssyncset.done $0x0  }
0x58: {  	s0 =	simm.s32 $0x50;
	[sflag:s31] =	ssyncadd.s32 $0xFFFFD800  }
0x59: {  	[tilespmem:s1], [sflag:$0x1] =	stream.indirect.gather [hbm4b:s4+s30], $0x80, s0, s30, $0xb8;
	[tilespmem:$0x1F780] =	vst v63  }
0x5a: {  	s3 =	simm.s32 $0x2780  }
0x5b: {  	[spmem:s2] =	stream.indirect.scatter.add.f32 [tilespmem:s29], [sflag:$0x2], $0x80, s3, s30, $0xb8;
	[tilespmem:$0x1F780] =	vst v63  }
0x5c: {  	_ =	swait.ge [sflag:s26], $0x2800  }
0x5d: {  	[sflag:s26] =	ssyncset.done $0x0  }
0x5e: {  	[sflag:s26] =	ssyncadd.s32 $0xFFFFD800  }
0x5f: {  	_ =	swait.ge [sflag:s31], $0x2800  }
0x60: {  	[sflag:s31] =	ssyncset.done $0x0  }
0x61: {  	s25 =	simm.s32 $0xA0;
	[sflag:s31] =	ssyncadd.s32 $0xFFFFD800  }
0x62: {  	[tilespmem:s29], [sflag:$0x1] =	stream.indirect.gather [hbm4b:s4+s30], $0x80, s25, s30, $0xb8;
	[tilespmem:$0x1F780] =	vst v63  }
0x63: {  	s28 =	simm.s32 $0x2800  }
0x64: {  	[spmem:s2] =	stream.indirect.scatter.add.f32 [tilespmem:s1], [sflag:$0x2], $0x80, s28, s30, $0xb8;
	[tilespmem:$0x1F780] =	vst v63  }
0x65: {  	_ =	swait.ge [sflag:s26], $0x2800  }
0x66: {  	s28 =	simm.s32 $0x400;
	[sflag:s26] =	ssyncset.done $0x0  }
.LBB2_4:
0x67: {  	p0 =	sne.s32 s28, $0xF400;
	[sflag:s26] =	ssyncadd.s32 $0xFFFFD800;
	s25 =	sadd.s32 $0xA0, s25  }
0x68: {  	s0 =	smov.u32 s28;
	s28 =	sadd.s32 $0x400, s28  }
0x69: {  	_ =	swait.ge [sflag:s31], $0x2800  }
0x6a: {  	[sflag:s31] =	ssyncset.done $0x0  }
0x6b: {  	s3 =	sadd.s32 $0xFFFFFFB0, s25;
	s0 =	sshra.s32 s0, $0x2;
	[sflag:s31] =	ssyncadd.s32 $0xFFFFD800  }
0x6c: {  	[tilespmem:s1], [sflag:$0x1] =	stream.indirect.gather [hbm4b:s4+s30], $0x80, s3, s30, $0xb8;
	[tilespmem:$0x1F780] =	vst v63  }
0x6d: {  	s3 =	sadd.s32 $0x2780, s0  }
0x6e: {  	[spmem:s2] =	stream.indirect.scatter.add.f32 [tilespmem:s29], [sflag:$0x2], $0x80, s3, s30, $0xb8;
	[tilespmem:$0x1F780] =	vst v63  }
0x6f: {  	_ =	swait.ge [sflag:s26], $0x2800  }
0x70: {  	[sflag:s26] =	ssyncset.done $0x0  }
0x71: {  	[sflag:s26] =	ssyncadd.s32 $0xFFFFD800  }
0x72: {  	_ =	swait.ge [sflag:s31], $0x2800  }
0x73: {  	[sflag:s31] =	ssyncset.done $0x0  }
0x74: {  	[sflag:s31] =	ssyncadd.s32 $0xFFFFD800  }
0x75: {  	[tilespmem:s29], [sflag:$0x1] =	stream.indirect.gather [hbm4b:s4+s30], $0x80, s25, s30, $0xb8;
	[tilespmem:$0x1F780] =	vst v63  }
.Ltmp1:
0x76: {  	_ = 	snop;
	(pc) =	sbr.rel @p0 .LBB2_4-.Ltmp1, $4  }
0x77: {  	s0 =	sadd.s32 $0x2800, s0  }
0x78: {  	[spmem:s2] =	stream.indirect.scatter.add.f32 [tilespmem:s1], [sflag:$0x2], $0x80, s0, s30, $0xb8;
	[tilespmem:$0x1F780] =	vst v63  }
0x79: {  	_ =	swait.ge [sflag:s26], $0x2800  }
0x7a: {  	[sflag:s26] =	ssyncset.done $0x0  }
0x7b: {  	[sflag:s26] =	ssyncadd.s32 $0xFFFFD800  }
0x7c: {  	_ =	swait.ge [sflag:s31], $0x2800  }
0x7d: {  	[sflag:s31] =	ssyncset.done $0x0  }
0x7e: {  	s0 =	simm.s32 $0x6580;
	[sflag:s31] =	ssyncadd.s32 $0xFFFFD800  }
0x7f: {  	[spmem:s2] =	stream.indirect.scatter.add.f32 [tilespmem:s29], [sflag:$0x2], $0x80, s0, s30, $0xb8;
	[tilespmem:$0x1F780] =	vst v63  }
0x80: {  	_ =	swait.ge [sflag:s26], $0x2800  }
0x81: {  	s25 =	stileid.u32;
	[sflag:s26] =	ssyncset.done $0x0  }
0x82: {  	s0 =	sshll.u32 s25, $0x6;
	[sflag:s26] =	ssyncadd.s32 $0xFFFFD800  }
0x83: {  	s3 =	sshrl.u32 s7, $0x3;
	s0 =	sor.u32 $0x1C02, s0;
	[bflag:$0x0] =	sbarrier.arrive $0xFFFF  }
0x84: {  	[hbm:s15], [sflag:s0] =	dma.local [spmem:s3], $0x500  }
0x85: {  	_ =	swait.ge [sflag:s26], $0x500  }
0x86: {  	[sflag:s26] =	ssyncset.done $0x0  }
0x87: {  	s28 =	sshrl.u32 s8, $0x3;
	[sflag:s26] =	ssyncadd.s32 $0xFFFFFB00  }
0x88: {  	[hbm:s16], [sflag:s0] =	dma.local [spmem:s28], $0x500  }
0x89: {  	_ =	swait.ge [sflag:s26], $0x500  }
0x8a: {  	[sflag:s26] =	ssyncset.done $0x0  }
0x8b: {  	s25 =	sshrl.u32 s9, $0x3;
	[sflag:s26] =	ssyncadd.s32 $0xFFFFFB00  }
0x8c: {  	[hbm:s17], [sflag:s0] =	dma.local [spmem:s25], $0x500  }
0x8d: {  	_ =	swait.ge [sflag:s26], $0x500  }
0x8e: {  	[sflag:s26] =	ssyncset.done $0x0  }
0x8f: {  	s28 =	sshrl.u32 s10, $0x3;
	[sflag:s26] =	ssyncadd.s32 $0xFFFFFB00  }
0x90: {  	[hbm:s18], [sflag:s0] =	dma.local [spmem:s28], $0x500  }
0x91: {  	_ =	swait.ge [sflag:s26], $0x500  }
0x92: {  	[sflag:s26] =	ssyncset.done $0x0  }
0x93: {  	s25 =	sshrl.u32 s11, $0x3;
	[sflag:s26] =	ssyncadd.s32 $0xFFFFFB00  }
0x94: {  	[hbm:s19], [sflag:s0] =	dma.local [spmem:s25], $0x500  }
0x95: {  	_ =	swait.ge [sflag:s26], $0x500  }
0x96: {  	[sflag:s26] =	ssyncset.done $0x0  }
0x97: {  	s28 =	sshrl.u32 s12, $0x3;
	[sflag:s26] =	ssyncadd.s32 $0xFFFFFB00  }
0x98: {  	[hbm:s20], [sflag:s0] =	dma.local [spmem:s28], $0x500  }
0x99: {  	_ =	swait.ge [sflag:s26], $0x500  }
0x9a: {  	[sflag:s26] =	ssyncset.done $0x0  }
0x9b: {  	s25 =	sshrl.u32 s13, $0x3;
	[sflag:s26] =	ssyncadd.s32 $0xFFFFFB00  }
0x9c: {  	[hbm:s21], [sflag:s0] =	dma.local [spmem:s25], $0x500  }
0x9d: {  	s24 =	sadd.s32 $0x1, s24;
	_ =	swait.ge [sflag:s26], $0x500  }
0x9e: {  	p0 =	sne.s32 s24, s23;
	[sflag:s26] =	ssyncset.done $0x0  }
.Ltmp2:
0x9f: {  	s28 =	sshrl.u32 s14, $0x3;
	[sflag:s26] =	ssyncadd.s32 $0xFFFFFB00;
	(pc) =	sbr.rel @p0 .LBB2_1-.Ltmp2, $4  }
0xa0: {  	[hbm:s22], [sflag:s0] =	dma.local [spmem:s28], $0x500  }
0xa1: {  	_ =	swait.ge [sflag:s26], $0x500  }
0xa2: {  	[sflag:s26] =	ssyncset.done $0x0  }
0xa3: {  	[sflag:s26] =	ssyncadd.s32 $0xFFFFFB00  }
0xa4: {  	_ =	sfence.sel $0x180000  }
0xa5: {  	[bflag:$0x0] =	sbarrier.arrive $0xFFFF  }
0xa6: {  	_ =	strace $0x9000004A  }
0xa7: {  	s0 =	stileid.u32;
	[bflag:$0x2] =	sbarrier.arrive $0xFFFF  }
0xa8: {  	p0 =	sne.s32 s0, $0x0;
	s0 =	rddreg [dreg:$0x2]  }
0xa9: {  	s0 =	sadd.s32 @!p0 $0x100000, s0  }
0xaa: {  	[sflag:s0] =	ssyncadd.tile.s32 @!p0 $0x1;
	_ =	shalt  }
.Lfunc_end2:
_tile_overlayer_lowered:
.L_overlay_start_2:
0xab: {  	(tag) =	ssettag $0x2  }
0xac: {  	s0 =	rddreg [dreg:$0x0];
	s2 =	stileid.u32  }
0xad: {  	s1 =	rddreg [dreg:$0x1];
	p0 =	sne.s32 s2, $0x0  }
0xae: {  	s3 =	rddreg [dreg:$0x2];
	[bflag:$0x3] =	sbarrier.arrive $0xFFFF;
	s2 =	simm.s32 @!p0 $0x1C02  }
0xaf: {  	[timem:s3], [sflag:s2] =	dma.local @!p0 [hbm:s0], s1  }
0xb0: {  	s0 =	simm.s32 @!p0 $0x2  }
0xb1: {  	_ =	swait.ge @!p0 [sflag:s0], s1  }
0xb2: {  	s1 =	ssub.s32 @!p0 $0x0, s1;
	[sflag:s0] =	ssyncset.done @!p0 $0x0  }
0xb3: {  	[sflag:s0] =	ssyncadd.s32 @!p0 s1  }
0xb4: {  	[bflag:$0x3] =	sbarrier.arrive $0xFFFF  }
0xb5: {  	_ =	shalt  }

// kernel: kernel.17.cloned.1.call-start
scs
__scs_entry_jumppad:
0x0: {  	(pc) =	sbr.rel $0x88, $3  }
0x1: {  	(tag) =	ssettag $0x0;
	lr =	simm.s32 $0x1  }
0x2: {  	[smem:$0x3F93] =	sst lr;
	_ =	strace $0xD0000000  }
0x3: {  	_ = 	snop  }
0x4: {  	_ = 	snop  }
0x5: {  	_ = 	snop  }
0x6: {  	_ = 	snop  }
0x7: {  	_ = 	snop  }
__scs_overlays_trampoline_lowered:
0x8: {  	[smem:$0x3FA2] =	sst s0  }
0x9: {  	[smem:$0x3FA3] =	sst s1  }
0xa: {  	[smem:$0x3FA4] =	sst s2  }
0xb: {  	[smem:$0x3FA5] =	sst s3  }
0xc: {  	[smem:$0x3FA6] =	sst s4  }
0xd: {  	[smem:$0x3FA7] =	sst s5  }
0xe: {  	[smem:$0x3FA8] =	sst s6  }
0xf: {  	[smem:$0x3FA9] =	sst s7  }
0x10: {  	[smem:$0x3FAA] =	sst s8  }
0x11: {  	[smem:$0x3FAB] =	sst s9;
	s0 =	simm.s32 @!p0 $0x0  }
0x12: {  	s1 =	sld [smem:$0x3F91];
	s0 =	simm.s32 @p0 $0x1  }
0x13: {  	[smem:$0x3FAC] =	sst s0;
	s0 =	simm.s32 @!p1 $0x0  }
0x14: {  	s2 =	sld [smem:$0x3F90];
	s0 =	simm.s32 @p1 $0x1  }
0x15: {  	[smem:$0x3FAD] =	sst s0;
	s0 =	simm.s32 @!p2 $0x0  }
0x16: {  	s3 =	sld [smem:$0x3FDB];
	s0 =	simm.s32 @p2 $0x1  }
0x17: {  	s4 =	simm.s32 $0x1BF5;
	[smem:$0x3FAF] =	sst s0  }
0x18: {  	s0 =	sld [smem:$0x3F92];
	_ =	swait.ge [sflag:s4], $0x0  }
0x19: {  	s7 =	sld [smem:$0x3F93]  }
0x1a: {  	s8 =	sadd.s32 $0xFFFFE003, lr  }
0x1b: {  	s9 =	sadd.s32 $0xFFFFFEF7, lr;
	s5 =	simm.s32 $0xFFFFFFFF;
	p2 =	slt.u32 s8, $0xFFFFF086  }
0x1c: {  	p1 =	slt.u32 s9, $0xF7A;
	s5 =	simm.s32 @!p2 $0x0  }
0x1d: {  	s5 =	simm.s32 @p1 $0x1;
	p0 =	seq.s32 s7, s2  }
0x1e: {  	s7 =	smul.u32 @!p0 $0xF7A, s2;
	p2 =	seq.s32 @!p0 s5, $0x0  }
0x1f: {  	s9 =	smul.u32 $0xF7A, s1;
	s8 =	simm.s32 @!p0 $0x1BF5;
	p2 =	por !p2, p0  }
0x20: {  	[sflag:s8] =	ssyncset.s32 @!p0 $0xFFFFF086;
	s6 =	sadd.s32 @!p0 s3, s7;
	s7 =	simm.s32 @!p0 $0x108  }
0x21: {  	s3 =	sadd.s32 s3, s9;
	s6 =	sadd.s32 @!p0 $0x88, s6;
	s7 =	simm.s32 @p2 $0x1082  }
0x22: {  	[simem:s7], [sflag:s8] =	dma.local @!p0 [hbm:s6], $0xF7A  }
0x23: {  	s9 =	sor.u32 $0xD0000000, s2;
	s6 =	simm.s32 $0x108;
	_ =	swait.ge @!p0 [sflag:s8], $0x0  }
0x24: {  	s3 =	sadd.s32 $0x88, s3;
	s6 =	simm.s32 @!p1 $0x1082;
	[sflag:s4] =	ssyncset.s32 $0xFFFFF086  }
0x25: {  	[simem:s6], [sflag:s4] =	dma.local [hbm:s3], $0xF7A  }
0x26: {  	[smem:$0x3F93] =	sst s1;
	(tag) =	ssettag s2;
	_ =	strace s9  }
0x27: {  	s1 =	sld [smem:$0x3FA3]  }
0x28: {  	s2 =	sld [smem:$0x3FA4]  }
0x29: {  	s4 =	sld [smem:$0x3FA6]  }
0x2a: {  	p0 =	seq.s32 s5, $0x0;
	s5 =	sld [smem:$0x3FA7]  }
0x2b: {  	s6 =	sld [smem:$0x3FA8]  }
0x2c: {  	s7 =	sld [smem:$0x3FA9]  }
0x2d: {  	s3 =	simm.s32 $0x108;
	s8 =	sld [smem:$0x3FAA]  }
0x2e: {  	s3 =	simm.s32 @!p0 $0x1082;
	s9 =	sld [smem:$0x3FAB]  }
0x2f: {  	lr =	sadd.s32 s0, s3;
	s0 =	sld [smem:$0x3FA2]  }
0x30: {  	s3 =	sld [smem:$0x3FA5]  }
0x31: {  	[smem:$0x3FAE] =	sst s10  }
0x32: {  	s10 =	sld [smem:$0x3FAC];
	_ =	sdelay $0x3  }
0x33: {  	p0 =	seq.s32 s10, $0x1;
	s10 =	sld [smem:$0x3FAE];
	_ =	sdelay $0x3  }
0x34: {  	[smem:$0x3FAE] =	sst s10  }
0x35: {  	s10 =	sld [smem:$0x3FAD];
	_ =	sdelay $0x3  }
0x36: {  	p1 =	seq.s32 s10, $0x1;
	s10 =	sld [smem:$0x3FAE];
	_ =	sdelay $0x3  }
0x37: {  	[smem:$0x3FAE] =	sst s10  }
0x38: {  	s10 =	sld [smem:$0x3FAF]  }
0x39: {  	_ = 	snop;
	(pc) =	sbr.ind lr, $3  }
0x3a: {  	_ = 	snop  }
0x3b: {  	_ = 	snop  }
0x3c: {  	p2 =	seq.s32 s10, $0x1;
	s10 =	sld [smem:$0x3FAE]  }
0x3d: {  	_ =	shalt  }
0x3e: {  	_ =	shalt  }
0x3f: {  	_ =	shalt  }
0x40: {  	_ =	shalt  }
0x41: {  	_ =	shalt  }
0x42: {  	_ =	shalt  }
0x43: {  	_ =	shalt  }
0x44: {  	_ =	shalt  }
0x45: {  	_ =	shalt  }
0x46: {  	_ =	shalt  }
0x47: {  	_ =	shalt  }
0x48: {  	_ =	shalt  }
0x49: {  	_ =	shalt  }
0x4a: {  	_ =	shalt  }
0x4b: {  	_ =	shalt  }
0x4c: {  	_ =	shalt  }
0x4d: {  	_ =	shalt  }
0x4e: {  	_ =	shalt  }
0x4f: {  	_ =	shalt  }
0x50: {  	_ =	shalt  }
0x51: {  	_ =	shalt  }
0x52: {  	_ =	shalt  }
0x53: {  	_ =	shalt  }
0x54: {  	_ =	shalt  }
0x55: {  	_ =	shalt  }
0x56: {  	_ =	shalt  }
0x57: {  	_ =	shalt  }
0x58: {  	_ =	shalt  }
0x59: {  	_ =	shalt  }
0x5a: {  	_ =	shalt  }
0x5b: {  	_ =	shalt  }
0x5c: {  	_ =	shalt  }
0x5d: {  	_ =	shalt  }
0x5e: {  	_ =	shalt  }
0x5f: {  	_ =	shalt  }
0x60: {  	_ =	shalt  }
0x61: {  	_ =	shalt  }
0x62: {  	_ =	shalt  }
0x63: {  	_ =	shalt  }
0x64: {  	_ =	shalt  }
0x65: {  	_ =	shalt  }
0x66: {  	_ =	shalt  }
0x67: {  	_ =	shalt  }
0x68: {  	_ =	shalt  }
0x69: {  	_ =	shalt  }
0x6a: {  	_ =	shalt  }
0x6b: {  	_ =	shalt  }
0x6c: {  	_ =	shalt  }
0x6d: {  	_ =	shalt  }
0x6e: {  	_ =	shalt  }
0x6f: {  	_ =	shalt  }
0x70: {  	_ =	shalt  }
0x71: {  	_ =	shalt  }
0x72: {  	_ =	shalt  }
0x73: {  	_ =	shalt  }
0x74: {  	_ =	shalt  }
0x75: {  	_ =	shalt  }
0x76: {  	_ =	shalt  }
0x77: {  	_ =	shalt  }
0x78: {  	_ =	shalt  }
0x79: {  	_ =	shalt  }
0x7a: {  	_ =	shalt  }
0x7b: {  	_ =	shalt  }
0x7c: {  	_ =	shalt  }
0x7d: {  	_ =	shalt  }
0x7e: {  	_ =	shalt  }
0x7f: {  	_ =	shalt  }
0x80: {  	_ =	shalt  }
0x81: {  	_ =	shalt  }
0x82: {  	_ =	shalt  }
0x83: {  	_ =	shalt  }
0x84: {  	_ =	shalt  }
0x85: {  	_ =	shalt  }
0x86: {  	_ =	shalt  }
0x87: {  	_ =	shalt  }
.Lfunc_end0:
.L_simem_size_0:
called_computation.2_lowered:
.L_overlay_start_0:
0x88: {  	s2 =	sld [smem:$0x3FD9]  }
0x89: {  	s3 =	sld [smem:$0x3FFE];
	_ =	sdelay $0x1  }
0x8a: {  	s1 =	srdreg.scid  }
0x8b: {  	s0 =	sand.u32 $0x1, s1  }
0x8c: {  	s16 =	sshll.u32 s0, $0xA;
	s2 =	sadd.s32 s3, s2  }
0x8d: {  	s2 =	sadd.s32 s2, s16  }
0x8e: {  	[smem:$0x3FBA] =	sst s2  }
0x8f: {  	_ = 	snop  }
0x90: {  	(tm) =	ssettm $0x1  }
0x91: {  	s17 =	sld [smem:$0x3FFB];
	_ =	sdelay $0x3  }
0x92: {  	_ =	strace s17  }
0x93: {  	s2 =	sld [smem:$0x3FFC];
	_ =	sdelay $0x3  }
0x94: {  	_ =	strace s2  }
0x95: {  	s2 =	sld [smem:$0x3FFD];
	_ =	sdelay $0x3  }
0x96: {  	_ =	strace s2  }
0x97: {  	_ =	strace $0x8FFFFFFF  }
0x98: {  	s18 =	sld [smem:$0x3FDB];
	_ =	sdelay $0x1  }
0x99: {  	s19 =	simm.s32 $_scs_section_size  }
0x9a: {  	s4 =	simm.s32 $_size__tile_overlayer_lowered;
	s5 =	simm.s32 $_tile_overlayer_lowered  }
0x9b: {  	s22 =	simm.s32 $0x1BFF;
	s21 =	sshll.u32 s5, $0x1;
	s2 =	sadd.s32 s19, s18  }
0x9c: {  	s6 =	simm.s32 $0x0;
	s20 =	sshll.u32 s4, $0x1;
	s4 =	sadd.s32 s21, s2  }
0x9d: {  	[timem:s6], [sflag:s22] =	dma.local [hbm:s4], s20  }
0x9e: {  	_ =	swait.ge [sflag:s22], s20  }
0x9f: {  	s3 =	ssub.s32 $0x0, s20;
	[sflag:s22] =	ssyncset.done $0x0  }
0xa0: {  	[sflag:s22] =	ssyncadd.s32 s3;
	_ =	sdelay $0x1  }
0xa1: {  	s23 =	simm.s32 $0x1B8B  }
0xa2: {  	_ =	swait.ge [sflag:s23], $0x1  }
0xa3: {  	[sflag:s23] =	ssyncset.done $0x0  }
0xa4: {  	s25 =	simm.s32 $0x1B8E;
	s24 =	sld [smem:$0x3FFE];
	[sflag:s23] =	ssyncadd.s32 $0xFFFFFFFF  }
0xa5: {  	s26 =	simm.s32 $execute0_lowered;
	[smem:$0x3FD2] =	sst s25  }
0xa6: {  	s4 =	sshll.u32 s26, $0x1;
	_ =	strace $0x8000004C;
	[dreg:$0x1] =	wrdreg $0xFFFFFFFF  }
0xa7: {  	s28 =	simm.s32 $_size_execute0_lowered;
	s2 =	sadd.s32 s2, s4;
	[dreg:$0x0] =	wrdreg $0x0  }
0xa8: {  	s4 =	sshll.u32 s28, $0x1;
	[dreg:$0x2] =	wrdreg s2  }
0xa9: {  	[dreg:$0x3] =	wrdreg s4  }
0xaa: {  	[dreg:$0x4] =	wrdreg $0xC0  }
0xab: {  	_ =	task [dreg:s6], $0x5FFFF  }
0xac: {  	[dreg:$0x1] =	wrdreg $0xFFFFFFFF  }
0xad: {  	[dreg:$0x0] =	wrdreg $0x60  }
0xae: {  	[dreg:$0x2] =	wrdreg s24  }
0xaf: {  	[dreg:$0x3] =	wrdreg $0xB7800  }
0xb0: {  	[dreg:$0x4] =	wrdreg $0x9  }
0xb1: {  	_ =	task.clear_ibuf [dreg:s6], $0x5FFFF;
	_ =	strace $0x9000004C  }
0xb2: {  	s29 =	simm.s32 $0x9;
	_ =	strace $0x8000004E  }
0xb3: {  	_ =	swait.ge [sflag:s29], $0x1  }
0xb4: {  	[sflag:s29] =	ssyncadd.s32 $0xFFFFFFFF  }
0xb5: {  	_ =	strace $0x9000004E  }
0xb6: {  	_ =	sfence  }
0xb7: {  	s30 =	sld [smem:$0x0];
	_ =	sdelay $0x2  }
0xb8: {  	s31 =	sshll.u32 s1, $0xD;
	s1 =	sshrl.u32 s1, $0x2  }
0xb9: {  	s3 =	sand.u32 $0x4000, s31;
	s1 =	sadd.s32 s1, s30  }
0xba: {  	s0 =	sor.u32 s3, s0;
	s1 =	sshll.u32 s1, $0x11  }
0xbb: {  	s0 =	sor.u32 s1, s0  }
0xbc: {  	s0 =	sadd.s32 $0x8F2B, s0  }
0xbd: {  	[sflag:s0] =	ssyncadd.remote.s32 $0x1  }
0xbe: {  	_ =	sfence.sel $0xFFFF  }
0xbf: {  	[dreg:$0x0] =	wrdreg $0xFFFFFFFF;
	(pc) =	sbr.abs _section_cstart, $3  }
0xc0: {  	[dreg:$0x1] =	wrdreg $0xFFFFFFFF  }
0xc1: {  	_ =	task.clear_ibuf [dreg:s6], $0x2FFFF;
	_ =	strace $0x9FFFFFFF  }
0xc2: {  	(tm) =	ssettm $0x7FFFFFFF  }
0xc3: {  	_ =	shalt  }
tec
execute0_lowered:
.L_overlay_start_1:
0x0: {  	(tag) =	ssettag $0x1  }
0x1: {  	s0 =	srdreg.scid;
	s5 =	rddreg [dreg:$0x0]  }
0x2: {  	s10 =	stileid.u32;
	s2 =	rddreg [dreg:$0x1]  }
0x3: {  	s14 =	simm.s32 $0x0;
	s29 =	simm.s32 $0x6780;
	s30 =	simm.s32 $0x50  }
0x4: {  	s31 =	simm.s32 $0x1;
	s0 =	sand.u32 $0x1, s0;
	s6 =	sshll.u32 s10, $0x7  }
0x5: {  	[smem:$0x7FF] =	sst s14;
	s9 =	smul.u32 $0x50000, s10;
	s22 =	sadd.s32 $0x44A00, s5  }
0x6: {  	s14 =	smul.u32 $0x14000, s10;
	s1 =	sshll.u32 s0, $0x4;
	s6 =	sand.u32 $0x380, s6  }
0x7: {  	_ =	strace $0x8000004D;
	s7 =	ssub.s32 $0x2, s0;
	s0 =	smul.u32 $0x140000, s0  }
0x8: {  	s1 =	sor.u32 s10, s1;
	s8 =	sshrl.u32 s7, $0x1;
	s15 =	sshrl.u32 s9, $0x2  }
0x9: {  	s16 =	sor.u32 $0x2800, s14;
	s17 =	sadd.s32 $0x5000, s14;
	s18 =	sadd.s32 $0x7800, s14  }
0xa: {  	s19 =	sadd.s32 $0xA000, s14;
	s20 =	sadd.s32 $0xC800, s14;
	s21 =	sadd.s32 $0xF000, s14  }
0xb: {  	s24 =	sadd.s32 $0x11800, s14;
	s3 =	sshrl.u32 s1, $0x3;
	s1 =	sshll.u32 s1, $0xB  }
0xc: {  	s23 =	ssub.s32 s7, s8;
	s7 =	sadd.s32 s15, s2;
	s8 =	sadd.s32 s16, s2  }
0xd: {  	s9 =	sadd.s32 s17, s2;
	s10 =	sadd.s32 s18, s2;
	s11 =	sadd.s32 s19, s2  }
0xe: {  	s12 =	sadd.s32 s20, s2;
	s13 =	sadd.s32 s21, s2;
	s15 =	sadd.s32 s14, s0  }
0xf: {  	s14 =	sadd.s32 s24, s2;
	s17 =	sadd.s32 s0, s17;
	s18 =	sadd.s32 s0, s18  }
0x10: {  	s19 =	sadd.s32 s0, s19;
	s26 =	sadd.s32 s0, s20;
	s28 =	sadd.s32 s0, s21  }
0x11: {  	s4 =	smul.u32 $0x13C00, s3;
	s1 =	sadd.s32 s1, s5;
	s15 =	sshrl.u32 s15, $0x3  }
0x12: {  	s18 =	sshrl.u32 s18, $0x3;
	s25 =	sshrl.u32 s19, $0x3;
	s21 =	sshrl.u32 s28, $0x3  }
0x13: {  	s23 =	smax.u32 s23, $0x1;
	s15 =	sadd.s32 s22, s15;
	s6 =	sor.u32 s6, s4  }
0x14: {  	s18 =	sadd.s32 s22, s18;
	s19 =	sadd.s32 s22, s25;
	s6 =	sshrl.u32 s6, $0x3  }
0x15: {  	s21 =	sadd.s32 s22, s21;
	s4 =	sadd.s32 $0x1CA00, s5;
	s6 =	sadd.s32 s6, s5  }
0x16: {  	s5 =	sadd.s32 $0x12C00, s6;
	s6 =	sadd.s32 $0x2C00, s1;
	s1 =	sadd.s32 s0, s16  }
0x17: {  	s0 =	sadd.s32 s0, s24;
	s24 =	simm.s32 $0x0;
	s1 =	sshrl.u32 s1, $0x3  }
0x18: {  	s0 =	sshrl.u32 s0, $0x3;
	s16 =	sadd.s32 s22, s1;
	s1 =	sshrl.u32 s17, $0x3  }
0x19: {  	s17 =	sadd.s32 s22, s1;
	s1 =	sshrl.u32 s26, $0x3;
	s26 =	simm.s32 $0x2  }
0x1a: {  	v0 =	vimm.f32 $0.0e+00;
	s20 =	sadd.s32 s22, s1;
	s22 =	sadd.s32 s22, s0;
	s1 =	simm.s32 $0x8F80  }
.LBB2_1:
0x1b: {  	s0 =	simm.s32 $0x0;
	s3 =	simm.s32 $0x80;
	s25 =	simm.s32 $0x400  }
0x1c: {  	[tilespmem:s0], [sflag:$0x2] =	stream.strided.gather [hbm4b:s5+s3], $0x2780, s25, s3, $0x38;
	[tilespmem:$0x1F780] =	vst v63  }
0x1d: {  	_ =	swait.ge [sflag:s26], $0x2780  }
0x1e: {  	[sflag:s26] =	ssyncset.done $0x0  }
0x1f: {  	s25 =	simm.s32 $0x2780;
	[sflag:s26] =	ssyncadd.s32 $0xFFFFD880  }
0x20: {  	[tilespmem:s25], [sflag:$0x2] =	stream.linear.gather [hbm4b:s6+s0], $0x3E80, $0x38;
	[tilespmem:$0x1F780] =	vst v63  }
0x21: {  	_ =	swait.ge [sflag:s26], $0x3E80  }
0x22: {  	[sflag:s26] =	ssyncset.done $0x0  }
0x23: {  	s28 =	simm.s32 $0x200;
	s25 =	simm.s32 $0x0;
	[sflag:s26] =	ssyncadd.s32 $0xFFFFC180  }
.LBB2_2:
0x24: {  	p0 =	sne.s32 s28, $0x9E00;
	[tilespmem:s25+$0x67F0] =	vst v0  }
0x25: {  	[tilespmem:s25+$0x6780] =	vst v0  }
0x26: {  	[tilespmem:s25+$0x6790] =	vst v0  }
.Ltmp0:
0x27: {  	[tilespmem:s25+$0x67A0] =	vst v0;
	(pc) =	sbr.rel @p0 .LBB2_2-.Ltmp0, $4  }
0x28: {  	[tilespmem:s25+$0x67B0] =	vst v0  }
0x29: {  	[tilespmem:s25+$0x67C0] =	vst v0  }
0x2a: {  	[tilespmem:s25+$0x67D0] =	vst v0  }
0x2b: {  	[tilespmem:s25+$0x67E0] =	vst v0;
	s25 =	sshra.s32 s28, $0x2;
	s28 =	sadd.s32 $0x200, s28  }
0x2c: {  	[tilespmem:s25+$0x67F0] =	vst v0  }
0x2d: {  	[tilespmem:s25+$0x6780] =	vst v0  }
0x2e: {  	[tilespmem:s25+$0x6790] =	vst v0  }
0x2f: {  	[tilespmem:s25+$0x67A0] =	vst v0  }
0x30: {  	[tilespmem:s25+$0x67B0] =	vst v0  }
0x31: {  	[tilespmem:s25+$0x67C0] =	vst v0  }
0x32: {  	[tilespmem:s25+$0x67D0] =	vst v0  }
0x33: {  	[tilespmem:s25+$0x67E0] =	vst v0  }
0x34: {  	[spmem:s7] =	stream.linear.scatter [tilespmem:s29], [sflag:$0x2], $0x2800, $0x38;
	[tilespmem:$0x1F780] =	vst v63  }
0x35: {  	_ =	swait.ge [sflag:s26], $0x2800  }
0x36: {  	[sflag:s26] =	ssyncset.done $0x0  }
0x37: {  	[sflag:s26] =	ssyncadd.s32 $0xFFFFD800  }
0x38: {  	[spmem:s8] =	stream.linear.scatter [tilespmem:s29], [sflag:$0x2], $0x2800, $0x38;
	[tilespmem:$0x1F780] =	vst v63  }
0x39: {  	_ =	swait.ge [sflag:s26], $0x2800  }
0x3a: {  	[sflag:s26] =	ssyncset.done $0x0  }
0x3b: {  	[sflag:s26] =	ssyncadd.s32 $0xFFFFD800  }
0x3c: {  	[spmem:s9] =	stream.linear.scatter [tilespmem:s29], [sflag:$0x2], $0x2800, $0x38;
	[tilespmem:$0x1F780] =	vst v63  }
0x3d: {  	_ =	swait.ge [sflag:s26], $0x2800  }
0x3e: {  	[sflag:s26] =	ssyncset.done $0x0  }
0x3f: {  	[sflag:s26] =	ssyncadd.s32 $0xFFFFD800  }
0x40: {  	[spmem:s10] =	stream.linear.scatter [tilespmem:s29], [sflag:$0x2], $0x2800, $0x38;
	[tilespmem:$0x1F780] =	vst v63  }
0x41: {  	_ =	swait.ge [sflag:s26], $0x2800  }
0x42: {  	[sflag:s26] =	ssyncset.done $0x0  }
0x43: {  	[sflag:s26] =	ssyncadd.s32 $0xFFFFD800  }
0x44: {  	[spmem:s11] =	stream.linear.scatter [tilespmem:s29], [sflag:$0x2], $0x2800, $0x38;
	[tilespmem:$0x1F780] =	vst v63  }
0x45: {  	_ =	swait.ge [sflag:s26], $0x2800  }
0x46: {  	[sflag:s26] =	ssyncset.done $0x0  }
0x47: {  	[sflag:s26] =	ssyncadd.s32 $0xFFFFD800  }
0x48: {  	[spmem:s12] =	stream.linear.scatter [tilespmem:s29], [sflag:$0x2], $0x2800, $0x38;
	[tilespmem:$0x1F780] =	vst v63  }
0x49: {  	_ =	swait.ge [sflag:s26], $0x2800  }
0x4a: {  	[sflag:s26] =	ssyncset.done $0x0  }
0x4b: {  	[sflag:s26] =	ssyncadd.s32 $0xFFFFD800  }
0x4c: {  	[spmem:s13] =	stream.linear.scatter [tilespmem:s29], [sflag:$0x2], $0x2800, $0x38;
	[tilespmem:$0x1F780] =	vst v63  }
0x4d: {  	_ =	swait.ge [sflag:s26], $0x2800  }
0x4e: {  	[sflag:s26] =	ssyncset.done $0x0  }
0x4f: {  	[sflag:s26] =	ssyncadd.s32 $0xFFFFD800  }
0x50: {  	[spmem:s14] =	stream.linear.scatter [tilespmem:s29], [sflag:$0x2], $0x2800, $0x38;
	[tilespmem:$0x1F780] =	vst v63  }
0x51: {  	_ =	swait.ge [sflag:s26], $0x2800  }
0x52: {  	[sflag:s26] =	ssyncset.done $0x0  }
0x53: {  	[sflag:s26] =	ssyncadd.s32 $0xFFFFD800  }
0x54: {  	s3 =	simm.s32 $0x0;
	[bflag:$0x0] =	sbarrier.arrive $0xFFFF  }
0x55: {  	[tilespmem:s29], [sflag:$0x1] =	stream.indirect.gather [hbm4b:s4+s30], $0x80, s3, s30, $0xb8;
	[tilespmem:$0x1F780] =	vst v63  }
0x56: {  	_ =	swait.ge [sflag:s31], $0x2800  }
0x57: {  	[sflag:s31] =	ssyncset.done $0x0  }
0x58: {  	s0 =	simm.s32 $0x50;
	[sflag:s31] =	ssyncadd.s32 $0xFFFFD800  }
0x59: {  	[tilespmem:s1], [sflag:$0x1] =	stream.indirect.gather [hbm4b:s4+s30], $0x80, s0, s30, $0xb8;
	[tilespmem:$0x1F780] =	vst v63  }
0x5a: {  	s3 =	simm.s32 $0x2780  }
0x5b: {  	[spmem:s2] =	stream.indirect.scatter.add.f32 [tilespmem:s29], [sflag:$0x2], $0x80, s3, s30, $0xb8;
	[tilespmem:$0x1F780] =	vst v63  }
0x5c: {  	_ =	swait.ge [sflag:s26], $0x2800  }
0x5d: {  	[sflag:s26] =	ssyncset.done $0x0  }
0x5e: {  	[sflag:s26] =	ssyncadd.s32 $0xFFFFD800  }
0x5f: {  	_ =	swait.ge [sflag:s31], $0x2800  }
0x60: {  	[sflag:s31] =	ssyncset.done $0x0  }
0x61: {  	s25 =	simm.s32 $0xA0;
	[sflag:s31] =	ssyncadd.s32 $0xFFFFD800  }
0x62: {  	[tilespmem:s29], [sflag:$0x1] =	stream.indirect.gather [hbm4b:s4+s30], $0x80, s25, s30, $0xb8;
	[tilespmem:$0x1F780] =	vst v63  }
0x63: {  	s28 =	simm.s32 $0x2800  }
0x64: {  	[spmem:s2] =	stream.indirect.scatter.add.f32 [tilespmem:s1], [sflag:$0x2], $0x80, s28, s30, $0xb8;
	[tilespmem:$0x1F780] =	vst v63  }
0x65: {  	_ =	swait.ge [sflag:s26], $0x2800  }
0x66: {  	s28 =	simm.s32 $0x400;
	[sflag:s26] =	ssyncset.done $0x0  }
.LBB2_4:
0x67: {  	p0 =	sne.s32 s28, $0xF400;
	[sflag:s26] =	ssyncadd.s32 $0xFFFFD800;
	s25 =	sadd.s32 $0xA0, s25  }
0x68: {  	s0 =	smov.u32 s28;
	s28 =	sadd.s32 $0x400, s28  }
0x69: {  	_ =	swait.ge [sflag:s31], $0x2800  }
0x6a: {  	[sflag:s31] =	ssyncset.done $0x0  }
0x6b: {  	s3 =	sadd.s32 $0xFFFFFFB0, s25;
	s0 =	sshra.s32 s0, $0x2;
	[sflag:s31] =	ssyncadd.s32 $0xFFFFD800  }
0x6c: {  	[tilespmem:s1], [sflag:$0x1] =	stream.indirect.gather [hbm4b:s4+s30], $0x80, s3, s30, $0xb8;
	[tilespmem:$0x1F780] =	vst v63  }
0x6d: {  	s3 =	sadd.s32 $0x2780, s0  }
0x6e: {  	[spmem:s2] =	stream.indirect.scatter.add.f32 [tilespmem:s29], [sflag:$0x2], $0x80, s3, s30, $0xb8;
	[tilespmem:$0x1F780] =	vst v63  }
0x6f: {  	_ =	swait.ge [sflag:s26], $0x2800  }
0x70: {  	[sflag:s26] =	ssyncset.done $0x0  }
0x71: {  	[sflag:s26] =	ssyncadd.s32 $0xFFFFD800  }
0x72: {  	_ =	swait.ge [sflag:s31], $0x2800  }
0x73: {  	[sflag:s31] =	ssyncset.done $0x0  }
0x74: {  	[sflag:s31] =	ssyncadd.s32 $0xFFFFD800  }
0x75: {  	[tilespmem:s29], [sflag:$0x1] =	stream.indirect.gather [hbm4b:s4+s30], $0x80, s25, s30, $0xb8;
	[tilespmem:$0x1F780] =	vst v63  }
.Ltmp1:
0x76: {  	_ = 	snop;
	(pc) =	sbr.rel @p0 .LBB2_4-.Ltmp1, $4  }
0x77: {  	s0 =	sadd.s32 $0x2800, s0  }
0x78: {  	[spmem:s2] =	stream.indirect.scatter.add.f32 [tilespmem:s1], [sflag:$0x2], $0x80, s0, s30, $0xb8;
	[tilespmem:$0x1F780] =	vst v63  }
0x79: {  	_ =	swait.ge [sflag:s26], $0x2800  }
0x7a: {  	[sflag:s26] =	ssyncset.done $0x0  }
0x7b: {  	[sflag:s26] =	ssyncadd.s32 $0xFFFFD800  }
0x7c: {  	_ =	swait.ge [sflag:s31], $0x2800  }
0x7d: {  	[sflag:s31] =	ssyncset.done $0x0  }
0x7e: {  	s0 =	simm.s32 $0x6580;
	[sflag:s31] =	ssyncadd.s32 $0xFFFFD800  }
0x7f: {  	[spmem:s2] =	stream.indirect.scatter.add.f32 [tilespmem:s29], [sflag:$0x2], $0x80, s0, s30, $0xb8;
	[tilespmem:$0x1F780] =	vst v63  }
0x80: {  	_ =	swait.ge [sflag:s26], $0x2800  }
0x81: {  	s25 =	stileid.u32;
	[sflag:s26] =	ssyncset.done $0x0  }
0x82: {  	s0 =	sshll.u32 s25, $0x6;
	[sflag:s26] =	ssyncadd.s32 $0xFFFFD800  }
0x83: {  	s3 =	sshrl.u32 s7, $0x3;
	s0 =	sor.u32 $0x1C02, s0;
	[bflag:$0x0] =	sbarrier.arrive $0xFFFF  }
0x84: {  	[hbm:s15], [sflag:s0] =	dma.local [spmem:s3], $0x500  }
0x85: {  	_ =	swait.ge [sflag:s26], $0x500  }
0x86: {  	[sflag:s26] =	ssyncset.done $0x0  }
0x87: {  	s28 =	sshrl.u32 s8, $0x3;
	[sflag:s26] =	ssyncadd.s32 $0xFFFFFB00  }
0x88: {  	[hbm:s16], [sflag:s0] =	dma.local [spmem:s28], $0x500  }
0x89: {  	_ =	swait.ge [sflag:s26], $0x500  }
0x8a: {  	[sflag:s26] =	ssyncset.done $0x0  }
0x8b: {  	s25 =	sshrl.u32 s9, $0x3;
	[sflag:s26] =	ssyncadd.s32 $0xFFFFFB00  }
0x8c: {  	[hbm:s17], [sflag:s0] =	dma.local [spmem:s25], $0x500  }
0x8d: {  	_ =	swait.ge [sflag:s26], $0x500  }
0x8e: {  	[sflag:s26] =	ssyncset.done $0x0  }
0x8f: {  	s28 =	sshrl.u32 s10, $0x3;
	[sflag:s26] =	ssyncadd.s32 $0xFFFFFB00  }
0x90: {  	[hbm:s18], [sflag:s0] =	dma.local [spmem:s28], $0x500  }
0x91: {  	_ =	swait.ge [sflag:s26], $0x500  }
0x92: {  	[sflag:s26] =	ssyncset.done $0x0  }
0x93: {  	s25 =	sshrl.u32 s11, $0x3;
	[sflag:s26] =	ssyncadd.s32 $0xFFFFFB00  }
0x94: {  	[hbm:s19], [sflag:s0] =	dma.local [spmem:s25], $0x500  }
0x95: {  	_ =	swait.ge [sflag:s26], $0x500  }
0x96: {  	[sflag:s26] =	ssyncset.done $0x0  }
0x97: {  	s28 =	sshrl.u32 s12, $0x3;
	[sflag:s26] =	ssyncadd.s32 $0xFFFFFB00  }
0x98: {  	[hbm:s20], [sflag:s0] =	dma.local [spmem:s28], $0x500  }
0x99: {  	_ =	swait.ge [sflag:s26], $0x500  }
0x9a: {  	[sflag:s26] =	ssyncset.done $0x0  }
0x9b: {  	s25 =	sshrl.u32 s13, $0x3;
	[sflag:s26] =	ssyncadd.s32 $0xFFFFFB00  }
0x9c: {  	[hbm:s21], [sflag:s0] =	dma.local [spmem:s25], $0x500  }
0x9d: {  	s24 =	sadd.s32 $0x1, s24;
	_ =	swait.ge [sflag:s26], $0x500  }
0x9e: {  	p0 =	sne.s32 s24, s23;
	[sflag:s26] =	ssyncset.done $0x0  }
.Ltmp2:
0x9f: {  	s28 =	sshrl.u32 s14, $0x3;
	[sflag:s26] =	ssyncadd.s32 $0xFFFFFB00;
	(pc) =	sbr.rel @p0 .LBB2_1-.Ltmp2, $4  }
0xa0: {  	[hbm:s22], [sflag:s0] =	dma.local [spmem:s28], $0x500  }
0xa1: {  	_ =	swait.ge [sflag:s26], $0x500  }
0xa2: {  	[sflag:s26] =	ssyncset.done $0x0  }
0xa3: {  	[sflag:s26] =	ssyncadd.s32 $0xFFFFFB00  }
0xa4: {  	_ =	sfence.sel $0x180000  }
0xa5: {  	[bflag:$0x0] =	sbarrier.arrive $0xFFFF  }
0xa6: {  	_ =	strace $0x9000004D  }
0xa7: {  	s0 =	stileid.u32;
	[bflag:$0x2] =	sbarrier.arrive $0xFFFF  }
0xa8: {  	p0 =	sne.s32 s0, $0x0;
	s0 =	rddreg [dreg:$0x2]  }
0xa9: {  	s0 =	sadd.s32 @!p0 $0x100000, s0  }
0xaa: {  	[sflag:s0] =	ssyncadd.tile.s32 @!p0 $0x1;
	_ =	shalt  }
.Lfunc_end2:
_tile_overlayer_lowered:
.L_overlay_start_2:
0xab: {  	(tag) =	ssettag $0x2  }
0xac: {  	s0 =	rddreg [dreg:$0x0];
	s2 =	stileid.u32  }
0xad: {  	s1 =	rddreg [dreg:$0x1];
	p0 =	sne.s32 s2, $0x0  }
0xae: {  	s3 =	rddreg [dreg:$0x2];
	[bflag:$0x3] =	sbarrier.arrive $0xFFFF;
	s2 =	simm.s32 @!p0 $0x1C02  }
0xaf: {  	[timem:s3], [sflag:s2] =	dma.local @!p0 [hbm:s0], s1  }
0xb0: {  	s0 =	simm.s32 @!p0 $0x2  }
0xb1: {  	_ =	swait.ge @!p0 [sflag:s0], s1  }
0xb2: {  	s1 =	ssub.s32 @!p0 $0x0, s1;
	[sflag:s0] =	ssyncset.done @!p0 $0x0  }
0xb3: {  	[sflag:s0] =	ssyncadd.s32 @!p0 s1  }
0xb4: {  	[bflag:$0x3] =	sbarrier.arrive $0xFFFF  }
0xb5: {  	_ =	shalt  }

</sc_bundles>
